<compile_context>
chip_gen: v7x
topology: tpu7x:2x2x1
jax: 0.10.2.dev20260603
libtpu: 0.0.44.dev20260713+nightly
codegen_flags: <defaults>
</compile_context>

<pallas_src>
import functools

import jax
import jax.numpy as jnp
from jax import lax
from jax.experimental import pallas as pl
from jax.experimental.pallas import tpu as pltpu
from jax.experimental.pallas import tpu_sc as plsc

_N = 10000
_E = 160000
_D = 256
_NT = 3
_T = 4
_G = 64

_NC = 2
_NS = 16
_H = 128

_SLAB = 10112
_ROWS_PT = _SLAB // _NS
_DUMMY = 10080
_EPT = 10240
_CHUNK = 64
_NBUF = 5
_SECT = 4 * _NBUF
_NSECT = _EPT // (_SECT * _CHUNK)

_BLK = 1000
_NBLK = _N // _BLK


def _sc_agg_body(tr_hbm, gidx_hbm, didx_hbm, zeros_hbm, out_hbm,
                 gidx_v, didx_v, buf0, buf1, buf2, buf3, buf4, slab,
                 sem0, sem1, sem2, sem3, sem4):
    c = lax.axis_index("c")
    s = lax.axis_index("s")

    pltpu.sync_copy(zeros_hbm, slab.at[pl.ds(s * _ROWS_PT, _ROWS_PT)])
    plsc.subcore_barrier()

    bufs = (buf0, buf1, buf2, buf3, buf4)
    sems = (sem0, sem1, sem2, sem3, sem4)

    def section_body(sec, carry):
        pltpu.sync_copy(gidx_hbm.at[c, s, sec], gidx_v)
        pltpu.sync_copy(didx_hbm.at[s, sec], didx_v)
        for b in range(_NBUF):
            pltpu.async_copy(tr_hbm.at[gidx_v.at[b]], bufs[b], sems[b])

        def ring_body(i, carry2):
            for b in range(_NBUF):
                j = i * _NBUF + b
                pltpu.make_async_copy(tr_hbm.at[gidx_v.at[j]],
                                      bufs[b], sems[b]).wait()
                pltpu.sync_copy(bufs[b], slab.at[didx_v.at[j]], add=True)

                @pl.when(j + _NBUF < _SECT)
                def _():
                    pltpu.async_copy(tr_hbm.at[gidx_v.at[j + _NBUF]],
                                     bufs[b], sems[b])
            return carry2

        lax.fori_loop(0, _SECT // _NBUF, ring_body, 0)
        return carry

    lax.fori_loop(0, _NSECT, section_body, 0)

    plsc.subcore_barrier()
    pltpu.sync_copy(slab.at[pl.ds(s * _ROWS_PT, _ROWS_PT)],
                    out_hbm.at[c, pl.ds(s * _ROWS_PT, _ROWS_PT)])


@functools.cache
def _get_sc_agg():
    return pl.kernel(
        _sc_agg_body,
        out_type=jax.ShapeDtypeStruct((_NC, _SLAB, _H), jnp.float32),
        mesh=plsc.VectorSubcoreMesh(core_axis_name="c", subcore_axis_name="s",
                                    num_cores=_NC, num_subcores=_NS),
        scratch_types=(
            [pltpu.VMEM((_SECT, _CHUNK), jnp.int32),
             pltpu.VMEM((_SECT, _CHUNK), jnp.int32)]
            + [pltpu.VMEM((_CHUNK, _H), jnp.float32)
               for _ in range(_NBUF)]
            + [pltpu.VMEM_SHARED((_SLAB, _H), jnp.float32)]
            + [pltpu.SemaphoreType.DMA for _ in range(_NBUF)]
        ),
    )


def _dot(a, b):
    return jnp.dot(a, b, preferred_element_type=jnp.float32)


def _store_tr(tr, tr_ref):
    for t in range(_NT):
        tr_ref[t] = tr[:, t * _D:(t + 1) * _D]


def _tr_body(h_ref, wtr_ref, tr_ref):
    _store_tr(_dot(h_ref[...], wtr_ref[...]), tr_ref)


_tr_out_spec = pl.BlockSpec((_NT, _BLK, _D), lambda i: (0, i, 0))
_tr_out_shape = jax.ShapeDtypeStruct((_NT, _N, _D), jnp.float32)

_tc_transform = pl.pallas_call(
    _tr_body,
    grid=(_NBLK,),
    in_specs=[
        pl.BlockSpec((_BLK, _D), lambda i: (i, 0)),
        pl.BlockSpec((_D, 3 * _D), lambda i: (0, 0)),
    ],
    out_specs=_tr_out_spec,
    out_shape=_tr_out_shape,
)


def _gru(agg_ref, h_ref, wih_ref, whh_ref, bih_ref, bhh_ref):
    gi = (_dot(agg_ref[0], wih_ref[0:_H, :])
          + _dot(agg_ref[1], wih_ref[_H:_D, :]) + bih_ref[...])
    h = h_ref[...]
    gh = _dot(h, whh_ref[...]) + bhh_ref[...]
    r = jax.nn.sigmoid(gi[:, 0:_D] + gh[:, 0:_D])
    z = jax.nn.sigmoid(gi[:, _D:2 * _D] + gh[:, _D:2 * _D])
    n = jnp.tanh(gi[:, 2 * _D:] + r * gh[:, 2 * _D:])
    return (1.0 - z) * n + z * h


def _step_body(agg_ref, h_ref, wih_ref, whh_ref, bih_ref, bhh_ref,
               wtr_ref, h_out_ref, tr_ref):
    hn = _gru(agg_ref, h_ref, wih_ref, whh_ref, bih_ref, bhh_ref)
    h_out_ref[...] = hn
    _store_tr(_dot(hn, wtr_ref[...]), tr_ref)


_gru_in_specs = [
    pl.BlockSpec((_NC, _BLK, _H), lambda i: (0, i, 0)),
    pl.BlockSpec((_BLK, _D), lambda i: (i, 0)),
    pl.BlockSpec((_D, 3 * _D), lambda i: (0, 0)),
    pl.BlockSpec((_D, 3 * _D), lambda i: (0, 0)),
    pl.BlockSpec((1, 3 * _D), lambda i: (0, 0)),
    pl.BlockSpec((1, 3 * _D), lambda i: (0, 0)),
]

_tc_step = pl.pallas_call(
    _step_body,
    grid=(_NBLK,),
    in_specs=_gru_in_specs + [pl.BlockSpec((_D, 3 * _D), lambda i: (0, 0))],
    out_specs=[pl.BlockSpec((_BLK, _D), lambda i: (i, 0)), _tr_out_spec],
    out_shape=[jax.ShapeDtypeStruct((_N, _D), jnp.float32), _tr_out_shape],
)


def _final_body(agg_ref, h_ref, wih_ref, whh_ref, bih_ref, bhh_ref,
                wgp_ref, bgp_ref, ids_ref, out_ref):
    i = pl.program_id(0)
    hn = _gru(agg_ref, h_ref, wih_ref, whh_ref, bih_ref, bhh_ref)
    gp = _dot(hn, wgp_ref[...]) + bgp_ref[...]
    gated = jax.nn.sigmoid(gp[:, 0:1]) * gp[:, 1:2]
    ids = ids_ref[0]
    gids = lax.broadcasted_iota(jnp.int32, (_BLK, _G), 1)
    m = jnp.where(ids == gids, gated, 0.0)
    part = jnp.sum(m, axis=0, keepdims=True)

    @pl.when(i == 0)
    def _():
        out_ref[...] = jnp.zeros_like(out_ref)

    out_ref[...] += part


_tc_final = pl.pallas_call(
    _final_body,
    grid=(_NBLK,),
    in_specs=_gru_in_specs + [
        pl.BlockSpec((_D, 2), lambda i: (0, 0)),
        pl.BlockSpec((1, 2), lambda i: (0, 0)),
        pl.BlockSpec((1, _BLK, 1), lambda i: (i, 0, 0)),
    ],
    out_specs=pl.BlockSpec((1, _G), lambda i: (0, 0)),
    out_shape=jax.ShapeDtypeStruct((1, _G), jnp.float32),
)


def _per_tile_pad(x, fill):
    ept = _E // _NS
    x = x.reshape(_NS, ept)
    x = jnp.pad(x, ((0, 0), (0, _EPT - ept)), constant_values=fill)
    return x.reshape(_NS, _NSECT, _SECT, _CHUNK)


def kernel(node_features, edge_index, edge_type, node_to_graph_id,
           A, W_ih, W_hh, b_ih, b_hh, Wp, bp, Wg, bg):
    src = edge_index[0]
    dst = edge_index[1]

    g2 = (edge_type * _N + src) * 2
    gidx = jnp.stack([g2, g2 + 1])
    ept = _E // _NS
    gidx = gidx.reshape(_NC, _NS, ept)
    gidx = jnp.pad(gidx, ((0, 0), (0, 0), (0, _EPT - ept)))
    gidx = gidx.reshape(_NC, _NS, _NSECT, _SECT, _CHUNK)
    didx = _per_tile_pad(dst, _DUMMY)
    zeros = jnp.zeros((_ROWS_PT, _H), jnp.float32)

    w_tr = jnp.concatenate([A[0].T, A[1].T, A[2].T], axis=1)
    w_iht = W_ih.T
    w_hht = W_hh.T
    bih2 = b_ih.reshape(1, 3 * _D)
    bhh2 = b_hh.reshape(1, 3 * _D)
    wgp = jnp.concatenate([Wg, Wp], axis=1)
    bgp = jnp.concatenate([bg, bp]).reshape(1, 2)
    ids3 = node_to_graph_id.reshape(_NBLK, _BLK, 1)

    h = node_features
    tr = _tc_transform(h, w_tr)
    for t in range(_T):
        table = tr.reshape(2 * _NT * _N, _H)
        agg = _get_sc_agg()(table, gidx, didx, zeros)
        if t < _T - 1:
            h, tr = _tc_step(agg, h, w_iht, w_hht, bih2, bhh2, w_tr)
        else:
            out = _tc_final(agg, h, w_iht, w_hht, bih2, bhh2,
                            wgp, bgp, ids3)
    return out.reshape(_G, 1)

# --- scband reference (transcript-rebuilt; emitter-appended) ---
"""Pipeline reference for scband-ggnnmodel-14379550507333 (READ-ONLY COPY).

The authoritative reference and input builder live on the scoring server;
editing this copy changes nothing except your own understanding.
"""

import jax, jax.numpy as jnp
import numpy as np

N = 10000
E = 160000
D = 256
NUM_ETYPES = 3
T = 4
NUM_GRAPHS = 64


def setup_inputs(seed: int = 0) -> dict:
    key = jax.random.key(seed)
    ks = jax.random.split(key, 14)
    node_features = jax.random.normal(ks[0], (N, D), dtype=jnp.float32)
    edge_index = jax.random.randint(ks[1], (2, E), 0, N, dtype=jnp.int32)
    edge_type = jax.random.randint(ks[2], (E,), 0, NUM_ETYPES, dtype=jnp.int32)
    node_to_graph_id = jnp.sort(jax.random.randint(ks[3], (N,), 0, NUM_GRAPHS, dtype=jnp.int32))
    scale = 1.0 / np.sqrt(D)
    # per-edge-type message transforms (GGNN sparse propagation matrices)
    A = jax.random.normal(ks[4], (NUM_ETYPES, D, D), dtype=jnp.float32) * scale
    # GRU cell weights (input size D, hidden size D)
    W_ih = jax.random.normal(ks[5], (3 * D, D), dtype=jnp.float32) * scale
    W_hh = jax.random.normal(ks[6], (3 * D, D), dtype=jnp.float32) * scale
    b_ih = jnp.zeros((3 * D,), dtype=jnp.float32)
    b_hh = jnp.zeros((3 * D,), dtype=jnp.float32)
    # readout MLPs: project_up (D->1) and gate (D->1); mlp_down is identity
    Wp = jax.random.normal(ks[7], (D, 1), dtype=jnp.float32) * scale
    bp = jnp.zeros((1,), dtype=jnp.float32)
    Wg = jax.random.normal(ks[8], (D, 1), dtype=jnp.float32) * scale
    bg = jnp.zeros((1,), dtype=jnp.float32)
    return {
        'node_features': node_features,
        'edge_index': edge_index,
        'edge_type': edge_type,
        'node_to_graph_id': node_to_graph_id,
        'A': A,
        'W_ih': W_ih,
        'W_hh': W_hh,
        'b_ih': b_ih,
        'b_hh': b_hh,
        'Wp': Wp,
        'bp': bp,
        'Wg': Wg,
        'bg': bg,
    }


def _gru_cell(agg, h, W_ih, W_hh, b_ih, b_hh):
    gi = agg @ W_ih.T + b_ih
    gh = h @ W_hh.T + b_hh
    i_r, i_z, i_n = jnp.split(gi, 3, axis=1)
    h_r, h_z, h_n = jnp.split(gh, 3, axis=1)
    r = jax.nn.sigmoid(i_r + h_r)
    z = jax.nn.sigmoid(i_z + h_z)
    n = jnp.tanh(i_n + r * h_n)
    return (1.0 - z) * n + z * h


def reference(node_features, edge_index, edge_type, node_to_graph_id,
              A, W_ih, W_hh, b_ih, b_hh, Wp, bp, Wg, bg):
    src = edge_index[0]
    dst = edge_index[1]
    h = node_features
    for _ in range(T):
        # per-edge-type linear transform of all node states: [NUM_ETYPES, N, D]
        transformed = jnp.einsum('tij,nj->tni', A, h)
        # gather messages per edge (indexed by edge type and source node)
        msg = transformed[edge_type, src]  # [E, D]
        # scatter-add messages at destination nodes
        agg = jnp.zeros((N, D), dtype=h.dtype).at[dst].add(msg)
        # GRU state update
        h = _gru_cell(agg, h, W_ih, W_hh, b_ih, b_hh)
    # GraphFeaturesStackIndexAdd readout: gated projection + index_add per graph
    gate = jax.nn.sigmoid(h @ Wg + bg)   # [N, 1]
    proj = h @ Wp + bp                    # [N, 1]
    gated = gate * proj
    graph_feats = jnp.zeros((NUM_GRAPHS, 1), dtype=h.dtype).at[node_to_graph_id].add(gated)
    # mlp_down is identity
    return graph_feats

if __name__ == "__main__":
    import jax
    _d = setup_inputs()
    print(jax.jit(kernel)(*tuple(_d.values())))

</pallas_src>

<mosaic_0001>
#map = affine_map<(d0, d1) -> (0, 0)>
#map1 = affine_map<(d0, d1) -> (0, 0, 0, 0, 0)>
#map2 = affine_map<(d0, d1) -> (0, 0, 0, 0)>
#map3 = affine_map<(d0, d1) -> (0, 0, 0)>
module attributes {stable_mosaic.version = 14 : i64} {
  func.func @_sc_agg_body(%arg0: i32, %arg1: i32, %arg2: memref<60000x128xf32, #tpu.memory_space<hbm>>, %arg3: memref<2x16x8x20x64xi32, #tpu.memory_space<hbm>>, %arg4: memref<16x8x20x64xi32, #tpu.memory_space<hbm>>, %arg5: memref<632x128xf32, #tpu.memory_space<hbm>>, %arg6: memref<2x10112x128xf32, #tpu.memory_space<hbm>>, %arg7: memref<20x64xi32, #tpu.memory_space<vmem>>, %arg8: memref<20x64xi32, #tpu.memory_space<vmem>>, %arg9: memref<64x128xf32, #tpu.memory_space<vmem>>, %arg10: memref<64x128xf32, #tpu.memory_space<vmem>>, %arg11: memref<64x128xf32, #tpu.memory_space<vmem>>, %arg12: memref<64x128xf32, #tpu.memory_space<vmem>>, %arg13: memref<64x128xf32, #tpu.memory_space<vmem>>, %arg14: memref<10112x128xf32, #tpu.memory_space<vmem_shared>>, %arg15: memref<!tpu.dma_semaphore, #tpu.memory_space<semaphore_mem>>, %arg16: memref<!tpu.dma_semaphore, #tpu.memory_space<semaphore_mem>>, %arg17: memref<!tpu.dma_semaphore, #tpu.memory_space<semaphore_mem>>, %arg18: memref<!tpu.dma_semaphore, #tpu.memory_space<semaphore_mem>>, %arg19: memref<!tpu.dma_semaphore, #tpu.memory_space<semaphore_mem>>) attributes {dimension_semantics = [#tpu.dimension_semantics<core_parallel>, #tpu.dimension_semantics<subcore_parallel>], iteration_bounds = array<i64: 2, 16>, scalar_prefetch = 0 : i64, scratch_operands = 13 : i64, tpu.core_type = #tpu.core_type<sc_vector_subcore>, window_params = [{transform_indices = #map}, {transform_indices = #map1}, {transform_indices = #map2}, {transform_indices = #map}, {transform_indices = #map3}]} {
    %mul3A = arith.constant 632 : i32
    %mul3A_0 = arith.muli %arg1, %mul3A : i32
    "tpu.region"() ({
      %run_scoped3A = tpu.sem_alloc : memref<!tpu.dma_semaphore, #tpu.memory_space<semaphore_mem>>
      %dma_start3A = arith.constant 0 : i32
      %dma_start3A_11 = tpu.memref_slice %arg14[%mul3A_0, %dma_start3A] : memref<10112x128xf32, #tpu.memory_space<vmem_shared>> -> memref<632x128xf32, #tpu.memory_space<vmem_shared>>
      tpu.enqueue_dma source(%arg5 : memref<632x128xf32, #tpu.memory_space<hbm>>) target(%dma_start3A_11 : memref<632x128xf32, #tpu.memory_space<vmem_shared>>) target_semaphore(%run_scoped3A : memref<!tpu.dma_semaphore, #tpu.memory_space<semaphore_mem>>)
      %dma_wait3A = arith.constant 0 : i32
      %dma_wait3A_12 = tpu.memref_slice %arg14[%mul3A_0, %dma_wait3A] : memref<10112x128xf32, #tpu.memory_space<vmem_shared>> -> memref<632x128xf32, #tpu.memory_space<vmem_shared>>
      tpu.wait_dma2 semaphore(%run_scoped3A : memref<!tpu.dma_semaphore, #tpu.memory_space<semaphore_mem>>) src(%arg5 : memref<632x128xf32, #tpu.memory_space<hbm>>) dst(%dma_wait3A_12 : memref<632x128xf32, #tpu.memory_space<vmem_shared>>)
      tpu.yield
    }) : () -> ()
    %barrier3A = arith.constant 0 : index
    tpu.barrier barrier_id(%barrier3A)
    %scan3A = arith.constant 0 : i32
    %scan3A_1 = arith.constant 0 : i32
    %scan3A_2 = arith.constant 8 : i32
    %scan3A_3 = arith.addi %scan3A_1, %scan3A_2 : i32
    %scan3A_4 = arith.constant 1 : i32
    scf.for %scan3A_11 = %scan3A_1 to %scan3A_3 step %scan3A_4  : i32 {
      "tpu.region"() ({
        %run_scoped3A = tpu.sem_alloc : memref<!tpu.dma_semaphore, #tpu.memory_space<semaphore_mem>>
        %dma_start3A_52 = arith.constant 0 : i32
        %dma_start3A_53 = arith.constant 0 : i32
        %dma_start3A_54 = tpu.memref_slice %arg3[%arg0, %arg1, %scan3A_11, %dma_start3A_52, %dma_start3A_53] : memref<2x16x8x20x64xi32, #tpu.memory_space<hbm>> -> memref<1x1x1x20x64xi32, #tpu.memory_space<hbm>>
        %dma_start3A_55 = tpu.memref_squeeze %dma_start3A_54 : memref<1x1x1x20x64xi32, #tpu.memory_space<hbm>> -> memref<20x64xi32, #tpu.memory_space<hbm>>
        %dma_start3A_56 = arith.constant 0 : i32
        %dma_start3A_57 = arith.constant 0 : i32
        %dma_start3A_58 = tpu.memref_slice %arg3[%arg0, %arg1, %scan3A_11, %dma_start3A_56, %dma_start3A_57] : memref<2x16x8x20x64xi32, #tpu.memory_space<hbm>> -> memref<1x1x1x20x64xi32, #tpu.memory_space<hbm>>
        %dma_start3A_59 = tpu.memref_squeeze %dma_start3A_58 : memref<1x1x1x20x64xi32, #tpu.memory_space<hbm>> -> memref<20x64xi32, #tpu.memory_space<hbm>>
        tpu.enqueue_dma source(%dma_start3A_59 : memref<20x64xi32, #tpu.memory_space<hbm>>) target(%arg7 : memref<20x64xi32, #tpu.memory_space<vmem>>) target_semaphore(%run_scoped3A : memref<!tpu.dma_semaphore, #tpu.memory_space<semaphore_mem>>)
        %dma_wait3A = arith.constant 0 : i32
        %dma_wait3A_60 = arith.constant 0 : i32
        %dma_wait3A_61 = tpu.memref_slice %arg3[%arg0, %arg1, %scan3A_11, %dma_wait3A, %dma_wait3A_60] : memref<2x16x8x20x64xi32, #tpu.memory_space<hbm>> -> memref<1x1x1x20x64xi32, #tpu.memory_space<hbm>>
        %dma_wait3A_62 = tpu.memref_squeeze %dma_wait3A_61 : memref<1x1x1x20x64xi32, #tpu.memory_space<hbm>> -> memref<20x64xi32, #tpu.memory_space<hbm>>
        %dma_wait3A_63 = arith.constant 0 : i32
        %dma_wait3A_64 = arith.constant 0 : i32
        %dma_wait3A_65 = tpu.memref_slice %arg3[%arg0, %arg1, %scan3A_11, %dma_wait3A_63, %dma_wait3A_64] : memref<2x16x8x20x64xi32, #tpu.memory_space<hbm>> -> memref<1x1x1x20x64xi32, #tpu.memory_space<hbm>>
        %dma_wait3A_66 = tpu.memref_squeeze %dma_wait3A_65 : memref<1x1x1x20x64xi32, #tpu.memory_space<hbm>> -> memref<20x64xi32, #tpu.memory_space<hbm>>
        tpu.wait_dma2 semaphore(%run_scoped3A : memref<!tpu.dma_semaphore, #tpu.memory_space<semaphore_mem>>) src(%dma_wait3A_66 : memref<20x64xi32, #tpu.memory_space<hbm>>) dst(%arg7 : memref<20x64xi32, #tpu.memory_space<vmem>>)
        tpu.yield
      }) : () -> ()
      "tpu.region"() ({
        %run_scoped3A = tpu.sem_alloc : memref<!tpu.dma_semaphore, #tpu.memory_space<semaphore_mem>>
        %dma_start3A_52 = arith.constant 0 : i32
        %dma_start3A_53 = arith.constant 0 : i32
        %dma_start3A_54 = tpu.memref_slice %arg4[%arg1, %scan3A_11, %dma_start3A_52, %dma_start3A_53] : memref<16x8x20x64xi32, #tpu.memory_space<hbm>> -> memref<1x1x20x64xi32, #tpu.memory_space<hbm>>
        %dma_start3A_55 = tpu.memref_squeeze %dma_start3A_54 : memref<1x1x20x64xi32, #tpu.memory_space<hbm>> -> memref<20x64xi32, #tpu.memory_space<hbm>>
        %dma_start3A_56 = arith.constant 0 : i32
        %dma_start3A_57 = arith.constant 0 : i32
        %dma_start3A_58 = tpu.memref_slice %arg4[%arg1, %scan3A_11, %dma_start3A_56, %dma_start3A_57] : memref<16x8x20x64xi32, #tpu.memory_space<hbm>> -> memref<1x1x20x64xi32, #tpu.memory_space<hbm>>
        %dma_start3A_59 = tpu.memref_squeeze %dma_start3A_58 : memref<1x1x20x64xi32, #tpu.memory_space<hbm>> -> memref<20x64xi32, #tpu.memory_space<hbm>>
        tpu.enqueue_dma source(%dma_start3A_59 : memref<20x64xi32, #tpu.memory_space<hbm>>) target(%arg8 : memref<20x64xi32, #tpu.memory_space<vmem>>) target_semaphore(%run_scoped3A : memref<!tpu.dma_semaphore, #tpu.memory_space<semaphore_mem>>)
        %dma_wait3A = arith.constant 0 : i32
        %dma_wait3A_60 = arith.constant 0 : i32
        %dma_wait3A_61 = tpu.memref_slice %arg4[%arg1, %scan3A_11, %dma_wait3A, %dma_wait3A_60] : memref<16x8x20x64xi32, #tpu.memory_space<hbm>> -> memref<1x1x20x64xi32, #tpu.memory_space<hbm>>
        %dma_wait3A_62 = tpu.memref_squeeze %dma_wait3A_61 : memref<1x1x20x64xi32, #tpu.memory_space<hbm>> -> memref<20x64xi32, #tpu.memory_space<hbm>>
        %dma_wait3A_63 = arith.constant 0 : i32
        %dma_wait3A_64 = arith.constant 0 : i32
        %dma_wait3A_65 = tpu.memref_slice %arg4[%arg1, %scan3A_11, %dma_wait3A_63, %dma_wait3A_64] : memref<16x8x20x64xi32, #tpu.memory_space<hbm>> -> memref<1x1x20x64xi32, #tpu.memory_space<hbm>>
        %dma_wait3A_66 = tpu.memref_squeeze %dma_wait3A_65 : memref<1x1x20x64xi32, #tpu.memory_space<hbm>> -> memref<20x64xi32, #tpu.memory_space<hbm>>
        tpu.wait_dma2 semaphore(%run_scoped3A : memref<!tpu.dma_semaphore, #tpu.memory_space<semaphore_mem>>) src(%dma_wait3A_66 : memref<20x64xi32, #tpu.memory_space<hbm>>) dst(%arg8 : memref<20x64xi32, #tpu.memory_space<vmem>>)
        tpu.yield
      }) : () -> ()
      %dma_start3A = arith.constant 0 : i32
      %dma_start3A_12 = arith.constant 0 : i32
      %dma_start3A_13 = tpu.memref_slice %arg7[%dma_start3A, %dma_start3A_12] : memref<20x64xi32, #tpu.memory_space<vmem>> -> memref<1x64xi32, #tpu.memory_space<vmem>>
      %dma_start3A_14 = tpu.memref_squeeze %dma_start3A_13 : memref<1x64xi32, #tpu.memory_space<vmem>> -> memref<64xi32, #tpu.memory_space<vmem>>
      %dma_start3A_15 = arith.constant 0 : i32
      %dma_start3A_16 = arith.constant 0 : i32
      %dma_start3A_17 = tpu.memref_slice %arg2[%dma_start3A_15, %dma_start3A_16] : memref<60000x128xf32, #tpu.memory_space<hbm>> -> memref<60000x128xf32, #tpu.memory_space<hbm>>
      tpu.enqueue_indirect_dma source(%dma_start3A_17 : memref<60000x128xf32, #tpu.memory_space<hbm>>) target(%arg9 : memref<64x128xf32, #tpu.memory_space<vmem>>) offsets(%dma_start3A_14 : memref<64xi32, #tpu.memory_space<vmem>>) semaphore(%arg15 : memref<!tpu.dma_semaphore, #tpu.memory_space<semaphore_mem>>)
      %dma_start3A_18 = arith.constant 1 : i32
      %dma_start3A_19 = arith.constant 0 : i32
      %dma_start3A_20 = tpu.memref_slice %arg7[%dma_start3A_18, %dma_start3A_19] : memref<20x64xi32, #tpu.memory_space<vmem>> -> memref<1x64xi32, #tpu.memory_space<vmem>>
      %dma_start3A_21 = tpu.memref_squeeze %dma_start3A_20 : memref<1x64xi32, #tpu.memory_space<vmem>> -> memref<64xi32, #tpu.memory_space<vmem>>
      %dma_start3A_22 = arith.constant 0 : i32
      %dma_start3A_23 = arith.constant 0 : i32
      %dma_start3A_24 = tpu.memref_slice %arg2[%dma_start3A_22, %dma_start3A_23] : memref<60000x128xf32, #tpu.memory_space<hbm>> -> memref<60000x128xf32, #tpu.memory_space<hbm>>
      tpu.enqueue_indirect_dma source(%dma_start3A_24 : memref<60000x128xf32, #tpu.memory_space<hbm>>) target(%arg10 : memref<64x128xf32, #tpu.memory_space<vmem>>) offsets(%dma_start3A_21 : memref<64xi32, #tpu.memory_space<vmem>>) semaphore(%arg16 : memref<!tpu.dma_semaphore, #tpu.memory_space<semaphore_mem>>)
      %dma_start3A_25 = arith.constant 2 : i32
      %dma_start3A_26 = arith.constant 0 : i32
      %dma_start3A_27 = tpu.memref_slice %arg7[%dma_start3A_25, %dma_start3A_26] : memref<20x64xi32, #tpu.memory_space<vmem>> -> memref<1x64xi32, #tpu.memory_space<vmem>>
      %dma_start3A_28 = tpu.memref_squeeze %dma_start3A_27 : memref<1x64xi32, #tpu.memory_space<vmem>> -> memref<64xi32, #tpu.memory_space<vmem>>
      %dma_start3A_29 = arith.constant 0 : i32
      %dma_start3A_30 = arith.constant 0 : i32
      %dma_start3A_31 = tpu.memref_slice %arg2[%dma_start3A_29, %dma_start3A_30] : memref<60000x128xf32, #tpu.memory_space<hbm>> -> memref<60000x128xf32, #tpu.memory_space<hbm>>
      tpu.enqueue_indirect_dma source(%dma_start3A_31 : memref<60000x128xf32, #tpu.memory_space<hbm>>) target(%arg11 : memref<64x128xf32, #tpu.memory_space<vmem>>) offsets(%dma_start3A_28 : memref<64xi32, #tpu.memory_space<vmem>>) semaphore(%arg17 : memref<!tpu.dma_semaphore, #tpu.memory_space<semaphore_mem>>)
      %dma_start3A_32 = arith.constant 3 : i32
      %dma_start3A_33 = arith.constant 0 : i32
      %dma_start3A_34 = tpu.memref_slice %arg7[%dma_start3A_32, %dma_start3A_33] : memref<20x64xi32, #tpu.memory_space<vmem>> -> memref<1x64xi32, #tpu.memory_space<vmem>>
      %dma_start3A_35 = tpu.memref_squeeze %dma_start3A_34 : memref<1x64xi32, #tpu.memory_space<vmem>> -> memref<64xi32, #tpu.memory_space<vmem>>
      %dma_start3A_36 = arith.constant 0 : i32
      %dma_start3A_37 = arith.constant 0 : i32
      %dma_start3A_38 = tpu.memref_slice %arg2[%dma_start3A_36, %dma_start3A_37] : memref<60000x128xf32, #tpu.memory_space<hbm>> -> memref<60000x128xf32, #tpu.memory_space<hbm>>
      tpu.enqueue_indirect_dma source(%dma_start3A_38 : memref<60000x128xf32, #tpu.memory_space<hbm>>) target(%arg12 : memref<64x128xf32, #tpu.memory_space<vmem>>) offsets(%dma_start3A_35 : memref<64xi32, #tpu.memory_space<vmem>>) semaphore(%arg18 : memref<!tpu.dma_semaphore, #tpu.memory_space<semaphore_mem>>)
      %dma_start3A_39 = arith.constant 4 : i32
      %dma_start3A_40 = arith.constant 0 : i32
      %dma_start3A_41 = tpu.memref_slice %arg7[%dma_start3A_39, %dma_start3A_40] : memref<20x64xi32, #tpu.memory_space<vmem>> -> memref<1x64xi32, #tpu.memory_space<vmem>>
      %dma_start3A_42 = tpu.memref_squeeze %dma_start3A_41 : memref<1x64xi32, #tpu.memory_space<vmem>> -> memref<64xi32, #tpu.memory_space<vmem>>
      %dma_start3A_43 = arith.constant 0 : i32
      %dma_start3A_44 = arith.constant 0 : i32
      %dma_start3A_45 = tpu.memref_slice %arg2[%dma_start3A_43, %dma_start3A_44] : memref<60000x128xf32, #tpu.memory_space<hbm>> -> memref<60000x128xf32, #tpu.memory_space<hbm>>
      tpu.enqueue_indirect_dma source(%dma_start3A_45 : memref<60000x128xf32, #tpu.memory_space<hbm>>) target(%arg13 : memref<64x128xf32, #tpu.memory_space<vmem>>) offsets(%dma_start3A_42 : memref<64xi32, #tpu.memory_space<vmem>>) semaphore(%arg19 : memref<!tpu.dma_semaphore, #tpu.memory_space<semaphore_mem>>)
      %scan3A_46 = arith.constant 0 : i32
      %scan3A_47 = arith.constant 0 : i32
      %scan3A_48 = arith.constant 4 : i32
      %scan3A_49 = arith.addi %scan3A_47, %scan3A_48 : i32
      %scan3A_50 = arith.constant 1 : i32
      scf.for %scan3A_52 = %scan3A_47 to %scan3A_49 step %scan3A_50  : i32 {
        %mul3A_53 = arith.constant 5 : i32
        %mul3A_54 = arith.muli %scan3A_52, %mul3A_53 : i32
        %add3A = arith.constant 0 : i32
        %add3A_55 = arith.addi %mul3A_54, %add3A : i32
        %dma_wait3A = arith.constant 0 : i32
        %dma_wait3A_56 = tpu.memref_slice %arg7[%add3A_55, %dma_wait3A] : memref<20x64xi32, #tpu.memory_space<vmem>> -> memref<1x64xi32, #tpu.memory_space<vmem>>
        %dma_wait3A_57 = tpu.memref_squeeze %dma_wait3A_56 : memref<1x64xi32, #tpu.memory_space<vmem>> -> memref<64xi32, #tpu.memory_space<vmem>>
        %dma_wait3A_58 = arith.constant 0 : i32
        %dma_wait3A_59 = arith.constant 0 : i32
        %dma_wait3A_60 = tpu.memref_slice %arg2[%dma_wait3A_58, %dma_wait3A_59] : memref<60000x128xf32, #tpu.memory_space<hbm>> -> memref<60000x128xf32, #tpu.memory_space<hbm>>
        tpu.wait_indirect_dma semaphore(%arg15 : memref<!tpu.dma_semaphore, #tpu.memory_space<semaphore_mem>>) src(%dma_wait3A_60 : memref<60000x128xf32, #tpu.memory_space<hbm>>) dst(%arg9 : memref<64x128xf32, #tpu.memory_space<vmem>>)
        "tpu.region"() ({
          %run_scoped3A = tpu.sem_alloc : memref<!tpu.dma_semaphore, #tpu.memory_space<semaphore_mem>>
          %dma_start3A_133 = arith.constant 0 : i32
          %dma_start3A_134 = tpu.memref_slice %arg8[%add3A_55, %dma_start3A_133] : memref<20x64xi32, #tpu.memory_space<vmem>> -> memref<1x64xi32, #tpu.memory_space<vmem>>
          %dma_start3A_135 = tpu.memref_squeeze %dma_start3A_134 : memref<1x64xi32, #tpu.memory_space<vmem>> -> memref<64xi32, #tpu.memory_space<vmem>>
          %dma_start3A_136 = arith.constant 0 : i32
          %dma_start3A_137 = arith.constant 0 : i32
          %dma_start3A_138 = tpu.memref_slice %arg14[%dma_start3A_136, %dma_start3A_137] : memref<10112x128xf32, #tpu.memory_space<vmem_shared>> -> memref<10112x128xf32, #tpu.memory_space<vmem_shared>>
          tpu.enqueue_indirect_dma source(%arg9 : memref<64x128xf32, #tpu.memory_space<vmem>>) target(%dma_start3A_138 : memref<10112x128xf32, #tpu.memory_space<vmem_shared>>) offsets(%dma_start3A_135 : memref<64xi32, #tpu.memory_space<vmem>>) semaphore(%run_scoped3A : memref<!tpu.dma_semaphore, #tpu.memory_space<semaphore_mem>>) {add = true}
          %dma_wait3A_139 = arith.constant 0 : i32
          %dma_wait3A_140 = tpu.memref_slice %arg8[%add3A_55, %dma_wait3A_139] : memref<20x64xi32, #tpu.memory_space<vmem>> -> memref<1x64xi32, #tpu.memory_space<vmem>>
          %dma_wait3A_141 = tpu.memref_squeeze %dma_wait3A_140 : memref<1x64xi32, #tpu.memory_space<vmem>> -> memref<64xi32, #tpu.memory_space<vmem>>
          %dma_wait3A_142 = arith.constant 0 : i32
          %dma_wait3A_143 = arith.constant 0 : i32
          %dma_wait3A_144 = tpu.memref_slice %arg14[%dma_wait3A_142, %dma_wait3A_143] : memref<10112x128xf32, #tpu.memory_space<vmem_shared>> -> memref<10112x128xf32, #tpu.memory_space<vmem_shared>>
          tpu.wait_indirect_dma semaphore(%run_scoped3A : memref<!tpu.dma_semaphore, #tpu.memory_space<semaphore_mem>>) src(%arg9 : memref<64x128xf32, #tpu.memory_space<vmem>>) dst(%dma_wait3A_144 : memref<10112x128xf32, #tpu.memory_space<vmem_shared>>)
          tpu.yield
        }) : () -> ()
        %add3A_61 = arith.constant 5 : i32
        %add3A_62 = arith.addi %add3A_55, %add3A_61 : i32
        %lt3A = arith.constant 20 : i32
        %lt3A_63 = arith.cmpi slt, %add3A_62, %lt3A : i32
        %convert_element_type3A = arith.extui %lt3A_63 : i1 to i32
        %cond3A = arith.constant 0 : i32
        %cond3A_64 = arith.cmpi ne, %convert_element_type3A, %cond3A : i32
        scf.if %cond3A_64 {
          %add3A_133 = arith.constant 5 : i32
          %add3A_134 = arith.addi %add3A_55, %add3A_133 : i32
          %dma_start3A_135 = arith.constant 0 : i32
          %dma_start3A_136 = tpu.memref_slice %arg7[%add3A_134, %dma_start3A_135] : memref<20x64xi32, #tpu.memory_space<vmem>> -> memref<1x64xi32, #tpu.memory_space<vmem>>
          %dma_start3A_137 = tpu.memref_squeeze %dma_start3A_136 : memref<1x64xi32, #tpu.memory_space<vmem>> -> memref<64xi32, #tpu.memory_space<vmem>>
          %dma_start3A_138 = arith.constant 0 : i32
          %dma_start3A_139 = arith.constant 0 : i32
          %dma_start3A_140 = tpu.memref_slice %arg2[%dma_start3A_138, %dma_start3A_139] : memref<60000x128xf32, #tpu.memory_space<hbm>> -> memref<60000x128xf32, #tpu.memory_space<hbm>>
          tpu.enqueue_indirect_dma source(%dma_start3A_140 : memref<60000x128xf32, #tpu.memory_space<hbm>>) target(%arg9 : memref<64x128xf32, #tpu.memory_space<vmem>>) offsets(%dma_start3A_137 : memref<64xi32, #tpu.memory_space<vmem>>) semaphore(%arg15 : memref<!tpu.dma_semaphore, #tpu.memory_space<semaphore_mem>>)
        } else {
        }
        %mul3A_65 = arith.constant 5 : i32
        %mul3A_66 = arith.muli %scan3A_52, %mul3A_65 : i32
        %add3A_67 = arith.constant 1 : i32
        %add3A_68 = arith.addi %mul3A_66, %add3A_67 : i32
        %dma_wait3A_69 = arith.constant 0 : i32
        %dma_wait3A_70 = tpu.memref_slice %arg7[%add3A_68, %dma_wait3A_69] : memref<20x64xi32, #tpu.memory_space<vmem>> -> memref<1x64xi32, #tpu.memory_space<vmem>>
        %dma_wait3A_71 = tpu.memref_squeeze %dma_wait3A_70 : memref<1x64xi32, #tpu.memory_space<vmem>> -> memref<64xi32, #tpu.memory_space<vmem>>
        %dma_wait3A_72 = arith.constant 0 : i32
        %dma_wait3A_73 = arith.constant 0 : i32
        %dma_wait3A_74 = tpu.memref_slice %arg2[%dma_wait3A_72, %dma_wait3A_73] : memref<60000x128xf32, #tpu.memory_space<hbm>> -> memref<60000x128xf32, #tpu.memory_space<hbm>>
        tpu.wait_indirect_dma semaphore(%arg16 : memref<!tpu.dma_semaphore, #tpu.memory_space<semaphore_mem>>) src(%dma_wait3A_74 : memref<60000x128xf32, #tpu.memory_space<hbm>>) dst(%arg10 : memref<64x128xf32, #tpu.memory_space<vmem>>)
        "tpu.region"() ({
          %run_scoped3A = tpu.sem_alloc : memref<!tpu.dma_semaphore, #tpu.memory_space<semaphore_mem>>
          %dma_start3A_133 = arith.constant 0 : i32
          %dma_start3A_134 = tpu.memref_slice %arg8[%add3A_68, %dma_start3A_133] : memref<20x64xi32, #tpu.memory_space<vmem>> -> memref<1x64xi32, #tpu.memory_space<vmem>>
          %dma_start3A_135 = tpu.memref_squeeze %dma_start3A_134 : memref<1x64xi32, #tpu.memory_space<vmem>> -> memref<64xi32, #tpu.memory_space<vmem>>
          %dma_start3A_136 = arith.constant 0 : i32
          %dma_start3A_137 = arith.constant 0 : i32
          %dma_start3A_138 = tpu.memref_slice %arg14[%dma_start3A_136, %dma_start3A_137] : memref<10112x128xf32, #tpu.memory_space<vmem_shared>> -> memref<10112x128xf32, #tpu.memory_space<vmem_shared>>
          tpu.enqueue_indirect_dma source(%arg10 : memref<64x128xf32, #tpu.memory_space<vmem>>) target(%dma_start3A_138 : memref<10112x128xf32, #tpu.memory_space<vmem_shared>>) offsets(%dma_start3A_135 : memref<64xi32, #tpu.memory_space<vmem>>) semaphore(%run_scoped3A : memref<!tpu.dma_semaphore, #tpu.memory_space<semaphore_mem>>) {add = true}
          %dma_wait3A_139 = arith.constant 0 : i32
          %dma_wait3A_140 = tpu.memref_slice %arg8[%add3A_68, %dma_wait3A_139] : memref<20x64xi32, #tpu.memory_space<vmem>> -> memref<1x64xi32, #tpu.memory_space<vmem>>
          %dma_wait3A_141 = tpu.memref_squeeze %dma_wait3A_140 : memref<1x64xi32, #tpu.memory_space<vmem>> -> memref<64xi32, #tpu.memory_space<vmem>>
          %dma_wait3A_142 = arith.constant 0 : i32
          %dma_wait3A_143 = arith.constant 0 : i32
          %dma_wait3A_144 = tpu.memref_slice %arg14[%dma_wait3A_142, %dma_wait3A_143] : memref<10112x128xf32, #tpu.memory_space<vmem_shared>> -> memref<10112x128xf32, #tpu.memory_space<vmem_shared>>
          tpu.wait_indirect_dma semaphore(%run_scoped3A : memref<!tpu.dma_semaphore, #tpu.memory_space<semaphore_mem>>) src(%arg10 : memref<64x128xf32, #tpu.memory_space<vmem>>) dst(%dma_wait3A_144 : memref<10112x128xf32, #tpu.memory_space<vmem_shared>>)
          tpu.yield
        }) : () -> ()
        %add3A_75 = arith.constant 5 : i32
        %add3A_76 = arith.addi %add3A_68, %add3A_75 : i32
        %lt3A_77 = arith.constant 20 : i32
        %lt3A_78 = arith.cmpi slt, %add3A_76, %lt3A_77 : i32
        %convert_element_type3A_79 = arith.extui %lt3A_78 : i1 to i32
        %cond3A_80 = arith.constant 0 : i32
        %cond3A_81 = arith.cmpi ne, %convert_element_type3A_79, %cond3A_80 : i32
        scf.if %cond3A_81 {
          %add3A_133 = arith.constant 5 : i32
          %add3A_134 = arith.addi %add3A_68, %add3A_133 : i32
          %dma_start3A_135 = arith.constant 0 : i32
          %dma_start3A_136 = tpu.memref_slice %arg7[%add3A_134, %dma_start3A_135] : memref<20x64xi32, #tpu.memory_space<vmem>> -> memref<1x64xi32, #tpu.memory_space<vmem>>
          %dma_start3A_137 = tpu.memref_squeeze %dma_start3A_136 : memref<1x64xi32, #tpu.memory_space<vmem>> -> memref<64xi32, #tpu.memory_space<vmem>>
          %dma_start3A_138 = arith.constant 0 : i32
          %dma_start3A_139 = arith.constant 0 : i32
          %dma_start3A_140 = tpu.memref_slice %arg2[%dma_start3A_138, %dma_start3A_139] : memref<60000x128xf32, #tpu.memory_space<hbm>> -> memref<60000x128xf32, #tpu.memory_space<hbm>>
          tpu.enqueue_indirect_dma source(%dma_start3A_140 : memref<60000x128xf32, #tpu.memory_space<hbm>>) target(%arg10 : memref<64x128xf32, #tpu.memory_space<vmem>>) offsets(%dma_start3A_137 : memref<64xi32, #tpu.memory_space<vmem>>) semaphore(%arg16 : memref<!tpu.dma_semaphore, #tpu.memory_space<semaphore_mem>>)
        } else {
        }
        %mul3A_82 = arith.constant 5 : i32
        %mul3A_83 = arith.muli %scan3A_52, %mul3A_82 : i32
        %add3A_84 = arith.constant 2 : i32
        %add3A_85 = arith.addi %mul3A_83, %add3A_84 : i32
        %dma_wait3A_86 = arith.constant 0 : i32
        %dma_wait3A_87 = tpu.memref_slice %arg7[%add3A_85, %dma_wait3A_86] : memref<20x64xi32, #tpu.memory_space<vmem>> -> memref<1x64xi32, #tpu.memory_space<vmem>>
        %dma_wait3A_88 = tpu.memref_squeeze %dma_wait3A_87 : memref<1x64xi32, #tpu.memory_space<vmem>> -> memref<64xi32, #tpu.memory_space<vmem>>
        %dma_wait3A_89 = arith.constant 0 : i32
        %dma_wait3A_90 = arith.constant 0 : i32
        %dma_wait3A_91 = tpu.memref_slice %arg2[%dma_wait3A_89, %dma_wait3A_90] : memref<60000x128xf32, #tpu.memory_space<hbm>> -> memref<60000x128xf32, #tpu.memory_space<hbm>>
        tpu.wait_indirect_dma semaphore(%arg17 : memref<!tpu.dma_semaphore, #tpu.memory_space<semaphore_mem>>) src(%dma_wait3A_91 : memref<60000x128xf32, #tpu.memory_space<hbm>>) dst(%arg11 : memref<64x128xf32, #tpu.memory_space<vmem>>)
        "tpu.region"() ({
          %run_scoped3A = tpu.sem_alloc : memref<!tpu.dma_semaphore, #tpu.memory_space<semaphore_mem>>
          %dma_start3A_133 = arith.constant 0 : i32
          %dma_start3A_134 = tpu.memref_slice %arg8[%add3A_85, %dma_start3A_133] : memref<20x64xi32, #tpu.memory_space<vmem>> -> memref<1x64xi32, #tpu.memory_space<vmem>>
          %dma_start3A_135 = tpu.memref_squeeze %dma_start3A_134 : memref<1x64xi32, #tpu.memory_space<vmem>> -> memref<64xi32, #tpu.memory_space<vmem>>
          %dma_start3A_136 = arith.constant 0 : i32
          %dma_start3A_137 = arith.constant 0 : i32
          %dma_start3A_138 = tpu.memref_slice %arg14[%dma_start3A_136, %dma_start3A_137] : memref<10112x128xf32, #tpu.memory_space<vmem_shared>> -> memref<10112x128xf32, #tpu.memory_space<vmem_shared>>
          tpu.enqueue_indirect_dma source(%arg11 : memref<64x128xf32, #tpu.memory_space<vmem>>) target(%dma_start3A_138 : memref<10112x128xf32, #tpu.memory_space<vmem_shared>>) offsets(%dma_start3A_135 : memref<64xi32, #tpu.memory_space<vmem>>) semaphore(%run_scoped3A : memref<!tpu.dma_semaphore, #tpu.memory_space<semaphore_mem>>) {add = true}
          %dma_wait3A_139 = arith.constant 0 : i32
          %dma_wait3A_140 = tpu.memref_slice %arg8[%add3A_85, %dma_wait3A_139] : memref<20x64xi32, #tpu.memory_space<vmem>> -> memref<1x64xi32, #tpu.memory_space<vmem>>
          %dma_wait3A_141 = tpu.memref_squeeze %dma_wait3A_140 : memref<1x64xi32, #tpu.memory_space<vmem>> -> memref<64xi32, #tpu.memory_space<vmem>>
          %dma_wait3A_142 = arith.constant 0 : i32
          %dma_wait3A_143 = arith.constant 0 : i32
          %dma_wait3A_144 = tpu.memref_slice %arg14[%dma_wait3A_142, %dma_wait3A_143] : memref<10112x128xf32, #tpu.memory_space<vmem_shared>> -> memref<10112x128xf32, #tpu.memory_space<vmem_shared>>
          tpu.wait_indirect_dma semaphore(%run_scoped3A : memref<!tpu.dma_semaphore, #tpu.memory_space<semaphore_mem>>) src(%arg11 : memref<64x128xf32, #tpu.memory_space<vmem>>) dst(%dma_wait3A_144 : memref<10112x128xf32, #tpu.memory_space<vmem_shared>>)
          tpu.yield
        }) : () -> ()
        %add3A_92 = arith.constant 5 : i32
        %add3A_93 = arith.addi %add3A_85, %add3A_92 : i32
        %lt3A_94 = arith.constant 20 : i32
        %lt3A_95 = arith.cmpi slt, %add3A_93, %lt3A_94 : i32
        %convert_element_type3A_96 = arith.extui %lt3A_95 : i1 to i32
        %cond3A_97 = arith.constant 0 : i32
        %cond3A_98 = arith.cmpi ne, %convert_element_type3A_96, %cond3A_97 : i32
        scf.if %cond3A_98 {
          %add3A_133 = arith.constant 5 : i32
          %add3A_134 = arith.addi %add3A_85, %add3A_133 : i32
          %dma_start3A_135 = arith.constant 0 : i32
          %dma_start3A_136 = tpu.memref_slice %arg7[%add3A_134, %dma_start3A_135] : memref<20x64xi32, #tpu.memory_space<vmem>> -> memref<1x64xi32, #tpu.memory_space<vmem>>
          %dma_start3A_137 = tpu.memref_squeeze %dma_start3A_136 : memref<1x64xi32, #tpu.memory_space<vmem>> -> memref<64xi32, #tpu.memory_space<vmem>>
          %dma_start3A_138 = arith.constant 0 : i32
          %dma_start3A_139 = arith.constant 0 : i32
          %dma_start3A_140 = tpu.memref_slice %arg2[%dma_start3A_138, %dma_start3A_139] : memref<60000x128xf32, #tpu.memory_space<hbm>> -> memref<60000x128xf32, #tpu.memory_space<hbm>>
          tpu.enqueue_indirect_dma source(%dma_start3A_140 : memref<60000x128xf32, #tpu.memory_space<hbm>>) target(%arg11 : memref<64x128xf32, #tpu.memory_space<vmem>>) offsets(%dma_start3A_137 : memref<64xi32, #tpu.memory_space<vmem>>) semaphore(%arg17 : memref<!tpu.dma_semaphore, #tpu.memory_space<semaphore_mem>>)
        } else {
        }
        %mul3A_99 = arith.constant 5 : i32
        %mul3A_100 = arith.muli %scan3A_52, %mul3A_99 : i32
        %add3A_101 = arith.constant 3 : i32
        %add3A_102 = arith.addi %mul3A_100, %add3A_101 : i32
        %dma_wait3A_103 = arith.constant 0 : i32
        %dma_wait3A_104 = tpu.memref_slice %arg7[%add3A_102, %dma_wait3A_103] : memref<20x64xi32, #tpu.memory_space<vmem>> -> memref<1x64xi32, #tpu.memory_space<vmem>>
        %dma_wait3A_105 = tpu.memref_squeeze %dma_wait3A_104 : memref<1x64xi32, #tpu.memory_space<vmem>> -> memref<64xi32, #tpu.memory_space<vmem>>
        %dma_wait3A_106 = arith.constant 0 : i32
        %dma_wait3A_107 = arith.constant 0 : i32
        %dma_wait3A_108 = tpu.memref_slice %arg2[%dma_wait3A_106, %dma_wait3A_107] : memref<60000x128xf32, #tpu.memory_space<hbm>> -> memref<60000x128xf32, #tpu.memory_space<hbm>>
        tpu.wait_indirect_dma semaphore(%arg18 : memref<!tpu.dma_semaphore, #tpu.memory_space<semaphore_mem>>) src(%dma_wait3A_108 : memref<60000x128xf32, #tpu.memory_space<hbm>>) dst(%arg12 : memref<64x128xf32, #tpu.memory_space<vmem>>)
        "tpu.region"() ({
          %run_scoped3A = tpu.sem_alloc : memref<!tpu.dma_semaphore, #tpu.memory_space<semaphore_mem>>
          %dma_start3A_133 = arith.constant 0 : i32
          %dma_start3A_134 = tpu.memref_slice %arg8[%add3A_102, %dma_start3A_133] : memref<20x64xi32, #tpu.memory_space<vmem>> -> memref<1x64xi32, #tpu.memory_space<vmem>>
          %dma_start3A_135 = tpu.memref_squeeze %dma_start3A_134 : memref<1x64xi32, #tpu.memory_space<vmem>> -> memref<64xi32, #tpu.memory_space<vmem>>
          %dma_start3A_136 = arith.constant 0 : i32
          %dma_start3A_137 = arith.constant 0 : i32
          %dma_start3A_138 = tpu.memref_slice %arg14[%dma_start3A_136, %dma_start3A_137] : memref<10112x128xf32, #tpu.memory_space<vmem_shared>> -> memref<10112x128xf32, #tpu.memory_space<vmem_shared>>
          tpu.enqueue_indirect_dma source(%arg12 : memref<64x128xf32, #tpu.memory_space<vmem>>) target(%dma_start3A_138 : memref<10112x128xf32, #tpu.memory_space<vmem_shared>>) offsets(%dma_start3A_135 : memref<64xi32, #tpu.memory_space<vmem>>) semaphore(%run_scoped3A : memref<!tpu.dma_semaphore, #tpu.memory_space<semaphore_mem>>) {add = true}
          %dma_wait3A_139 = arith.constant 0 : i32
          %dma_wait3A_140 = tpu.memref_slice %arg8[%add3A_102, %dma_wait3A_139] : memref<20x64xi32, #tpu.memory_space<vmem>> -> memref<1x64xi32, #tpu.memory_space<vmem>>
          %dma_wait3A_141 = tpu.memref_squeeze %dma_wait3A_140 : memref<1x64xi32, #tpu.memory_space<vmem>> -> memref<64xi32, #tpu.memory_space<vmem>>
          %dma_wait3A_142 = arith.constant 0 : i32
          %dma_wait3A_143 = arith.constant 0 : i32
          %dma_wait3A_144 = tpu.memref_slice %arg14[%dma_wait3A_142, %dma_wait3A_143] : memref<10112x128xf32, #tpu.memory_space<vmem_shared>> -> memref<10112x128xf32, #tpu.memory_space<vmem_shared>>
          tpu.wait_indirect_dma semaphore(%run_scoped3A : memref<!tpu.dma_semaphore, #tpu.memory_space<semaphore_mem>>) src(%arg12 : memref<64x128xf32, #tpu.memory_space<vmem>>) dst(%dma_wait3A_144 : memref<10112x128xf32, #tpu.memory_space<vmem_shared>>)
          tpu.yield
        }) : () -> ()
        %add3A_109 = arith.constant 5 : i32
        %add3A_110 = arith.addi %add3A_102, %add3A_109 : i32
        %lt3A_111 = arith.constant 20 : i32
        %lt3A_112 = arith.cmpi slt, %add3A_110, %lt3A_111 : i32
        %convert_element_type3A_113 = arith.extui %lt3A_112 : i1 to i32
        %cond3A_114 = arith.constant 0 : i32
        %cond3A_115 = arith.cmpi ne, %convert_element_type3A_113, %cond3A_114 : i32
        scf.if %cond3A_115 {
          %add3A_133 = arith.constant 5 : i32
          %add3A_134 = arith.addi %add3A_102, %add3A_133 : i32
          %dma_start3A_135 = arith.constant 0 : i32
          %dma_start3A_136 = tpu.memref_slice %arg7[%add3A_134, %dma_start3A_135] : memref<20x64xi32, #tpu.memory_space<vmem>> -> memref<1x64xi32, #tpu.memory_space<vmem>>
          %dma_start3A_137 = tpu.memref_squeeze %dma_start3A_136 : memref<1x64xi32, #tpu.memory_space<vmem>> -> memref<64xi32, #tpu.memory_space<vmem>>
          %dma_start3A_138 = arith.constant 0 : i32
          %dma_start3A_139 = arith.constant 0 : i32
          %dma_start3A_140 = tpu.memref_slice %arg2[%dma_start3A_138, %dma_start3A_139] : memref<60000x128xf32, #tpu.memory_space<hbm>> -> memref<60000x128xf32, #tpu.memory_space<hbm>>
          tpu.enqueue_indirect_dma source(%dma_start3A_140 : memref<60000x128xf32, #tpu.memory_space<hbm>>) target(%arg12 : memref<64x128xf32, #tpu.memory_space<vmem>>) offsets(%dma_start3A_137 : memref<64xi32, #tpu.memory_space<vmem>>) semaphore(%arg18 : memref<!tpu.dma_semaphore, #tpu.memory_space<semaphore_mem>>)
        } else {
        }
        %mul3A_116 = arith.constant 5 : i32
        %mul3A_117 = arith.muli %scan3A_52, %mul3A_116 : i32
        %add3A_118 = arith.constant 4 : i32
        %add3A_119 = arith.addi %mul3A_117, %add3A_118 : i32
        %dma_wait3A_120 = arith.constant 0 : i32
        %dma_wait3A_121 = tpu.memref_slice %arg7[%add3A_119, %dma_wait3A_120] : memref<20x64xi32, #tpu.memory_space<vmem>> -> memref<1x64xi32, #tpu.memory_space<vmem>>
        %dma_wait3A_122 = tpu.memref_squeeze %dma_wait3A_121 : memref<1x64xi32, #tpu.memory_space<vmem>> -> memref<64xi32, #tpu.memory_space<vmem>>
        %dma_wait3A_123 = arith.constant 0 : i32
        %dma_wait3A_124 = arith.constant 0 : i32
        %dma_wait3A_125 = tpu.memref_slice %arg2[%dma_wait3A_123, %dma_wait3A_124] : memref<60000x128xf32, #tpu.memory_space<hbm>> -> memref<60000x128xf32, #tpu.memory_space<hbm>>
        tpu.wait_indirect_dma semaphore(%arg19 : memref<!tpu.dma_semaphore, #tpu.memory_space<semaphore_mem>>) src(%dma_wait3A_125 : memref<60000x128xf32, #tpu.memory_space<hbm>>) dst(%arg13 : memref<64x128xf32, #tpu.memory_space<vmem>>)
        "tpu.region"() ({
          %run_scoped3A = tpu.sem_alloc : memref<!tpu.dma_semaphore, #tpu.memory_space<semaphore_mem>>
          %dma_start3A_133 = arith.constant 0 : i32
          %dma_start3A_134 = tpu.memref_slice %arg8[%add3A_119, %dma_start3A_133] : memref<20x64xi32, #tpu.memory_space<vmem>> -> memref<1x64xi32, #tpu.memory_space<vmem>>
          %dma_start3A_135 = tpu.memref_squeeze %dma_start3A_134 : memref<1x64xi32, #tpu.memory_space<vmem>> -> memref<64xi32, #tpu.memory_space<vmem>>
          %dma_start3A_136 = arith.constant 0 : i32
          %dma_start3A_137 = arith.constant 0 : i32
          %dma_start3A_138 = tpu.memref_slice %arg14[%dma_start3A_136, %dma_start3A_137] : memref<10112x128xf32, #tpu.memory_space<vmem_shared>> -> memref<10112x128xf32, #tpu.memory_space<vmem_shared>>
          tpu.enqueue_indirect_dma source(%arg13 : memref<64x128xf32, #tpu.memory_space<vmem>>) target(%dma_start3A_138 : memref<10112x128xf32, #tpu.memory_space<vmem_shared>>) offsets(%dma_start3A_135 : memref<64xi32, #tpu.memory_space<vmem>>) semaphore(%run_scoped3A : memref<!tpu.dma_semaphore, #tpu.memory_space<semaphore_mem>>) {add = true}
          %dma_wait3A_139 = arith.constant 0 : i32
          %dma_wait3A_140 = tpu.memref_slice %arg8[%add3A_119, %dma_wait3A_139] : memref<20x64xi32, #tpu.memory_space<vmem>> -> memref<1x64xi32, #tpu.memory_space<vmem>>
          %dma_wait3A_141 = tpu.memref_squeeze %dma_wait3A_140 : memref<1x64xi32, #tpu.memory_space<vmem>> -> memref<64xi32, #tpu.memory_space<vmem>>
          %dma_wait3A_142 = arith.constant 0 : i32
          %dma_wait3A_143 = arith.constant 0 : i32
          %dma_wait3A_144 = tpu.memref_slice %arg14[%dma_wait3A_142, %dma_wait3A_143] : memref<10112x128xf32, #tpu.memory_space<vmem_shared>> -> memref<10112x128xf32, #tpu.memory_space<vmem_shared>>
          tpu.wait_indirect_dma semaphore(%run_scoped3A : memref<!tpu.dma_semaphore, #tpu.memory_space<semaphore_mem>>) src(%arg13 : memref<64x128xf32, #tpu.memory_space<vmem>>) dst(%dma_wait3A_144 : memref<10112x128xf32, #tpu.memory_space<vmem_shared>>)
          tpu.yield
        }) : () -> ()
        %add3A_126 = arith.constant 5 : i32
        %add3A_127 = arith.addi %add3A_119, %add3A_126 : i32
        %lt3A_128 = arith.constant 20 : i32
        %lt3A_129 = arith.cmpi slt, %add3A_127, %lt3A_128 : i32
        %convert_element_type3A_130 = arith.extui %lt3A_129 : i1 to i32
        %cond3A_131 = arith.constant 0 : i32
        %cond3A_132 = arith.cmpi ne, %convert_element_type3A_130, %cond3A_131 : i32
        scf.if %cond3A_132 {
          %add3A_133 = arith.constant 5 : i32
          %add3A_134 = arith.addi %add3A_119, %add3A_133 : i32
          %dma_start3A_135 = arith.constant 0 : i32
          %dma_start3A_136 = tpu.memref_slice %arg7[%add3A_134, %dma_start3A_135] : memref<20x64xi32, #tpu.memory_space<vmem>> -> memref<1x64xi32, #tpu.memory_space<vmem>>
          %dma_start3A_137 = tpu.memref_squeeze %dma_start3A_136 : memref<1x64xi32, #tpu.memory_space<vmem>> -> memref<64xi32, #tpu.memory_space<vmem>>
          %dma_start3A_138 = arith.constant 0 : i32
          %dma_start3A_139 = arith.constant 0 : i32
          %dma_start3A_140 = tpu.memref_slice %arg2[%dma_start3A_138, %dma_start3A_139] : memref<60000x128xf32, #tpu.memory_space<hbm>> -> memref<60000x128xf32, #tpu.memory_space<hbm>>
          tpu.enqueue_indirect_dma source(%dma_start3A_140 : memref<60000x128xf32, #tpu.memory_space<hbm>>) target(%arg13 : memref<64x128xf32, #tpu.memory_space<vmem>>) offsets(%dma_start3A_137 : memref<64xi32, #tpu.memory_space<vmem>>) semaphore(%arg19 : memref<!tpu.dma_semaphore, #tpu.memory_space<semaphore_mem>>)
        } else {
        }
      }
      %scan3A_51 = arith.constant 4 : i32
    }
    %scan3A_5 = arith.constant 8 : i32
    %barrier3A_6 = arith.constant 0 : index
    tpu.barrier barrier_id(%barrier3A_6)
    %mul3A_7 = arith.constant 632 : i32
    %mul3A_8 = arith.muli %arg1, %mul3A_7 : i32
    %mul3A_9 = arith.constant 632 : i32
    %mul3A_10 = arith.muli %arg1, %mul3A_9 : i32
    "tpu.region"() ({
      %run_scoped3A = tpu.sem_alloc : memref<!tpu.dma_semaphore, #tpu.memory_space<semaphore_mem>>
      %dma_start3A = arith.constant 0 : i32
      %dma_start3A_11 = tpu.memref_slice %arg6[%arg0, %mul3A_10, %dma_start3A] : memref<2x10112x128xf32, #tpu.memory_space<hbm>> -> memref<1x632x128xf32, #tpu.memory_space<hbm>>
      %dma_start3A_12 = tpu.memref_squeeze %dma_start3A_11 : memref<1x632x128xf32, #tpu.memory_space<hbm>> -> memref<632x128xf32, #tpu.memory_space<hbm>>
      %dma_start3A_13 = arith.constant 0 : i32
      %dma_start3A_14 = tpu.memref_slice %arg14[%mul3A_8, %dma_start3A_13] : memref<10112x128xf32, #tpu.memory_space<vmem_shared>> -> memref<632x128xf32, #tpu.memory_space<vmem_shared>>
      tpu.enqueue_dma source(%dma_start3A_14 : memref<632x128xf32, #tpu.memory_space<vmem_shared>>) target(%dma_start3A_12 : memref<632x128xf32, #tpu.memory_space<hbm>>) target_semaphore(%run_scoped3A : memref<!tpu.dma_semaphore, #tpu.memory_space<semaphore_mem>>)
      %dma_wait3A = arith.constant 0 : i32
      %dma_wait3A_15 = tpu.memref_slice %arg6[%arg0, %mul3A_10, %dma_wait3A] : memref<2x10112x128xf32, #tpu.memory_space<hbm>> -> memref<1x632x128xf32, #tpu.memory_space<hbm>>
      %dma_wait3A_16 = tpu.memref_squeeze %dma_wait3A_15 : memref<1x632x128xf32, #tpu.memory_space<hbm>> -> memref<632x128xf32, #tpu.memory_space<hbm>>
      %dma_wait3A_17 = arith.constant 0 : i32
      %dma_wait3A_18 = tpu.memref_slice %arg14[%mul3A_8, %dma_wait3A_17] : memref<10112x128xf32, #tpu.memory_space<vmem_shared>> -> memref<632x128xf32, #tpu.memory_space<vmem_shared>>
      tpu.wait_dma2 semaphore(%run_scoped3A : memref<!tpu.dma_semaphore, #tpu.memory_space<semaphore_mem>>) src(%dma_wait3A_18 : memref<632x128xf32, #tpu.memory_space<vmem_shared>>) dst(%dma_wait3A_16 : memref<632x128xf32, #tpu.memory_space<hbm>>)
      tpu.yield
    }) : () -> ()
    return
  }
}

#map = affine_map<(d0, d1) -> (0, 0)>
#map1 = affine_map<(d0, d1) -> (0, 0, 0, 0, 0)>
#map2 = affine_map<(d0, d1) -> (0, 0, 0, 0)>
#map3 = affine_map<(d0, d1) -> (0, 0, 0)>
module attributes {stable_mosaic.version = 14 : i64} {
  func.func @_sc_agg_body(%arg0: i32, %arg1: i32, %arg2: memref<60000x128xf32, #tpu.memory_space<hbm>>, %arg3: memref<2x16x8x20x64xi32, #tpu.memory_space<hbm>>, %arg4: memref<16x8x20x64xi32, #tpu.memory_space<hbm>>, %arg5: memref<632x128xf32, #tpu.memory_space<hbm>>, %arg6: memref<2x10112x128xf32, #tpu.memory_space<hbm>>, %arg7: memref<20x64xi32, #tpu.memory_space<vmem>>, %arg8: memref<20x64xi32, #tpu.memory_space<vmem>>, %arg9: memref<64x128xf32, #tpu.memory_space<vmem>>, %arg10: memref<64x128xf32, #tpu.memory_space<vmem>>, %arg11: memref<64x128xf32, #tpu.memory_space<vmem>>, %arg12: memref<64x128xf32, #tpu.memory_space<vmem>>, %arg13: memref<64x128xf32, #tpu.memory_space<vmem>>, %arg14: memref<10112x128xf32, #tpu.memory_space<vmem_shared>>, %arg15: memref<!tpu.dma_semaphore, #tpu.memory_space<semaphore_mem>>, %arg16: memref<!tpu.dma_semaphore, #tpu.memory_space<semaphore_mem>>, %arg17: memref<!tpu.dma_semaphore, #tpu.memory_space<semaphore_mem>>, %arg18: memref<!tpu.dma_semaphore, #tpu.memory_space<semaphore_mem>>, %arg19: memref<!tpu.dma_semaphore, #tpu.memory_space<semaphore_mem>>) attributes {dimension_semantics = [#tpu.dimension_semantics<core_parallel>, #tpu.dimension_semantics<subcore_parallel>], iteration_bounds = array<i64: 2, 16>, scalar_prefetch = 0 : i64, scratch_operands = 13 : i64, tpu.core_type = #tpu.core_type<sc_vector_subcore>, window_params = [{transform_indices = #map}, {transform_indices = #map1}, {transform_indices = #map2}, {transform_indices = #map}, {transform_indices = #map3}]} {
    %mul3A = arith.constant 632 : i32
    %mul3A_0 = arith.muli %arg1, %mul3A : i32
    "tpu.region"() ({
      %run_scoped3A = tpu.sem_alloc : memref<!tpu.dma_semaphore, #tpu.memory_space<semaphore_mem>>
      %dma_start3A = arith.constant 0 : i32
      %dma_start3A_11 = tpu.memref_slice %arg14[%mul3A_0, %dma_start3A] : memref<10112x128xf32, #tpu.memory_space<vmem_shared>> -> memref<632x128xf32, #tpu.memory_space<vmem_shared>>
      tpu.enqueue_dma source(%arg5 : memref<632x128xf32, #tpu.memory_space<hbm>>) target(%dma_start3A_11 : memref<632x128xf32, #tpu.memory_space<vmem_shared>>) target_semaphore(%run_scoped3A : memref<!tpu.dma_semaphore, #tpu.memory_space<semaphore_mem>>)
      %dma_wait3A = arith.constant 0 : i32
      %dma_wait3A_12 = tpu.memref_slice %arg14[%mul3A_0, %dma_wait3A] : memref<10112x128xf32, #tpu.memory_space<vmem_shared>> -> memref<632x128xf32, #tpu.memory_space<vmem_shared>>
      tpu.wait_dma2 semaphore(%run_scoped3A : memref<!tpu.dma_semaphore, #tpu.memory_space<semaphore_mem>>) src(%arg5 : memref<632x128xf32, #tpu.memory_space<hbm>>) dst(%dma_wait3A_12 : memref<632x128xf32, #tpu.memory_space<vmem_shared>>)
      tpu.yield
    }) : () -> ()
    %barrier3A = arith.constant 0 : index
    tpu.barrier barrier_id(%barrier3A)
    %scan3A = arith.constant 0 : i32
    %scan3A_1 = arith.constant 0 : i32
    %scan3A_2 = arith.constant 8 : i32
    %scan3A_3 = arith.addi %scan3A_1, %scan3A_2 : i32
    %scan3A_4 = arith.constant 1 : i32
    scf.for %scan3A_11 = %scan3A_1 to %scan3A_3 step %scan3A_4  : i32 {
      "tpu.region"() ({
        %run_scoped3A = tpu.sem_alloc : memref<!tpu.dma_semaphore, #tpu.memory_space<semaphore_mem>>
        %dma_start3A_52 = arith.constant 0 : i32
        %dma_start3A_53 = arith.constant 0 : i32
        %dma_start3A_54 = tpu.memref_slice %arg3[%arg0, %arg1, %scan3A_11, %dma_start3A_52, %dma_start3A_53] : memref<2x16x8x20x64xi32, #tpu.memory_space<hbm>> -> memref<1x1x1x20x64xi32, #tpu.memory_space<hbm>>
        %dma_start3A_55 = tpu.memref_squeeze %dma_start3A_54 : memref<1x1x1x20x64xi32, #tpu.memory_space<hbm>> -> memref<20x64xi32, #tpu.memory_space<hbm>>
        %dma_start3A_56 = arith.constant 0 : i32
        %dma_start3A_57 = arith.constant 0 : i32
        %dma_start3A_58 = tpu.memref_slice %arg3[%arg0, %arg1, %scan3A_11, %dma_start3A_56, %dma_start3A_57] : memref<2x16x8x20x64xi32, #tpu.memory_space<hbm>> -> memref<1x1x1x20x64xi32, #tpu.memory_space<hbm>>
        %dma_start3A_59 = tpu.memref_squeeze %dma_start3A_58 : memref<1x1x1x20x64xi32, #tpu.memory_space<hbm>> -> memref<20x64xi32, #tpu.memory_space<hbm>>
        tpu.enqueue_dma source(%dma_start3A_59 : memref<20x64xi32, #tpu.memory_space<hbm>>) target(%arg7 : memref<20x64xi32, #tpu.memory_space<vmem>>) target_semaphore(%run_scoped3A : memref<!tpu.dma_semaphore, #tpu.memory_space<semaphore_mem>>)
        %dma_wait3A = arith.constant 0 : i32
        %dma_wait3A_60 = arith.constant 0 : i32
        %dma_wait3A_61 = tpu.memref_slice %arg3[%arg0, %arg1, %scan3A_11, %dma_wait3A, %dma_wait3A_60] : memref<2x16x8x20x64xi32, #tpu.memory_space<hbm>> -> memref<1x1x1x20x64xi32, #tpu.memory_space<hbm>>
        %dma_wait3A_62 = tpu.memref_squeeze %dma_wait3A_61 : memref<1x1x1x20x64xi32, #tpu.memory_space<hbm>> -> memref<20x64xi32, #tpu.memory_space<hbm>>
        %dma_wait3A_63 = arith.constant 0 : i32
        %dma_wait3A_64 = arith.constant 0 : i32
        %dma_wait3A_65 = tpu.memref_slice %arg3[%arg0, %arg1, %scan3A_11, %dma_wait3A_63, %dma_wait3A_64] : memref<2x16x8x20x64xi32, #tpu.memory_space<hbm>> -> memref<1x1x1x20x64xi32, #tpu.memory_space<hbm>>
        %dma_wait3A_66 = tpu.memref_squeeze %dma_wait3A_65 : memref<1x1x1x20x64xi32, #tpu.memory_space<hbm>> -> memref<20x64xi32, #tpu.memory_space<hbm>>
        tpu.wait_dma2 semaphore(%run_scoped3A : memref<!tpu.dma_semaphore, #tpu.memory_space<semaphore_mem>>) src(%dma_wait3A_66 : memref<20x64xi32, #tpu.memory_space<hbm>>) dst(%arg7 : memref<20x64xi32, #tpu.memory_space<vmem>>)
        tpu.yield
      }) : () -> ()
      "tpu.region"() ({
        %run_scoped3A = tpu.sem_alloc : memref<!tpu.dma_semaphore, #tpu.memory_space<semaphore_mem>>
        %dma_start3A_52 = arith.constant 0 : i32
        %dma_start3A_53 = arith.constant 0 : i32
        %dma_start3A_54 = tpu.memref_slice %arg4[%arg1, %scan3A_11, %dma_start3A_52, %dma_start3A_53] : memref<16x8x20x64xi32, #tpu.memory_space<hbm>> -> memref<1x1x20x64xi32, #tpu.memory_space<hbm>>
        %dma_start3A_55 = tpu.memref_squeeze %dma_start3A_54 : memref<1x1x20x64xi32, #tpu.memory_space<hbm>> -> memref<20x64xi32, #tpu.memory_space<hbm>>
        %dma_start3A_56 = arith.constant 0 : i32
        %dma_start3A_57 = arith.constant 0 : i32
        %dma_start3A_58 = tpu.memref_slice %arg4[%arg1, %scan3A_11, %dma_start3A_56, %dma_start3A_57] : memref<16x8x20x64xi32, #tpu.memory_space<hbm>> -> memref<1x1x20x64xi32, #tpu.memory_space<hbm>>
        %dma_start3A_59 = tpu.memref_squeeze %dma_start3A_58 : memref<1x1x20x64xi32, #tpu.memory_space<hbm>> -> memref<20x64xi32, #tpu.memory_space<hbm>>
        tpu.enqueue_dma source(%dma_start3A_59 : memref<20x64xi32, #tpu.memory_space<hbm>>) target(%arg8 : memref<20x64xi32, #tpu.memory_space<vmem>>) target_semaphore(%run_scoped3A : memref<!tpu.dma_semaphore, #tpu.memory_space<semaphore_mem>>)
        %dma_wait3A = arith.constant 0 : i32
        %dma_wait3A_60 = arith.constant 0 : i32
        %dma_wait3A_61 = tpu.memref_slice %arg4[%arg1, %scan3A_11, %dma_wait3A, %dma_wait3A_60] : memref<16x8x20x64xi32, #tpu.memory_space<hbm>> -> memref<1x1x20x64xi32, #tpu.memory_space<hbm>>
        %dma_wait3A_62 = tpu.memref_squeeze %dma_wait3A_61 : memref<1x1x20x64xi32, #tpu.memory_space<hbm>> -> memref<20x64xi32, #tpu.memory_space<hbm>>
        %dma_wait3A_63 = arith.constant 0 : i32
        %dma_wait3A_64 = arith.constant 0 : i32
        %dma_wait3A_65 = tpu.memref_slice %arg4[%arg1, %scan3A_11, %dma_wait3A_63, %dma_wait3A_64] : memref<16x8x20x64xi32, #tpu.memory_space<hbm>> -> memref<1x1x20x64xi32, #tpu.memory_space<hbm>>
        %dma_wait3A_66 = tpu.memref_squeeze %dma_wait3A_65 : memref<1x1x20x64xi32, #tpu.memory_space<hbm>> -> memref<20x64xi32, #tpu.memory_space<hbm>>
        tpu.wait_dma2 semaphore(%run_scoped3A : memref<!tpu.dma_semaphore, #tpu.memory_space<semaphore_mem>>) src(%dma_wait3A_66 : memref<20x64xi32, #tpu.memory_space<hbm>>) dst(%arg8 : memref<20x64xi32, #tpu.memory_space<vmem>>)
        tpu.yield
      }) : () -> ()
      %dma_start3A = arith.constant 0 : i32
      %dma_start3A_12 = arith.constant 0 : i32
      %dma_start3A_13 = tpu.memref_slice %arg7[%dma_start3A, %dma_start3A_12] : memref<20x64xi32, #tpu.memory_space<vmem>> -> memref<1x64xi32, #tpu.memory_space<vmem>>
      %dma_start3A_14 = tpu.memref_squeeze %dma_start3A_13 : memref<1x64xi32, #tpu.memory_space<vmem>> -> memref<64xi32, #tpu.memory_space<vmem>>
      %dma_start3A_15 = arith.constant 0 : i32
      %dma_start3A_16 = arith.constant 0 : i32
      %dma_start3A_17 = tpu.memref_slice %arg2[%dma_start3A_15, %dma_start3A_16] : memref<60000x128xf32, #tpu.memory_space<hbm>> -> memref<60000x128xf32, #tpu.memory_space<hbm>>
      tpu.enqueue_indirect_dma source(%dma_start3A_17 : memref<60000x128xf32, #tpu.memory_space<hbm>>) target(%arg9 : memref<64x128xf32, #tpu.memory_space<vmem>>) offsets(%dma_start3A_14 : memref<64xi32, #tpu.memory_space<vmem>>) semaphore(%arg15 : memref<!tpu.dma_semaphore, #tpu.memory_space<semaphore_mem>>)
      %dma_start3A_18 = arith.constant 1 : i32
      %dma_start3A_19 = arith.constant 0 : i32
      %dma_start3A_20 = tpu.memref_slice %arg7[%dma_start3A_18, %dma_start3A_19] : memref<20x64xi32, #tpu.memory_space<vmem>> -> memref<1x64xi32, #tpu.memory_space<vmem>>
      %dma_start3A_21 = tpu.memref_squeeze %dma_start3A_20 : memref<1x64xi32, #tpu.memory_space<vmem>> -> memref<64xi32, #tpu.memory_space<vmem>>
      %dma_start3A_22 = arith.constant 0 : i32
      %dma_start3A_23 = arith.constant 0 : i32
      %dma_start3A_24 = tpu.memref_slice %arg2[%dma_start3A_22, %dma_start3A_23] : memref<60000x128xf32, #tpu.memory_space<hbm>> -> memref<60000x128xf32, #tpu.memory_space<hbm>>
      tpu.enqueue_indirect_dma source(%dma_start3A_24 : memref<60000x128xf32, #tpu.memory_space<hbm>>) target(%arg10 : memref<64x128xf32, #tpu.memory_space<vmem>>) offsets(%dma_start3A_21 : memref<64xi32, #tpu.memory_space<vmem>>) semaphore(%arg16 : memref<!tpu.dma_semaphore, #tpu.memory_space<semaphore_mem>>)
      %dma_start3A_25 = arith.constant 2 : i32
      %dma_start3A_26 = arith.constant 0 : i32
      %dma_start3A_27 = tpu.memref_slice %arg7[%dma_start3A_25, %dma_start3A_26] : memref<20x64xi32, #tpu.memory_space<vmem>> -> memref<1x64xi32, #tpu.memory_space<vmem>>
      %dma_start3A_28 = tpu.memref_squeeze %dma_start3A_27 : memref<1x64xi32, #tpu.memory_space<vmem>> -> memref<64xi32, #tpu.memory_space<vmem>>
      %dma_start3A_29 = arith.constant 0 : i32
      %dma_start3A_30 = arith.constant 0 : i32
      %dma_start3A_31 = tpu.memref_slice %arg2[%dma_start3A_29, %dma_start3A_30] : memref<60000x128xf32, #tpu.memory_space<hbm>> -> memref<60000x128xf32, #tpu.memory_space<hbm>>
      tpu.enqueue_indirect_dma source(%dma_start3A_31 : memref<60000x128xf32, #tpu.memory_space<hbm>>) target(%arg11 : memref<64x128xf32, #tpu.memory_space<vmem>>) offsets(%dma_start3A_28 : memref<64xi32, #tpu.memory_space<vmem>>) semaphore(%arg17 : memref<!tpu.dma_semaphore, #tpu.memory_space<semaphore_mem>>)
      %dma_start3A_32 = arith.constant 3 : i32
      %dma_start3A_33 = arith.constant 0 : i32
      %dma_start3A_34 = tpu.memref_slice %arg7[%dma_start3A_32, %dma_start3A_33] : memref<20x64xi32, #tpu.memory_space<vmem>> -> memref<1x64xi32, #tpu.memory_space<vmem>>
      %dma_start3A_35 = tpu.memref_squeeze %dma_start3A_34 : memref<1x64xi32, #tpu.memory_space<vmem>> -> memref<64xi32, #tpu.memory_space<vmem>>
      %dma_start3A_36 = arith.constant 0 : i32
      %dma_start3A_37 = arith.constant 0 : i32
      %dma_start3A_38 = tpu.memref_slice %arg2[%dma_start3A_36, %dma_start3A_37] : memref<60000x128xf32, #tpu.memory_space<hbm>> -> memref<60000x128xf32, #tpu.memory_space<hbm>>
      tpu.enqueue_indirect_dma source(%dma_start3A_38 : memref<60000x128xf32, #tpu.memory_space<hbm>>) target(%arg12 : memref<64x128xf32, #tpu.memory_space<vmem>>) offsets(%dma_start3A_35 : memref<64xi32, #tpu.memory_space<vmem>>) semaphore(%arg18 : memref<!tpu.dma_semaphore, #tpu.memory_space<semaphore_mem>>)
      %dma_start3A_39 = arith.constant 4 : i32
      %dma_start3A_40 = arith.constant 0 : i32
      %dma_start3A_41 = tpu.memref_slice %arg7[%dma_start3A_39, %dma_start3A_40] : memref<20x64xi32, #tpu.memory_space<vmem>> -> memref<1x64xi32, #tpu.memory_space<vmem>>
      %dma_start3A_42 = tpu.memref_squeeze %dma_start3A_41 : memref<1x64xi32, #tpu.memory_space<vmem>> -> memref<64xi32, #tpu.memory_space<vmem>>
      %dma_start3A_43 = arith.constant 0 : i32
      %dma_start3A_44 = arith.constant 0 : i32
      %dma_start3A_45 = tpu.memref_slice %arg2[%dma_start3A_43, %dma_start3A_44] : memref<60000x128xf32, #tpu.memory_space<hbm>> -> memref<60000x128xf32, #tpu.memory_space<hbm>>
      tpu.enqueue_indirect_dma source(%dma_start3A_45 : memref<60000x128xf32, #tpu.memory_space<hbm>>) target(%arg13 : memref<64x128xf32, #tpu.memory_space<vmem>>) offsets(%dma_start3A_42 : memref<64xi32, #tpu.memory_space<vmem>>) semaphore(%arg19 : memref<!tpu.dma_semaphore, #tpu.memory_space<semaphore_mem>>)
      %scan3A_46 = arith.constant 0 : i32
      %scan3A_47 = arith.constant 0 : i32
      %scan3A_48 = arith.constant 4 : i32
      %scan3A_49 = arith.addi %scan3A_47, %scan3A_48 : i32
      %scan3A_50 = arith.constant 1 : i32
      scf.for %scan3A_52 = %scan3A_47 to %scan3A_49 step %scan3A_50  : i32 {
        %mul3A_53 = arith.constant 5 : i32
        %mul3A_54 = arith.muli %scan3A_52, %mul3A_53 : i32
        %add3A = arith.constant 0 : i32
        %add3A_55 = arith.addi %mul3A_54, %add3A : i32
        %dma_wait3A = arith.constant 0 : i32
        %dma_wait3A_56 = tpu.memref_slice %arg7[%add3A_55, %dma_wait3A] : memref<20x64xi32, #tpu.memory_space<vmem>> -> memref<1x64xi32, #tpu.memory_space<vmem>>
        %dma_wait3A_57 = tpu.memref_squeeze %dma_wait3A_56 : memref<1x64xi32, #tpu.memory_space<vmem>> -> memref<64xi32, #tpu.memory_space<vmem>>
        %dma_wait3A_58 = arith.constant 0 : i32
        %dma_wait3A_59 = arith.constant 0 : i32
        %dma_wait3A_60 = tpu.memref_slice %arg2[%dma_wait3A_58, %dma_wait3A_59] : memref<60000x128xf32, #tpu.memory_space<hbm>> -> memref<60000x128xf32, #tpu.memory_space<hbm>>
        tpu.wait_indirect_dma semaphore(%arg15 : memref<!tpu.dma_semaphore, #tpu.memory_space<semaphore_mem>>) src(%dma_wait3A_60 : memref<60000x128xf32, #tpu.memory_space<hbm>>) dst(%arg9 : memref<64x128xf32, #tpu.memory_space<vmem>>)
        "tpu.region"() ({
          %run_scoped3A = tpu.sem_alloc : memref<!tpu.dma_semaphore, #tpu.memory_space<semaphore_mem>>
          %dma_start3A_133 = arith.constant 0 : i32
          %dma_start3A_134 = tpu.memref_slice %arg8[%add3A_55, %dma_start3A_133] : memref<20x64xi32, #tpu.memory_space<vmem>> -> memref<1x64xi32, #tpu.memory_space<vmem>>
          %dma_start3A_135 = tpu.memref_squeeze %dma_start3A_134 : memref<1x64xi32, #tpu.memory_space<vmem>> -> memref<64xi32, #tpu.memory_space<vmem>>
          %dma_start3A_136 = arith.constant 0 : i32
          %dma_start3A_137 = arith.constant 0 : i32
          %dma_start3A_138 = tpu.memref_slice %arg14[%dma_start3A_136, %dma_start3A_137] : memref<10112x128xf32, #tpu.memory_space<vmem_shared>> -> memref<10112x128xf32, #tpu.memory_space<vmem_shared>>
          tpu.enqueue_indirect_dma source(%arg9 : memref<64x128xf32, #tpu.memory_space<vmem>>) target(%dma_start3A_138 : memref<10112x128xf32, #tpu.memory_space<vmem_shared>>) offsets(%dma_start3A_135 : memref<64xi32, #tpu.memory_space<vmem>>) semaphore(%run_scoped3A : memref<!tpu.dma_semaphore, #tpu.memory_space<semaphore_mem>>) {add = true}
          %dma_wait3A_139 = arith.constant 0 : i32
          %dma_wait3A_140 = tpu.memref_slice %arg8[%add3A_55, %dma_wait3A_139] : memref<20x64xi32, #tpu.memory_space<vmem>> -> memref<1x64xi32, #tpu.memory_space<vmem>>
          %dma_wait3A_141 = tpu.memref_squeeze %dma_wait3A_140 : memref<1x64xi32, #tpu.memory_space<vmem>> -> memref<64xi32, #tpu.memory_space<vmem>>
          %dma_wait3A_142 = arith.constant 0 : i32
          %dma_wait3A_143 = arith.constant 0 : i32
          %dma_wait3A_144 = tpu.memref_slice %arg14[%dma_wait3A_142, %dma_wait3A_143] : memref<10112x128xf32, #tpu.memory_space<vmem_shared>> -> memref<10112x128xf32, #tpu.memory_space<vmem_shared>>
          tpu.wait_indirect_dma semaphore(%run_scoped3A : memref<!tpu.dma_semaphore, #tpu.memory_space<semaphore_mem>>) src(%arg9 : memref<64x128xf32, #tpu.memory_space<vmem>>) dst(%dma_wait3A_144 : memref<10112x128xf32, #tpu.memory_space<vmem_shared>>)
          tpu.yield
        }) : () -> ()
        %add3A_61 = arith.constant 5 : i32
        %add3A_62 = arith.addi %add3A_55, %add3A_61 : i32
        %lt3A = arith.constant 20 : i32
        %lt3A_63 = arith.cmpi slt, %add3A_62, %lt3A : i32
        %convert_element_type3A = arith.extui %lt3A_63 : i1 to i32
        %cond3A = arith.constant 0 : i32
        %cond3A_64 = arith.cmpi ne, %convert_element_type3A, %cond3A : i32
        scf.if %cond3A_64 {
          %add3A_133 = arith.constant 5 : i32
          %add3A_134 = arith.addi %add3A_55, %add3A_133 : i32
          %dma_start3A_135 = arith.constant 0 : i32
          %dma_start3A_136 = tpu.memref_slice %arg7[%add3A_134, %dma_start3A_135] : memref<20x64xi32, #tpu.memory_space<vmem>> -> memref<1x64xi32, #tpu.memory_space<vmem>>
          %dma_start3A_137 = tpu.memref_squeeze %dma_start3A_136 : memref<1x64xi32, #tpu.memory_space<vmem>> -> memref<64xi32, #tpu.memory_space<vmem>>
          %dma_start3A_138 = arith.constant 0 : i32
          %dma_start3A_139 = arith.constant 0 : i32
          %dma_start3A_140 = tpu.memref_slice %arg2[%dma_start3A_138, %dma_start3A_139] : memref<60000x128xf32, #tpu.memory_space<hbm>> -> memref<60000x128xf32, #tpu.memory_space<hbm>>
          tpu.enqueue_indirect_dma source(%dma_start3A_140 : memref<60000x128xf32, #tpu.memory_space<hbm>>) target(%arg9 : memref<64x128xf32, #tpu.memory_space<vmem>>) offsets(%dma_start3A_137 : memref<64xi32, #tpu.memory_space<vmem>>) semaphore(%arg15 : memref<!tpu.dma_semaphore, #tpu.memory_space<semaphore_mem>>)
        } else {
        }
        %mul3A_65 = arith.constant 5 : i32
        %mul3A_66 = arith.muli %scan3A_52, %mul3A_65 : i32
        %add3A_67 = arith.constant 1 : i32
        %add3A_68 = arith.addi %mul3A_66, %add3A_67 : i32
        %dma_wait3A_69 = arith.constant 0 : i32
        %dma_wait3A_70 = tpu.memref_slice %arg7[%add3A_68, %dma_wait3A_69] : memref<20x64xi32, #tpu.memory_space<vmem>> -> memref<1x64xi32, #tpu.memory_space<vmem>>
        %dma_wait3A_71 = tpu.memref_squeeze %dma_wait3A_70 : memref<1x64xi32, #tpu.memory_space<vmem>> -> memref<64xi32, #tpu.memory_space<vmem>>
        %dma_wait3A_72 = arith.constant 0 : i32
        %dma_wait3A_73 = arith.constant 0 : i32
        %dma_wait3A_74 = tpu.memref_slice %arg2[%dma_wait3A_72, %dma_wait3A_73] : memref<60000x128xf32, #tpu.memory_space<hbm>> -> memref<60000x128xf32, #tpu.memory_space<hbm>>
        tpu.wait_indirect_dma semaphore(%arg16 : memref<!tpu.dma_semaphore, #tpu.memory_space<semaphore_mem>>) src(%dma_wait3A_74 : memref<60000x128xf32, #tpu.memory_space<hbm>>) dst(%arg10 : memref<64x128xf32, #tpu.memory_space<vmem>>)
        "tpu.region"() ({
          %run_scoped3A = tpu.sem_alloc : memref<!tpu.dma_semaphore, #tpu.memory_space<semaphore_mem>>
          %dma_start3A_133 = arith.constant 0 : i32
          %dma_start3A_134 = tpu.memref_slice %arg8[%add3A_68, %dma_start3A_133] : memref<20x64xi32, #tpu.memory_space<vmem>> -> memref<1x64xi32, #tpu.memory_space<vmem>>
          %dma_start3A_135 = tpu.memref_squeeze %dma_start3A_134 : memref<1x64xi32, #tpu.memory_space<vmem>> -> memref<64xi32, #tpu.memory_space<vmem>>
          %dma_start3A_136 = arith.constant 0 : i32
          %dma_start3A_137 = arith.constant 0 : i32
          %dma_start3A_138 = tpu.memref_slice %arg14[%dma_start3A_136, %dma_start3A_137] : memref<10112x128xf32, #tpu.memory_space<vmem_shared>> -> memref<10112x128xf32, #tpu.memory_space<vmem_shared>>
          tpu.enqueue_indirect_dma source(%arg10 : memref<64x128xf32, #tpu.memory_space<vmem>>) target(%dma_start3A_138 : memref<10112x128xf32, #tpu.memory_space<vmem_shared>>) offsets(%dma_start3A_135 : memref<64xi32, #tpu.memory_space<vmem>>) semaphore(%run_scoped3A : memref<!tpu.dma_semaphore, #tpu.memory_space<semaphore_mem>>) {add = true}
          %dma_wait3A_139 = arith.constant 0 : i32
          %dma_wait3A_140 = tpu.memref_slice %arg8[%add3A_68, %dma_wait3A_139] : memref<20x64xi32, #tpu.memory_space<vmem>> -> memref<1x64xi32, #tpu.memory_space<vmem>>
          %dma_wait3A_141 = tpu.memref_squeeze %dma_wait3A_140 : memref<1x64xi32, #tpu.memory_space<vmem>> -> memref<64xi32, #tpu.memory_space<vmem>>
          %dma_wait3A_142 = arith.constant 0 : i32
          %dma_wait3A_143 = arith.constant 0 : i32
          %dma_wait3A_144 = tpu.memref_slice %arg14[%dma_wait3A_142, %dma_wait3A_143] : memref<10112x128xf32, #tpu.memory_space<vmem_shared>> -> memref<10112x128xf32, #tpu.memory_space<vmem_shared>>
          tpu.wait_indirect_dma semaphore(%run_scoped3A : memref<!tpu.dma_semaphore, #tpu.memory_space<semaphore_mem>>) src(%arg10 : memref<64x128xf32, #tpu.memory_space<vmem>>) dst(%dma_wait3A_144 : memref<10112x128xf32, #tpu.memory_space<vmem_shared>>)
          tpu.yield
        }) : () -> ()
        %add3A_75 = arith.constant 5 : i32
        %add3A_76 = arith.addi %add3A_68, %add3A_75 : i32
        %lt3A_77 = arith.constant 20 : i32
        %lt3A_78 = arith.cmpi slt, %add3A_76, %lt3A_77 : i32
        %convert_element_type3A_79 = arith.extui %lt3A_78 : i1 to i32
        %cond3A_80 = arith.constant 0 : i32
        %cond3A_81 = arith.cmpi ne, %convert_element_type3A_79, %cond3A_80 : i32
        scf.if %cond3A_81 {
          %add3A_133 = arith.constant 5 : i32
          %add3A_134 = arith.addi %add3A_68, %add3A_133 : i32
          %dma_start3A_135 = arith.constant 0 : i32
          %dma_start3A_136 = tpu.memref_slice %arg7[%add3A_134, %dma_start3A_135] : memref<20x64xi32, #tpu.memory_space<vmem>> -> memref<1x64xi32, #tpu.memory_space<vmem>>
          %dma_start3A_137 = tpu.memref_squeeze %dma_start3A_136 : memref<1x64xi32, #tpu.memory_space<vmem>> -> memref<64xi32, #tpu.memory_space<vmem>>
          %dma_start3A_138 = arith.constant 0 : i32
          %dma_start3A_139 = arith.constant 0 : i32
          %dma_start3A_140 = tpu.memref_slice %arg2[%dma_start3A_138, %dma_start3A_139] : memref<60000x128xf32, #tpu.memory_space<hbm>> -> memref<60000x128xf32, #tpu.memory_space<hbm>>
          tpu.enqueue_indirect_dma source(%dma_start3A_140 : memref<60000x128xf32, #tpu.memory_space<hbm>>) target(%arg10 : memref<64x128xf32, #tpu.memory_space<vmem>>) offsets(%dma_start3A_137 : memref<64xi32, #tpu.memory_space<vmem>>) semaphore(%arg16 : memref<!tpu.dma_semaphore, #tpu.memory_space<semaphore_mem>>)
        } else {
        }
        %mul3A_82 = arith.constant 5 : i32
        %mul3A_83 = arith.muli %scan3A_52, %mul3A_82 : i32
        %add3A_84 = arith.constant 2 : i32
        %add3A_85 = arith.addi %mul3A_83, %add3A_84 : i32
        %dma_wait3A_86 = arith.constant 0 : i32
        %dma_wait3A_87 = tpu.memref_slice %arg7[%add3A_85, %dma_wait3A_86] : memref<20x64xi32, #tpu.memory_space<vmem>> -> memref<1x64xi32, #tpu.memory_space<vmem>>
        %dma_wait3A_88 = tpu.memref_squeeze %dma_wait3A_87 : memref<1x64xi32, #tpu.memory_space<vmem>> -> memref<64xi32, #tpu.memory_space<vmem>>
        %dma_wait3A_89 = arith.constant 0 : i32
        %dma_wait3A_90 = arith.constant 0 : i32
        %dma_wait3A_91 = tpu.memref_slice %arg2[%dma_wait3A_89, %dma_wait3A_90] : memref<60000x128xf32, #tpu.memory_space<hbm>> -> memref<60000x128xf32, #tpu.memory_space<hbm>>
        tpu.wait_indirect_dma semaphore(%arg17 : memref<!tpu.dma_semaphore, #tpu.memory_space<semaphore_mem>>) src(%dma_wait3A_91 : memref<60000x128xf32, #tpu.memory_space<hbm>>) dst(%arg11 : memref<64x128xf32, #tpu.memory_space<vmem>>)
        "tpu.region"() ({
          %run_scoped3A = tpu.sem_alloc : memref<!tpu.dma_semaphore, #tpu.memory_space<semaphore_mem>>
          %dma_start3A_133 = arith.constant 0 : i32
          %dma_start3A_134 = tpu.memref_slice %arg8[%add3A_85, %dma_start3A_133] : memref<20x64xi32, #tpu.memory_space<vmem>> -> memref<1x64xi32, #tpu.memory_space<vmem>>
          %dma_start3A_135 = tpu.memref_squeeze %dma_start3A_134 : memref<1x64xi32, #tpu.memory_space<vmem>> -> memref<64xi32, #tpu.memory_space<vmem>>
          %dma_start3A_136 = arith.constant 0 : i32
          %dma_start3A_137 = arith.constant 0 : i32
          %dma_start3A_138 = tpu.memref_slice %arg14[%dma_start3A_136, %dma_start3A_137] : memref<10112x128xf32, #tpu.memory_space<vmem_shared>> -> memref<10112x128xf32, #tpu.memory_space<vmem_shared>>
          tpu.enqueue_indirect_dma source(%arg11 : memref<64x128xf32, #tpu.memory_space<vmem>>) target(%dma_start3A_138 : memref<10112x128xf32, #tpu.memory_space<vmem_shared>>) offsets(%dma_start3A_135 : memref<64xi32, #tpu.memory_space<vmem>>) semaphore(%run_scoped3A : memref<!tpu.dma_semaphore, #tpu.memory_space<semaphore_mem>>) {add = true}
          %dma_wait3A_139 = arith.constant 0 : i32
          %dma_wait3A_140 = tpu.memref_slice %arg8[%add3A_85, %dma_wait3A_139] : memref<20x64xi32, #tpu.memory_space<vmem>> -> memref<1x64xi32, #tpu.memory_space<vmem>>
          %dma_wait3A_141 = tpu.memref_squeeze %dma_wait3A_140 : memref<1x64xi32, #tpu.memory_space<vmem>> -> memref<64xi32, #tpu.memory_space<vmem>>
          %dma_wait3A_142 = arith.constant 0 : i32
          %dma_wait3A_143 = arith.constant 0 : i32
          %dma_wait3A_144 = tpu.memref_slice %arg14[%dma_wait3A_142, %dma_wait3A_143] : memref<10112x128xf32, #tpu.memory_space<vmem_shared>> -> memref<10112x128xf32, #tpu.memory_space<vmem_shared>>
          tpu.wait_indirect_dma semaphore(%run_scoped3A : memref<!tpu.dma_semaphore, #tpu.memory_space<semaphore_mem>>) src(%arg11 : memref<64x128xf32, #tpu.memory_space<vmem>>) dst(%dma_wait3A_144 : memref<10112x128xf32, #tpu.memory_space<vmem_shared>>)
          tpu.yield
        }) : () -> ()
        %add3A_92 = arith.constant 5 : i32
        %add3A_93 = arith.addi %add3A_85, %add3A_92 : i32
        %lt3A_94 = arith.constant 20 : i32
        %lt3A_95 = arith.cmpi slt, %add3A_93, %lt3A_94 : i32
        %convert_element_type3A_96 = arith.extui %lt3A_95 : i1 to i32
        %cond3A_97 = arith.constant 0 : i32
        %cond3A_98 = arith.cmpi ne, %convert_element_type3A_96, %cond3A_97 : i32
        scf.if %cond3A_98 {
          %add3A_133 = arith.constant 5 : i32
          %add3A_134 = arith.addi %add3A_85, %add3A_133 : i32
          %dma_start3A_135 = arith.constant 0 : i32
          %dma_start3A_136 = tpu.memref_slice %arg7[%add3A_134, %dma_start3A_135] : memref<20x64xi32, #tpu.memory_space<vmem>> -> memref<1x64xi32, #tpu.memory_space<vmem>>
          %dma_start3A_137 = tpu.memref_squeeze %dma_start3A_136 : memref<1x64xi32, #tpu.memory_space<vmem>> -> memref<64xi32, #tpu.memory_space<vmem>>
          %dma_start3A_138 = arith.constant 0 : i32
          %dma_start3A_139 = arith.constant 0 : i32
          %dma_start3A_140 = tpu.memref_slice %arg2[%dma_start3A_138, %dma_start3A_139] : memref<60000x128xf32, #tpu.memory_space<hbm>> -> memref<60000x128xf32, #tpu.memory_space<hbm>>
          tpu.enqueue_indirect_dma source(%dma_start3A_140 : memref<60000x128xf32, #tpu.memory_space<hbm>>) target(%arg11 : memref<64x128xf32, #tpu.memory_space<vmem>>) offsets(%dma_start3A_137 : memref<64xi32, #tpu.memory_space<vmem>>) semaphore(%arg17 : memref<!tpu.dma_semaphore, #tpu.memory_space<semaphore_mem>>)
        } else {
        }
        %mul3A_99 = arith.constant 5 : i32
        %mul3A_100 = arith.muli %scan3A_52, %mul3A_99 : i32
        %add3A_101 = arith.constant 3 : i32
        %add3A_102 = arith.addi %mul3A_100, %add3A_101 : i32
        %dma_wait3A_103 = arith.constant 0 : i32
        %dma_wait3A_104 = tpu.memref_slice %arg7[%add3A_102, %dma_wait3A_103] : memref<20x64xi32, #tpu.memory_space<vmem>> -> memref<1x64xi32, #tpu.memory_space<vmem>>
        %dma_wait3A_105 = tpu.memref_squeeze %dma_wait3A_104 : memref<1x64xi32, #tpu.memory_space<vmem>> -> memref<64xi32, #tpu.memory_space<vmem>>
        %dma_wait3A_106 = arith.constant 0 : i32
        %dma_wait3A_107 = arith.constant 0 : i32
        %dma_wait3A_108 = tpu.memref_slice %arg2[%dma_wait3A_106, %dma_wait3A_107] : memref<60000x128xf32, #tpu.memory_space<hbm>> -> memref<60000x128xf32, #tpu.memory_space<hbm>>
        tpu.wait_indirect_dma semaphore(%arg18 : memref<!tpu.dma_semaphore, #tpu.memory_space<semaphore_mem>>) src(%dma_wait3A_108 : memref<60000x128xf32, #tpu.memory_space<hbm>>) dst(%arg12 : memref<64x128xf32, #tpu.memory_space<vmem>>)
        "tpu.region"() ({
          %run_scoped3A = tpu.sem_alloc : memref<!tpu.dma_semaphore, #tpu.memory_space<semaphore_mem>>
          %dma_start3A_133 = arith.constant 0 : i32
          %dma_start3A_134 = tpu.memref_slice %arg8[%add3A_102, %dma_start3A_133] : memref<20x64xi32, #tpu.memory_space<vmem>> -> memref<1x64xi32, #tpu.memory_space<vmem>>
          %dma_start3A_135 = tpu.memref_squeeze %dma_start3A_134 : memref<1x64xi32, #tpu.memory_space<vmem>> -> memref<64xi32, #tpu.memory_space<vmem>>
          %dma_start3A_136 = arith.constant 0 : i32
          %dma_start3A_137 = arith.constant 0 : i32
          %dma_start3A_138 = tpu.memref_slice %arg14[%dma_start3A_136, %dma_start3A_137] : memref<10112x128xf32, #tpu.memory_space<vmem_shared>> -> memref<10112x128xf32, #tpu.memory_space<vmem_shared>>
          tpu.enqueue_indirect_dma source(%arg12 : memref<64x128xf32, #tpu.memory_space<vmem>>) target(%dma_start3A_138 : memref<10112x128xf32, #tpu.memory_space<vmem_shared>>) offsets(%dma_start3A_135 : memref<64xi32, #tpu.memory_space<vmem>>) semaphore(%run_scoped3A : memref<!tpu.dma_semaphore, #tpu.memory_space<semaphore_mem>>) {add = true}
          %dma_wait3A_139 = arith.constant 0 : i32
          %dma_wait3A_140 = tpu.memref_slice %arg8[%add3A_102, %dma_wait3A_139] : memref<20x64xi32, #tpu.memory_space<vmem>> -> memref<1x64xi32, #tpu.memory_space<vmem>>
          %dma_wait3A_141 = tpu.memref_squeeze %dma_wait3A_140 : memref<1x64xi32, #tpu.memory_space<vmem>> -> memref<64xi32, #tpu.memory_space<vmem>>
          %dma_wait3A_142 = arith.constant 0 : i32
          %dma_wait3A_143 = arith.constant 0 : i32
          %dma_wait3A_144 = tpu.memref_slice %arg14[%dma_wait3A_142, %dma_wait3A_143] : memref<10112x128xf32, #tpu.memory_space<vmem_shared>> -> memref<10112x128xf32, #tpu.memory_space<vmem_shared>>
          tpu.wait_indirect_dma semaphore(%run_scoped3A : memref<!tpu.dma_semaphore, #tpu.memory_space<semaphore_mem>>) src(%arg12 : memref<64x128xf32, #tpu.memory_space<vmem>>) dst(%dma_wait3A_144 : memref<10112x128xf32, #tpu.memory_space<vmem_shared>>)
          tpu.yield
        }) : () -> ()
        %add3A_109 = arith.constant 5 : i32
        %add3A_110 = arith.addi %add3A_102, %add3A_109 : i32
        %lt3A_111 = arith.constant 20 : i32
        %lt3A_112 = arith.cmpi slt, %add3A_110, %lt3A_111 : i32
        %convert_element_type3A_113 = arith.extui %lt3A_112 : i1 to i32
        %cond3A_114 = arith.constant 0 : i32
        %cond3A_115 = arith.cmpi ne, %convert_element_type3A_113, %cond3A_114 : i32
        scf.if %cond3A_115 {
          %add3A_133 = arith.constant 5 : i32
          %add3A_134 = arith.addi %add3A_102, %add3A_133 : i32
          %dma_start3A_135 = arith.constant 0 : i32
          %dma_start3A_136 = tpu.memref_slice %arg7[%add3A_134, %dma_start3A_135] : memref<20x64xi32, #tpu.memory_space<vmem>> -> memref<1x64xi32, #tpu.memory_space<vmem>>
          %dma_start3A_137 = tpu.memref_squeeze %dma_start3A_136 : memref<1x64xi32, #tpu.memory_space<vmem>> -> memref<64xi32, #tpu.memory_space<vmem>>
          %dma_start3A_138 = arith.constant 0 : i32
          %dma_start3A_139 = arith.constant 0 : i32
          %dma_start3A_140 = tpu.memref_slice %arg2[%dma_start3A_138, %dma_start3A_139] : memref<60000x128xf32, #tpu.memory_space<hbm>> -> memref<60000x128xf32, #tpu.memory_space<hbm>>
          tpu.enqueue_indirect_dma source(%dma_start3A_140 : memref<60000x128xf32, #tpu.memory_space<hbm>>) target(%arg12 : memref<64x128xf32, #tpu.memory_space<vmem>>) offsets(%dma_start3A_137 : memref<64xi32, #tpu.memory_space<vmem>>) semaphore(%arg18 : memref<!tpu.dma_semaphore, #tpu.memory_space<semaphore_mem>>)
        } else {
        }
        %mul3A_116 = arith.constant 5 : i32
        %mul3A_117 = arith.muli %scan3A_52, %mul3A_116 : i32
        %add3A_118 = arith.constant 4 : i32
        %add3A_119 = arith.addi %mul3A_117, %add3A_118 : i32
        %dma_wait3A_120 = arith.constant 0 : i32
        %dma_wait3A_121 = tpu.memref_slice %arg7[%add3A_119, %dma_wait3A_120] : memref<20x64xi32, #tpu.memory_space<vmem>> -> memref<1x64xi32, #tpu.memory_space<vmem>>
        %dma_wait3A_122 = tpu.memref_squeeze %dma_wait3A_121 : memref<1x64xi32, #tpu.memory_space<vmem>> -> memref<64xi32, #tpu.memory_space<vmem>>
        %dma_wait3A_123 = arith.constant 0 : i32
        %dma_wait3A_124 = arith.constant 0 : i32
        %dma_wait3A_125 = tpu.memref_slice %arg2[%dma_wait3A_123, %dma_wait3A_124] : memref<60000x128xf32, #tpu.memory_space<hbm>> -> memref<60000x128xf32, #tpu.memory_space<hbm>>
        tpu.wait_indirect_dma semaphore(%arg19 : memref<!tpu.dma_semaphore, #tpu.memory_space<semaphore_mem>>) src(%dma_wait3A_125 : memref<60000x128xf32, #tpu.memory_space<hbm>>) dst(%arg13 : memref<64x128xf32, #tpu.memory_space<vmem>>)
        "tpu.region"() ({
          %run_scoped3A = tpu.sem_alloc : memref<!tpu.dma_semaphore, #tpu.memory_space<semaphore_mem>>
          %dma_start3A_133 = arith.constant 0 : i32
          %dma_start3A_134 = tpu.memref_slice %arg8[%add3A_119, %dma_start3A_133] : memref<20x64xi32, #tpu.memory_space<vmem>> -> memref<1x64xi32, #tpu.memory_space<vmem>>
          %dma_start3A_135 = tpu.memref_squeeze %dma_start3A_134 : memref<1x64xi32, #tpu.memory_space<vmem>> -> memref<64xi32, #tpu.memory_space<vmem>>
          %dma_start3A_136 = arith.constant 0 : i32
          %dma_start3A_137 = arith.constant 0 : i32
          %dma_start3A_138 = tpu.memref_slice %arg14[%dma_start3A_136, %dma_start3A_137] : memref<10112x128xf32, #tpu.memory_space<vmem_shared>> -> memref<10112x128xf32, #tpu.memory_space<vmem_shared>>
          tpu.enqueue_indirect_dma source(%arg13 : memref<64x128xf32, #tpu.memory_space<vmem>>) target(%dma_start3A_138 : memref<10112x128xf32, #tpu.memory_space<vmem_shared>>) offsets(%dma_start3A_135 : memref<64xi32, #tpu.memory_space<vmem>>) semaphore(%run_scoped3A : memref<!tpu.dma_semaphore, #tpu.memory_space<semaphore_mem>>) {add = true}
          %dma_wait3A_139 = arith.constant 0 : i32
          %dma_wait3A_140 = tpu.memref_slice %arg8[%add3A_119, %dma_wait3A_139] : memref<20x64xi32, #tpu.memory_space<vmem>> -> memref<1x64xi32, #tpu.memory_space<vmem>>
          %dma_wait3A_141 = tpu.memref_squeeze %dma_wait3A_140 : memref<1x64xi32, #tpu.memory_space<vmem>> -> memref<64xi32, #tpu.memory_space<vmem>>
          %dma_wait3A_142 = arith.constant 0 : i32
          %dma_wait3A_143 = arith.constant 0 : i32
          %dma_wait3A_144 = tpu.memref_slice %arg14[%dma_wait3A_142, %dma_wait3A_143] : memref<10112x128xf32, #tpu.memory_space<vmem_shared>> -> memref<10112x128xf32, #tpu.memory_space<vmem_shared>>
          tpu.wait_indirect_dma semaphore(%run_scoped3A : memref<!tpu.dma_semaphore, #tpu.memory_space<semaphore_mem>>) src(%arg13 : memref<64x128xf32, #tpu.memory_space<vmem>>) dst(%dma_wait3A_144 : memref<10112x128xf32, #tpu.memory_space<vmem_shared>>)
          tpu.yield
        }) : () -> ()
        %add3A_126 = arith.constant 5 : i32
        %add3A_127 = arith.addi %add3A_119, %add3A_126 : i32
        %lt3A_128 = arith.constant 20 : i32
        %lt3A_129 = arith.cmpi slt, %add3A_127, %lt3A_128 : i32
        %convert_element_type3A_130 = arith.extui %lt3A_129 : i1 to i32
        %cond3A_131 = arith.constant 0 : i32
        %cond3A_132 = arith.cmpi ne, %convert_element_type3A_130, %cond3A_131 : i32
        scf.if %cond3A_132 {
          %add3A_133 = arith.constant 5 : i32
          %add3A_134 = arith.addi %add3A_119, %add3A_133 : i32
          %dma_start3A_135 = arith.constant 0 : i32
          %dma_start3A_136 = tpu.memref_slice %arg7[%add3A_134, %dma_start3A_135] : memref<20x64xi32, #tpu.memory_space<vmem>> -> memref<1x64xi32, #tpu.memory_space<vmem>>
          %dma_start3A_137 = tpu.memref_squeeze %dma_start3A_136 : memref<1x64xi32, #tpu.memory_space<vmem>> -> memref<64xi32, #tpu.memory_space<vmem>>
          %dma_start3A_138 = arith.constant 0 : i32
          %dma_start3A_139 = arith.constant 0 : i32
          %dma_start3A_140 = tpu.memref_slice %arg2[%dma_start3A_138, %dma_start3A_139] : memref<60000x128xf32, #tpu.memory_space<hbm>> -> memref<60000x128xf32, #tpu.memory_space<hbm>>
          tpu.enqueue_indirect_dma source(%dma_start3A_140 : memref<60000x128xf32, #tpu.memory_space<hbm>>) target(%arg13 : memref<64x128xf32, #tpu.memory_space<vmem>>) offsets(%dma_start3A_137 : memref<64xi32, #tpu.memory_space<vmem>>) semaphore(%arg19 : memref<!tpu.dma_semaphore, #tpu.memory_space<semaphore_mem>>)
        } else {
        }
      }
      %scan3A_51 = arith.constant 4 : i32
    }
    %scan3A_5 = arith.constant 8 : i32
    %barrier3A_6 = arith.constant 0 : index
    tpu.barrier barrier_id(%barrier3A_6)
    %mul3A_7 = arith.constant 632 : i32
    %mul3A_8 = arith.muli %arg1, %mul3A_7 : i32
    %mul3A_9 = arith.constant 632 : i32
    %mul3A_10 = arith.muli %arg1, %mul3A_9 : i32
    "tpu.region"() ({
      %run_scoped3A = tpu.sem_alloc : memref<!tpu.dma_semaphore, #tpu.memory_space<semaphore_mem>>
      %dma_start3A = arith.constant 0 : i32
      %dma_start3A_11 = tpu.memref_slice %arg6[%arg0, %mul3A_10, %dma_start3A] : memref<2x10112x128xf32, #tpu.memory_space<hbm>> -> memref<1x632x128xf32, #tpu.memory_space<hbm>>
      %dma_start3A_12 = tpu.memref_squeeze %dma_start3A_11 : memref<1x632x128xf32, #tpu.memory_space<hbm>> -> memref<632x128xf32, #tpu.memory_space<hbm>>
      %dma_start3A_13 = arith.constant 0 : i32
      %dma_start3A_14 = tpu.memref_slice %arg14[%mul3A_8, %dma_start3A_13] : memref<10112x128xf32, #tpu.memory_space<vmem_shared>> -> memref<632x128xf32, #tpu.memory_space<vmem_shared>>
      tpu.enqueue_dma source(%dma_start3A_14 : memref<632x128xf32, #tpu.memory_space<vmem_shared>>) target(%dma_start3A_12 : memref<632x128xf32, #tpu.memory_space<hbm>>) target_semaphore(%run_scoped3A : memref<!tpu.dma_semaphore, #tpu.memory_space<semaphore_mem>>)
      %dma_wait3A = arith.constant 0 : i32
      %dma_wait3A_15 = tpu.memref_slice %arg6[%arg0, %mul3A_10, %dma_wait3A] : memref<2x10112x128xf32, #tpu.memory_space<hbm>> -> memref<1x632x128xf32, #tpu.memory_space<hbm>>
      %dma_wait3A_16 = tpu.memref_squeeze %dma_wait3A_15 : memref<1x632x128xf32, #tpu.memory_space<hbm>> -> memref<632x128xf32, #tpu.memory_space<hbm>>
      %dma_wait3A_17 = arith.constant 0 : i32
      %dma_wait3A_18 = tpu.memref_slice %arg14[%mul3A_8, %dma_wait3A_17] : memref<10112x128xf32, #tpu.memory_space<vmem_shared>> -> memref<632x128xf32, #tpu.memory_space<vmem_shared>>
      tpu.wait_dma2 semaphore(%run_scoped3A : memref<!tpu.dma_semaphore, #tpu.memory_space<semaphore_mem>>) src(%dma_wait3A_18 : memref<632x128xf32, #tpu.memory_space<vmem_shared>>) dst(%dma_wait3A_16 : memref<632x128xf32, #tpu.memory_space<hbm>>)
      tpu.yield
    }) : () -> ()
    return
  }
}

#map = affine_map<(d0, d1) -> (0, 0)>
#map1 = affine_map<(d0, d1) -> (0, 0, 0, 0, 0)>
#map2 = affine_map<(d0, d1) -> (0, 0, 0, 0)>
#map3 = affine_map<(d0, d1) -> (0, 0, 0)>
module attributes {stable_mosaic.version = 14 : i64} {
  func.func @_sc_agg_body(%arg0: i32, %arg1: i32, %arg2: memref<60000x128xf32, #tpu.memory_space<hbm>>, %arg3: memref<2x16x8x20x64xi32, #tpu.memory_space<hbm>>, %arg4: memref<16x8x20x64xi32, #tpu.memory_space<hbm>>, %arg5: memref<632x128xf32, #tpu.memory_space<hbm>>, %arg6: memref<2x10112x128xf32, #tpu.memory_space<hbm>>, %arg7: memref<20x64xi32, #tpu.memory_space<vmem>>, %arg8: memref<20x64xi32, #tpu.memory_space<vmem>>, %arg9: memref<64x128xf32, #tpu.memory_space<vmem>>, %arg10: memref<64x128xf32, #tpu.memory_space<vmem>>, %arg11: memref<64x128xf32, #tpu.memory_space<vmem>>, %arg12: memref<64x128xf32, #tpu.memory_space<vmem>>, %arg13: memref<64x128xf32, #tpu.memory_space<vmem>>, %arg14: memref<10112x128xf32, #tpu.memory_space<vmem_shared>>, %arg15: memref<!tpu.dma_semaphore, #tpu.memory_space<semaphore_mem>>, %arg16: memref<!tpu.dma_semaphore, #tpu.memory_space<semaphore_mem>>, %arg17: memref<!tpu.dma_semaphore, #tpu.memory_space<semaphore_mem>>, %arg18: memref<!tpu.dma_semaphore, #tpu.memory_space<semaphore_mem>>, %arg19: memref<!tpu.dma_semaphore, #tpu.memory_space<semaphore_mem>>) attributes {dimension_semantics = [#tpu.dimension_semantics<core_parallel>, #tpu.dimension_semantics<subcore_parallel>], iteration_bounds = array<i64: 2, 16>, scalar_prefetch = 0 : i64, scratch_operands = 13 : i64, tpu.core_type = #tpu.core_type<sc_vector_subcore>, window_params = [{transform_indices = #map}, {transform_indices = #map1}, {transform_indices = #map2}, {transform_indices = #map}, {transform_indices = #map3}]} {
    %mul3A = arith.constant 632 : i32
    %mul3A_0 = arith.muli %arg1, %mul3A : i32
    "tpu.region"() ({
      %run_scoped3A = tpu.sem_alloc : memref<!tpu.dma_semaphore, #tpu.memory_space<semaphore_mem>>
      %dma_start3A = arith.constant 0 : i32
      %dma_start3A_11 = tpu.memref_slice %arg14[%mul3A_0, %dma_start3A] : memref<10112x128xf32, #tpu.memory_space<vmem_shared>> -> memref<632x128xf32, #tpu.memory_space<vmem_shared>>
      tpu.enqueue_dma source(%arg5 : memref<632x128xf32, #tpu.memory_space<hbm>>) target(%dma_start3A_11 : memref<632x128xf32, #tpu.memory_space<vmem_shared>>) target_semaphore(%run_scoped3A : memref<!tpu.dma_semaphore, #tpu.memory_space<semaphore_mem>>)
      %dma_wait3A = arith.constant 0 : i32
      %dma_wait3A_12 = tpu.memref_slice %arg14[%mul3A_0, %dma_wait3A] : memref<10112x128xf32, #tpu.memory_space<vmem_shared>> -> memref<632x128xf32, #tpu.memory_space<vmem_shared>>
      tpu.wait_dma2 semaphore(%run_scoped3A : memref<!tpu.dma_semaphore, #tpu.memory_space<semaphore_mem>>) src(%arg5 : memref<632x128xf32, #tpu.memory_space<hbm>>) dst(%dma_wait3A_12 : memref<632x128xf32, #tpu.memory_space<vmem_shared>>)
      tpu.yield
    }) : () -> ()
    %barrier3A = arith.constant 0 : index
    tpu.barrier barrier_id(%barrier3A)
    %scan3A = arith.constant 0 : i32
    %scan3A_1 = arith.constant 0 : i32
    %scan3A_2 = arith.constant 8 : i32
    %scan3A_3 = arith.addi %scan3A_1, %scan3A_2 : i32
    %scan3A_4 = arith.constant 1 : i32
    scf.for %scan3A_11 = %scan3A_1 to %scan3A_3 step %scan3A_4  : i32 {
      "tpu.region"() ({
        %run_scoped3A = tpu.sem_alloc : memref<!tpu.dma_semaphore, #tpu.memory_space<semaphore_mem>>
        %dma_start3A_52 = arith.constant 0 : i32
        %dma_start3A_53 = arith.constant 0 : i32
        %dma_start3A_54 = tpu.memref_slice %arg3[%arg0, %arg1, %scan3A_11, %dma_start3A_52, %dma_start3A_53] : memref<2x16x8x20x64xi32, #tpu.memory_space<hbm>> -> memref<1x1x1x20x64xi32, #tpu.memory_space<hbm>>
        %dma_start3A_55 = tpu.memref_squeeze %dma_start3A_54 : memref<1x1x1x20x64xi32, #tpu.memory_space<hbm>> -> memref<20x64xi32, #tpu.memory_space<hbm>>
        %dma_start3A_56 = arith.constant 0 : i32
        %dma_start3A_57 = arith.constant 0 : i32
        %dma_start3A_58 = tpu.memref_slice %arg3[%arg0, %arg1, %scan3A_11, %dma_start3A_56, %dma_start3A_57] : memref<2x16x8x20x64xi32, #tpu.memory_space<hbm>> -> memref<1x1x1x20x64xi32, #tpu.memory_space<hbm>>
        %dma_start3A_59 = tpu.memref_squeeze %dma_start3A_58 : memref<1x1x1x20x64xi32, #tpu.memory_space<hbm>> -> memref<20x64xi32, #tpu.memory_space<hbm>>
        tpu.enqueue_dma source(%dma_start3A_59 : memref<20x64xi32, #tpu.memory_space<hbm>>) target(%arg7 : memref<20x64xi32, #tpu.memory_space<vmem>>) target_semaphore(%run_scoped3A : memref<!tpu.dma_semaphore, #tpu.memory_space<semaphore_mem>>)
        %dma_wait3A = arith.constant 0 : i32
        %dma_wait3A_60 = arith.constant 0 : i32
        %dma_wait3A_61 = tpu.memref_slice %arg3[%arg0, %arg1, %scan3A_11, %dma_wait3A, %dma_wait3A_60] : memref<2x16x8x20x64xi32, #tpu.memory_space<hbm>> -> memref<1x1x1x20x64xi32, #tpu.memory_space<hbm>>
        %dma_wait3A_62 = tpu.memref_squeeze %dma_wait3A_61 : memref<1x1x1x20x64xi32, #tpu.memory_space<hbm>> -> memref<20x64xi32, #tpu.memory_space<hbm>>
        %dma_wait3A_63 = arith.constant 0 : i32
        %dma_wait3A_64 = arith.constant 0 : i32
        %dma_wait3A_65 = tpu.memref_slice %arg3[%arg0, %arg1, %scan3A_11, %dma_wait3A_63, %dma_wait3A_64] : memref<2x16x8x20x64xi32, #tpu.memory_space<hbm>> -> memref<1x1x1x20x64xi32, #tpu.memory_space<hbm>>
        %dma_wait3A_66 = tpu.memref_squeeze %dma_wait3A_65 : memref<1x1x1x20x64xi32, #tpu.memory_space<hbm>> -> memref<20x64xi32, #tpu.memory_space<hbm>>
        tpu.wait_dma2 semaphore(%run_scoped3A : memref<!tpu.dma_semaphore, #tpu.memory_space<semaphore_mem>>) src(%dma_wait3A_66 : memref<20x64xi32, #tpu.memory_space<hbm>>) dst(%arg7 : memref<20x64xi32, #tpu.memory_space<vmem>>)
        tpu.yield
      }) : () -> ()
      "tpu.region"() ({
        %run_scoped3A = tpu.sem_alloc : memref<!tpu.dma_semaphore, #tpu.memory_space<semaphore_mem>>
        %dma_start3A_52 = arith.constant 0 : i32
        %dma_start3A_53 = arith.constant 0 : i32
        %dma_start3A_54 = tpu.memref_slice %arg4[%arg1, %scan3A_11, %dma_start3A_52, %dma_start3A_53] : memref<16x8x20x64xi32, #tpu.memory_space<hbm>> -> memref<1x1x20x64xi32, #tpu.memory_space<hbm>>
        %dma_start3A_55 = tpu.memref_squeeze %dma_start3A_54 : memref<1x1x20x64xi32, #tpu.memory_space<hbm>> -> memref<20x64xi32, #tpu.memory_space<hbm>>
        %dma_start3A_56 = arith.constant 0 : i32
        %dma_start3A_57 = arith.constant 0 : i32
        %dma_start3A_58 = tpu.memref_slice %arg4[%arg1, %scan3A_11, %dma_start3A_56, %dma_start3A_57] : memref<16x8x20x64xi32, #tpu.memory_space<hbm>> -> memref<1x1x20x64xi32, #tpu.memory_space<hbm>>
        %dma_start3A_59 = tpu.memref_squeeze %dma_start3A_58 : memref<1x1x20x64xi32, #tpu.memory_space<hbm>> -> memref<20x64xi32, #tpu.memory_space<hbm>>
        tpu.enqueue_dma source(%dma_start3A_59 : memref<20x64xi32, #tpu.memory_space<hbm>>) target(%arg8 : memref<20x64xi32, #tpu.memory_space<vmem>>) target_semaphore(%run_scoped3A : memref<!tpu.dma_semaphore, #tpu.memory_space<semaphore_mem>>)
        %dma_wait3A = arith.constant 0 : i32
        %dma_wait3A_60 = arith.constant 0 : i32
        %dma_wait3A_61 = tpu.memref_slice %arg4[%arg1, %scan3A_11, %dma_wait3A, %dma_wait3A_60] : memref<16x8x20x64xi32, #tpu.memory_space<hbm>> -> memref<1x1x20x64xi32, #tpu.memory_space<hbm>>
        %dma_wait3A_62 = tpu.memref_squeeze %dma_wait3A_61 : memref<1x1x20x64xi32, #tpu.memory_space<hbm>> -> memref<20x64xi32, #tpu.memory_space<hbm>>
        %dma_wait3A_63 = arith.constant 0 : i32
        %dma_wait3A_64 = arith.constant 0 : i32
        %dma_wait3A_65 = tpu.memref_slice %arg4[%arg1, %scan3A_11, %dma_wait3A_63, %dma_wait3A_64] : memref<16x8x20x64xi32, #tpu.memory_space<hbm>> -> memref<1x1x20x64xi32, #tpu.memory_space<hbm>>
        %dma_wait3A_66 = tpu.memref_squeeze %dma_wait3A_65 : memref<1x1x20x64xi32, #tpu.memory_space<hbm>> -> memref<20x64xi32, #tpu.memory_space<hbm>>
        tpu.wait_dma2 semaphore(%run_scoped3A : memref<!tpu.dma_semaphore, #tpu.memory_space<semaphore_mem>>) src(%dma_wait3A_66 : memref<20x64xi32, #tpu.memory_space<hbm>>) dst(%arg8 : memref<20x64xi32, #tpu.memory_space<vmem>>)
        tpu.yield
      }) : () -> ()
      %dma_start3A = arith.constant 0 : i32
      %dma_start3A_12 = arith.constant 0 : i32
      %dma_start3A_13 = tpu.memref_slice %arg7[%dma_start3A, %dma_start3A_12] : memref<20x64xi32, #tpu.memory_space<vmem>> -> memref<1x64xi32, #tpu.memory_space<vmem>>
      %dma_start3A_14 = tpu.memref_squeeze %dma_start3A_13 : memref<1x64xi32, #tpu.memory_space<vmem>> -> memref<64xi32, #tpu.memory_space<vmem>>
      %dma_start3A_15 = arith.constant 0 : i32
      %dma_start3A_16 = arith.constant 0 : i32
      %dma_start3A_17 = tpu.memref_slice %arg2[%dma_start3A_15, %dma_start3A_16] : memref<60000x128xf32, #tpu.memory_space<hbm>> -> memref<60000x128xf32, #tpu.memory_space<hbm>>
      tpu.enqueue_indirect_dma source(%dma_start3A_17 : memref<60000x128xf32, #tpu.memory_space<hbm>>) target(%arg9 : memref<64x128xf32, #tpu.memory_space<vmem>>) offsets(%dma_start3A_14 : memref<64xi32, #tpu.memory_space<vmem>>) semaphore(%arg15 : memref<!tpu.dma_semaphore, #tpu.memory_space<semaphore_mem>>)
      %dma_start3A_18 = arith.constant 1 : i32
      %dma_start3A_19 = arith.constant 0 : i32
      %dma_start3A_20 = tpu.memref_slice %arg7[%dma_start3A_18, %dma_start3A_19] : memref<20x64xi32, #tpu.memory_space<vmem>> -> memref<1x64xi32, #tpu.memory_space<vmem>>
      %dma_start3A_21 = tpu.memref_squeeze %dma_start3A_20 : memref<1x64xi32, #tpu.memory_space<vmem>> -> memref<64xi32, #tpu.memory_space<vmem>>
      %dma_start3A_22 = arith.constant 0 : i32
      %dma_start3A_23 = arith.constant 0 : i32
      %dma_start3A_24 = tpu.memref_slice %arg2[%dma_start3A_22, %dma_start3A_23] : memref<60000x128xf32, #tpu.memory_space<hbm>> -> memref<60000x128xf32, #tpu.memory_space<hbm>>
      tpu.enqueue_indirect_dma source(%dma_start3A_24 : memref<60000x128xf32, #tpu.memory_space<hbm>>) target(%arg10 : memref<64x128xf32, #tpu.memory_space<vmem>>) offsets(%dma_start3A_21 : memref<64xi32, #tpu.memory_space<vmem>>) semaphore(%arg16 : memref<!tpu.dma_semaphore, #tpu.memory_space<semaphore_mem>>)
      %dma_start3A_25 = arith.constant 2 : i32
      %dma_start3A_26 = arith.constant 0 : i32
      %dma_start3A_27 = tpu.memref_slice %arg7[%dma_start3A_25, %dma_start3A_26] : memref<20x64xi32, #tpu.memory_space<vmem>> -> memref<1x64xi32, #tpu.memory_space<vmem>>
      %dma_start3A_28 = tpu.memref_squeeze %dma_start3A_27 : memref<1x64xi32, #tpu.memory_space<vmem>> -> memref<64xi32, #tpu.memory_space<vmem>>
      %dma_start3A_29 = arith.constant 0 : i32
      %dma_start3A_30 = arith.constant 0 : i32
      %dma_start3A_31 = tpu.memref_slice %arg2[%dma_start3A_29, %dma_start3A_30] : memref<60000x128xf32, #tpu.memory_space<hbm>> -> memref<60000x128xf32, #tpu.memory_space<hbm>>
      tpu.enqueue_indirect_dma source(%dma_start3A_31 : memref<60000x128xf32, #tpu.memory_space<hbm>>) target(%arg11 : memref<64x128xf32, #tpu.memory_space<vmem>>) offsets(%dma_start3A_28 : memref<64xi32, #tpu.memory_space<vmem>>) semaphore(%arg17 : memref<!tpu.dma_semaphore, #tpu.memory_space<semaphore_mem>>)
      %dma_start3A_32 = arith.constant 3 : i32
      %dma_start3A_33 = arith.constant 0 : i32
      %dma_start3A_34 = tpu.memref_slice %arg7[%dma_start3A_32, %dma_start3A_33] : memref<20x64xi32, #tpu.memory_space<vmem>> -> memref<1x64xi32, #tpu.memory_space<vmem>>
      %dma_start3A_35 = tpu.memref_squeeze %dma_start3A_34 : memref<1x64xi32, #tpu.memory_space<vmem>> -> memref<64xi32, #tpu.memory_space<vmem>>
      %dma_start3A_36 = arith.constant 0 : i32
      %dma_start3A_37 = arith.constant 0 : i32
      %dma_start3A_38 = tpu.memref_slice %arg2[%dma_start3A_36, %dma_start3A_37] : memref<60000x128xf32, #tpu.memory_space<hbm>> -> memref<60000x128xf32, #tpu.memory_space<hbm>>
      tpu.enqueue_indirect_dma source(%dma_start3A_38 : memref<60000x128xf32, #tpu.memory_space<hbm>>) target(%arg12 : memref<64x128xf32, #tpu.memory_space<vmem>>) offsets(%dma_start3A_35 : memref<64xi32, #tpu.memory_space<vmem>>) semaphore(%arg18 : memref<!tpu.dma_semaphore, #tpu.memory_space<semaphore_mem>>)
      %dma_start3A_39 = arith.constant 4 : i32
      %dma_start3A_40 = arith.constant 0 : i32
      %dma_start3A_41 = tpu.memref_slice %arg7[%dma_start3A_39, %dma_start3A_40] : memref<20x64xi32, #tpu.memory_space<vmem>> -> memref<1x64xi32, #tpu.memory_space<vmem>>
      %dma_start3A_42 = tpu.memref_squeeze %dma_start3A_41 : memref<1x64xi32, #tpu.memory_space<vmem>> -> memref<64xi32, #tpu.memory_space<vmem>>
      %dma_start3A_43 = arith.constant 0 : i32
      %dma_start3A_44 = arith.constant 0 : i32
      %dma_start3A_45 = tpu.memref_slice %arg2[%dma_start3A_43, %dma_start3A_44] : memref<60000x128xf32, #tpu.memory_space<hbm>> -> memref<60000x128xf32, #tpu.memory_space<hbm>>
      tpu.enqueue_indirect_dma source(%dma_start3A_45 : memref<60000x128xf32, #tpu.memory_space<hbm>>) target(%arg13 : memref<64x128xf32, #tpu.memory_space<vmem>>) offsets(%dma_start3A_42 : memref<64xi32, #tpu.memory_space<vmem>>) semaphore(%arg19 : memref<!tpu.dma_semaphore, #tpu.memory_space<semaphore_mem>>)
      %scan3A_46 = arith.constant 0 : i32
      %scan3A_47 = arith.constant 0 : i32
      %scan3A_48 = arith.constant 4 : i32
      %scan3A_49 = arith.addi %scan3A_47, %scan3A_48 : i32
      %scan3A_50 = arith.constant 1 : i32
      scf.for %scan3A_52 = %scan3A_47 to %scan3A_49 step %scan3A_50  : i32 {
        %mul3A_53 = arith.constant 5 : i32
        %mul3A_54 = arith.muli %scan3A_52, %mul3A_53 : i32
        %add3A = arith.constant 0 : i32
        %add3A_55 = arith.addi %mul3A_54, %add3A : i32
        %dma_wait3A = arith.constant 0 : i32
        %dma_wait3A_56 = tpu.memref_slice %arg7[%add3A_55, %dma_wait3A] : memref<20x64xi32, #tpu.memory_space<vmem>> -> memref<1x64xi32, #tpu.memory_space<vmem>>
        %dma_wait3A_57 = tpu.memref_squeeze %dma_wait3A_56 : memref<1x64xi32, #tpu.memory_space<vmem>> -> memref<64xi32, #tpu.memory_space<vmem>>
        %dma_wait3A_58 = arith.constant 0 : i32
        %dma_wait3A_59 = arith.constant 0 : i32
        %dma_wait3A_60 = tpu.memref_slice %arg2[%dma_wait3A_58, %dma_wait3A_59] : memref<60000x128xf32, #tpu.memory_space<hbm>> -> memref<60000x128xf32, #tpu.memory_space<hbm>>
        tpu.wait_indirect_dma semaphore(%arg15 : memref<!tpu.dma_semaphore, #tpu.memory_space<semaphore_mem>>) src(%dma_wait3A_60 : memref<60000x128xf32, #tpu.memory_space<hbm>>) dst(%arg9 : memref<64x128xf32, #tpu.memory_space<vmem>>)
        "tpu.region"() ({
          %run_scoped3A = tpu.sem_alloc : memref<!tpu.dma_semaphore, #tpu.memory_space<semaphore_mem>>
          %dma_start3A_133 = arith.constant 0 : i32
          %dma_start3A_134 = tpu.memref_slice %arg8[%add3A_55, %dma_start3A_133] : memref<20x64xi32, #tpu.memory_space<vmem>> -> memref<1x64xi32, #tpu.memory_space<vmem>>
          %dma_start3A_135 = tpu.memref_squeeze %dma_start3A_134 : memref<1x64xi32, #tpu.memory_space<vmem>> -> memref<64xi32, #tpu.memory_space<vmem>>
          %dma_start3A_136 = arith.constant 0 : i32
          %dma_start3A_137 = arith.constant 0 : i32
          %dma_start3A_138 = tpu.memref_slice %arg14[%dma_start3A_136, %dma_start3A_137] : memref<10112x128xf32, #tpu.memory_space<vmem_shared>> -> memref<10112x128xf32, #tpu.memory_space<vmem_shared>>
          tpu.enqueue_indirect_dma source(%arg9 : memref<64x128xf32, #tpu.memory_space<vmem>>) target(%dma_start3A_138 : memref<10112x128xf32, #tpu.memory_space<vmem_shared>>) offsets(%dma_start3A_135 : memref<64xi32, #tpu.memory_space<vmem>>) semaphore(%run_scoped3A : memref<!tpu.dma_semaphore, #tpu.memory_space<semaphore_mem>>) {add = true}
          %dma_wait3A_139 = arith.constant 0 : i32
          %dma_wait3A_140 = tpu.memref_slice %arg8[%add3A_55, %dma_wait3A_139] : memref<20x64xi32, #tpu.memory_space<vmem>> -> memref<1x64xi32, #tpu.memory_space<vmem>>
          %dma_wait3A_141 = tpu.memref_squeeze %dma_wait3A_140 : memref<1x64xi32, #tpu.memory_space<vmem>> -> memref<64xi32, #tpu.memory_space<vmem>>
          %dma_wait3A_142 = arith.constant 0 : i32
          %dma_wait3A_143 = arith.constant 0 : i32
          %dma_wait3A_144 = tpu.memref_slice %arg14[%dma_wait3A_142, %dma_wait3A_143] : memref<10112x128xf32, #tpu.memory_space<vmem_shared>> -> memref<10112x128xf32, #tpu.memory_space<vmem_shared>>
          tpu.wait_indirect_dma semaphore(%run_scoped3A : memref<!tpu.dma_semaphore, #tpu.memory_space<semaphore_mem>>) src(%arg9 : memref<64x128xf32, #tpu.memory_space<vmem>>) dst(%dma_wait3A_144 : memref<10112x128xf32, #tpu.memory_space<vmem_shared>>)
          tpu.yield
        }) : () -> ()
        %add3A_61 = arith.constant 5 : i32
        %add3A_62 = arith.addi %add3A_55, %add3A_61 : i32
        %lt3A = arith.constant 20 : i32
        %lt3A_63 = arith.cmpi slt, %add3A_62, %lt3A : i32
        %convert_element_type3A = arith.extui %lt3A_63 : i1 to i32
        %cond3A = arith.constant 0 : i32
        %cond3A_64 = arith.cmpi ne, %convert_element_type3A, %cond3A : i32
        scf.if %cond3A_64 {
          %add3A_133 = arith.constant 5 : i32
          %add3A_134 = arith.addi %add3A_55, %add3A_133 : i32
          %dma_start3A_135 = arith.constant 0 : i32
          %dma_start3A_136 = tpu.memref_slice %arg7[%add3A_134, %dma_start3A_135] : memref<20x64xi32, #tpu.memory_space<vmem>> -> memref<1x64xi32, #tpu.memory_space<vmem>>
          %dma_start3A_137 = tpu.memref_squeeze %dma_start3A_136 : memref<1x64xi32, #tpu.memory_space<vmem>> -> memref<64xi32, #tpu.memory_space<vmem>>
          %dma_start3A_138 = arith.constant 0 : i32
          %dma_start3A_139 = arith.constant 0 : i32
          %dma_start3A_140 = tpu.memref_slice %arg2[%dma_start3A_138, %dma_start3A_139] : memref<60000x128xf32, #tpu.memory_space<hbm>> -> memref<60000x128xf32, #tpu.memory_space<hbm>>
          tpu.enqueue_indirect_dma source(%dma_start3A_140 : memref<60000x128xf32, #tpu.memory_space<hbm>>) target(%arg9 : memref<64x128xf32, #tpu.memory_space<vmem>>) offsets(%dma_start3A_137 : memref<64xi32, #tpu.memory_space<vmem>>) semaphore(%arg15 : memref<!tpu.dma_semaphore, #tpu.memory_space<semaphore_mem>>)
        } else {
        }
        %mul3A_65 = arith.constant 5 : i32
        %mul3A_66 = arith.muli %scan3A_52, %mul3A_65 : i32
        %add3A_67 = arith.constant 1 : i32
        %add3A_68 = arith.addi %mul3A_66, %add3A_67 : i32
        %dma_wait3A_69 = arith.constant 0 : i32
        %dma_wait3A_70 = tpu.memref_slice %arg7[%add3A_68, %dma_wait3A_69] : memref<20x64xi32, #tpu.memory_space<vmem>> -> memref<1x64xi32, #tpu.memory_space<vmem>>
        %dma_wait3A_71 = tpu.memref_squeeze %dma_wait3A_70 : memref<1x64xi32, #tpu.memory_space<vmem>> -> memref<64xi32, #tpu.memory_space<vmem>>
        %dma_wait3A_72 = arith.constant 0 : i32
        %dma_wait3A_73 = arith.constant 0 : i32
        %dma_wait3A_74 = tpu.memref_slice %arg2[%dma_wait3A_72, %dma_wait3A_73] : memref<60000x128xf32, #tpu.memory_space<hbm>> -> memref<60000x128xf32, #tpu.memory_space<hbm>>
        tpu.wait_indirect_dma semaphore(%arg16 : memref<!tpu.dma_semaphore, #tpu.memory_space<semaphore_mem>>) src(%dma_wait3A_74 : memref<60000x128xf32, #tpu.memory_space<hbm>>) dst(%arg10 : memref<64x128xf32, #tpu.memory_space<vmem>>)
        "tpu.region"() ({
          %run_scoped3A = tpu.sem_alloc : memref<!tpu.dma_semaphore, #tpu.memory_space<semaphore_mem>>
          %dma_start3A_133 = arith.constant 0 : i32
          %dma_start3A_134 = tpu.memref_slice %arg8[%add3A_68, %dma_start3A_133] : memref<20x64xi32, #tpu.memory_space<vmem>> -> memref<1x64xi32, #tpu.memory_space<vmem>>
          %dma_start3A_135 = tpu.memref_squeeze %dma_start3A_134 : memref<1x64xi32, #tpu.memory_space<vmem>> -> memref<64xi32, #tpu.memory_space<vmem>>
          %dma_start3A_136 = arith.constant 0 : i32
          %dma_start3A_137 = arith.constant 0 : i32
          %dma_start3A_138 = tpu.memref_slice %arg14[%dma_start3A_136, %dma_start3A_137] : memref<10112x128xf32, #tpu.memory_space<vmem_shared>> -> memref<10112x128xf32, #tpu.memory_space<vmem_shared>>
          tpu.enqueue_indirect_dma source(%arg10 : memref<64x128xf32, #tpu.memory_space<vmem>>) target(%dma_start3A_138 : memref<10112x128xf32, #tpu.memory_space<vmem_shared>>) offsets(%dma_start3A_135 : memref<64xi32, #tpu.memory_space<vmem>>) semaphore(%run_scoped3A : memref<!tpu.dma_semaphore, #tpu.memory_space<semaphore_mem>>) {add = true}
          %dma_wait3A_139 = arith.constant 0 : i32
          %dma_wait3A_140 = tpu.memref_slice %arg8[%add3A_68, %dma_wait3A_139] : memref<20x64xi32, #tpu.memory_space<vmem>> -> memref<1x64xi32, #tpu.memory_space<vmem>>
          %dma_wait3A_141 = tpu.memref_squeeze %dma_wait3A_140 : memref<1x64xi32, #tpu.memory_space<vmem>> -> memref<64xi32, #tpu.memory_space<vmem>>
          %dma_wait3A_142 = arith.constant 0 : i32
          %dma_wait3A_143 = arith.constant 0 : i32
          %dma_wait3A_144 = tpu.memref_slice %arg14[%dma_wait3A_142, %dma_wait3A_143] : memref<10112x128xf32, #tpu.memory_space<vmem_shared>> -> memref<10112x128xf32, #tpu.memory_space<vmem_shared>>
          tpu.wait_indirect_dma semaphore(%run_scoped3A : memref<!tpu.dma_semaphore, #tpu.memory_space<semaphore_mem>>) src(%arg10 : memref<64x128xf32, #tpu.memory_space<vmem>>) dst(%dma_wait3A_144 : memref<10112x128xf32, #tpu.memory_space<vmem_shared>>)
          tpu.yield
        }) : () -> ()
        %add3A_75 = arith.constant 5 : i32
        %add3A_76 = arith.addi %add3A_68, %add3A_75 : i32
        %lt3A_77 = arith.constant 20 : i32
        %lt3A_78 = arith.cmpi slt, %add3A_76, %lt3A_77 : i32
        %convert_element_type3A_79 = arith.extui %lt3A_78 : i1 to i32
        %cond3A_80 = arith.constant 0 : i32
        %cond3A_81 = arith.cmpi ne, %convert_element_type3A_79, %cond3A_80 : i32
        scf.if %cond3A_81 {
          %add3A_133 = arith.constant 5 : i32
          %add3A_134 = arith.addi %add3A_68, %add3A_133 : i32
          %dma_start3A_135 = arith.constant 0 : i32
          %dma_start3A_136 = tpu.memref_slice %arg7[%add3A_134, %dma_start3A_135] : memref<20x64xi32, #tpu.memory_space<vmem>> -> memref<1x64xi32, #tpu.memory_space<vmem>>
          %dma_start3A_137 = tpu.memref_squeeze %dma_start3A_136 : memref<1x64xi32, #tpu.memory_space<vmem>> -> memref<64xi32, #tpu.memory_space<vmem>>
          %dma_start3A_138 = arith.constant 0 : i32
          %dma_start3A_139 = arith.constant 0 : i32
          %dma_start3A_140 = tpu.memref_slice %arg2[%dma_start3A_138, %dma_start3A_139] : memref<60000x128xf32, #tpu.memory_space<hbm>> -> memref<60000x128xf32, #tpu.memory_space<hbm>>
          tpu.enqueue_indirect_dma source(%dma_start3A_140 : memref<60000x128xf32, #tpu.memory_space<hbm>>) target(%arg10 : memref<64x128xf32, #tpu.memory_space<vmem>>) offsets(%dma_start3A_137 : memref<64xi32, #tpu.memory_space<vmem>>) semaphore(%arg16 : memref<!tpu.dma_semaphore, #tpu.memory_space<semaphore_mem>>)
        } else {
        }
        %mul3A_82 = arith.constant 5 : i32
        %mul3A_83 = arith.muli %scan3A_52, %mul3A_82 : i32
        %add3A_84 = arith.constant 2 : i32
        %add3A_85 = arith.addi %mul3A_83, %add3A_84 : i32
        %dma_wait3A_86 = arith.constant 0 : i32
        %dma_wait3A_87 = tpu.memref_slice %arg7[%add3A_85, %dma_wait3A_86] : memref<20x64xi32, #tpu.memory_space<vmem>> -> memref<1x64xi32, #tpu.memory_space<vmem>>
        %dma_wait3A_88 = tpu.memref_squeeze %dma_wait3A_87 : memref<1x64xi32, #tpu.memory_space<vmem>> -> memref<64xi32, #tpu.memory_space<vmem>>
        %dma_wait3A_89 = arith.constant 0 : i32
        %dma_wait3A_90 = arith.constant 0 : i32
        %dma_wait3A_91 = tpu.memref_slice %arg2[%dma_wait3A_89, %dma_wait3A_90] : memref<60000x128xf32, #tpu.memory_space<hbm>> -> memref<60000x128xf32, #tpu.memory_space<hbm>>
        tpu.wait_indirect_dma semaphore(%arg17 : memref<!tpu.dma_semaphore, #tpu.memory_space<semaphore_mem>>) src(%dma_wait3A_91 : memref<60000x128xf32, #tpu.memory_space<hbm>>) dst(%arg11 : memref<64x128xf32, #tpu.memory_space<vmem>>)
        "tpu.region"() ({
          %run_scoped3A = tpu.sem_alloc : memref<!tpu.dma_semaphore, #tpu.memory_space<semaphore_mem>>
          %dma_start3A_133 = arith.constant 0 : i32
          %dma_start3A_134 = tpu.memref_slice %arg8[%add3A_85, %dma_start3A_133] : memref<20x64xi32, #tpu.memory_space<vmem>> -> memref<1x64xi32, #tpu.memory_space<vmem>>
          %dma_start3A_135 = tpu.memref_squeeze %dma_start3A_134 : memref<1x64xi32, #tpu.memory_space<vmem>> -> memref<64xi32, #tpu.memory_space<vmem>>
          %dma_start3A_136 = arith.constant 0 : i32
          %dma_start3A_137 = arith.constant 0 : i32
          %dma_start3A_138 = tpu.memref_slice %arg14[%dma_start3A_136, %dma_start3A_137] : memref<10112x128xf32, #tpu.memory_space<vmem_shared>> -> memref<10112x128xf32, #tpu.memory_space<vmem_shared>>
          tpu.enqueue_indirect_dma source(%arg11 : memref<64x128xf32, #tpu.memory_space<vmem>>) target(%dma_start3A_138 : memref<10112x128xf32, #tpu.memory_space<vmem_shared>>) offsets(%dma_start3A_135 : memref<64xi32, #tpu.memory_space<vmem>>) semaphore(%run_scoped3A : memref<!tpu.dma_semaphore, #tpu.memory_space<semaphore_mem>>) {add = true}
          %dma_wait3A_139 = arith.constant 0 : i32
          %dma_wait3A_140 = tpu.memref_slice %arg8[%add3A_85, %dma_wait3A_139] : memref<20x64xi32, #tpu.memory_space<vmem>> -> memref<1x64xi32, #tpu.memory_space<vmem>>
          %dma_wait3A_141 = tpu.memref_squeeze %dma_wait3A_140 : memref<1x64xi32, #tpu.memory_space<vmem>> -> memref<64xi32, #tpu.memory_space<vmem>>
          %dma_wait3A_142 = arith.constant 0 : i32
          %dma_wait3A_143 = arith.constant 0 : i32
          %dma_wait3A_144 = tpu.memref_slice %arg14[%dma_wait3A_142, %dma_wait3A_143] : memref<10112x128xf32, #tpu.memory_space<vmem_shared>> -> memref<10112x128xf32, #tpu.memory_space<vmem_shared>>
          tpu.wait_indirect_dma semaphore(%run_scoped3A : memref<!tpu.dma_semaphore, #tpu.memory_space<semaphore_mem>>) src(%arg11 : memref<64x128xf32, #tpu.memory_space<vmem>>) dst(%dma_wait3A_144 : memref<10112x128xf32, #tpu.memory_space<vmem_shared>>)
          tpu.yield
        }) : () -> ()
        %add3A_92 = arith.constant 5 : i32
        %add3A_93 = arith.addi %add3A_85, %add3A_92 : i32
        %lt3A_94 = arith.constant 20 : i32
        %lt3A_95 = arith.cmpi slt, %add3A_93, %lt3A_94 : i32
        %convert_element_type3A_96 = arith.extui %lt3A_95 : i1 to i32
        %cond3A_97 = arith.constant 0 : i32
        %cond3A_98 = arith.cmpi ne, %convert_element_type3A_96, %cond3A_97 : i32
        scf.if %cond3A_98 {
          %add3A_133 = arith.constant 5 : i32
          %add3A_134 = arith.addi %add3A_85, %add3A_133 : i32
          %dma_start3A_135 = arith.constant 0 : i32
          %dma_start3A_136 = tpu.memref_slice %arg7[%add3A_134, %dma_start3A_135] : memref<20x64xi32, #tpu.memory_space<vmem>> -> memref<1x64xi32, #tpu.memory_space<vmem>>
          %dma_start3A_137 = tpu.memref_squeeze %dma_start3A_136 : memref<1x64xi32, #tpu.memory_space<vmem>> -> memref<64xi32, #tpu.memory_space<vmem>>
          %dma_start3A_138 = arith.constant 0 : i32
          %dma_start3A_139 = arith.constant 0 : i32
          %dma_start3A_140 = tpu.memref_slice %arg2[%dma_start3A_138, %dma_start3A_139] : memref<60000x128xf32, #tpu.memory_space<hbm>> -> memref<60000x128xf32, #tpu.memory_space<hbm>>
          tpu.enqueue_indirect_dma source(%dma_start3A_140 : memref<60000x128xf32, #tpu.memory_space<hbm>>) target(%arg11 : memref<64x128xf32, #tpu.memory_space<vmem>>) offsets(%dma_start3A_137 : memref<64xi32, #tpu.memory_space<vmem>>) semaphore(%arg17 : memref<!tpu.dma_semaphore, #tpu.memory_space<semaphore_mem>>)
        } else {
        }
        %mul3A_99 = arith.constant 5 : i32
        %mul3A_100 = arith.muli %scan3A_52, %mul3A_99 : i32
        %add3A_101 = arith.constant 3 : i32
        %add3A_102 = arith.addi %mul3A_100, %add3A_101 : i32
        %dma_wait3A_103 = arith.constant 0 : i32
        %dma_wait3A_104 = tpu.memref_slice %arg7[%add3A_102, %dma_wait3A_103] : memref<20x64xi32, #tpu.memory_space<vmem>> -> memref<1x64xi32, #tpu.memory_space<vmem>>
        %dma_wait3A_105 = tpu.memref_squeeze %dma_wait3A_104 : memref<1x64xi32, #tpu.memory_space<vmem>> -> memref<64xi32, #tpu.memory_space<vmem>>
        %dma_wait3A_106 = arith.constant 0 : i32
        %dma_wait3A_107 = arith.constant 0 : i32
        %dma_wait3A_108 = tpu.memref_slice %arg2[%dma_wait3A_106, %dma_wait3A_107] : memref<60000x128xf32, #tpu.memory_space<hbm>> -> memref<60000x128xf32, #tpu.memory_space<hbm>>
        tpu.wait_indirect_dma semaphore(%arg18 : memref<!tpu.dma_semaphore, #tpu.memory_space<semaphore_mem>>) src(%dma_wait3A_108 : memref<60000x128xf32, #tpu.memory_space<hbm>>) dst(%arg12 : memref<64x128xf32, #tpu.memory_space<vmem>>)
        "tpu.region"() ({
          %run_scoped3A = tpu.sem_alloc : memref<!tpu.dma_semaphore, #tpu.memory_space<semaphore_mem>>
          %dma_start3A_133 = arith.constant 0 : i32
          %dma_start3A_134 = tpu.memref_slice %arg8[%add3A_102, %dma_start3A_133] : memref<20x64xi32, #tpu.memory_space<vmem>> -> memref<1x64xi32, #tpu.memory_space<vmem>>
          %dma_start3A_135 = tpu.memref_squeeze %dma_start3A_134 : memref<1x64xi32, #tpu.memory_space<vmem>> -> memref<64xi32, #tpu.memory_space<vmem>>
          %dma_start3A_136 = arith.constant 0 : i32
          %dma_start3A_137 = arith.constant 0 : i32
          %dma_start3A_138 = tpu.memref_slice %arg14[%dma_start3A_136, %dma_start3A_137] : memref<10112x128xf32, #tpu.memory_space<vmem_shared>> -> memref<10112x128xf32, #tpu.memory_space<vmem_shared>>
          tpu.enqueue_indirect_dma source(%arg12 : memref<64x128xf32, #tpu.memory_space<vmem>>) target(%dma_start3A_138 : memref<10112x128xf32, #tpu.memory_space<vmem_shared>>) offsets(%dma_start3A_135 : memref<64xi32, #tpu.memory_space<vmem>>) semaphore(%run_scoped3A : memref<!tpu.dma_semaphore, #tpu.memory_space<semaphore_mem>>) {add = true}
          %dma_wait3A_139 = arith.constant 0 : i32
          %dma_wait3A_140 = tpu.memref_slice %arg8[%add3A_102, %dma_wait3A_139] : memref<20x64xi32, #tpu.memory_space<vmem>> -> memref<1x64xi32, #tpu.memory_space<vmem>>
          %dma_wait3A_141 = tpu.memref_squeeze %dma_wait3A_140 : memref<1x64xi32, #tpu.memory_space<vmem>> -> memref<64xi32, #tpu.memory_space<vmem>>
          %dma_wait3A_142 = arith.constant 0 : i32
          %dma_wait3A_143 = arith.constant 0 : i32
          %dma_wait3A_144 = tpu.memref_slice %arg14[%dma_wait3A_142, %dma_wait3A_143] : memref<10112x128xf32, #tpu.memory_space<vmem_shared>> -> memref<10112x128xf32, #tpu.memory_space<vmem_shared>>
          tpu.wait_indirect_dma semaphore(%run_scoped3A : memref<!tpu.dma_semaphore, #tpu.memory_space<semaphore_mem>>) src(%arg12 : memref<64x128xf32, #tpu.memory_space<vmem>>) dst(%dma_wait3A_144 : memref<10112x128xf32, #tpu.memory_space<vmem_shared>>)
          tpu.yield
        }) : () -> ()
        %add3A_109 = arith.constant 5 : i32
        %add3A_110 = arith.addi %add3A_102, %add3A_109 : i32
        %lt3A_111 = arith.constant 20 : i32
        %lt3A_112 = arith.cmpi slt, %add3A_110, %lt3A_111 : i32
        %convert_element_type3A_113 = arith.extui %lt3A_112 : i1 to i32
        %cond3A_114 = arith.constant 0 : i32
        %cond3A_115 = arith.cmpi ne, %convert_element_type3A_113, %cond3A_114 : i32
        scf.if %cond3A_115 {
          %add3A_133 = arith.constant 5 : i32
          %add3A_134 = arith.addi %add3A_102, %add3A_133 : i32
          %dma_start3A_135 = arith.constant 0 : i32
          %dma_start3A_136 = tpu.memref_slice %arg7[%add3A_134, %dma_start3A_135] : memref<20x64xi32, #tpu.memory_space<vmem>> -> memref<1x64xi32, #tpu.memory_space<vmem>>
          %dma_start3A_137 = tpu.memref_squeeze %dma_start3A_136 : memref<1x64xi32, #tpu.memory_space<vmem>> -> memref<64xi32, #tpu.memory_space<vmem>>
          %dma_start3A_138 = arith.constant 0 : i32
          %dma_start3A_139 = arith.constant 0 : i32
          %dma_start3A_140 = tpu.memref_slice %arg2[%dma_start3A_138, %dma_start3A_139] : memref<60000x128xf32, #tpu.memory_space<hbm>> -> memref<60000x128xf32, #tpu.memory_space<hbm>>
          tpu.enqueue_indirect_dma source(%dma_start3A_140 : memref<60000x128xf32, #tpu.memory_space<hbm>>) target(%arg12 : memref<64x128xf32, #tpu.memory_space<vmem>>) offsets(%dma_start3A_137 : memref<64xi32, #tpu.memory_space<vmem>>) semaphore(%arg18 : memref<!tpu.dma_semaphore, #tpu.memory_space<semaphore_mem>>)
        } else {
        }
        %mul3A_116 = arith.constant 5 : i32
        %mul3A_117 = arith.muli %scan3A_52, %mul3A_116 : i32
        %add3A_118 = arith.constant 4 : i32
        %add3A_119 = arith.addi %mul3A_117, %add3A_118 : i32
        %dma_wait3A_120 = arith.constant 0 : i32
        %dma_wait3A_121 = tpu.memref_slice %arg7[%add3A_119, %dma_wait3A_120] : memref<20x64xi32, #tpu.memory_space<vmem>> -> memref<1x64xi32, #tpu.memory_space<vmem>>
        %dma_wait3A_122 = tpu.memref_squeeze %dma_wait3A_121 : memref<1x64xi32, #tpu.memory_space<vmem>> -> memref<64xi32, #tpu.memory_space<vmem>>
        %dma_wait3A_123 = arith.constant 0 : i32
        %dma_wait3A_124 = arith.constant 0 : i32
        %dma_wait3A_125 = tpu.memref_slice %arg2[%dma_wait3A_123, %dma_wait3A_124] : memref<60000x128xf32, #tpu.memory_space<hbm>> -> memref<60000x128xf32, #tpu.memory_space<hbm>>
        tpu.wait_indirect_dma semaphore(%arg19 : memref<!tpu.dma_semaphore, #tpu.memory_space<semaphore_mem>>) src(%dma_wait3A_125 : memref<60000x128xf32, #tpu.memory_space<hbm>>) dst(%arg13 : memref<64x128xf32, #tpu.memory_space<vmem>>)
        "tpu.region"() ({
          %run_scoped3A = tpu.sem_alloc : memref<!tpu.dma_semaphore, #tpu.memory_space<semaphore_mem>>
          %dma_start3A_133 = arith.constant 0 : i32
          %dma_start3A_134 = tpu.memref_slice %arg8[%add3A_119, %dma_start3A_133] : memref<20x64xi32, #tpu.memory_space<vmem>> -> memref<1x64xi32, #tpu.memory_space<vmem>>
          %dma_start3A_135 = tpu.memref_squeeze %dma_start3A_134 : memref<1x64xi32, #tpu.memory_space<vmem>> -> memref<64xi32, #tpu.memory_space<vmem>>
          %dma_start3A_136 = arith.constant 0 : i32
          %dma_start3A_137 = arith.constant 0 : i32
          %dma_start3A_138 = tpu.memref_slice %arg14[%dma_start3A_136, %dma_start3A_137] : memref<10112x128xf32, #tpu.memory_space<vmem_shared>> -> memref<10112x128xf32, #tpu.memory_space<vmem_shared>>
          tpu.enqueue_indirect_dma source(%arg13 : memref<64x128xf32, #tpu.memory_space<vmem>>) target(%dma_start3A_138 : memref<10112x128xf32, #tpu.memory_space<vmem_shared>>) offsets(%dma_start3A_135 : memref<64xi32, #tpu.memory_space<vmem>>) semaphore(%run_scoped3A : memref<!tpu.dma_semaphore, #tpu.memory_space<semaphore_mem>>) {add = true}
          %dma_wait3A_139 = arith.constant 0 : i32
          %dma_wait3A_140 = tpu.memref_slice %arg8[%add3A_119, %dma_wait3A_139] : memref<20x64xi32, #tpu.memory_space<vmem>> -> memref<1x64xi32, #tpu.memory_space<vmem>>
          %dma_wait3A_141 = tpu.memref_squeeze %dma_wait3A_140 : memref<1x64xi32, #tpu.memory_space<vmem>> -> memref<64xi32, #tpu.memory_space<vmem>>
          %dma_wait3A_142 = arith.constant 0 : i32
          %dma_wait3A_143 = arith.constant 0 : i32
          %dma_wait3A_144 = tpu.memref_slice %arg14[%dma_wait3A_142, %dma_wait3A_143] : memref<10112x128xf32, #tpu.memory_space<vmem_shared>> -> memref<10112x128xf32, #tpu.memory_space<vmem_shared>>
          tpu.wait_indirect_dma semaphore(%run_scoped3A : memref<!tpu.dma_semaphore, #tpu.memory_space<semaphore_mem>>) src(%arg13 : memref<64x128xf32, #tpu.memory_space<vmem>>) dst(%dma_wait3A_144 : memref<10112x128xf32, #tpu.memory_space<vmem_shared>>)
          tpu.yield
        }) : () -> ()
        %add3A_126 = arith.constant 5 : i32
        %add3A_127 = arith.addi %add3A_119, %add3A_126 : i32
        %lt3A_128 = arith.constant 20 : i32
        %lt3A_129 = arith.cmpi slt, %add3A_127, %lt3A_128 : i32
        %convert_element_type3A_130 = arith.extui %lt3A_129 : i1 to i32
        %cond3A_131 = arith.constant 0 : i32
        %cond3A_132 = arith.cmpi ne, %convert_element_type3A_130, %cond3A_131 : i32
        scf.if %cond3A_132 {
          %add3A_133 = arith.constant 5 : i32
          %add3A_134 = arith.addi %add3A_119, %add3A_133 : i32
          %dma_start3A_135 = arith.constant 0 : i32
          %dma_start3A_136 = tpu.memref_slice %arg7[%add3A_134, %dma_start3A_135] : memref<20x64xi32, #tpu.memory_space<vmem>> -> memref<1x64xi32, #tpu.memory_space<vmem>>
          %dma_start3A_137 = tpu.memref_squeeze %dma_start3A_136 : memref<1x64xi32, #tpu.memory_space<vmem>> -> memref<64xi32, #tpu.memory_space<vmem>>
          %dma_start3A_138 = arith.constant 0 : i32
          %dma_start3A_139 = arith.constant 0 : i32
          %dma_start3A_140 = tpu.memref_slice %arg2[%dma_start3A_138, %dma_start3A_139] : memref<60000x128xf32, #tpu.memory_space<hbm>> -> memref<60000x128xf32, #tpu.memory_space<hbm>>
          tpu.enqueue_indirect_dma source(%dma_start3A_140 : memref<60000x128xf32, #tpu.memory_space<hbm>>) target(%arg13 : memref<64x128xf32, #tpu.memory_space<vmem>>) offsets(%dma_start3A_137 : memref<64xi32, #tpu.memory_space<vmem>>) semaphore(%arg19 : memref<!tpu.dma_semaphore, #tpu.memory_space<semaphore_mem>>)
        } else {
        }
      }
      %scan3A_51 = arith.constant 4 : i32
    }
    %scan3A_5 = arith.constant 8 : i32
    %barrier3A_6 = arith.constant 0 : index
    tpu.barrier barrier_id(%barrier3A_6)
    %mul3A_7 = arith.constant 632 : i32
    %mul3A_8 = arith.muli %arg1, %mul3A_7 : i32
    %mul3A_9 = arith.constant 632 : i32
    %mul3A_10 = arith.muli %arg1, %mul3A_9 : i32
    "tpu.region"() ({
      %run_scoped3A = tpu.sem_alloc : memref<!tpu.dma_semaphore, #tpu.memory_space<semaphore_mem>>
      %dma_start3A = arith.constant 0 : i32
      %dma_start3A_11 = tpu.memref_slice %arg6[%arg0, %mul3A_10, %dma_start3A] : memref<2x10112x128xf32, #tpu.memory_space<hbm>> -> memref<1x632x128xf32, #tpu.memory_space<hbm>>
      %dma_start3A_12 = tpu.memref_squeeze %dma_start3A_11 : memref<1x632x128xf32, #tpu.memory_space<hbm>> -> memref<632x128xf32, #tpu.memory_space<hbm>>
      %dma_start3A_13 = arith.constant 0 : i32
      %dma_start3A_14 = tpu.memref_slice %arg14[%mul3A_8, %dma_start3A_13] : memref<10112x128xf32, #tpu.memory_space<vmem_shared>> -> memref<632x128xf32, #tpu.memory_space<vmem_shared>>
      tpu.enqueue_dma source(%dma_start3A_14 : memref<632x128xf32, #tpu.memory_space<vmem_shared>>) target(%dma_start3A_12 : memref<632x128xf32, #tpu.memory_space<hbm>>) target_semaphore(%run_scoped3A : memref<!tpu.dma_semaphore, #tpu.memory_space<semaphore_mem>>)
      %dma_wait3A = arith.constant 0 : i32
      %dma_wait3A_15 = tpu.memref_slice %arg6[%arg0, %mul3A_10, %dma_wait3A] : memref<2x10112x128xf32, #tpu.memory_space<hbm>> -> memref<1x632x128xf32, #tpu.memory_space<hbm>>
      %dma_wait3A_16 = tpu.memref_squeeze %dma_wait3A_15 : memref<1x632x128xf32, #tpu.memory_space<hbm>> -> memref<632x128xf32, #tpu.memory_space<hbm>>
      %dma_wait3A_17 = arith.constant 0 : i32
      %dma_wait3A_18 = tpu.memref_slice %arg14[%mul3A_8, %dma_wait3A_17] : memref<10112x128xf32, #tpu.memory_space<vmem_shared>> -> memref<632x128xf32, #tpu.memory_space<vmem_shared>>
      tpu.wait_dma2 semaphore(%run_scoped3A : memref<!tpu.dma_semaphore, #tpu.memory_space<semaphore_mem>>) src(%dma_wait3A_18 : memref<632x128xf32, #tpu.memory_space<vmem_shared>>) dst(%dma_wait3A_16 : memref<632x128xf32, #tpu.memory_space<hbm>>)
      tpu.yield
    }) : () -> ()
    return
  }
}

#map = affine_map<(d0, d1) -> (0, 0)>
#map1 = affine_map<(d0, d1) -> (0, 0, 0, 0, 0)>
#map2 = affine_map<(d0, d1) -> (0, 0, 0, 0)>
#map3 = affine_map<(d0, d1) -> (0, 0, 0)>
module attributes {stable_mosaic.version = 14 : i64} {
  func.func @_sc_agg_body(%arg0: i32, %arg1: i32, %arg2: memref<60000x128xf32, #tpu.memory_space<hbm>>, %arg3: memref<2x16x8x20x64xi32, #tpu.memory_space<hbm>>, %arg4: memref<16x8x20x64xi32, #tpu.memory_space<hbm>>, %arg5: memref<632x128xf32, #tpu.memory_space<hbm>>, %arg6: memref<2x10112x128xf32, #tpu.memory_space<hbm>>, %arg7: memref<20x64xi32, #tpu.memory_space<vmem>>, %arg8: memref<20x64xi32, #tpu.memory_space<vmem>>, %arg9: memref<64x128xf32, #tpu.memory_space<vmem>>, %arg10: memref<64x128xf32, #tpu.memory_space<vmem>>, %arg11: memref<64x128xf32, #tpu.memory_space<vmem>>, %arg12: memref<64x128xf32, #tpu.memory_space<vmem>>, %arg13: memref<64x128xf32, #tpu.memory_space<vmem>>, %arg14: memref<10112x128xf32, #tpu.memory_space<vmem_shared>>, %arg15: memref<!tpu.dma_semaphore, #tpu.memory_space<semaphore_mem>>, %arg16: memref<!tpu.dma_semaphore, #tpu.memory_space<semaphore_mem>>, %arg17: memref<!tpu.dma_semaphore, #tpu.memory_space<semaphore_mem>>, %arg18: memref<!tpu.dma_semaphore, #tpu.memory_space<semaphore_mem>>, %arg19: memref<!tpu.dma_semaphore, #tpu.memory_space<semaphore_mem>>) attributes {dimension_semantics = [#tpu.dimension_semantics<core_parallel>, #tpu.dimension_semantics<subcore_parallel>], iteration_bounds = array<i64: 2, 16>, scalar_prefetch = 0 : i64, scratch_operands = 13 : i64, tpu.core_type = #tpu.core_type<sc_vector_subcore>, window_params = [{transform_indices = #map}, {transform_indices = #map1}, {transform_indices = #map2}, {transform_indices = #map}, {transform_indices = #map3}]} {
    %mul3A = arith.constant 632 : i32
    %mul3A_0 = arith.muli %arg1, %mul3A : i32
    "tpu.region"() ({
      %run_scoped3A = tpu.sem_alloc : memref<!tpu.dma_semaphore, #tpu.memory_space<semaphore_mem>>
      %dma_start3A = arith.constant 0 : i32
      %dma_start3A_11 = tpu.memref_slice %arg14[%mul3A_0, %dma_start3A] : memref<10112x128xf32, #tpu.memory_space<vmem_shared>> -> memref<632x128xf32, #tpu.memory_space<vmem_shared>>
      tpu.enqueue_dma source(%arg5 : memref<632x128xf32, #tpu.memory_space<hbm>>) target(%dma_start3A_11 : memref<632x128xf32, #tpu.memory_space<vmem_shared>>) target_semaphore(%run_scoped3A : memref<!tpu.dma_semaphore, #tpu.memory_space<semaphore_mem>>)
      %dma_wait3A = arith.constant 0 : i32
      %dma_wait3A_12 = tpu.memref_slice %arg14[%mul3A_0, %dma_wait3A] : memref<10112x128xf32, #tpu.memory_space<vmem_shared>> -> memref<632x128xf32, #tpu.memory_space<vmem_shared>>
      tpu.wait_dma2 semaphore(%run_scoped3A : memref<!tpu.dma_semaphore, #tpu.memory_space<semaphore_mem>>) src(%arg5 : memref<632x128xf32, #tpu.memory_space<hbm>>) dst(%dma_wait3A_12 : memref<632x128xf32, #tpu.memory_space<vmem_shared>>)
      tpu.yield
    }) : () -> ()
    %barrier3A = arith.constant 0 : index
    tpu.barrier barrier_id(%barrier3A)
    %scan3A = arith.constant 0 : i32
    %scan3A_1 = arith.constant 0 : i32
    %scan3A_2 = arith.constant 8 : i32
    %scan3A_3 = arith.addi %scan3A_1, %scan3A_2 : i32
    %scan3A_4 = arith.constant 1 : i32
    scf.for %scan3A_11 = %scan3A_1 to %scan3A_3 step %scan3A_4  : i32 {
      "tpu.region"() ({
        %run_scoped3A = tpu.sem_alloc : memref<!tpu.dma_semaphore, #tpu.memory_space<semaphore_mem>>
        %dma_start3A_52 = arith.constant 0 : i32
        %dma_start3A_53 = arith.constant 0 : i32
        %dma_start3A_54 = tpu.memref_slice %arg3[%arg0, %arg1, %scan3A_11, %dma_start3A_52, %dma_start3A_53] : memref<2x16x8x20x64xi32, #tpu.memory_space<hbm>> -> memref<1x1x1x20x64xi32, #tpu.memory_space<hbm>>
        %dma_start3A_55 = tpu.memref_squeeze %dma_start3A_54 : memref<1x1x1x20x64xi32, #tpu.memory_space<hbm>> -> memref<20x64xi32, #tpu.memory_space<hbm>>
        %dma_start3A_56 = arith.constant 0 : i32
        %dma_start3A_57 = arith.constant 0 : i32
        %dma_start3A_58 = tpu.memref_slice %arg3[%arg0, %arg1, %scan3A_11, %dma_start3A_56, %dma_start3A_57] : memref<2x16x8x20x64xi32, #tpu.memory_space<hbm>> -> memref<1x1x1x20x64xi32, #tpu.memory_space<hbm>>
        %dma_start3A_59 = tpu.memref_squeeze %dma_start3A_58 : memref<1x1x1x20x64xi32, #tpu.memory_space<hbm>> -> memref<20x64xi32, #tpu.memory_space<hbm>>
        tpu.enqueue_dma source(%dma_start3A_59 : memref<20x64xi32, #tpu.memory_space<hbm>>) target(%arg7 : memref<20x64xi32, #tpu.memory_space<vmem>>) target_semaphore(%run_scoped3A : memref<!tpu.dma_semaphore, #tpu.memory_space<semaphore_mem>>)
        %dma_wait3A = arith.constant 0 : i32
        %dma_wait3A_60 = arith.constant 0 : i32
        %dma_wait3A_61 = tpu.memref_slice %arg3[%arg0, %arg1, %scan3A_11, %dma_wait3A, %dma_wait3A_60] : memref<2x16x8x20x64xi32, #tpu.memory_space<hbm>> -> memref<1x1x1x20x64xi32, #tpu.memory_space<hbm>>
        %dma_wait3A_62 = tpu.memref_squeeze %dma_wait3A_61 : memref<1x1x1x20x64xi32, #tpu.memory_space<hbm>> -> memref<20x64xi32, #tpu.memory_space<hbm>>
        %dma_wait3A_63 = arith.constant 0 : i32
        %dma_wait3A_64 = arith.constant 0 : i32
        %dma_wait3A_65 = tpu.memref_slice %arg3[%arg0, %arg1, %scan3A_11, %dma_wait3A_63, %dma_wait3A_64] : memref<2x16x8x20x64xi32, #tpu.memory_space<hbm>> -> memref<1x1x1x20x64xi32, #tpu.memory_space<hbm>>
        %dma_wait3A_66 = tpu.memref_squeeze %dma_wait3A_65 : memref<1x1x1x20x64xi32, #tpu.memory_space<hbm>> -> memref<20x64xi32, #tpu.memory_space<hbm>>
        tpu.wait_dma2 semaphore(%run_scoped3A : memref<!tpu.dma_semaphore, #tpu.memory_space<semaphore_mem>>) src(%dma_wait3A_66 : memref<20x64xi32, #tpu.memory_space<hbm>>) dst(%arg7 : memref<20x64xi32, #tpu.memory_space<vmem>>)
        tpu.yield
      }) : () -> ()
      "tpu.region"() ({
        %run_scoped3A = tpu.sem_alloc : memref<!tpu.dma_semaphore, #tpu.memory_space<semaphore_mem>>
        %dma_start3A_52 = arith.constant 0 : i32
        %dma_start3A_53 = arith.constant 0 : i32
        %dma_start3A_54 = tpu.memref_slice %arg4[%arg1, %scan3A_11, %dma_start3A_52, %dma_start3A_53] : memref<16x8x20x64xi32, #tpu.memory_space<hbm>> -> memref<1x1x20x64xi32, #tpu.memory_space<hbm>>
        %dma_start3A_55 = tpu.memref_squeeze %dma_start3A_54 : memref<1x1x20x64xi32, #tpu.memory_space<hbm>> -> memref<20x64xi32, #tpu.memory_space<hbm>>
        %dma_start3A_56 = arith.constant 0 : i32
        %dma_start3A_57 = arith.constant 0 : i32
        %dma_start3A_58 = tpu.memref_slice %arg4[%arg1, %scan3A_11, %dma_start3A_56, %dma_start3A_57] : memref<16x8x20x64xi32, #tpu.memory_space<hbm>> -> memref<1x1x20x64xi32, #tpu.memory_space<hbm>>
        %dma_start3A_59 = tpu.memref_squeeze %dma_start3A_58 : memref<1x1x20x64xi32, #tpu.memory_space<hbm>> -> memref<20x64xi32, #tpu.memory_space<hbm>>
        tpu.enqueue_dma source(%dma_start3A_59 : memref<20x64xi32, #tpu.memory_space<hbm>>) target(%arg8 : memref<20x64xi32, #tpu.memory_space<vmem>>) target_semaphore(%run_scoped3A : memref<!tpu.dma_semaphore, #tpu.memory_space<semaphore_mem>>)
        %dma_wait3A = arith.constant 0 : i32
        %dma_wait3A_60 = arith.constant 0 : i32
        %dma_wait3A_61 = tpu.memref_slice %arg4[%arg1, %scan3A_11, %dma_wait3A, %dma_wait3A_60] : memref<16x8x20x64xi32, #tpu.memory_space<hbm>> -> memref<1x1x20x64xi32, #tpu.memory_space<hbm>>
        %dma_wait3A_62 = tpu.memref_squeeze %dma_wait3A_61 : memref<1x1x20x64xi32, #tpu.memory_space<hbm>> -> memref<20x64xi32, #tpu.memory_space<hbm>>
        %dma_wait3A_63 = arith.constant 0 : i32
        %dma_wait3A_64 = arith.constant 0 : i32
        %dma_wait3A_65 = tpu.memref_slice %arg4[%arg1, %scan3A_11, %dma_wait3A_63, %dma_wait3A_64] : memref<16x8x20x64xi32, #tpu.memory_space<hbm>> -> memref<1x1x20x64xi32, #tpu.memory_space<hbm>>
        %dma_wait3A_66 = tpu.memref_squeeze %dma_wait3A_65 : memref<1x1x20x64xi32, #tpu.memory_space<hbm>> -> memref<20x64xi32, #tpu.memory_space<hbm>>
        tpu.wait_dma2 semaphore(%run_scoped3A : memref<!tpu.dma_semaphore, #tpu.memory_space<semaphore_mem>>) src(%dma_wait3A_66 : memref<20x64xi32, #tpu.memory_space<hbm>>) dst(%arg8 : memref<20x64xi32, #tpu.memory_space<vmem>>)
        tpu.yield
      }) : () -> ()
      %dma_start3A = arith.constant 0 : i32
      %dma_start3A_12 = arith.constant 0 : i32
      %dma_start3A_13 = tpu.memref_slice %arg7[%dma_start3A, %dma_start3A_12] : memref<20x64xi32, #tpu.memory_space<vmem>> -> memref<1x64xi32, #tpu.memory_space<vmem>>
      %dma_start3A_14 = tpu.memref_squeeze %dma_start3A_13 : memref<1x64xi32, #tpu.memory_space<vmem>> -> memref<64xi32, #tpu.memory_space<vmem>>
      %dma_start3A_15 = arith.constant 0 : i32
      %dma_start3A_16 = arith.constant 0 : i32
      %dma_start3A_17 = tpu.memref_slice %arg2[%dma_start3A_15, %dma_start3A_16] : memref<60000x128xf32, #tpu.memory_space<hbm>> -> memref<60000x128xf32, #tpu.memory_space<hbm>>
      tpu.enqueue_indirect_dma source(%dma_start3A_17 : memref<60000x128xf32, #tpu.memory_space<hbm>>) target(%arg9 : memref<64x128xf32, #tpu.memory_space<vmem>>) offsets(%dma_start3A_14 : memref<64xi32, #tpu.memory_space<vmem>>) semaphore(%arg15 : memref<!tpu.dma_semaphore, #tpu.memory_space<semaphore_mem>>)
      %dma_start3A_18 = arith.constant 1 : i32
      %dma_start3A_19 = arith.constant 0 : i32
      %dma_start3A_20 = tpu.memref_slice %arg7[%dma_start3A_18, %dma_start3A_19] : memref<20x64xi32, #tpu.memory_space<vmem>> -> memref<1x64xi32, #tpu.memory_space<vmem>>
      %dma_start3A_21 = tpu.memref_squeeze %dma_start3A_20 : memref<1x64xi32, #tpu.memory_space<vmem>> -> memref<64xi32, #tpu.memory_space<vmem>>
      %dma_start3A_22 = arith.constant 0 : i32
      %dma_start3A_23 = arith.constant 0 : i32
      %dma_start3A_24 = tpu.memref_slice %arg2[%dma_start3A_22, %dma_start3A_23] : memref<60000x128xf32, #tpu.memory_space<hbm>> -> memref<60000x128xf32, #tpu.memory_space<hbm>>
      tpu.enqueue_indirect_dma source(%dma_start3A_24 : memref<60000x128xf32, #tpu.memory_space<hbm>>) target(%arg10 : memref<64x128xf32, #tpu.memory_space<vmem>>) offsets(%dma_start3A_21 : memref<64xi32, #tpu.memory_space<vmem>>) semaphore(%arg16 : memref<!tpu.dma_semaphore, #tpu.memory_space<semaphore_mem>>)
      %dma_start3A_25 = arith.constant 2 : i32
      %dma_start3A_26 = arith.constant 0 : i32
      %dma_start3A_27 = tpu.memref_slice %arg7[%dma_start3A_25, %dma_start3A_26] : memref<20x64xi32, #tpu.memory_space<vmem>> -> memref<1x64xi32, #tpu.memory_space<vmem>>
      %dma_start3A_28 = tpu.memref_squeeze %dma_start3A_27 : memref<1x64xi32, #tpu.memory_space<vmem>> -> memref<64xi32, #tpu.memory_space<vmem>>
      %dma_start3A_29 = arith.constant 0 : i32
      %dma_start3A_30 = arith.constant 0 : i32
      %dma_start3A_31 = tpu.memref_slice %arg2[%dma_start3A_29, %dma_start3A_30] : memref<60000x128xf32, #tpu.memory_space<hbm>> -> memref<60000x128xf32, #tpu.memory_space<hbm>>
      tpu.enqueue_indirect_dma source(%dma_start3A_31 : memref<60000x128xf32, #tpu.memory_space<hbm>>) target(%arg11 : memref<64x128xf32, #tpu.memory_space<vmem>>) offsets(%dma_start3A_28 : memref<64xi32, #tpu.memory_space<vmem>>) semaphore(%arg17 : memref<!tpu.dma_semaphore, #tpu.memory_space<semaphore_mem>>)
      %dma_start3A_32 = arith.constant 3 : i32
      %dma_start3A_33 = arith.constant 0 : i32
      %dma_start3A_34 = tpu.memref_slice %arg7[%dma_start3A_32, %dma_start3A_33] : memref<20x64xi32, #tpu.memory_space<vmem>> -> memref<1x64xi32, #tpu.memory_space<vmem>>
      %dma_start3A_35 = tpu.memref_squeeze %dma_start3A_34 : memref<1x64xi32, #tpu.memory_space<vmem>> -> memref<64xi32, #tpu.memory_space<vmem>>
      %dma_start3A_36 = arith.constant 0 : i32
      %dma_start3A_37 = arith.constant 0 : i32
      %dma_start3A_38 = tpu.memref_slice %arg2[%dma_start3A_36, %dma_start3A_37] : memref<60000x128xf32, #tpu.memory_space<hbm>> -> memref<60000x128xf32, #tpu.memory_space<hbm>>
      tpu.enqueue_indirect_dma source(%dma_start3A_38 : memref<60000x128xf32, #tpu.memory_space<hbm>>) target(%arg12 : memref<64x128xf32, #tpu.memory_space<vmem>>) offsets(%dma_start3A_35 : memref<64xi32, #tpu.memory_space<vmem>>) semaphore(%arg18 : memref<!tpu.dma_semaphore, #tpu.memory_space<semaphore_mem>>)
      %dma_start3A_39 = arith.constant 4 : i32
      %dma_start3A_40 = arith.constant 0 : i32
      %dma_start3A_41 = tpu.memref_slice %arg7[%dma_start3A_39, %dma_start3A_40] : memref<20x64xi32, #tpu.memory_space<vmem>> -> memref<1x64xi32, #tpu.memory_space<vmem>>
      %dma_start3A_42 = tpu.memref_squeeze %dma_start3A_41 : memref<1x64xi32, #tpu.memory_space<vmem>> -> memref<64xi32, #tpu.memory_space<vmem>>
      %dma_start3A_43 = arith.constant 0 : i32
      %dma_start3A_44 = arith.constant 0 : i32
      %dma_start3A_45 = tpu.memref_slice %arg2[%dma_start3A_43, %dma_start3A_44] : memref<60000x128xf32, #tpu.memory_space<hbm>> -> memref<60000x128xf32, #tpu.memory_space<hbm>>
      tpu.enqueue_indirect_dma source(%dma_start3A_45 : memref<60000x128xf32, #tpu.memory_space<hbm>>) target(%arg13 : memref<64x128xf32, #tpu.memory_space<vmem>>) offsets(%dma_start3A_42 : memref<64xi32, #tpu.memory_space<vmem>>) semaphore(%arg19 : memref<!tpu.dma_semaphore, #tpu.memory_space<semaphore_mem>>)
      %scan3A_46 = arith.constant 0 : i32
      %scan3A_47 = arith.constant 0 : i32
      %scan3A_48 = arith.constant 4 : i32
      %scan3A_49 = arith.addi %scan3A_47, %scan3A_48 : i32
      %scan3A_50 = arith.constant 1 : i32
      scf.for %scan3A_52 = %scan3A_47 to %scan3A_49 step %scan3A_50  : i32 {
        %mul3A_53 = arith.constant 5 : i32
        %mul3A_54 = arith.muli %scan3A_52, %mul3A_53 : i32
        %add3A = arith.constant 0 : i32
        %add3A_55 = arith.addi %mul3A_54, %add3A : i32
        %dma_wait3A = arith.constant 0 : i32
        %dma_wait3A_56 = tpu.memref_slice %arg7[%add3A_55, %dma_wait3A] : memref<20x64xi32, #tpu.memory_space<vmem>> -> memref<1x64xi32, #tpu.memory_space<vmem>>
        %dma_wait3A_57 = tpu.memref_squeeze %dma_wait3A_56 : memref<1x64xi32, #tpu.memory_space<vmem>> -> memref<64xi32, #tpu.memory_space<vmem>>
        %dma_wait3A_58 = arith.constant 0 : i32
        %dma_wait3A_59 = arith.constant 0 : i32
        %dma_wait3A_60 = tpu.memref_slice %arg2[%dma_wait3A_58, %dma_wait3A_59] : memref<60000x128xf32, #tpu.memory_space<hbm>> -> memref<60000x128xf32, #tpu.memory_space<hbm>>
        tpu.wait_indirect_dma semaphore(%arg15 : memref<!tpu.dma_semaphore, #tpu.memory_space<semaphore_mem>>) src(%dma_wait3A_60 : memref<60000x128xf32, #tpu.memory_space<hbm>>) dst(%arg9 : memref<64x128xf32, #tpu.memory_space<vmem>>)
        "tpu.region"() ({
          %run_scoped3A = tpu.sem_alloc : memref<!tpu.dma_semaphore, #tpu.memory_space<semaphore_mem>>
          %dma_start3A_133 = arith.constant 0 : i32
          %dma_start3A_134 = tpu.memref_slice %arg8[%add3A_55, %dma_start3A_133] : memref<20x64xi32, #tpu.memory_space<vmem>> -> memref<1x64xi32, #tpu.memory_space<vmem>>
          %dma_start3A_135 = tpu.memref_squeeze %dma_start3A_134 : memref<1x64xi32, #tpu.memory_space<vmem>> -> memref<64xi32, #tpu.memory_space<vmem>>
          %dma_start3A_136 = arith.constant 0 : i32
          %dma_start3A_137 = arith.constant 0 : i32
          %dma_start3A_138 = tpu.memref_slice %arg14[%dma_start3A_136, %dma_start3A_137] : memref<10112x128xf32, #tpu.memory_space<vmem_shared>> -> memref<10112x128xf32, #tpu.memory_space<vmem_shared>>
          tpu.enqueue_indirect_dma source(%arg9 : memref<64x128xf32, #tpu.memory_space<vmem>>) target(%dma_start3A_138 : memref<10112x128xf32, #tpu.memory_space<vmem_shared>>) offsets(%dma_start3A_135 : memref<64xi32, #tpu.memory_space<vmem>>) semaphore(%run_scoped3A : memref<!tpu.dma_semaphore, #tpu.memory_space<semaphore_mem>>) {add = true}
          %dma_wait3A_139 = arith.constant 0 : i32
          %dma_wait3A_140 = tpu.memref_slice %arg8[%add3A_55, %dma_wait3A_139] : memref<20x64xi32, #tpu.memory_space<vmem>> -> memref<1x64xi32, #tpu.memory_space<vmem>>
          %dma_wait3A_141 = tpu.memref_squeeze %dma_wait3A_140 : memref<1x64xi32, #tpu.memory_space<vmem>> -> memref<64xi32, #tpu.memory_space<vmem>>
          %dma_wait3A_142 = arith.constant 0 : i32
          %dma_wait3A_143 = arith.constant 0 : i32
          %dma_wait3A_144 = tpu.memref_slice %arg14[%dma_wait3A_142, %dma_wait3A_143] : memref<10112x128xf32, #tpu.memory_space<vmem_shared>> -> memref<10112x128xf32, #tpu.memory_space<vmem_shared>>
          tpu.wait_indirect_dma semaphore(%run_scoped3A : memref<!tpu.dma_semaphore, #tpu.memory_space<semaphore_mem>>) src(%arg9 : memref<64x128xf32, #tpu.memory_space<vmem>>) dst(%dma_wait3A_144 : memref<10112x128xf32, #tpu.memory_space<vmem_shared>>)
          tpu.yield
        }) : () -> ()
        %add3A_61 = arith.constant 5 : i32
        %add3A_62 = arith.addi %add3A_55, %add3A_61 : i32
        %lt3A = arith.constant 20 : i32
        %lt3A_63 = arith.cmpi slt, %add3A_62, %lt3A : i32
        %convert_element_type3A = arith.extui %lt3A_63 : i1 to i32
        %cond3A = arith.constant 0 : i32
        %cond3A_64 = arith.cmpi ne, %convert_element_type3A, %cond3A : i32
        scf.if %cond3A_64 {
          %add3A_133 = arith.constant 5 : i32
          %add3A_134 = arith.addi %add3A_55, %add3A_133 : i32
          %dma_start3A_135 = arith.constant 0 : i32
          %dma_start3A_136 = tpu.memref_slice %arg7[%add3A_134, %dma_start3A_135] : memref<20x64xi32, #tpu.memory_space<vmem>> -> memref<1x64xi32, #tpu.memory_space<vmem>>
          %dma_start3A_137 = tpu.memref_squeeze %dma_start3A_136 : memref<1x64xi32, #tpu.memory_space<vmem>> -> memref<64xi32, #tpu.memory_space<vmem>>
          %dma_start3A_138 = arith.constant 0 : i32
          %dma_start3A_139 = arith.constant 0 : i32
          %dma_start3A_140 = tpu.memref_slice %arg2[%dma_start3A_138, %dma_start3A_139] : memref<60000x128xf32, #tpu.memory_space<hbm>> -> memref<60000x128xf32, #tpu.memory_space<hbm>>
          tpu.enqueue_indirect_dma source(%dma_start3A_140 : memref<60000x128xf32, #tpu.memory_space<hbm>>) target(%arg9 : memref<64x128xf32, #tpu.memory_space<vmem>>) offsets(%dma_start3A_137 : memref<64xi32, #tpu.memory_space<vmem>>) semaphore(%arg15 : memref<!tpu.dma_semaphore, #tpu.memory_space<semaphore_mem>>)
        } else {
        }
        %mul3A_65 = arith.constant 5 : i32
        %mul3A_66 = arith.muli %scan3A_52, %mul3A_65 : i32
        %add3A_67 = arith.constant 1 : i32
        %add3A_68 = arith.addi %mul3A_66, %add3A_67 : i32
        %dma_wait3A_69 = arith.constant 0 : i32
        %dma_wait3A_70 = tpu.memref_slice %arg7[%add3A_68, %dma_wait3A_69] : memref<20x64xi32, #tpu.memory_space<vmem>> -> memref<1x64xi32, #tpu.memory_space<vmem>>
        %dma_wait3A_71 = tpu.memref_squeeze %dma_wait3A_70 : memref<1x64xi32, #tpu.memory_space<vmem>> -> memref<64xi32, #tpu.memory_space<vmem>>
        %dma_wait3A_72 = arith.constant 0 : i32
        %dma_wait3A_73 = arith.constant 0 : i32
        %dma_wait3A_74 = tpu.memref_slice %arg2[%dma_wait3A_72, %dma_wait3A_73] : memref<60000x128xf32, #tpu.memory_space<hbm>> -> memref<60000x128xf32, #tpu.memory_space<hbm>>
        tpu.wait_indirect_dma semaphore(%arg16 : memref<!tpu.dma_semaphore, #tpu.memory_space<semaphore_mem>>) src(%dma_wait3A_74 : memref<60000x128xf32, #tpu.memory_space<hbm>>) dst(%arg10 : memref<64x128xf32, #tpu.memory_space<vmem>>)
        "tpu.region"() ({
          %run_scoped3A = tpu.sem_alloc : memref<!tpu.dma_semaphore, #tpu.memory_space<semaphore_mem>>
          %dma_start3A_133 = arith.constant 0 : i32
          %dma_start3A_134 = tpu.memref_slice %arg8[%add3A_68, %dma_start3A_133] : memref<20x64xi32, #tpu.memory_space<vmem>> -> memref<1x64xi32, #tpu.memory_space<vmem>>
          %dma_start3A_135 = tpu.memref_squeeze %dma_start3A_134 : memref<1x64xi32, #tpu.memory_space<vmem>> -> memref<64xi32, #tpu.memory_space<vmem>>
          %dma_start3A_136 = arith.constant 0 : i32
          %dma_start3A_137 = arith.constant 0 : i32
          %dma_start3A_138 = tpu.memref_slice %arg14[%dma_start3A_136, %dma_start3A_137] : memref<10112x128xf32, #tpu.memory_space<vmem_shared>> -> memref<10112x128xf32, #tpu.memory_space<vmem_shared>>
          tpu.enqueue_indirect_dma source(%arg10 : memref<64x128xf32, #tpu.memory_space<vmem>>) target(%dma_start3A_138 : memref<10112x128xf32, #tpu.memory_space<vmem_shared>>) offsets(%dma_start3A_135 : memref<64xi32, #tpu.memory_space<vmem>>) semaphore(%run_scoped3A : memref<!tpu.dma_semaphore, #tpu.memory_space<semaphore_mem>>) {add = true}
          %dma_wait3A_139 = arith.constant 0 : i32
          %dma_wait3A_140 = tpu.memref_slice %arg8[%add3A_68, %dma_wait3A_139] : memref<20x64xi32, #tpu.memory_space<vmem>> -> memref<1x64xi32, #tpu.memory_space<vmem>>
          %dma_wait3A_141 = tpu.memref_squeeze %dma_wait3A_140 : memref<1x64xi32, #tpu.memory_space<vmem>> -> memref<64xi32, #tpu.memory_space<vmem>>
          %dma_wait3A_142 = arith.constant 0 : i32
          %dma_wait3A_143 = arith.constant 0 : i32
          %dma_wait3A_144 = tpu.memref_slice %arg14[%dma_wait3A_142, %dma_wait3A_143] : memref<10112x128xf32, #tpu.memory_space<vmem_shared>> -> memref<10112x128xf32, #tpu.memory_space<vmem_shared>>
          tpu.wait_indirect_dma semaphore(%run_scoped3A : memref<!tpu.dma_semaphore, #tpu.memory_space<semaphore_mem>>) src(%arg10 : memref<64x128xf32, #tpu.memory_space<vmem>>) dst(%dma_wait3A_144 : memref<10112x128xf32, #tpu.memory_space<vmem_shared>>)
          tpu.yield
        }) : () -> ()
        %add3A_75 = arith.constant 5 : i32
        %add3A_76 = arith.addi %add3A_68, %add3A_75 : i32
        %lt3A_77 = arith.constant 20 : i32
        %lt3A_78 = arith.cmpi slt, %add3A_76, %lt3A_77 : i32
        %convert_element_type3A_79 = arith.extui %lt3A_78 : i1 to i32
        %cond3A_80 = arith.constant 0 : i32
        %cond3A_81 = arith.cmpi ne, %convert_element_type3A_79, %cond3A_80 : i32
        scf.if %cond3A_81 {
          %add3A_133 = arith.constant 5 : i32
          %add3A_134 = arith.addi %add3A_68, %add3A_133 : i32
          %dma_start3A_135 = arith.constant 0 : i32
          %dma_start3A_136 = tpu.memref_slice %arg7[%add3A_134, %dma_start3A_135] : memref<20x64xi32, #tpu.memory_space<vmem>> -> memref<1x64xi32, #tpu.memory_space<vmem>>
          %dma_start3A_137 = tpu.memref_squeeze %dma_start3A_136 : memref<1x64xi32, #tpu.memory_space<vmem>> -> memref<64xi32, #tpu.memory_space<vmem>>
          %dma_start3A_138 = arith.constant 0 : i32
          %dma_start3A_139 = arith.constant 0 : i32
          %dma_start3A_140 = tpu.memref_slice %arg2[%dma_start3A_138, %dma_start3A_139] : memref<60000x128xf32, #tpu.memory_space<hbm>> -> memref<60000x128xf32, #tpu.memory_space<hbm>>
          tpu.enqueue_indirect_dma source(%dma_start3A_140 : memref<60000x128xf32, #tpu.memory_space<hbm>>) target(%arg10 : memref<64x128xf32, #tpu.memory_space<vmem>>) offsets(%dma_start3A_137 : memref<64xi32, #tpu.memory_space<vmem>>) semaphore(%arg16 : memref<!tpu.dma_semaphore, #tpu.memory_space<semaphore_mem>>)
        } else {
        }
        %mul3A_82 = arith.constant 5 : i32
        %mul3A_83 = arith.muli %scan3A_52, %mul3A_82 : i32
        %add3A_84 = arith.constant 2 : i32
        %add3A_85 = arith.addi %mul3A_83, %add3A_84 : i32
        %dma_wait3A_86 = arith.constant 0 : i32
        %dma_wait3A_87 = tpu.memref_slice %arg7[%add3A_85, %dma_wait3A_86] : memref<20x64xi32, #tpu.memory_space<vmem>> -> memref<1x64xi32, #tpu.memory_space<vmem>>
        %dma_wait3A_88 = tpu.memref_squeeze %dma_wait3A_87 : memref<1x64xi32, #tpu.memory_space<vmem>> -> memref<64xi32, #tpu.memory_space<vmem>>
        %dma_wait3A_89 = arith.constant 0 : i32
        %dma_wait3A_90 = arith.constant 0 : i32
        %dma_wait3A_91 = tpu.memref_slice %arg2[%dma_wait3A_89, %dma_wait3A_90] : memref<60000x128xf32, #tpu.memory_space<hbm>> -> memref<60000x128xf32, #tpu.memory_space<hbm>>
        tpu.wait_indirect_dma semaphore(%arg17 : memref<!tpu.dma_semaphore, #tpu.memory_space<semaphore_mem>>) src(%dma_wait3A_91 : memref<60000x128xf32, #tpu.memory_space<hbm>>) dst(%arg11 : memref<64x128xf32, #tpu.memory_space<vmem>>)
        "tpu.region"() ({
          %run_scoped3A = tpu.sem_alloc : memref<!tpu.dma_semaphore, #tpu.memory_space<semaphore_mem>>
          %dma_start3A_133 = arith.constant 0 : i32
          %dma_start3A_134 = tpu.memref_slice %arg8[%add3A_85, %dma_start3A_133] : memref<20x64xi32, #tpu.memory_space<vmem>> -> memref<1x64xi32, #tpu.memory_space<vmem>>
          %dma_start3A_135 = tpu.memref_squeeze %dma_start3A_134 : memref<1x64xi32, #tpu.memory_space<vmem>> -> memref<64xi32, #tpu.memory_space<vmem>>
          %dma_start3A_136 = arith.constant 0 : i32
          %dma_start3A_137 = arith.constant 0 : i32
          %dma_start3A_138 = tpu.memref_slice %arg14[%dma_start3A_136, %dma_start3A_137] : memref<10112x128xf32, #tpu.memory_space<vmem_shared>> -> memref<10112x128xf32, #tpu.memory_space<vmem_shared>>
          tpu.enqueue_indirect_dma source(%arg11 : memref<64x128xf32, #tpu.memory_space<vmem>>) target(%dma_start3A_138 : memref<10112x128xf32, #tpu.memory_space<vmem_shared>>) offsets(%dma_start3A_135 : memref<64xi32, #tpu.memory_space<vmem>>) semaphore(%run_scoped3A : memref<!tpu.dma_semaphore, #tpu.memory_space<semaphore_mem>>) {add = true}
          %dma_wait3A_139 = arith.constant 0 : i32
          %dma_wait3A_140 = tpu.memref_slice %arg8[%add3A_85, %dma_wait3A_139] : memref<20x64xi32, #tpu.memory_space<vmem>> -> memref<1x64xi32, #tpu.memory_space<vmem>>
          %dma_wait3A_141 = tpu.memref_squeeze %dma_wait3A_140 : memref<1x64xi32, #tpu.memory_space<vmem>> -> memref<64xi32, #tpu.memory_space<vmem>>
          %dma_wait3A_142 = arith.constant 0 : i32
          %dma_wait3A_143 = arith.constant 0 : i32
          %dma_wait3A_144 = tpu.memref_slice %arg14[%dma_wait3A_142, %dma_wait3A_143] : memref<10112x128xf32, #tpu.memory_space<vmem_shared>> -> memref<10112x128xf32, #tpu.memory_space<vmem_shared>>
          tpu.wait_indirect_dma semaphore(%run_scoped3A : memref<!tpu.dma_semaphore, #tpu.memory_space<semaphore_mem>>) src(%arg11 : memref<64x128xf32, #tpu.memory_space<vmem>>) dst(%dma_wait3A_144 : memref<10112x128xf32, #tpu.memory_space<vmem_shared>>)
          tpu.yield
        }) : () -> ()
        %add3A_92 = arith.constant 5 : i32
        %add3A_93 = arith.addi %add3A_85, %add3A_92 : i32
        %lt3A_94 = arith.constant 20 : i32
        %lt3A_95 = arith.cmpi slt, %add3A_93, %lt3A_94 : i32
        %convert_element_type3A_96 = arith.extui %lt3A_95 : i1 to i32
        %cond3A_97 = arith.constant 0 : i32
        %cond3A_98 = arith.cmpi ne, %convert_element_type3A_96, %cond3A_97 : i32
        scf.if %cond3A_98 {
          %add3A_133 = arith.constant 5 : i32
          %add3A_134 = arith.addi %add3A_85, %add3A_133 : i32
          %dma_start3A_135 = arith.constant 0 : i32
          %dma_start3A_136 = tpu.memref_slice %arg7[%add3A_134, %dma_start3A_135] : memref<20x64xi32, #tpu.memory_space<vmem>> -> memref<1x64xi32, #tpu.memory_space<vmem>>
          %dma_start3A_137 = tpu.memref_squeeze %dma_start3A_136 : memref<1x64xi32, #tpu.memory_space<vmem>> -> memref<64xi32, #tpu.memory_space<vmem>>
          %dma_start3A_138 = arith.constant 0 : i32
          %dma_start3A_139 = arith.constant 0 : i32
          %dma_start3A_140 = tpu.memref_slice %arg2[%dma_start3A_138, %dma_start3A_139] : memref<60000x128xf32, #tpu.memory_space<hbm>> -> memref<60000x128xf32, #tpu.memory_space<hbm>>
          tpu.enqueue_indirect_dma source(%dma_start3A_140 : memref<60000x128xf32, #tpu.memory_space<hbm>>) target(%arg11 : memref<64x128xf32, #tpu.memory_space<vmem>>) offsets(%dma_start3A_137 : memref<64xi32, #tpu.memory_space<vmem>>) semaphore(%arg17 : memref<!tpu.dma_semaphore, #tpu.memory_space<semaphore_mem>>)
        } else {
        }
        %mul3A_99 = arith.constant 5 : i32
        %mul3A_100 = arith.muli %scan3A_52, %mul3A_99 : i32
        %add3A_101 = arith.constant 3 : i32
        %add3A_102 = arith.addi %mul3A_100, %add3A_101 : i32
        %dma_wait3A_103 = arith.constant 0 : i32
        %dma_wait3A_104 = tpu.memref_slice %arg7[%add3A_102, %dma_wait3A_103] : memref<20x64xi32, #tpu.memory_space<vmem>> -> memref<1x64xi32, #tpu.memory_space<vmem>>
        %dma_wait3A_105 = tpu.memref_squeeze %dma_wait3A_104 : memref<1x64xi32, #tpu.memory_space<vmem>> -> memref<64xi32, #tpu.memory_space<vmem>>
        %dma_wait3A_106 = arith.constant 0 : i32
        %dma_wait3A_107 = arith.constant 0 : i32
        %dma_wait3A_108 = tpu.memref_slice %arg2[%dma_wait3A_106, %dma_wait3A_107] : memref<60000x128xf32, #tpu.memory_space<hbm>> -> memref<60000x128xf32, #tpu.memory_space<hbm>>
        tpu.wait_indirect_dma semaphore(%arg18 : memref<!tpu.dma_semaphore, #tpu.memory_space<semaphore_mem>>) src(%dma_wait3A_108 : memref<60000x128xf32, #tpu.memory_space<hbm>>) dst(%arg12 : memref<64x128xf32, #tpu.memory_space<vmem>>)
        "tpu.region"() ({
          %run_scoped3A = tpu.sem_alloc : memref<!tpu.dma_semaphore, #tpu.memory_space<semaphore_mem>>
          %dma_start3A_133 = arith.constant 0 : i32
          %dma_start3A_134 = tpu.memref_slice %arg8[%add3A_102, %dma_start3A_133] : memref<20x64xi32, #tpu.memory_space<vmem>> -> memref<1x64xi32, #tpu.memory_space<vmem>>
          %dma_start3A_135 = tpu.memref_squeeze %dma_start3A_134 : memref<1x64xi32, #tpu.memory_space<vmem>> -> memref<64xi32, #tpu.memory_space<vmem>>
          %dma_start3A_136 = arith.constant 0 : i32
          %dma_start3A_137 = arith.constant 0 : i32
          %dma_start3A_138 = tpu.memref_slice %arg14[%dma_start3A_136, %dma_start3A_137] : memref<10112x128xf32, #tpu.memory_space<vmem_shared>> -> memref<10112x128xf32, #tpu.memory_space<vmem_shared>>
          tpu.enqueue_indirect_dma source(%arg12 : memref<64x128xf32, #tpu.memory_space<vmem>>) target(%dma_start3A_138 : memref<10112x128xf32, #tpu.memory_space<vmem_shared>>) offsets(%dma_start3A_135 : memref<64xi32, #tpu.memory_space<vmem>>) semaphore(%run_scoped3A : memref<!tpu.dma_semaphore, #tpu.memory_space<semaphore_mem>>) {add = true}
          %dma_wait3A_139 = arith.constant 0 : i32
          %dma_wait3A_140 = tpu.memref_slice %arg8[%add3A_102, %dma_wait3A_139] : memref<20x64xi32, #tpu.memory_space<vmem>> -> memref<1x64xi32, #tpu.memory_space<vmem>>
          %dma_wait3A_141 = tpu.memref_squeeze %dma_wait3A_140 : memref<1x64xi32, #tpu.memory_space<vmem>> -> memref<64xi32, #tpu.memory_space<vmem>>
          %dma_wait3A_142 = arith.constant 0 : i32
          %dma_wait3A_143 = arith.constant 0 : i32
          %dma_wait3A_144 = tpu.memref_slice %arg14[%dma_wait3A_142, %dma_wait3A_143] : memref<10112x128xf32, #tpu.memory_space<vmem_shared>> -> memref<10112x128xf32, #tpu.memory_space<vmem_shared>>
          tpu.wait_indirect_dma semaphore(%run_scoped3A : memref<!tpu.dma_semaphore, #tpu.memory_space<semaphore_mem>>) src(%arg12 : memref<64x128xf32, #tpu.memory_space<vmem>>) dst(%dma_wait3A_144 : memref<10112x128xf32, #tpu.memory_space<vmem_shared>>)
          tpu.yield
        }) : () -> ()
        %add3A_109 = arith.constant 5 : i32
        %add3A_110 = arith.addi %add3A_102, %add3A_109 : i32
        %lt3A_111 = arith.constant 20 : i32
        %lt3A_112 = arith.cmpi slt, %add3A_110, %lt3A_111 : i32
        %convert_element_type3A_113 = arith.extui %lt3A_112 : i1 to i32
        %cond3A_114 = arith.constant 0 : i32
        %cond3A_115 = arith.cmpi ne, %convert_element_type3A_113, %cond3A_114 : i32
        scf.if %cond3A_115 {
          %add3A_133 = arith.constant 5 : i32
          %add3A_134 = arith.addi %add3A_102, %add3A_133 : i32
          %dma_start3A_135 = arith.constant 0 : i32
          %dma_start3A_136 = tpu.memref_slice %arg7[%add3A_134, %dma_start3A_135] : memref<20x64xi32, #tpu.memory_space<vmem>> -> memref<1x64xi32, #tpu.memory_space<vmem>>
          %dma_start3A_137 = tpu.memref_squeeze %dma_start3A_136 : memref<1x64xi32, #tpu.memory_space<vmem>> -> memref<64xi32, #tpu.memory_space<vmem>>
          %dma_start3A_138 = arith.constant 0 : i32
          %dma_start3A_139 = arith.constant 0 : i32
          %dma_start3A_140 = tpu.memref_slice %arg2[%dma_start3A_138, %dma_start3A_139] : memref<60000x128xf32, #tpu.memory_space<hbm>> -> memref<60000x128xf32, #tpu.memory_space<hbm>>
          tpu.enqueue_indirect_dma source(%dma_start3A_140 : memref<60000x128xf32, #tpu.memory_space<hbm>>) target(%arg12 : memref<64x128xf32, #tpu.memory_space<vmem>>) offsets(%dma_start3A_137 : memref<64xi32, #tpu.memory_space<vmem>>) semaphore(%arg18 : memref<!tpu.dma_semaphore, #tpu.memory_space<semaphore_mem>>)
        } else {
        }
        %mul3A_116 = arith.constant 5 : i32
        %mul3A_117 = arith.muli %scan3A_52, %mul3A_116 : i32
        %add3A_118 = arith.constant 4 : i32
        %add3A_119 = arith.addi %mul3A_117, %add3A_118 : i32
        %dma_wait3A_120 = arith.constant 0 : i32
        %dma_wait3A_121 = tpu.memref_slice %arg7[%add3A_119, %dma_wait3A_120] : memref<20x64xi32, #tpu.memory_space<vmem>> -> memref<1x64xi32, #tpu.memory_space<vmem>>
        %dma_wait3A_122 = tpu.memref_squeeze %dma_wait3A_121 : memref<1x64xi32, #tpu.memory_space<vmem>> -> memref<64xi32, #tpu.memory_space<vmem>>
        %dma_wait3A_123 = arith.constant 0 : i32
        %dma_wait3A_124 = arith.constant 0 : i32
        %dma_wait3A_125 = tpu.memref_slice %arg2[%dma_wait3A_123, %dma_wait3A_124] : memref<60000x128xf32, #tpu.memory_space<hbm>> -> memref<60000x128xf32, #tpu.memory_space<hbm>>
        tpu.wait_indirect_dma semaphore(%arg19 : memref<!tpu.dma_semaphore, #tpu.memory_space<semaphore_mem>>) src(%dma_wait3A_125 : memref<60000x128xf32, #tpu.memory_space<hbm>>) dst(%arg13 : memref<64x128xf32, #tpu.memory_space<vmem>>)
        "tpu.region"() ({
          %run_scoped3A = tpu.sem_alloc : memref<!tpu.dma_semaphore, #tpu.memory_space<semaphore_mem>>
          %dma_start3A_133 = arith.constant 0 : i32
          %dma_start3A_134 = tpu.memref_slice %arg8[%add3A_119, %dma_start3A_133] : memref<20x64xi32, #tpu.memory_space<vmem>> -> memref<1x64xi32, #tpu.memory_space<vmem>>
          %dma_start3A_135 = tpu.memref_squeeze %dma_start3A_134 : memref<1x64xi32, #tpu.memory_space<vmem>> -> memref<64xi32, #tpu.memory_space<vmem>>
          %dma_start3A_136 = arith.constant 0 : i32
          %dma_start3A_137 = arith.constant 0 : i32
          %dma_start3A_138 = tpu.memref_slice %arg14[%dma_start3A_136, %dma_start3A_137] : memref<10112x128xf32, #tpu.memory_space<vmem_shared>> -> memref<10112x128xf32, #tpu.memory_space<vmem_shared>>
          tpu.enqueue_indirect_dma source(%arg13 : memref<64x128xf32, #tpu.memory_space<vmem>>) target(%dma_start3A_138 : memref<10112x128xf32, #tpu.memory_space<vmem_shared>>) offsets(%dma_start3A_135 : memref<64xi32, #tpu.memory_space<vmem>>) semaphore(%run_scoped3A : memref<!tpu.dma_semaphore, #tpu.memory_space<semaphore_mem>>) {add = true}
          %dma_wait3A_139 = arith.constant 0 : i32
          %dma_wait3A_140 = tpu.memref_slice %arg8[%add3A_119, %dma_wait3A_139] : memref<20x64xi32, #tpu.memory_space<vmem>> -> memref<1x64xi32, #tpu.memory_space<vmem>>
          %dma_wait3A_141 = tpu.memref_squeeze %dma_wait3A_140 : memref<1x64xi32, #tpu.memory_space<vmem>> -> memref<64xi32, #tpu.memory_space<vmem>>
          %dma_wait3A_142 = arith.constant 0 : i32
          %dma_wait3A_143 = arith.constant 0 : i32
          %dma_wait3A_144 = tpu.memref_slice %arg14[%dma_wait3A_142, %dma_wait3A_143] : memref<10112x128xf32, #tpu.memory_space<vmem_shared>> -> memref<10112x128xf32, #tpu.memory_space<vmem_shared>>
          tpu.wait_indirect_dma semaphore(%run_scoped3A : memref<!tpu.dma_semaphore, #tpu.memory_space<semaphore_mem>>) src(%arg13 : memref<64x128xf32, #tpu.memory_space<vmem>>) dst(%dma_wait3A_144 : memref<10112x128xf32, #tpu.memory_space<vmem_shared>>)
          tpu.yield
        }) : () -> ()
        %add3A_126 = arith.constant 5 : i32
        %add3A_127 = arith.addi %add3A_119, %add3A_126 : i32
        %lt3A_128 = arith.constant 20 : i32
        %lt3A_129 = arith.cmpi slt, %add3A_127, %lt3A_128 : i32
        %convert_element_type3A_130 = arith.extui %lt3A_129 : i1 to i32
        %cond3A_131 = arith.constant 0 : i32
        %cond3A_132 = arith.cmpi ne, %convert_element_type3A_130, %cond3A_131 : i32
        scf.if %cond3A_132 {
          %add3A_133 = arith.constant 5 : i32
          %add3A_134 = arith.addi %add3A_119, %add3A_133 : i32
          %dma_start3A_135 = arith.constant 0 : i32
          %dma_start3A_136 = tpu.memref_slice %arg7[%add3A_134, %dma_start3A_135] : memref<20x64xi32, #tpu.memory_space<vmem>> -> memref<1x64xi32, #tpu.memory_space<vmem>>
          %dma_start3A_137 = tpu.memref_squeeze %dma_start3A_136 : memref<1x64xi32, #tpu.memory_space<vmem>> -> memref<64xi32, #tpu.memory_space<vmem>>
          %dma_start3A_138 = arith.constant 0 : i32
          %dma_start3A_139 = arith.constant 0 : i32
          %dma_start3A_140 = tpu.memref_slice %arg2[%dma_start3A_138, %dma_start3A_139] : memref<60000x128xf32, #tpu.memory_space<hbm>> -> memref<60000x128xf32, #tpu.memory_space<hbm>>
          tpu.enqueue_indirect_dma source(%dma_start3A_140 : memref<60000x128xf32, #tpu.memory_space<hbm>>) target(%arg13 : memref<64x128xf32, #tpu.memory_space<vmem>>) offsets(%dma_start3A_137 : memref<64xi32, #tpu.memory_space<vmem>>) semaphore(%arg19 : memref<!tpu.dma_semaphore, #tpu.memory_space<semaphore_mem>>)
        } else {
        }
      }
      %scan3A_51 = arith.constant 4 : i32
    }
    %scan3A_5 = arith.constant 8 : i32
    %barrier3A_6 = arith.constant 0 : index
    tpu.barrier barrier_id(%barrier3A_6)
    %mul3A_7 = arith.constant 632 : i32
    %mul3A_8 = arith.muli %arg1, %mul3A_7 : i32
    %mul3A_9 = arith.constant 632 : i32
    %mul3A_10 = arith.muli %arg1, %mul3A_9 : i32
    "tpu.region"() ({
      %run_scoped3A = tpu.sem_alloc : memref<!tpu.dma_semaphore, #tpu.memory_space<semaphore_mem>>
      %dma_start3A = arith.constant 0 : i32
      %dma_start3A_11 = tpu.memref_slice %arg6[%arg0, %mul3A_10, %dma_start3A] : memref<2x10112x128xf32, #tpu.memory_space<hbm>> -> memref<1x632x128xf32, #tpu.memory_space<hbm>>
      %dma_start3A_12 = tpu.memref_squeeze %dma_start3A_11 : memref<1x632x128xf32, #tpu.memory_space<hbm>> -> memref<632x128xf32, #tpu.memory_space<hbm>>
      %dma_start3A_13 = arith.constant 0 : i32
      %dma_start3A_14 = tpu.memref_slice %arg14[%mul3A_8, %dma_start3A_13] : memref<10112x128xf32, #tpu.memory_space<vmem_shared>> -> memref<632x128xf32, #tpu.memory_space<vmem_shared>>
      tpu.enqueue_dma source(%dma_start3A_14 : memref<632x128xf32, #tpu.memory_space<vmem_shared>>) target(%dma_start3A_12 : memref<632x128xf32, #tpu.memory_space<hbm>>) target_semaphore(%run_scoped3A : memref<!tpu.dma_semaphore, #tpu.memory_space<semaphore_mem>>)
      %dma_wait3A = arith.constant 0 : i32
      %dma_wait3A_15 = tpu.memref_slice %arg6[%arg0, %mul3A_10, %dma_wait3A] : memref<2x10112x128xf32, #tpu.memory_space<hbm>> -> memref<1x632x128xf32, #tpu.memory_space<hbm>>
      %dma_wait3A_16 = tpu.memref_squeeze %dma_wait3A_15 : memref<1x632x128xf32, #tpu.memory_space<hbm>> -> memref<632x128xf32, #tpu.memory_space<hbm>>
      %dma_wait3A_17 = arith.constant 0 : i32
      %dma_wait3A_18 = tpu.memref_slice %arg14[%mul3A_8, %dma_wait3A_17] : memref<10112x128xf32, #tpu.memory_space<vmem_shared>> -> memref<632x128xf32, #tpu.memory_space<vmem_shared>>
      tpu.wait_dma2 semaphore(%run_scoped3A : memref<!tpu.dma_semaphore, #tpu.memory_space<semaphore_mem>>) src(%dma_wait3A_18 : memref<632x128xf32, #tpu.memory_space<vmem_shared>>) dst(%dma_wait3A_16 : memref<632x128xf32, #tpu.memory_space<hbm>>)
      tpu.yield
    }) : () -> ()
    return
  }
}

module attributes {stable_mosaic.version = 14 : i64} {
  func.func @_tr_body(%arg0: i32, %arg1: memref<1000x256xf32, #tpu.memory_space<vmem>>, %arg2: memref<256x768xf32, #tpu.memory_space<vmem>>, %arg3: memref<3x1000x256xf32, #tpu.memory_space<vmem>>) attributes {dimension_semantics = [#tpu.dimension_semantics<arbitrary>], iteration_bounds = array<i64: 10>, scalar_prefetch = 0 : i64, scratch_operands = 0 : i64, tpu.core_type = #tpu.core_type<tc>, window_params = [{transform_indices = @transform_0, window_bounds = array<i64: 1000, 256>}, {pipeline_mode = #tpu.pipeline_mode<synchronous>, transform_indices = @transform_1, window_bounds = array<i64: 256, 768>}, {transform_indices = @transform_2, window_bounds = array<i64: 3, 1000, 256>}]} {
    %get3A = arith.constant 0 : index
    %get3A_0 = arith.constant 0 : index
    %get3A_1 = vector.load %arg1[%get3A, %get3A_0] : memref<1000x256xf32, #tpu.memory_space<vmem>>, vector<1000x256xf32>
    %get3A_2 = arith.constant 0 : index
    %get3A_3 = arith.constant 0 : index
    %get3A_4 = vector.load %arg2[%get3A_2, %get3A_3] : memref<256x768xf32, #tpu.memory_space<vmem>>, vector<256x768xf32>
    %dot_general3A = arith.constant dense<0.000000e+00> : vector<1000x768xf32>
    %dot_general3A_5 = tpu.matmul %get3A_1, %get3A_4, %dot_general3A {dimension_numbers = #tpu.dot_dimension_numbers<[1], [0], [0], [1], [0, 0, 1, 1], [], []>, transpose_lhs_hint = false} : vector<1000x256xf32>, vector<256x768xf32>, vector<1000x768xf32> -> vector<1000x768xf32>
    %slice3A = vector.extract_strided_slice %dot_general3A_5 {offsets = [0, 0], sizes = [1000, 256], strides = [1, 1]} : vector<1000x768xf32> to vector<1000x256xf32>
    %swap3A = arith.constant 0 : index
    %swap3A_6 = arith.constant 0 : index
    %swap3A_7 = arith.constant 0 : index
    %swap3A_8 = vector.load %arg3[%swap3A, %swap3A_6, %swap3A_7] : memref<3x1000x256xf32, #tpu.memory_space<vmem>>, vector<1x1000x256xf32>
    %swap3A_9 = vector.shape_cast %swap3A_8 : vector<1x1000x256xf32> to vector<1000x256xf32>
    %swap3A_10 = vector.shape_cast %slice3A : vector<1000x256xf32> to vector<1x1000x256xf32>
    tpu.vector_store %arg3[%swap3A, %swap3A_6, %swap3A_7], %swap3A_10 {strides = array<i32>} : memref<3x1000x256xf32, #tpu.memory_space<vmem>>, vector<1x1000x256xf32>,
    %slice3A_11 = vector.extract_strided_slice %dot_general3A_5 {offsets = [0, 256], sizes = [1000, 256], strides = [1, 1]} : vector<1000x768xf32> to vector<1000x256xf32>
    %swap3A_12 = arith.constant 1 : index
    %swap3A_13 = arith.constant 0 : index
    %swap3A_14 = arith.constant 0 : index
    %swap3A_15 = vector.load %arg3[%swap3A_12, %swap3A_13, %swap3A_14] : memref<3x1000x256xf32, #tpu.memory_space<vmem>>, vector<1x1000x256xf32>
    %swap3A_16 = vector.shape_cast %swap3A_15 : vector<1x1000x256xf32> to vector<1000x256xf32>
    %swap3A_17 = vector.shape_cast %slice3A_11 : vector<1000x256xf32> to vector<1x1000x256xf32>
    tpu.vector_store %arg3[%swap3A_12, %swap3A_13, %swap3A_14], %swap3A_17 {strides = array<i32>} : memref<3x1000x256xf32, #tpu.memory_space<vmem>>, vector<1x1000x256xf32>,
    %slice3A_18 = vector.extract_strided_slice %dot_general3A_5 {offsets = [0, 512], sizes = [1000, 256], strides = [1, 1]} : vector<1000x768xf32> to vector<1000x256xf32>
    %swap3A_19 = arith.constant 2 : index
    %swap3A_20 = arith.constant 0 : index
    %swap3A_21 = arith.constant 0 : index
    %swap3A_22 = vector.load %arg3[%swap3A_19, %swap3A_20, %swap3A_21] : memref<3x1000x256xf32, #tpu.memory_space<vmem>>, vector<1x1000x256xf32>
    %swap3A_23 = vector.shape_cast %swap3A_22 : vector<1x1000x256xf32> to vector<1000x256xf32>
    %swap3A_24 = vector.shape_cast %slice3A_18 : vector<1000x256xf32> to vector<1x1000x256xf32>
    tpu.vector_store %arg3[%swap3A_19, %swap3A_20, %swap3A_21], %swap3A_24 {strides = array<i32>} : memref<3x1000x256xf32, #tpu.memory_space<vmem>>, vector<1x1000x256xf32>,
    return
  }
  func.func @transform_0(%arg0: i32) -> (i32, i32) {
    %c0_i32 = arith.constant 0 : i32
    %c0_i32_0 = arith.constant 0 : i32
    return %arg0, %c0_i32 : i32, i32
  }
  func.func @transform_1(%arg0: i32) -> (i32, i32) {
    %c0_i32 = arith.constant 0 : i32
    %c0_i32_0 = arith.constant 0 : i32
    %c0_i32_1 = arith.constant 0 : i32
    return %c0_i32, %c0_i32_0 : i32, i32
  }
  func.func @transform_2(%arg0: i32) -> (i32, i32, i32) {
    %c0_i32 = arith.constant 0 : i32
    %c0_i32_0 = arith.constant 0 : i32
    %c0_i32_1 = arith.constant 0 : i32
    return %c0_i32, %arg0, %c0_i32_0 : i32, i32, i32
  }
}

module attributes {stable_mosaic.version = 14 : i64} {
  func.func @_step_body(%arg0: i32, %arg1: memref<2x1000x128xf32, #tpu.memory_space<vmem>>, %arg2: memref<1000x256xf32, #tpu.memory_space<vmem>>, %arg3: memref<256x768xf32, #tpu.memory_space<vmem>>, %arg4: memref<256x768xf32, #tpu.memory_space<vmem>>, %arg5: memref<1x768xf32, #tpu.memory_space<vmem>>, %arg6: memref<1x768xf32, #tpu.memory_space<vmem>>, %arg7: memref<256x768xf32, #tpu.memory_space<vmem>>, %arg8: memref<1000x256xf32, #tpu.memory_space<vmem>>, %arg9: memref<3x1000x256xf32, #tpu.memory_space<vmem>>) attributes {dimension_semantics = [#tpu.dimension_semantics<arbitrary>], iteration_bounds = array<i64: 10>, scalar_prefetch = 0 : i64, scratch_operands = 0 : i64, tpu.core_type = #tpu.core_type<tc>, window_params = [{transform_indices = @transform_0, window_bounds = array<i64: 2, 1000, 128>}, {transform_indices = @transform_1, window_bounds = array<i64: 1000, 256>}, {pipeline_mode = #tpu.pipeline_mode<synchronous>, transform_indices = @transform_2, window_bounds = array<i64: 256, 768>}, {pipeline_mode = #tpu.pipeline_mode<synchronous>, transform_indices = @transform_3, window_bounds = array<i64: 256, 768>}, {pipeline_mode = #tpu.pipeline_mode<synchronous>, transform_indices = @transform_4, window_bounds = array<i64: 1, 768>}, {pipeline_mode = #tpu.pipeline_mode<synchronous>, transform_indices = @transform_5, window_bounds = array<i64: 1, 768>}, {pipeline_mode = #tpu.pipeline_mode<synchronous>, transform_indices = @transform_6, window_bounds = array<i64: 256, 768>}, {transform_indices = @transform_7, window_bounds = array<i64: 1000, 256>}, {transform_indices = @transform_8, window_bounds = array<i64: 3, 1000, 256>}]} {
    %get3A = arith.constant 0 : index
    %get3A_0 = arith.constant 0 : index
    %get3A_1 = arith.constant 0 : index
    %get3A_2 = vector.load %arg1[%get3A, %get3A_0, %get3A_1] : memref<2x1000x128xf32, #tpu.memory_space<vmem>>, vector<1x1000x128xf32>
    %get3A_3 = vector.shape_cast %get3A_2 : vector<1x1000x128xf32> to vector<1000x128xf32>
    %get3A_4 = arith.constant 0 : index
    %get3A_5 = arith.constant 0 : index
    %get3A_6 = vector.load %arg3[%get3A_4, %get3A_5] : memref<256x768xf32, #tpu.memory_space<vmem>>, vector<128x768xf32>
    %dot_general3A = arith.constant dense<0.000000e+00> : vector<1000x768xf32>
    %dot_general3A_7 = tpu.matmul %get3A_3, %get3A_6, %dot_general3A {dimension_numbers = #tpu.dot_dimension_numbers<[1], [0], [0], [1], [0, 0, 1, 1], [], []>, transpose_lhs_hint = false} : vector<1000x128xf32>, vector<128x768xf32>, vector<1000x768xf32> -> vector<1000x768xf32>
    %get3A_8 = arith.constant 1 : index
    %get3A_9 = arith.constant 0 : index
    %get3A_10 = arith.constant 0 : index
    %get3A_11 = vector.load %arg1[%get3A_8, %get3A_9, %get3A_10] : memref<2x1000x128xf32, #tpu.memory_space<vmem>>, vector<1x1000x128xf32>
    %get3A_12 = vector.shape_cast %get3A_11 : vector<1x1000x128xf32> to vector<1000x128xf32>
    %get3A_13 = arith.constant 128 : index
    %get3A_14 = arith.constant 0 : index
    %get3A_15 = vector.load %arg3[%get3A_13, %get3A_14] : memref<256x768xf32, #tpu.memory_space<vmem>>, vector<128x768xf32>
    %dot_general3A_16 = arith.constant dense<0.000000e+00> : vector<1000x768xf32>
    %dot_general3A_17 = tpu.matmul %get3A_12, %get3A_15, %dot_general3A_16 {dimension_numbers = #tpu.dot_dimension_numbers<[1], [0], [0], [1], [0, 0, 1, 1], [], []>, transpose_lhs_hint = false} : vector<1000x128xf32>, vector<128x768xf32>, vector<1000x768xf32> -> vector<1000x768xf32>
    %add3A = arith.addf %dot_general3A_7, %dot_general3A_17 : vector<1000x768xf32>
    %get3A_18 = arith.constant 0 : index
    %get3A_19 = arith.constant 0 : index
    %get3A_20 = vector.load %arg5[%get3A_18, %get3A_19] : memref<1x768xf32, #tpu.memory_space<vmem>>, vector<1x768xf32>
    %add3A_21 = vector.broadcast %get3A_20 : vector<1x768xf32> to vector<1000x768xf32>
    %add3A_22 = arith.addf %add3A, %add3A_21 : vector<1000x768xf32>
    %get3A_23 = arith.constant 0 : index
    %get3A_24 = arith.constant 0 : index
    %get3A_25 = vector.load %arg2[%get3A_23, %get3A_24] : memref<1000x256xf32, #tpu.memory_space<vmem>>, vector<1000x256xf32>
    %get3A_26 = arith.constant 0 : index
    %get3A_27 = arith.constant 0 : index
    %get3A_28 = vector.load %arg4[%get3A_26, %get3A_27] : memref<256x768xf32, #tpu.memory_space<vmem>>, vector<256x768xf32>
    %dot_general3A_29 = arith.constant dense<0.000000e+00> : vector<1000x768xf32>
    %dot_general3A_30 = tpu.matmul %get3A_25, %get3A_28, %dot_general3A_29 {dimension_numbers = #tpu.dot_dimension_numbers<[1], [0], [0], [1], [0, 0, 1, 1], [], []>, transpose_lhs_hint = false} : vector<1000x256xf32>, vector<256x768xf32>, vector<1000x768xf32> -> vector<1000x768xf32>
    %get3A_31 = arith.constant 0 : index
    %get3A_32 = arith.constant 0 : index
    %get3A_33 = vector.load %arg6[%get3A_31, %get3A_32] : memref<1x768xf32, #tpu.memory_space<vmem>>, vector<1x768xf32>
    %add3A_34 = vector.broadcast %get3A_33 : vector<1x768xf32> to vector<1000x768xf32>
    %add3A_35 = arith.addf %dot_general3A_30, %add3A_34 : vector<1000x768xf32>
    %slice3A = vector.extract_strided_slice %add3A_22 {offsets = [0, 0], sizes = [1000, 256], strides = [1, 1]} : vector<1000x768xf32> to vector<1000x256xf32>
    %slice3A_36 = vector.extract_strided_slice %add3A_35 {offsets = [0, 0], sizes = [1000, 256], strides = [1, 1]} : vector<1000x768xf32> to vector<1000x256xf32>
    %add3A_37 = arith.addf %slice3A, %slice3A_36 : vector<1000x256xf32>
    %logistic3A = arith.negf %add3A_37 : vector<1000x256xf32>
    %logistic3A_38 = math.exp %logistic3A : vector<1000x256xf32>
    %logistic3A_39 = arith.constant 1.000000e+00 : f32
    %logistic3A_40 = vector.broadcast %logistic3A_39 : f32 to vector<1000x256xf32>
    %logistic3A_41 = arith.addf %logistic3A_40, %logistic3A_38 : vector<1000x256xf32>
    %logistic3A_42 = arith.divf %logistic3A_40, %logistic3A_41 : vector<1000x256xf32>
    %slice3A_43 = vector.extract_strided_slice %add3A_22 {offsets = [0, 256], sizes = [1000, 256], strides = [1, 1]} : vector<1000x768xf32> to vector<1000x256xf32>
    %slice3A_44 = vector.extract_strided_slice %add3A_35 {offsets = [0, 256], sizes = [1000, 256], strides = [1, 1]} : vector<1000x768xf32> to vector<1000x256xf32>
    %add3A_45 = arith.addf %slice3A_43, %slice3A_44 : vector<1000x256xf32>
    %logistic3A_46 = arith.negf %add3A_45 : vector<1000x256xf32>
    %logistic3A_47 = math.exp %logistic3A_46 : vector<1000x256xf32>
    %logistic3A_48 = arith.constant 1.000000e+00 : f32
    %logistic3A_49 = vector.broadcast %logistic3A_48 : f32 to vector<1000x256xf32>
    %logistic3A_50 = arith.addf %logistic3A_49, %logistic3A_47 : vector<1000x256xf32>
    %logistic3A_51 = arith.divf %logistic3A_49, %logistic3A_50 : vector<1000x256xf32>
    %slice3A_52 = vector.extract_strided_slice %add3A_22 {offsets = [0, 512], sizes = [1000, 256], strides = [1, 1]} : vector<1000x768xf32> to vector<1000x256xf32>
    %slice3A_53 = vector.extract_strided_slice %add3A_35 {offsets = [0, 512], sizes = [1000, 256], strides = [1, 1]} : vector<1000x768xf32> to vector<1000x256xf32>
    %mul3A = arith.mulf %logistic3A_42, %slice3A_53 : vector<1000x256xf32>
    %add3A_54 = arith.addf %slice3A_52, %mul3A : vector<1000x256xf32>
    %tanh3A = math.tanh %add3A_54 : vector<1000x256xf32>
    %sub3A = arith.constant 1.000000e+00 : f32
    %sub3A_55 = vector.broadcast %sub3A : f32 to vector<1000x256xf32>
    %sub3A_56 = arith.subf %sub3A_55, %logistic3A_51 : vector<1000x256xf32>
    %mul3A_57 = arith.mulf %sub3A_56, %tanh3A : vector<1000x256xf32>
    %mul3A_58 = arith.mulf %logistic3A_51, %get3A_25 : vector<1000x256xf32>
    %add3A_59 = arith.addf %mul3A_57, %mul3A_58 : vector<1000x256xf32>
    %swap3A = arith.constant 0 : index
    %swap3A_60 = arith.constant 0 : index
    %swap3A_61 = vector.load %arg8[%swap3A, %swap3A_60] : memref<1000x256xf32, #tpu.memory_space<vmem>>, vector<1000x256xf32>
    tpu.vector_store %arg8[%swap3A, %swap3A_60], %add3A_59 {strides = array<i32>} : memref<1000x256xf32, #tpu.memory_space<vmem>>, vector<1000x256xf32>,
    %get3A_62 = arith.constant 0 : index
    %get3A_63 = arith.constant 0 : index
    %get3A_64 = vector.load %arg7[%get3A_62, %get3A_63] : memref<256x768xf32, #tpu.memory_space<vmem>>, vector<256x768xf32>
    %dot_general3A_65 = arith.constant dense<0.000000e+00> : vector<1000x768xf32>
    %dot_general3A_66 = tpu.matmul %add3A_59, %get3A_64, %dot_general3A_65 {dimension_numbers = #tpu.dot_dimension_numbers<[1], [0], [0], [1], [0, 0, 1, 1], [], []>, transpose_lhs_hint = false} : vector<1000x256xf32>, vector<256x768xf32>, vector<1000x768xf32> -> vector<1000x768xf32>
    %slice3A_67 = vector.extract_strided_slice %dot_general3A_66 {offsets = [0, 0], sizes = [1000, 256], strides = [1, 1]} : vector<1000x768xf32> to vector<1000x256xf32>
    %swap3A_68 = arith.constant 0 : index
    %swap3A_69 = arith.constant 0 : index
    %swap3A_70 = arith.constant 0 : index
    %swap3A_71 = vector.load %arg9[%swap3A_68, %swap3A_69, %swap3A_70] : memref<3x1000x256xf32, #tpu.memory_space<vmem>>, vector<1x1000x256xf32>
    %swap3A_72 = vector.shape_cast %swap3A_71 : vector<1x1000x256xf32> to vector<1000x256xf32>
    %swap3A_73 = vector.shape_cast %slice3A_67 : vector<1000x256xf32> to vector<1x1000x256xf32>
    tpu.vector_store %arg9[%swap3A_68, %swap3A_69, %swap3A_70], %swap3A_73 {strides = array<i32>} : memref<3x1000x256xf32, #tpu.memory_space<vmem>>, vector<1x1000x256xf32>,
    %slice3A_74 = vector.extract_strided_slice %dot_general3A_66 {offsets = [0, 256], sizes = [1000, 256], strides = [1, 1]} : vector<1000x768xf32> to vector<1000x256xf32>
    %swap3A_75 = arith.constant 1 : index
    %swap3A_76 = arith.constant 0 : index
    %swap3A_77 = arith.constant 0 : index
    %swap3A_78 = vector.load %arg9[%swap3A_75, %swap3A_76, %swap3A_77] : memref<3x1000x256xf32, #tpu.memory_space<vmem>>, vector<1x1000x256xf32>
    %swap3A_79 = vector.shape_cast %swap3A_78 : vector<1x1000x256xf32> to vector<1000x256xf32>
    %swap3A_80 = vector.shape_cast %slice3A_74 : vector<1000x256xf32> to vector<1x1000x256xf32>
    tpu.vector_store %arg9[%swap3A_75, %swap3A_76, %swap3A_77], %swap3A_80 {strides = array<i32>} : memref<3x1000x256xf32, #tpu.memory_space<vmem>>, vector<1x1000x256xf32>,
    %slice3A_81 = vector.extract_strided_slice %dot_general3A_66 {offsets = [0, 512], sizes = [1000, 256], strides = [1, 1]} : vector<1000x768xf32> to vector<1000x256xf32>
    %swap3A_82 = arith.constant 2 : index
    %swap3A_83 = arith.constant 0 : index
    %swap3A_84 = arith.constant 0 : index
    %swap3A_85 = vector.load %arg9[%swap3A_82, %swap3A_83, %swap3A_84] : memref<3x1000x256xf32, #tpu.memory_space<vmem>>, vector<1x1000x256xf32>
    %swap3A_86 = vector.shape_cast %swap3A_85 : vector<1x1000x256xf32> to vector<1000x256xf32>
    %swap3A_87 = vector.shape_cast %slice3A_81 : vector<1000x256xf32> to vector<1x1000x256xf32>
    tpu.vector_store %arg9[%swap3A_82, %swap3A_83, %swap3A_84], %swap3A_87 {strides = array<i32>} : memref<3x1000x256xf32, #tpu.memory_space<vmem>>, vector<1x1000x256xf32>,
    return
  }
  func.func @transform_0(%arg0: i32) -> (i32, i32, i32) {
    %c0_i32 = arith.constant 0 : i32
    %c0_i32_0 = arith.constant 0 : i32
    %c0_i32_1 = arith.constant 0 : i32
    return %c0_i32, %arg0, %c0_i32_0 : i32, i32, i32
  }
  func.func @transform_1(%arg0: i32) -> (i32, i32) {
    %c0_i32 = arith.constant 0 : i32
    %c0_i32_0 = arith.constant 0 : i32
    return %arg0, %c0_i32 : i32, i32
  }
  func.func @transform_2(%arg0: i32) -> (i32, i32) {
    %c0_i32 = arith.constant 0 : i32
    %c0_i32_0 = arith.constant 0 : i32
    %c0_i32_1 = arith.constant 0 : i32
    return %c0_i32, %c0_i32_0 : i32, i32
  }
  func.func @transform_3(%arg0: i32) -> (i32, i32) {
    %c0_i32 = arith.constant 0 : i32
    %c0_i32_0 = arith.constant 0 : i32
    %c0_i32_1 = arith.constant 0 : i32
    return %c0_i32, %c0_i32_0 : i32, i32
  }
  func.func @transform_4(%arg0: i32) -> (i32, i32) {
    %c0_i32 = arith.constant 0 : i32
    %c0_i32_0 = arith.constant 0 : i32
    %c0_i32_1 = arith.constant 0 : i32
    return %c0_i32, %c0_i32_0 : i32, i32
  }
  func.func @transform_5(%arg0: i32) -> (i32, i32) {
    %c0_i32 = arith.constant 0 : i32
    %c0_i32_0 = arith.constant 0 : i32
    %c0_i32_1 = arith.constant 0 : i32
    return %c0_i32, %c0_i32_0 : i32, i32
  }
  func.func @transform_6(%arg0: i32) -> (i32, i32) {
    %c0_i32 = arith.constant 0 : i32
    %c0_i32_0 = arith.constant 0 : i32
    %c0_i32_1 = arith.constant 0 : i32
    return %c0_i32, %c0_i32_0 : i32, i32
  }
  func.func @transform_7(%arg0: i32) -> (i32, i32) {
    %c0_i32 = arith.constant 0 : i32
    %c0_i32_0 = arith.constant 0 : i32
    return %arg0, %c0_i32 : i32, i32
  }
  func.func @transform_8(%arg0: i32) -> (i32, i32, i32) {
    %c0_i32 = arith.constant 0 : i32
    %c0_i32_0 = arith.constant 0 : i32
    %c0_i32_1 = arith.constant 0 : i32
    return %c0_i32, %arg0, %c0_i32_0 : i32, i32, i32
  }
}

module attributes {stable_mosaic.version = 14 : i64} {
  func.func @_final_body(%arg0: i32, %arg1: memref<2x1000x128xf32, #tpu.memory_space<vmem>>, %arg2: memref<1000x256xf32, #tpu.memory_space<vmem>>, %arg3: memref<256x768xf32, #tpu.memory_space<vmem>>, %arg4: memref<256x768xf32, #tpu.memory_space<vmem>>, %arg5: memref<1x768xf32, #tpu.memory_space<vmem>>, %arg6: memref<1x768xf32, #tpu.memory_space<vmem>>, %arg7: memref<256x2xf32, #tpu.memory_space<vmem>>, %arg8: memref<1x2xf32, #tpu.memory_space<vmem>>, %arg9: memref<1x1000x1xi32, #tpu.memory_space<vmem>>, %arg10: memref<1x64xf32, #tpu.memory_space<vmem>>) attributes {dimension_semantics = [#tpu.dimension_semantics<arbitrary>], iteration_bounds = array<i64: 10>, scalar_prefetch = 0 : i64, scratch_operands = 0 : i64, tpu.core_type = #tpu.core_type<tc>, window_params = [{transform_indices = @transform_0, window_bounds = array<i64: 2, 1000, 128>}, {transform_indices = @transform_1, window_bounds = array<i64: 1000, 256>}, {pipeline_mode = #tpu.pipeline_mode<synchronous>, transform_indices = @transform_2, window_bounds = array<i64: 256, 768>}, {pipeline_mode = #tpu.pipeline_mode<synchronous>, transform_indices = @transform_3, window_bounds = array<i64: 256, 768>}, {pipeline_mode = #tpu.pipeline_mode<synchronous>, transform_indices = @transform_4, window_bounds = array<i64: 1, 768>}, {pipeline_mode = #tpu.pipeline_mode<synchronous>, transform_indices = @transform_5, window_bounds = array<i64: 1, 768>}, {pipeline_mode = #tpu.pipeline_mode<synchronous>, transform_indices = @transform_6, window_bounds = array<i64: 256, 2>}, {pipeline_mode = #tpu.pipeline_mode<synchronous>, transform_indices = @transform_7, window_bounds = array<i64: 1, 2>}, {transform_indices = @transform_8, window_bounds = array<i64: 1, 1000, 1>}, {pipeline_mode = #tpu.pipeline_mode<synchronous>, transform_indices = @transform_9, window_bounds = array<i64: 1, 64>}]} {
    %get3A = arith.constant 0 : index
    %get3A_0 = arith.constant 0 : index
    %get3A_1 = arith.constant 0 : index
    %get3A_2 = vector.load %arg1[%get3A, %get3A_0, %get3A_1] : memref<2x1000x128xf32, #tpu.memory_space<vmem>>, vector<1x1000x128xf32>
    %get3A_3 = vector.shape_cast %get3A_2 : vector<1x1000x128xf32> to vector<1000x128xf32>
    %get3A_4 = arith.constant 0 : index
    %get3A_5 = arith.constant 0 : index
    %get3A_6 = vector.load %arg3[%get3A_4, %get3A_5] : memref<256x768xf32, #tpu.memory_space<vmem>>, vector<128x768xf32>
    %dot_general3A = arith.constant dense<0.000000e+00> : vector<1000x768xf32>
    %dot_general3A_7 = tpu.matmul %get3A_3, %get3A_6, %dot_general3A {dimension_numbers = #tpu.dot_dimension_numbers<[1], [0], [0], [1], [0, 0, 1, 1], [], []>, transpose_lhs_hint = false} : vector<1000x128xf32>, vector<128x768xf32>, vector<1000x768xf32> -> vector<1000x768xf32>
    %get3A_8 = arith.constant 1 : index
    %get3A_9 = arith.constant 0 : index
    %get3A_10 = arith.constant 0 : index
    %get3A_11 = vector.load %arg1[%get3A_8, %get3A_9, %get3A_10] : memref<2x1000x128xf32, #tpu.memory_space<vmem>>, vector<1x1000x128xf32>
    %get3A_12 = vector.shape_cast %get3A_11 : vector<1x1000x128xf32> to vector<1000x128xf32>
    %get3A_13 = arith.constant 128 : index
    %get3A_14 = arith.constant 0 : index
    %get3A_15 = vector.load %arg3[%get3A_13, %get3A_14] : memref<256x768xf32, #tpu.memory_space<vmem>>, vector<128x768xf32>
    %dot_general3A_16 = arith.constant dense<0.000000e+00> : vector<1000x768xf32>
    %dot_general3A_17 = tpu.matmul %get3A_12, %get3A_15, %dot_general3A_16 {dimension_numbers = #tpu.dot_dimension_numbers<[1], [0], [0], [1], [0, 0, 1, 1], [], []>, transpose_lhs_hint = false} : vector<1000x128xf32>, vector<128x768xf32>, vector<1000x768xf32> -> vector<1000x768xf32>
    %add3A = arith.addf %dot_general3A_7, %dot_general3A_17 : vector<1000x768xf32>
    %get3A_18 = arith.constant 0 : index
    %get3A_19 = arith.constant 0 : index
    %get3A_20 = vector.load %arg5[%get3A_18, %get3A_19] : memref<1x768xf32, #tpu.memory_space<vmem>>, vector<1x768xf32>
    %add3A_21 = vector.broadcast %get3A_20 : vector<1x768xf32> to vector<1000x768xf32>
    %add3A_22 = arith.addf %add3A, %add3A_21 : vector<1000x768xf32>
    %get3A_23 = arith.constant 0 : index
    %get3A_24 = arith.constant 0 : index
    %get3A_25 = vector.load %arg2[%get3A_23, %get3A_24] : memref<1000x256xf32, #tpu.memory_space<vmem>>, vector<1000x256xf32>
    %get3A_26 = arith.constant 0 : index
    %get3A_27 = arith.constant 0 : index
    %get3A_28 = vector.load %arg4[%get3A_26, %get3A_27] : memref<256x768xf32, #tpu.memory_space<vmem>>, vector<256x768xf32>
    %dot_general3A_29 = arith.constant dense<0.000000e+00> : vector<1000x768xf32>
    %dot_general3A_30 = tpu.matmul %get3A_25, %get3A_28, %dot_general3A_29 {dimension_numbers = #tpu.dot_dimension_numbers<[1], [0], [0], [1], [0, 0, 1, 1], [], []>, transpose_lhs_hint = false} : vector<1000x256xf32>, vector<256x768xf32>, vector<1000x768xf32> -> vector<1000x768xf32>
    %get3A_31 = arith.constant 0 : index
    %get3A_32 = arith.constant 0 : index
    %get3A_33 = vector.load %arg6[%get3A_31, %get3A_32] : memref<1x768xf32, #tpu.memory_space<vmem>>, vector<1x768xf32>
    %add3A_34 = vector.broadcast %get3A_33 : vector<1x768xf32> to vector<1000x768xf32>
    %add3A_35 = arith.addf %dot_general3A_30, %add3A_34 : vector<1000x768xf32>
    %slice3A = vector.extract_strided_slice %add3A_22 {offsets = [0, 0], sizes = [1000, 256], strides = [1, 1]} : vector<1000x768xf32> to vector<1000x256xf32>
    %slice3A_36 = vector.extract_strided_slice %add3A_35 {offsets = [0, 0], sizes = [1000, 256], strides = [1, 1]} : vector<1000x768xf32> to vector<1000x256xf32>
    %add3A_37 = arith.addf %slice3A, %slice3A_36 : vector<1000x256xf32>
    %logistic3A = arith.negf %add3A_37 : vector<1000x256xf32>
    %logistic3A_38 = math.exp %logistic3A : vector<1000x256xf32>
    %logistic3A_39 = arith.constant 1.000000e+00 : f32
    %logistic3A_40 = vector.broadcast %logistic3A_39 : f32 to vector<1000x256xf32>
    %logistic3A_41 = arith.addf %logistic3A_40, %logistic3A_38 : vector<1000x256xf32>
    %logistic3A_42 = arith.divf %logistic3A_40, %logistic3A_41 : vector<1000x256xf32>
    %slice3A_43 = vector.extract_strided_slice %add3A_22 {offsets = [0, 256], sizes = [1000, 256], strides = [1, 1]} : vector<1000x768xf32> to vector<1000x256xf32>
    %slice3A_44 = vector.extract_strided_slice %add3A_35 {offsets = [0, 256], sizes = [1000, 256], strides = [1, 1]} : vector<1000x768xf32> to vector<1000x256xf32>
    %add3A_45 = arith.addf %slice3A_43, %slice3A_44 : vector<1000x256xf32>
    %logistic3A_46 = arith.negf %add3A_45 : vector<1000x256xf32>
    %logistic3A_47 = math.exp %logistic3A_46 : vector<1000x256xf32>
    %logistic3A_48 = arith.constant 1.000000e+00 : f32
    %logistic3A_49 = vector.broadcast %logistic3A_48 : f32 to vector<1000x256xf32>
    %logistic3A_50 = arith.addf %logistic3A_49, %logistic3A_47 : vector<1000x256xf32>
    %logistic3A_51 = arith.divf %logistic3A_49, %logistic3A_50 : vector<1000x256xf32>
    %slice3A_52 = vector.extract_strided_slice %add3A_22 {offsets = [0, 512], sizes = [1000, 256], strides = [1, 1]} : vector<1000x768xf32> to vector<1000x256xf32>
    %slice3A_53 = vector.extract_strided_slice %add3A_35 {offsets = [0, 512], sizes = [1000, 256], strides = [1, 1]} : vector<1000x768xf32> to vector<1000x256xf32>
    %mul3A = arith.mulf %logistic3A_42, %slice3A_53 : vector<1000x256xf32>
    %add3A_54 = arith.addf %slice3A_52, %mul3A : vector<1000x256xf32>
    %tanh3A = math.tanh %add3A_54 : vector<1000x256xf32>
    %sub3A = arith.constant 1.000000e+00 : f32
    %sub3A_55 = vector.broadcast %sub3A : f32 to vector<1000x256xf32>
    %sub3A_56 = arith.subf %sub3A_55, %logistic3A_51 : vector<1000x256xf32>
    %mul3A_57 = arith.mulf %sub3A_56, %tanh3A : vector<1000x256xf32>
    %mul3A_58 = arith.mulf %logistic3A_51, %get3A_25 : vector<1000x256xf32>
    %add3A_59 = arith.addf %mul3A_57, %mul3A_58 : vector<1000x256xf32>
    %get3A_60 = arith.constant 0 : index
    %get3A_61 = arith.constant 0 : index
    %get3A_62 = vector.load %arg7[%get3A_60, %get3A_61] : memref<256x2xf32, #tpu.memory_space<vmem>>, vector<256x2xf32>
    %dot_general3A_63 = arith.constant dense<0.000000e+00> : vector<1000x2xf32>
    %dot_general3A_64 = tpu.matmul %add3A_59, %get3A_62, %dot_general3A_63 {dimension_numbers = #tpu.dot_dimension_numbers<[1], [0], [0], [1], [0, 0, 1, 1], [], []>, transpose_lhs_hint = false} : vector<1000x256xf32>, vector<256x2xf32>, vector<1000x2xf32> -> vector<1000x2xf32>
    %get3A_65 = arith.constant 0 : index
    %get3A_66 = arith.constant 0 : index
    %get3A_67 = vector.load %arg8[%get3A_65, %get3A_66] : memref<1x2xf32, #tpu.memory_space<vmem>>, vector<1x2xf32>
    %add3A_68 = vector.broadcast %get3A_67 : vector<1x2xf32> to vector<1000x2xf32>
    %add3A_69 = arith.addf %dot_general3A_64, %add3A_68 : vector<1000x2xf32>
    %slice3A_70 = vector.extract_strided_slice %add3A_69 {offsets = [0, 0], sizes = [1000, 1], strides = [1, 1]} : vector<1000x2xf32> to vector<1000x1xf32>
    %logistic3A_71 = arith.negf %slice3A_70 : vector<1000x1xf32>
    %logistic3A_72 = math.exp %logistic3A_71 : vector<1000x1xf32>
    %logistic3A_73 = arith.constant 1.000000e+00 : f32
    %logistic3A_74 = vector.broadcast %logistic3A_73 : f32 to vector<1000x1xf32>
    %logistic3A_75 = arith.addf %logistic3A_74, %logistic3A_72 : vector<1000x1xf32>
    %logistic3A_76 = arith.divf %logistic3A_74, %logistic3A_75 : vector<1000x1xf32>
    %slice3A_77 = vector.extract_strided_slice %add3A_69 {offsets = [0, 1], sizes = [1000, 1], strides = [1, 1]} : vector<1000x2xf32> to vector<1000x1xf32>
    %mul3A_78 = arith.mulf %logistic3A_76, %slice3A_77 : vector<1000x1xf32>
    %get3A_79 = arith.constant 0 : index
    %get3A_80 = arith.constant 0 : index
    %get3A_81 = arith.constant 0 : index
    %get3A_82 = vector.load %arg9[%get3A_79, %get3A_80, %get3A_81] : memref<1x1000x1xi32, #tpu.memory_space<vmem>>, vector<1x1000x1xi32>
    %get3A_83 = vector.shape_cast %get3A_82 : vector<1x1000x1xi32> to vector<1000x1xi32>
    %iota3A = tpu.iota {dimensions = array<i32: 1>} : vector<1000x64xi32>
    %eq3A = vector.broadcast %get3A_83 : vector<1000x1xi32> to vector<1000x64xi32>
    %eq3A_84 = arith.cmpi eq, %eq3A, %iota3A : vector<1000x64xi32>
    %jit3A = arith.constant 0.000000e+00 : f32
    %broadcast_in_dim3A = vector.shape_cast %mul3A_78 : vector<1000x1xf32> to vector<1000x1xf32>
    %broadcast_in_dim3A_85 = vector.broadcast %broadcast_in_dim3A : vector<1000x1xf32> to vector<1000x64xf32>
    %broadcast_in_dim3A_86 = vector.broadcast %jit3A : f32 to vector<1000x64xf32>
    %select_n3A = arith.select %eq3A_84, %broadcast_in_dim3A_85, %broadcast_in_dim3A_86 : vector<1000x64xi1>, vector<1000x64xf32>
    %reduce_sum3A = arith.constant dense<0.000000e+00> : vector<64xf32>
    %reduce_sum3A_87 = vector.multi_reduction <add>, %select_n3A, %reduce_sum3A [0] : vector<1000x64xf32> to vector<64xf32>
    %broadcast_in_dim3A_88 = vector.shape_cast %reduce_sum3A_87 : vector<64xf32> to vector<1x64xf32>
    %eq3A_89 = arith.constant 0 : i32
    %eq3A_90 = arith.cmpi eq, %arg0, %eq3A_89 : i32
    %convert_element_type3A = arith.extui %eq3A_90 : i1 to i32
    %cond3A = arith.constant 0 : i32
    %cond3A_91 = arith.cmpi ne, %convert_element_type3A, %cond3A : i32
    scf.if %cond3A_91 {
      %broadcast_in_dim3A_98 = arith.constant 0.000000e+00 : f32
      %broadcast_in_dim3A_99 = vector.broadcast %broadcast_in_dim3A_98 : f32 to vector<1x64xf32>
      %swap3A_100 = arith.constant 0 : index
      %swap3A_101 = arith.constant 0 : index
      %swap3A_102 = vector.load %arg10[%swap3A_100, %swap3A_101] : memref<1x64xf32, #tpu.memory_space<vmem>>, vector<1x64xf32>
      tpu.vector_store %arg10[%swap3A_100, %swap3A_101], %broadcast_in_dim3A_99 {strides = array<i32>} : memref<1x64xf32, #tpu.memory_space<vmem>>, vector<1x64xf32>,
    } else {
    }
    %get3A_92 = arith.constant 0 : index
    %get3A_93 = arith.constant 0 : index
    %get3A_94 = vector.load %arg10[%get3A_92, %get3A_93] : memref<1x64xf32, #tpu.memory_space<vmem>>, vector<1x64xf32>
    %add3A_95 = arith.addf %get3A_94, %broadcast_in_dim3A_88 : vector<1x64xf32>
    %swap3A = arith.constant 0 : index
    %swap3A_96 = arith.constant 0 : index
    %swap3A_97 = vector.load %arg10[%swap3A, %swap3A_96] : memref<1x64xf32, #tpu.memory_space<vmem>>, vector<1x64xf32>
    tpu.vector_store %arg10[%swap3A, %swap3A_96], %add3A_95 {strides = array<i32>} : memref<1x64xf32, #tpu.memory_space<vmem>>, vector<1x64xf32>,
    return
  }
  func.func @transform_0(%arg0: i32) -> (i32, i32, i32) {
    %c0_i32 = arith.constant 0 : i32
    %c0_i32_0 = arith.constant 0 : i32
    %c0_i32_1 = arith.constant 0 : i32
    return %c0_i32, %arg0, %c0_i32_0 : i32, i32, i32
  }
  func.func @transform_1(%arg0: i32) -> (i32, i32) {
    %c0_i32 = arith.constant 0 : i32
    %c0_i32_0 = arith.constant 0 : i32
    return %arg0, %c0_i32 : i32, i32
  }
  func.func @transform_2(%arg0: i32) -> (i32, i32) {
    %c0_i32 = arith.constant 0 : i32
    %c0_i32_0 = arith.constant 0 : i32
    %c0_i32_1 = arith.constant 0 : i32
    return %c0_i32, %c0_i32_0 : i32, i32
  }
  func.func @transform_3(%arg0: i32) -> (i32, i32) {
    %c0_i32 = arith.constant 0 : i32
    %c0_i32_0 = arith.constant 0 : i32
    %c0_i32_1 = arith.constant 0 : i32
    return %c0_i32, %c0_i32_0 : i32, i32
  }
  func.func @transform_4(%arg0: i32) -> (i32, i32) {
    %c0_i32 = arith.constant 0 : i32
    %c0_i32_0 = arith.constant 0 : i32
    %c0_i32_1 = arith.constant 0 : i32
    return %c0_i32, %c0_i32_0 : i32, i32
  }
  func.func @transform_5(%arg0: i32) -> (i32, i32) {
    %c0_i32 = arith.constant 0 : i32
    %c0_i32_0 = arith.constant 0 : i32
    %c0_i32_1 = arith.constant 0 : i32
    return %c0_i32, %c0_i32_0 : i32, i32
  }
  func.func @transform_6(%arg0: i32) -> (i32, i32) {
    %c0_i32 = arith.constant 0 : i32
    %c0_i32_0 = arith.constant 0 : i32
    %c0_i32_1 = arith.constant 0 : i32
    return %c0_i32, %c0_i32_0 : i32, i32
  }
  func.func @transform_7(%arg0: i32) -> (i32, i32) {
    %c0_i32 = arith.constant 0 : i32
    %c0_i32_0 = arith.constant 0 : i32
    %c0_i32_1 = arith.constant 0 : i32
    return %c0_i32, %c0_i32_0 : i32, i32
  }
  func.func @transform_8(%arg0: i32) -> (i32, i32, i32) {
    %c0_i32 = arith.constant 0 : i32
    %c0_i32_0 = arith.constant 0 : i32
    %c0_i32_1 = arith.constant 0 : i32
    return %arg0, %c0_i32, %c0_i32_0 : i32, i32, i32
  }
  func.func @transform_9(%arg0: i32) -> (i32, i32) {
    %c0_i32 = arith.constant 0 : i32
    %c0_i32_0 = arith.constant 0 : i32
    %c0_i32_1 = arith.constant 0 : i32
    return %c0_i32, %c0_i32_0 : i32, i32
  }
}

</mosaic_0001>

<sc_bundles>
// kernel: kernel.11.cloned.1.call-start
scs
__scs_entry_jumppad:
0x0: {  	(pc) =	sbr.rel $0x88, $3  }
0x1: {  	(tag) =	ssettag $0x0;
	lr =	simm.s32 $0x1  }
0x2: {  	[smem:$0x3F94] =	sst lr;
	_ =	strace $0xD0000000  }
0x3: {  	_ = 	snop  }
0x4: {  	_ = 	snop  }
0x5: {  	_ = 	snop  }
0x6: {  	_ = 	snop  }
0x7: {  	_ = 	snop  }
__scs_overlays_trampoline_lowered:
0x8: {  	[smem:$0x3FA3] =	sst s0  }
0x9: {  	[smem:$0x3FA4] =	sst s1  }
0xa: {  	[smem:$0x3FA5] =	sst s2  }
0xb: {  	[smem:$0x3FA6] =	sst s3  }
0xc: {  	[smem:$0x3FA7] =	sst s4  }
0xd: {  	[smem:$0x3FA8] =	sst s5  }
0xe: {  	[smem:$0x3FA9] =	sst s6  }
0xf: {  	[smem:$0x3FAA] =	sst s7  }
0x10: {  	[smem:$0x3FAB] =	sst s8  }
0x11: {  	[smem:$0x3FAC] =	sst s9;
	s0 =	simm.s32 @!p0 $0x0  }
0x12: {  	s1 =	sld [smem:$0x3F92];
	s0 =	simm.s32 @p0 $0x1  }
0x13: {  	[smem:$0x3FAD] =	sst s0;
	s0 =	simm.s32 @!p1 $0x0  }
0x14: {  	s2 =	sld [smem:$0x3F91];
	s0 =	simm.s32 @p1 $0x1  }
0x15: {  	[smem:$0x3FAE] =	sst s0;
	s0 =	simm.s32 @!p2 $0x0  }
0x16: {  	s3 =	sld [smem:$0x3FDB];
	s0 =	simm.s32 @p2 $0x1  }
0x17: {  	s4 =	simm.s32 $0x1BF5;
	[smem:$0x3FB0] =	sst s0  }
0x18: {  	s0 =	sld [smem:$0x3F93];
	_ =	swait.ge [sflag:s4], $0x0  }
0x19: {  	s7 =	sld [smem:$0x3F94]  }
0x1a: {  	s8 =	sadd.s32 $0xFFFFE003, lr  }
0x1b: {  	s9 =	sadd.s32 $0xFFFFFEF7, lr;
	s5 =	simm.s32 $0xFFFFFFFF;
	p2 =	slt.u32 s8, $0xFFFFF086  }
0x1c: {  	p1 =	slt.u32 s9, $0xF7A;
	s5 =	simm.s32 @!p2 $0x0  }
0x1d: {  	s5 =	simm.s32 @p1 $0x1;
	p0 =	seq.s32 s7, s2  }
0x1e: {  	s7 =	smul.u32 @!p0 $0xF7A, s2;
	p2 =	seq.s32 @!p0 s5, $0x0  }
0x1f: {  	s9 =	smul.u32 $0xF7A, s1;
	s8 =	simm.s32 @!p0 $0x1BF5;
	p2 =	por !p2, p0  }
0x20: {  	[sflag:s8] =	ssyncset.s32 @!p0 $0xFFFFF086;
	s6 =	sadd.s32 @!p0 s3, s7;
	s7 =	simm.s32 @!p0 $0x108  }
0x21: {  	s3 =	sadd.s32 s3, s9;
	s6 =	sadd.s32 @!p0 $0x88, s6;
	s7 =	simm.s32 @p2 $0x1082  }
0x22: {  	[simem:s7], [sflag:s8] =	dma.local @!p0 [hbm:s6], $0xF7A  }
0x23: {  	s9 =	sor.u32 $0xD0000000, s2;
	s6 =	simm.s32 $0x108;
	_ =	swait.ge @!p0 [sflag:s8], $0x0  }
0x24: {  	s3 =	sadd.s32 $0x88, s3;
	s6 =	simm.s32 @!p1 $0x1082;
	[sflag:s4] =	ssyncset.s32 $0xFFFFF086  }
0x25: {  	[simem:s6], [sflag:s4] =	dma.local [hbm:s3], $0xF7A  }
0x26: {  	[smem:$0x3F94] =	sst s1;
	(tag) =	ssettag s2;
	_ =	strace s9  }
0x27: {  	s1 =	sld [smem:$0x3FA4]  }
0x28: {  	s2 =	sld [smem:$0x3FA5]  }
0x29: {  	s4 =	sld [smem:$0x3FA7]  }
0x2a: {  	p0 =	seq.s32 s5, $0x0;
	s5 =	sld [smem:$0x3FA8]  }
0x2b: {  	s6 =	sld [smem:$0x3FA9]  }
0x2c: {  	s7 =	sld [smem:$0x3FAA]  }
0x2d: {  	s3 =	simm.s32 $0x108;
	s8 =	sld [smem:$0x3FAB]  }
0x2e: {  	s3 =	simm.s32 @!p0 $0x1082;
	s9 =	sld [smem:$0x3FAC]  }
0x2f: {  	lr =	sadd.s32 s0, s3;
	s0 =	sld [smem:$0x3FA3]  }
0x30: {  	s3 =	sld [smem:$0x3FA6]  }
0x31: {  	[smem:$0x3FAF] =	sst s10  }
0x32: {  	s10 =	sld [smem:$0x3FAD];
	_ =	sdelay $0x3  }
0x33: {  	p0 =	seq.s32 s10, $0x1;
	s10 =	sld [smem:$0x3FAF];
	_ =	sdelay $0x3  }
0x34: {  	[smem:$0x3FAF] =	sst s10  }
0x35: {  	s10 =	sld [smem:$0x3FAE];
	_ =	sdelay $0x3  }
0x36: {  	p1 =	seq.s32 s10, $0x1;
	s10 =	sld [smem:$0x3FAF];
	_ =	sdelay $0x3  }
0x37: {  	[smem:$0x3FAF] =	sst s10  }
0x38: {  	s10 =	sld [smem:$0x3FB0]  }
0x39: {  	_ = 	snop;
	(pc) =	sbr.ind lr, $3  }
0x3a: {  	_ = 	snop  }
0x3b: {  	_ = 	snop  }
0x3c: {  	p2 =	seq.s32 s10, $0x1;
	s10 =	sld [smem:$0x3FAF]  }
0x3d: {  	_ =	shalt  }
0x3e: {  	_ =	shalt  }
0x3f: {  	_ =	shalt  }
0x40: {  	_ =	shalt  }
0x41: {  	_ =	shalt  }
0x42: {  	_ =	shalt  }
0x43: {  	_ =	shalt  }
0x44: {  	_ =	shalt  }
0x45: {  	_ =	shalt  }
0x46: {  	_ =	shalt  }
0x47: {  	_ =	shalt  }
0x48: {  	_ =	shalt  }
0x49: {  	_ =	shalt  }
0x4a: {  	_ =	shalt  }
0x4b: {  	_ =	shalt  }
0x4c: {  	_ =	shalt  }
0x4d: {  	_ =	shalt  }
0x4e: {  	_ =	shalt  }
0x4f: {  	_ =	shalt  }
0x50: {  	_ =	shalt  }
0x51: {  	_ =	shalt  }
0x52: {  	_ =	shalt  }
0x53: {  	_ =	shalt  }
0x54: {  	_ =	shalt  }
0x55: {  	_ =	shalt  }
0x56: {  	_ =	shalt  }
0x57: {  	_ =	shalt  }
0x58: {  	_ =	shalt  }
0x59: {  	_ =	shalt  }
0x5a: {  	_ =	shalt  }
0x5b: {  	_ =	shalt  }
0x5c: {  	_ =	shalt  }
0x5d: {  	_ =	shalt  }
0x5e: {  	_ =	shalt  }
0x5f: {  	_ =	shalt  }
0x60: {  	_ =	shalt  }
0x61: {  	_ =	shalt  }
0x62: {  	_ =	shalt  }
0x63: {  	_ =	shalt  }
0x64: {  	_ =	shalt  }
0x65: {  	_ =	shalt  }
0x66: {  	_ =	shalt  }
0x67: {  	_ =	shalt  }
0x68: {  	_ =	shalt  }
0x69: {  	_ =	shalt  }
0x6a: {  	_ =	shalt  }
0x6b: {  	_ =	shalt  }
0x6c: {  	_ =	shalt  }
0x6d: {  	_ =	shalt  }
0x6e: {  	_ =	shalt  }
0x6f: {  	_ =	shalt  }
0x70: {  	_ =	shalt  }
0x71: {  	_ =	shalt  }
0x72: {  	_ =	shalt  }
0x73: {  	_ =	shalt  }
0x74: {  	_ =	shalt  }
0x75: {  	_ =	shalt  }
0x76: {  	_ =	shalt  }
0x77: {  	_ =	shalt  }
0x78: {  	_ =	shalt  }
0x79: {  	_ =	shalt  }
0x7a: {  	_ =	shalt  }
0x7b: {  	_ =	shalt  }
0x7c: {  	_ =	shalt  }
0x7d: {  	_ =	shalt  }
0x7e: {  	_ =	shalt  }
0x7f: {  	_ =	shalt  }
0x80: {  	_ =	shalt  }
0x81: {  	_ =	shalt  }
0x82: {  	_ =	shalt  }
0x83: {  	_ =	shalt  }
0x84: {  	_ =	shalt  }
0x85: {  	_ =	shalt  }
0x86: {  	_ =	shalt  }
0x87: {  	_ =	shalt  }
.Lfunc_end0:
.L_simem_size_0:
called_computation_lowered:
.L_overlay_start_0:
0x88: {  	s2 =	sld [smem:$0x3FD9]  }
0x89: {  	s3 =	sld [smem:$0x3FFE];
	_ =	sdelay $0x1  }
0x8a: {  	s1 =	srdreg.scid  }
0x8b: {  	s0 =	sand.u32 $0x1, s1  }
0x8c: {  	s16 =	sshll.u32 s0, $0xA;
	s2 =	sadd.s32 s3, s2  }
0x8d: {  	s2 =	sadd.s32 s2, s16  }
0x8e: {  	[smem:$0x3FBB] =	sst s2  }
0x8f: {  	_ = 	snop  }
0x90: {  	(tm) =	ssettm $0x1  }
0x91: {  	s17 =	sld [smem:$0x3FFB];
	_ =	sdelay $0x3  }
0x92: {  	_ =	strace s17  }
0x93: {  	s2 =	sld [smem:$0x3FFC];
	_ =	sdelay $0x3  }
0x94: {  	_ =	strace s2  }
0x95: {  	s2 =	sld [smem:$0x3FFD];
	_ =	sdelay $0x3  }
0x96: {  	_ =	strace s2  }
0x97: {  	_ =	strace $0x8FFFFFFF  }
0x98: {  	s18 =	sld [smem:$0x3FDB];
	_ =	sdelay $0x1  }
0x99: {  	s19 =	simm.s32 $_scs_section_size  }
0x9a: {  	s4 =	simm.s32 $_size__tile_overlayer_lowered;
	s5 =	simm.s32 $_tile_overlayer_lowered  }
0x9b: {  	s22 =	simm.s32 $0x1BFF;
	s21 =	sshll.u32 s5, $0x1;
	s2 =	sadd.s32 s19, s18  }
0x9c: {  	s6 =	simm.s32 $0x0;
	s20 =	sshll.u32 s4, $0x1;
	s4 =	sadd.s32 s21, s2  }
0x9d: {  	[timem:s6], [sflag:s22] =	dma.local [hbm:s4], s20  }
0x9e: {  	_ =	swait.ge [sflag:s22], s20  }
0x9f: {  	s3 =	ssub.s32 $0x0, s20;
	[sflag:s22] =	ssyncset.done $0x0  }
0xa0: {  	[sflag:s22] =	ssyncadd.s32 s3;
	_ =	sdelay $0x1  }
0xa1: {  	s23 =	simm.s32 $0x1B8B  }
0xa2: {  	_ =	swait.ge [sflag:s23], $0x1  }
0xa3: {  	[sflag:s23] =	ssyncset.done $0x0  }
0xa4: {  	s25 =	simm.s32 $0x1B8E;
	s24 =	sld [smem:$0x3FFE];
	[sflag:s23] =	ssyncadd.s32 $0xFFFFFFFF  }
0xa5: {  	s26 =	simm.s32 $execute0_lowered;
	[smem:$0x3FD2] =	sst s25  }
0xa6: {  	s4 =	sshll.u32 s26, $0x1;
	_ =	strace $0x80000046;
	[dreg:$0x1] =	wrdreg $0xFFFFFFFF  }
0xa7: {  	s28 =	simm.s32 $_size_execute0_lowered;
	s2 =	sadd.s32 s2, s4;
	[dreg:$0x0] =	wrdreg $0x0  }
0xa8: {  	s4 =	sshll.u32 s28, $0x1;
	[dreg:$0x2] =	wrdreg s2  }
0xa9: {  	[dreg:$0x3] =	wrdreg s4  }
0xaa: {  	[dreg:$0x4] =	wrdreg $0xC0  }
0xab: {  	_ =	task [dreg:s6], $0x5FFFF  }
0xac: {  	[dreg:$0x1] =	wrdreg $0xFFFFFFFF  }
0xad: {  	[dreg:$0x0] =	wrdreg $0x60  }
0xae: {  	[dreg:$0x2] =	wrdreg s24  }
0xaf: {  	[dreg:$0x3] =	wrdreg $0xB8000  }
0xb0: {  	[dreg:$0x4] =	wrdreg $0x9  }
0xb1: {  	_ =	task.clear_ibuf [dreg:s6], $0x5FFFF;
	_ =	strace $0x90000046  }
0xb2: {  	s29 =	simm.s32 $0x9;
	_ =	strace $0x80000048  }
0xb3: {  	_ =	swait.ge [sflag:s29], $0x1  }
0xb4: {  	[sflag:s29] =	ssyncadd.s32 $0xFFFFFFFF  }
0xb5: {  	_ =	strace $0x90000048  }
0xb6: {  	_ =	sfence  }
0xb7: {  	s30 =	sld [smem:$0x0];
	_ =	sdelay $0x2  }
0xb8: {  	s31 =	sshll.u32 s1, $0xD;
	s1 =	sshrl.u32 s1, $0x2  }
0xb9: {  	s3 =	sand.u32 $0x4000, s31;
	s1 =	sadd.s32 s1, s30  }
0xba: {  	s0 =	sor.u32 s3, s0;
	s1 =	sshll.u32 s1, $0x11  }
0xbb: {  	s0 =	sor.u32 s1, s0  }
0xbc: {  	s0 =	sadd.s32 $0x8F2B, s0  }
0xbd: {  	[sflag:s0] =	ssyncadd.remote.s32 $0x1  }
0xbe: {  	_ =	sfence.sel $0xFFFF  }
0xbf: {  	[dreg:$0x0] =	wrdreg $0xFFFFFFFF;
	(pc) =	sbr.abs _section_cstart, $3  }
0xc0: {  	[dreg:$0x1] =	wrdreg $0xFFFFFFFF  }
0xc1: {  	_ =	task.clear_ibuf [dreg:s6], $0x2FFFF;
	_ =	strace $0x9FFFFFFF  }
0xc2: {  	(tm) =	ssettm $0x7FFFFFFF  }
0xc3: {  	_ =	shalt  }
tec
execute0_lowered:
.L_overlay_start_1:
0x0: {  	(tag) =	ssettag $0x1  }
0x1: {  	s0 =	srdreg.scid;
	s5 =	rddreg [dreg:$0x0]  }
0x2: {  	s8 =	stileid.u32;
	s2 =	rddreg [dreg:$0x1]  }
0x3: {  	s3 =	simm.s32 $0x0;
	s15 =	simm.s32 $0x80;
	s16 =	simm.s32 $0x100  }
0x4: {  	s17 =	simm.s32 $0x180;
	[smem:$0x7FF] =	sst s3;
	s9 =	sadd.s32 $0x27200, s5  }
0x5: {  	s18 =	simm.s32 $0x200;
	_ =	strace $0x80000047;
	[smem:$0x7F9] =	sst s9  }
0x6: {  	s19 =	simm.s32 $0x280;
	s20 =	simm.s32 $0xC80;
	[dreg:$0x5] =	wrdreg s15  }
0x7: {  	s22 =	simm.s32 $0x300;
	s24 =	simm.s32 $0xD00;
	[dreg:$0x6] =	wrdreg s16  }
0x8: {  	s25 =	simm.s32 $0x380;
	s11 =	simm.s32 $0xE00;
	[dreg:$0x7] =	wrdreg s17  }
0x9: {  	s12 =	simm.s32 $0x480;
	s28 =	simm.s32 $0x1300;
	[dreg:$0x8] =	wrdreg s18  }
0xa: {  	s29 =	simm.s32 $0x980;
	s4 =	smul.u32 $0x6000, s8;
	[dreg:$0x9] =	wrdreg s19  }
0xb: {  	s30 =	simm.s32 $0x1380;
	s6 =	smul.u32 $0xC00, s8;
	[dreg:$0xa] =	wrdreg s20  }
0xc: {  	s31 =	simm.s32 $0x1400;
	s14 =	smul.u32 $0x13C00, s8;
	[dreg:$0xb] =	wrdreg s22  }
0xd: {  	s0 =	sand.u32 $0x1, s0;
	s23 =	smul.u32 $0x4F000, s8;
	[dreg:$0xc] =	wrdreg s24  }
0xe: {  	s10 =	sshll.u32 s8, $0x6;
	s1 =	smul.u32 $0x60000, s0;
	[dreg:$0xd] =	wrdreg s25  }
0xf: {  	s7 =	smul.u32 $0x13C000, s0;
	s0 =	ssub.s32 $0x2, s0;
	[dreg:$0x10] =	wrdreg s11  }
0x10: {  	s9 =	simm.s32 $0x400;
	[dreg:$0x11] =	wrdreg s12;
	s15 =	simm.s32 $0xF00  }
0x11: {  	s16 =	simm.s32 $0x580;
	s11 =	simm.s32 $0xC00;
	[dreg:$0xf] =	wrdreg s9  }
0x12: {  	s17 =	simm.s32 $0xF80;
	s12 =	simm.s32 $0x40;
	[dreg:$0x14] =	wrdreg s15  }
0x13: {  	s18 =	simm.s32 $0x600;
	s19 =	simm.s32 $0x1000;
	[dreg:$0x15] =	wrdreg s16  }
0x14: {  	s20 =	simm.s32 $0x680;
	s22 =	simm.s32 $0x700;
	[dreg:$0x16] =	wrdreg s17  }
0x15: {  	s24 =	simm.s32 $0x780;
	s25 =	simm.s32 $0x1180;
	[dreg:$0x17] =	wrdreg s18  }
0x16: {  	s6 =	sadd.s32 s6, s5;
	s21 =	sshrl.u32 s0, $0x1;
	[dreg:$0x18] =	wrdreg s19  }
0x17: {  	s26 =	sshrl.u32 s23, $0x2;
	s15 =	simm.s32 $0x5800;
	[dreg:$0x19] =	wrdreg s20  }
0x18: {  	s16 =	simm.s32 $0x7800;
	s17 =	simm.s32 $0x9800;
	[dreg:$0x1b] =	wrdreg s22  }
0x19: {  	s23 =	simm.s32 $0x1100;
	s18 =	simm.s32 $0x1;
	[dreg:$0x1d] =	wrdreg s24  }
0x1a: {  	s19 =	simm.s32 $0x2;
	s20 =	simm.s32 $0x3;
	[dreg:$0x1e] =	wrdreg s25  }
0x1b: {  	s22 =	simm.s32 $0x5;
	s24 =	simm.s32 $0x880;
	s25 =	simm.s32 $0x1280  }
0x1c: {  	s9 =	simm.s32 $0x0;
	s1 =	sadd.s32 s1, s4;
	s4 =	sadd.s32 $0xED800, s5  }
0x1d: {  	s13 =	sadd.s32 $0x1B200, s6;
	s6 =	sadd.s32 s14, s7;
	s0 =	ssub.s32 s0, s21  }
0x1e: {  	s7 =	simm.s32 $0xD80;
	s14 =	simm.s32 $0x500;
	[dreg:$0x1c] =	wrdreg s23  }
0x1f: {  	s21 =	simm.s32 $0x1080;
	s23 =	simm.s32 $0x1200;
	[dreg:$0x4] =	wrdreg s13  }
0x20: {  	s1 =	sshrl.u32 s1, $0x3;
	s6 =	sshrl.u32 s6, $0x3;
	[dreg:$0xe] =	wrdreg s7  }
0x21: {  	s7 =	sor.u32 $0x1C06, s10;
	s13 =	simm.s32 $0xE80;
	[dreg:$0x13] =	wrdreg s14  }
0x22: {  	s0 =	smax.u32 s0, $0x1;
	s10 =	simm.s32 $0x6;
	[dreg:$0x1a] =	wrdreg s21  }
0x23: {  	s14 =	simm.s32 $0x3800;
	s21 =	simm.s32 $0x4;
	[smem:$0x7FB] =	sst s0  }
0x24: {  	s1 =	sadd.s32 s1, s5;
	s5 =	sadd.s32 s6, s5;
	[dreg:$0x12] =	wrdreg s13  }
0x25: {  	s6 =	sadd.s32 s26, s2;
	s26 =	simm.s32 $0x800;
	[smem:$0x7FC] =	sst s7  }
0x26: {  	s13 =	simm.s32 $0x1800;
	s1 =	sadd.s32 $0x3200, s1;
	[dreg:$0x1f] =	wrdreg s26  }
0x27: {  	s0 =	simm.s32 $0x1500;
	s5 =	sadd.s32 $0x29A00, s5;
	[dreg:$0x3] =	wrdreg s1  }
0x28: {  	s8 =	sshrl.u32 s6, $0x3;
	s26 =	simm.s32 $0x900;
	[smem:$0x7FA] =	sst s5  }
0x29: {  	s1 =	simm.s32 $0x1480;
	s5 =	simm.s32 $0x1580;
	[smem:$0x7FD] =	sst s8  }
.LBB2_1:
0x2a: {  	s6 =	sld [smem:$0x7F9];
	_ =	sdelay $0x1  }
0x2b: {  	[smem:$0x7F8] =	sst s9  }
0x2c: {  	[spmem:s8], [sflag:s7] =	dma.local [hbm:s6], $0x2780  }
0x2d: {  	_ =	swait.ge [sflag:s10], $0x2780  }
0x2e: {  	[sflag:s10] =	ssyncset.done $0x0  }
0x2f: {  	[sflag:s10] =	ssyncadd.s32 $0xFFFFD880  }
0x30: {  	[bflag:$0x0] =	sbarrier.arrive $0xFFFF  }
0x31: {  	s7 =	rddreg [dreg:$0x3]  }
0x32: {  	s6 =	sadd.s32 $0x0, s7  }
0x33: {  	[tilespmem:s3], [sflag:$0x6] =	stream.linear.gather [hbm4b:s6+s3], $0xA00, $0x38;
	[tilespmem:$0x1F400] =	vst v63  }
0x34: {  	_ =	swait.ge [sflag:s10], $0xA00  }
0x35: {  	s8 =	rddreg [dreg:$0x4];
	[sflag:s10] =	ssyncset.done $0x0  }
0x36: {  	[sflag:s10] =	ssyncadd.s32 $0xFFFFF600;
	s6 =	sadd.s32 $0x0, s8  }
0x37: {  	[tilespmem:s11], [sflag:$0x6] =	stream.linear.gather [hbm4b:s6+s3], $0xA00, $0x38;
	[tilespmem:$0x1F400] =	vst v63  }
0x38: {  	_ =	swait.ge [sflag:s10], $0xA00  }
0x39: {  	[sflag:s10] =	ssyncset.done $0x0  }
0x3a: {  	[sflag:s10] =	ssyncadd.s32 $0xFFFFF600  }
0x3b: {  	[tilespmem:s13], [sflag:$0x1] =	stream.indirect.gather [hbm4b:s4+s12], $0x80, s3, s12, $0xb8;
	[tilespmem:$0x1F400] =	vst v63  }
0x3c: {  	s9 =	rddreg [dreg:$0x5]  }
0x3d: {  	[tilespmem:s14], [sflag:$0x2] =	stream.indirect.gather [hbm4b:s4+s12], $0x80, s9, s12, $0xb8;
	[tilespmem:$0x1F400] =	vst v63  }
0x3e: {  	s7 =	rddreg [dreg:$0x6]  }
0x3f: {  	[tilespmem:s15], [sflag:$0x3] =	stream.indirect.gather [hbm4b:s4+s12], $0x80, s7, s12, $0xb8;
	[tilespmem:$0x1F400] =	vst v63  }
0x40: {  	s9 =	rddreg [dreg:$0x7]  }
0x41: {  	[tilespmem:s16], [sflag:$0x4] =	stream.indirect.gather [hbm4b:s4+s12], $0x80, s9, s12, $0xb8;
	[tilespmem:$0x1F400] =	vst v63  }
0x42: {  	s7 =	rddreg [dreg:$0x8]  }
0x43: {  	[tilespmem:s17], [sflag:$0x5] =	stream.indirect.gather [hbm4b:s4+s12], $0x80, s7, s12, $0xb8;
	[tilespmem:$0x1F400] =	vst v63  }
0x44: {  	_ =	swait.ge [sflag:s18], $0x2000  }
0x45: {  	[sflag:s18] =	ssyncset.done $0x0  }
0x46: {  	[sflag:s18] =	ssyncadd.s32 $0xFFFFE000  }
0x47: {  	[spmem:s2] =	stream.indirect.scatter.add.f32 [tilespmem:s13], [sflag:$0x6], $0x80, s11, s12, $0xb8;
	[tilespmem:$0x1F400] =	vst v63  }
0x48: {  	_ =	swait.ge [sflag:s10], $0x2000  }
0x49: {  	[sflag:s10] =	ssyncset.done $0x0  }
0x4a: {  	s8 =	rddreg [dreg:$0x9];
	[sflag:s10] =	ssyncadd.s32 $0xFFFFE000  }
0x4b: {  	[tilespmem:s13], [sflag:$0x1] =	stream.indirect.gather [hbm4b:s4+s12], $0x80, s8, s12, $0xb8;
	[tilespmem:$0x1F400] =	vst v63  }
0x4c: {  	_ =	swait.ge [sflag:s19], $0x2000  }
0x4d: {  	[sflag:s19] =	ssyncset.done $0x0  }
0x4e: {  	s9 =	rddreg [dreg:$0xa];
	[sflag:s19] =	ssyncadd.s32 $0xFFFFE000  }
0x4f: {  	[spmem:s2] =	stream.indirect.scatter.add.f32 [tilespmem:s14], [sflag:$0x6], $0x80, s9, s12, $0xb8;
	[tilespmem:$0x1F400] =	vst v63  }
0x50: {  	_ =	swait.ge [sflag:s10], $0x2000  }
0x51: {  	[sflag:s10] =	ssyncset.done $0x0  }
0x52: {  	s7 =	rddreg [dreg:$0xb];
	[sflag:s10] =	ssyncadd.s32 $0xFFFFE000  }
0x53: {  	[tilespmem:s14], [sflag:$0x2] =	stream.indirect.gather [hbm4b:s4+s12], $0x80, s7, s12, $0xb8;
	[tilespmem:$0x1F400] =	vst v63  }
0x54: {  	_ =	swait.ge [sflag:s20], $0x2000  }
0x55: {  	[sflag:s20] =	ssyncset.done $0x0  }
0x56: {  	s8 =	rddreg [dreg:$0xc];
	[sflag:s20] =	ssyncadd.s32 $0xFFFFE000  }
0x57: {  	[spmem:s2] =	stream.indirect.scatter.add.f32 [tilespmem:s15], [sflag:$0x6], $0x80, s8, s12, $0xb8;
	[tilespmem:$0x1F400] =	vst v63  }
0x58: {  	_ =	swait.ge [sflag:s10], $0x2000  }
0x59: {  	[sflag:s10] =	ssyncset.done $0x0  }
0x5a: {  	s9 =	rddreg [dreg:$0xd];
	[sflag:s10] =	ssyncadd.s32 $0xFFFFE000  }
0x5b: {  	[tilespmem:s15], [sflag:$0x3] =	stream.indirect.gather [hbm4b:s4+s12], $0x80, s9, s12, $0xb8;
	[tilespmem:$0x1F400] =	vst v63  }
0x5c: {  	_ =	swait.ge [sflag:s21], $0x2000  }
0x5d: {  	[sflag:s21] =	ssyncset.done $0x0  }
0x5e: {  	s7 =	rddreg [dreg:$0xe];
	[sflag:s21] =	ssyncadd.s32 $0xFFFFE000  }
0x5f: {  	[spmem:s2] =	stream.indirect.scatter.add.f32 [tilespmem:s16], [sflag:$0x6], $0x80, s7, s12, $0xb8;
	[tilespmem:$0x1F400] =	vst v63  }
0x60: {  	_ =	swait.ge [sflag:s10], $0x2000  }
0x61: {  	[sflag:s10] =	ssyncset.done $0x0  }
0x62: {  	s8 =	rddreg [dreg:$0xf];
	[sflag:s10] =	ssyncadd.s32 $0xFFFFE000  }
0x63: {  	[tilespmem:s16], [sflag:$0x4] =	stream.indirect.gather [hbm4b:s4+s12], $0x80, s8, s12, $0xb8;
	[tilespmem:$0x1F400] =	vst v63  }
0x64: {  	_ =	swait.ge [sflag:s22], $0x2000  }
0x65: {  	[sflag:s22] =	ssyncset.done $0x0  }
0x66: {  	s9 =	rddreg [dreg:$0x10];
	[sflag:s22] =	ssyncadd.s32 $0xFFFFE000  }
0x67: {  	[spmem:s2] =	stream.indirect.scatter.add.f32 [tilespmem:s17], [sflag:$0x6], $0x80, s9, s12, $0xb8;
	[tilespmem:$0x1F400] =	vst v63  }
0x68: {  	_ =	swait.ge [sflag:s10], $0x2000  }
0x69: {  	[sflag:s10] =	ssyncset.done $0x0  }
0x6a: {  	s7 =	rddreg [dreg:$0x11];
	[sflag:s10] =	ssyncadd.s32 $0xFFFFE000  }
0x6b: {  	[tilespmem:s17], [sflag:$0x5] =	stream.indirect.gather [hbm4b:s4+s12], $0x80, s7, s12, $0xb8;
	[tilespmem:$0x1F400] =	vst v63  }
0x6c: {  	_ =	swait.ge [sflag:s18], $0x2000  }
0x6d: {  	[sflag:s18] =	ssyncset.done $0x0  }
0x6e: {  	s8 =	rddreg [dreg:$0x12];
	[sflag:s18] =	ssyncadd.s32 $0xFFFFE000  }
0x6f: {  	[spmem:s2] =	stream.indirect.scatter.add.f32 [tilespmem:s13], [sflag:$0x6], $0x80, s8, s12, $0xb8;
	[tilespmem:$0x1F400] =	vst v63  }
0x70: {  	_ =	swait.ge [sflag:s10], $0x2000  }
0x71: {  	[sflag:s10] =	ssyncset.done $0x0  }
0x72: {  	s9 =	rddreg [dreg:$0x13];
	[sflag:s10] =	ssyncadd.s32 $0xFFFFE000  }
0x73: {  	[tilespmem:s13], [sflag:$0x1] =	stream.indirect.gather [hbm4b:s4+s12], $0x80, s9, s12, $0xb8;
	[tilespmem:$0x1F400] =	vst v63  }
0x74: {  	_ =	swait.ge [sflag:s19], $0x2000  }
0x75: {  	[sflag:s19] =	ssyncset.done $0x0  }
0x76: {  	s7 =	rddreg [dreg:$0x14];
	[sflag:s19] =	ssyncadd.s32 $0xFFFFE000  }
0x77: {  	[spmem:s2] =	stream.indirect.scatter.add.f32 [tilespmem:s14], [sflag:$0x6], $0x80, s7, s12, $0xb8;
	[tilespmem:$0x1F400] =	vst v63  }
0x78: {  	_ =	swait.ge [sflag:s10], $0x2000  }
0x79: {  	[sflag:s10] =	ssyncset.done $0x0  }
0x7a: {  	s8 =	rddreg [dreg:$0x15];
	[sflag:s10] =	ssyncadd.s32 $0xFFFFE000  }
0x7b: {  	[tilespmem:s14], [sflag:$0x2] =	stream.indirect.gather [hbm4b:s4+s12], $0x80, s8, s12, $0xb8;
	[tilespmem:$0x1F400] =	vst v63  }
0x7c: {  	_ =	swait.ge [sflag:s20], $0x2000  }
0x7d: {  	[sflag:s20] =	ssyncset.done $0x0  }
0x7e: {  	s9 =	rddreg [dreg:$0x16];
	[sflag:s20] =	ssyncadd.s32 $0xFFFFE000  }
0x7f: {  	[spmem:s2] =	stream.indirect.scatter.add.f32 [tilespmem:s15], [sflag:$0x6], $0x80, s9, s12, $0xb8;
	[tilespmem:$0x1F400] =	vst v63  }
0x80: {  	_ =	swait.ge [sflag:s10], $0x2000  }
0x81: {  	[sflag:s10] =	ssyncset.done $0x0  }
0x82: {  	s7 =	rddreg [dreg:$0x17];
	[sflag:s10] =	ssyncadd.s32 $0xFFFFE000  }
0x83: {  	[tilespmem:s15], [sflag:$0x3] =	stream.indirect.gather [hbm4b:s4+s12], $0x80, s7, s12, $0xb8;
	[tilespmem:$0x1F400] =	vst v63  }
0x84: {  	_ =	swait.ge [sflag:s21], $0x2000  }
0x85: {  	[sflag:s21] =	ssyncset.done $0x0  }
0x86: {  	s8 =	rddreg [dreg:$0x18];
	[sflag:s21] =	ssyncadd.s32 $0xFFFFE000  }
0x87: {  	[spmem:s2] =	stream.indirect.scatter.add.f32 [tilespmem:s16], [sflag:$0x6], $0x80, s8, s12, $0xb8;
	[tilespmem:$0x1F400] =	vst v63  }
0x88: {  	_ =	swait.ge [sflag:s10], $0x2000  }
0x89: {  	[sflag:s10] =	ssyncset.done $0x0  }
0x8a: {  	s9 =	rddreg [dreg:$0x19];
	[sflag:s10] =	ssyncadd.s32 $0xFFFFE000  }
0x8b: {  	[tilespmem:s16], [sflag:$0x4] =	stream.indirect.gather [hbm4b:s4+s12], $0x80, s9, s12, $0xb8;
	[tilespmem:$0x1F400] =	vst v63  }
0x8c: {  	_ =	swait.ge [sflag:s22], $0x2000  }
0x8d: {  	[sflag:s22] =	ssyncset.done $0x0  }
0x8e: {  	s7 =	rddreg [dreg:$0x1a];
	[sflag:s22] =	ssyncadd.s32 $0xFFFFE000  }
0x8f: {  	[spmem:s2] =	stream.indirect.scatter.add.f32 [tilespmem:s17], [sflag:$0x6], $0x80, s7, s12, $0xb8;
	[tilespmem:$0x1F400] =	vst v63  }
0x90: {  	_ =	swait.ge [sflag:s10], $0x2000  }
0x91: {  	[sflag:s10] =	ssyncset.done $0x0  }
0x92: {  	s8 =	rddreg [dreg:$0x1b];
	[sflag:s10] =	ssyncadd.s32 $0xFFFFE000  }
0x93: {  	[tilespmem:s17], [sflag:$0x5] =	stream.indirect.gather [hbm4b:s4+s12], $0x80, s8, s12, $0xb8;
	[tilespmem:$0x1F400] =	vst v63  }
0x94: {  	_ =	swait.ge [sflag:s18], $0x2000  }
0x95: {  	[sflag:s18] =	ssyncset.done $0x0  }
0x96: {  	s9 =	rddreg [dreg:$0x1c];
	[sflag:s18] =	ssyncadd.s32 $0xFFFFE000  }
0x97: {  	[spmem:s2] =	stream.indirect.scatter.add.f32 [tilespmem:s13], [sflag:$0x6], $0x80, s9, s12, $0xb8;
	[tilespmem:$0x1F400] =	vst v63  }
0x98: {  	_ =	swait.ge [sflag:s10], $0x2000  }
0x99: {  	[sflag:s10] =	ssyncset.done $0x0  }
0x9a: {  	s7 =	rddreg [dreg:$0x1d];
	[sflag:s10] =	ssyncadd.s32 $0xFFFFE000  }
0x9b: {  	[tilespmem:s13], [sflag:$0x1] =	stream.indirect.gather [hbm4b:s4+s12], $0x80, s7, s12, $0xb8;
	[tilespmem:$0x1F400] =	vst v63  }
0x9c: {  	_ =	swait.ge [sflag:s19], $0x2000  }
0x9d: {  	[sflag:s19] =	ssyncset.done $0x0  }
0x9e: {  	s8 =	rddreg [dreg:$0x1e];
	[sflag:s19] =	ssyncadd.s32 $0xFFFFE000  }
0x9f: {  	[spmem:s2] =	stream.indirect.scatter.add.f32 [tilespmem:s14], [sflag:$0x6], $0x80, s8, s12, $0xb8;
	[tilespmem:$0x1F400] =	vst v63  }
0xa0: {  	_ =	swait.ge [sflag:s10], $0x2000  }
0xa1: {  	[sflag:s10] =	ssyncset.done $0x0  }
0xa2: {  	s9 =	rddreg [dreg:$0x1f];
	[sflag:s10] =	ssyncadd.s32 $0xFFFFE000  }
0xa3: {  	[tilespmem:s14], [sflag:$0x2] =	stream.indirect.gather [hbm4b:s4+s12], $0x80, s9, s12, $0xb8;
	[tilespmem:$0x1F400] =	vst v63  }
0xa4: {  	_ =	swait.ge [sflag:s20], $0x2000  }
0xa5: {  	[sflag:s20] =	ssyncset.done $0x0  }
0xa6: {  	[sflag:s20] =	ssyncadd.s32 $0xFFFFE000  }
0xa7: {  	[spmem:s2] =	stream.indirect.scatter.add.f32 [tilespmem:s15], [sflag:$0x6], $0x80, s23, s12, $0xb8;
	[tilespmem:$0x1F400] =	vst v63  }
0xa8: {  	_ =	swait.ge [sflag:s10], $0x2000  }
0xa9: {  	[sflag:s10] =	ssyncset.done $0x0  }
0xaa: {  	[sflag:s10] =	ssyncadd.s32 $0xFFFFE000  }
0xab: {  	[tilespmem:s15], [sflag:$0x3] =	stream.indirect.gather [hbm4b:s4+s12], $0x80, s24, s12, $0xb8;
	[tilespmem:$0x1F400] =	vst v63  }
0xac: {  	_ =	swait.ge [sflag:s21], $0x2000  }
0xad: {  	[sflag:s21] =	ssyncset.done $0x0  }
0xae: {  	[sflag:s21] =	ssyncadd.s32 $0xFFFFE000  }
0xaf: {  	[spmem:s2] =	stream.indirect.scatter.add.f32 [tilespmem:s16], [sflag:$0x6], $0x80, s25, s12, $0xb8;
	[tilespmem:$0x1F400] =	vst v63  }
0xb0: {  	_ =	swait.ge [sflag:s10], $0x2000  }
0xb1: {  	[sflag:s10] =	ssyncset.done $0x0  }
0xb2: {  	[sflag:s10] =	ssyncadd.s32 $0xFFFFE000  }
0xb3: {  	[tilespmem:s16], [sflag:$0x4] =	stream.indirect.gather [hbm4b:s4+s12], $0x80, s26, s12, $0xb8;
	[tilespmem:$0x1F400] =	vst v63  }
0xb4: {  	_ =	swait.ge [sflag:s22], $0x2000  }
0xb5: {  	[sflag:s22] =	ssyncset.done $0x0  }
0xb6: {  	[sflag:s22] =	ssyncadd.s32 $0xFFFFE000  }
0xb7: {  	[spmem:s2] =	stream.indirect.scatter.add.f32 [tilespmem:s17], [sflag:$0x6], $0x80, s28, s12, $0xb8;
	[tilespmem:$0x1F400] =	vst v63  }
0xb8: {  	_ =	swait.ge [sflag:s10], $0x2000  }
0xb9: {  	[sflag:s10] =	ssyncset.done $0x0  }
0xba: {  	[sflag:s10] =	ssyncadd.s32 $0xFFFFE000  }
0xbb: {  	[tilespmem:s17], [sflag:$0x5] =	stream.indirect.gather [hbm4b:s4+s12], $0x80, s29, s12, $0xb8;
	[tilespmem:$0x1F400] =	vst v63  }
0xbc: {  	_ =	swait.ge [sflag:s18], $0x2000  }
0xbd: {  	[sflag:s18] =	ssyncset.done $0x0  }
0xbe: {  	[sflag:s18] =	ssyncadd.s32 $0xFFFFE000  }
0xbf: {  	[spmem:s2] =	stream.indirect.scatter.add.f32 [tilespmem:s13], [sflag:$0x6], $0x80, s30, s12, $0xb8;
	[tilespmem:$0x1F400] =	vst v63  }
0xc0: {  	_ =	swait.ge [sflag:s10], $0x2000  }
0xc1: {  	[sflag:s10] =	ssyncset.done $0x0  }
0xc2: {  	[sflag:s10] =	ssyncadd.s32 $0xFFFFE000  }
0xc3: {  	_ =	swait.ge [sflag:s19], $0x2000  }
0xc4: {  	[sflag:s19] =	ssyncset.done $0x0  }
0xc5: {  	[sflag:s19] =	ssyncadd.s32 $0xFFFFE000  }
0xc6: {  	[spmem:s2] =	stream.indirect.scatter.add.f32 [tilespmem:s14], [sflag:$0x6], $0x80, s31, s12, $0xb8;
	[tilespmem:$0x1F400] =	vst v63  }
0xc7: {  	_ =	swait.ge [sflag:s10], $0x2000  }
0xc8: {  	[sflag:s10] =	ssyncset.done $0x0  }
0xc9: {  	[sflag:s10] =	ssyncadd.s32 $0xFFFFE000  }
0xca: {  	_ =	swait.ge [sflag:s20], $0x2000  }
0xcb: {  	[sflag:s20] =	ssyncset.done $0x0  }
0xcc: {  	[sflag:s20] =	ssyncadd.s32 $0xFFFFE000  }
0xcd: {  	[spmem:s2] =	stream.indirect.scatter.add.f32 [tilespmem:s15], [sflag:$0x6], $0x80, s1, s12, $0xb8;
	[tilespmem:$0x1F400] =	vst v63  }
0xce: {  	_ =	swait.ge [sflag:s10], $0x2000  }
0xcf: {  	[sflag:s10] =	ssyncset.done $0x0  }
0xd0: {  	[sflag:s10] =	ssyncadd.s32 $0xFFFFE000  }
0xd1: {  	_ =	swait.ge [sflag:s21], $0x2000  }
0xd2: {  	[sflag:s21] =	ssyncset.done $0x0  }
0xd3: {  	[sflag:s21] =	ssyncadd.s32 $0xFFFFE000  }
0xd4: {  	[spmem:s2] =	stream.indirect.scatter.add.f32 [tilespmem:s16], [sflag:$0x6], $0x80, s0, s12, $0xb8;
	[tilespmem:$0x1F400] =	vst v63  }
0xd5: {  	_ =	swait.ge [sflag:s10], $0x2000  }
0xd6: {  	[sflag:s10] =	ssyncset.done $0x0  }
0xd7: {  	[sflag:s10] =	ssyncadd.s32 $0xFFFFE000  }
0xd8: {  	_ =	swait.ge [sflag:s22], $0x2000  }
0xd9: {  	[sflag:s22] =	ssyncset.done $0x0  }
0xda: {  	[sflag:s22] =	ssyncadd.s32 $0xFFFFE000  }
0xdb: {  	[spmem:s2] =	stream.indirect.scatter.add.f32 [tilespmem:s17], [sflag:$0x6], $0x80, s5, s12, $0xb8;
	[tilespmem:$0x1F400] =	vst v63  }
0xdc: {  	s6 =	simm.s32 $0x300;
	_ =	swait.ge [sflag:s10], $0x2000  }
0xdd: {  	s8 =	simm.s32 $0x180;
	s9 =	rddreg [dreg:$0x3];
	[sflag:s10] =	ssyncset.done $0x0  }
.LBB2_2:
0xde: {  	[sflag:s10] =	ssyncadd.s32 $0xFFFFE000;
	s9 =	sadd.s32 s8, s9  }
0xdf: {  	[tilespmem:s3], [sflag:$0x6] =	stream.linear.gather [hbm4b:s9+s3], $0xA00, $0x38;
	[tilespmem:$0x1F400] =	vst v63  }
0xe0: {  	_ =	swait.ge [sflag:s10], $0xA00  }
0xe1: {  	s9 =	rddreg [dreg:$0x4];
	[sflag:s10] =	ssyncset.done $0x0  }
0xe2: {  	[sflag:s10] =	ssyncadd.s32 $0xFFFFF600;
	s9 =	sadd.s32 s8, s9  }
0xe3: {  	[tilespmem:s11], [sflag:$0x6] =	stream.linear.gather [hbm4b:s9+s3], $0xA00, $0x38;
	[tilespmem:$0x1F400] =	vst v63  }
0xe4: {  	_ =	swait.ge [sflag:s10], $0xA00  }
0xe5: {  	[sflag:s10] =	ssyncset.done $0x0  }
0xe6: {  	s7 =	smov.u32 s6;
	[sflag:s10] =	ssyncadd.s32 $0xFFFFF600  }
0xe7: {  	[tilespmem:s13], [sflag:$0x1] =	stream.indirect.gather [hbm4b:s4+s12], $0x80, s3, s12, $0xb8;
	[tilespmem:$0x1F400] =	vst v63  }
0xe8: {  	s8 =	smov.u32 s7;
	s7 =	rddreg [dreg:$0x5]  }
0xe9: {  	[tilespmem:s14], [sflag:$0x2] =	stream.indirect.gather [hbm4b:s4+s12], $0x80, s7, s12, $0xb8;
	[tilespmem:$0x1F400] =	vst v63  }
0xea: {  	s9 =	rddreg [dreg:$0x6]  }
0xeb: {  	[tilespmem:s15], [sflag:$0x3] =	stream.indirect.gather [hbm4b:s4+s12], $0x80, s9, s12, $0xb8;
	[tilespmem:$0x1F400] =	vst v63  }
0xec: {  	s7 =	rddreg [dreg:$0x7]  }
0xed: {  	[tilespmem:s16], [sflag:$0x4] =	stream.indirect.gather [hbm4b:s4+s12], $0x80, s7, s12, $0xb8;
	[tilespmem:$0x1F400] =	vst v63  }
0xee: {  	s9 =	rddreg [dreg:$0x8]  }
0xef: {  	[tilespmem:s17], [sflag:$0x5] =	stream.indirect.gather [hbm4b:s4+s12], $0x80, s9, s12, $0xb8;
	[tilespmem:$0x1F400] =	vst v63  }
0xf0: {  	_ =	swait.ge [sflag:s18], $0x2000  }
0xf1: {  	[sflag:s18] =	ssyncset.done $0x0  }
0xf2: {  	[sflag:s18] =	ssyncadd.s32 $0xFFFFE000  }
0xf3: {  	[spmem:s2] =	stream.indirect.scatter.add.f32 [tilespmem:s13], [sflag:$0x6], $0x80, s11, s12, $0xb8;
	[tilespmem:$0x1F400] =	vst v63  }
0xf4: {  	_ =	swait.ge [sflag:s10], $0x2000  }
0xf5: {  	[sflag:s10] =	ssyncset.done $0x0  }
0xf6: {  	s9 =	rddreg [dreg:$0x9];
	[sflag:s10] =	ssyncadd.s32 $0xFFFFE000  }
0xf7: {  	[tilespmem:s13], [sflag:$0x1] =	stream.indirect.gather [hbm4b:s4+s12], $0x80, s9, s12, $0xb8;
	[tilespmem:$0x1F400] =	vst v63  }
0xf8: {  	_ =	swait.ge [sflag:s19], $0x2000  }
0xf9: {  	[sflag:s19] =	ssyncset.done $0x0  }
0xfa: {  	s9 =	rddreg [dreg:$0xa];
	[sflag:s19] =	ssyncadd.s32 $0xFFFFE000  }
0xfb: {  	[spmem:s2] =	stream.indirect.scatter.add.f32 [tilespmem:s14], [sflag:$0x6], $0x80, s9, s12, $0xb8;
	[tilespmem:$0x1F400] =	vst v63  }
0xfc: {  	_ =	swait.ge [sflag:s10], $0x2000  }
0xfd: {  	[sflag:s10] =	ssyncset.done $0x0  }
0xfe: {  	s9 =	rddreg [dreg:$0xb];
	[sflag:s10] =	ssyncadd.s32 $0xFFFFE000  }
0xff: {  	[tilespmem:s14], [sflag:$0x2] =	stream.indirect.gather [hbm4b:s4+s12], $0x80, s9, s12, $0xb8;
	[tilespmem:$0x1F400] =	vst v63  }
0x100: {  	_ =	swait.ge [sflag:s20], $0x2000  }
0x101: {  	[sflag:s20] =	ssyncset.done $0x0  }
0x102: {  	s9 =	rddreg [dreg:$0xc];
	[sflag:s20] =	ssyncadd.s32 $0xFFFFE000  }
0x103: {  	[spmem:s2] =	stream.indirect.scatter.add.f32 [tilespmem:s15], [sflag:$0x6], $0x80, s9, s12, $0xb8;
	[tilespmem:$0x1F400] =	vst v63  }
0x104: {  	_ =	swait.ge [sflag:s10], $0x2000  }
0x105: {  	[sflag:s10] =	ssyncset.done $0x0  }
0x106: {  	s9 =	rddreg [dreg:$0xd];
	[sflag:s10] =	ssyncadd.s32 $0xFFFFE000  }
0x107: {  	[tilespmem:s15], [sflag:$0x3] =	stream.indirect.gather [hbm4b:s4+s12], $0x80, s9, s12, $0xb8;
	[tilespmem:$0x1F400] =	vst v63  }
0x108: {  	_ =	swait.ge [sflag:s21], $0x2000  }
0x109: {  	[sflag:s21] =	ssyncset.done $0x0  }
0x10a: {  	s9 =	rddreg [dreg:$0xe];
	[sflag:s21] =	ssyncadd.s32 $0xFFFFE000  }
0x10b: {  	[spmem:s2] =	stream.indirect.scatter.add.f32 [tilespmem:s16], [sflag:$0x6], $0x80, s9, s12, $0xb8;
	[tilespmem:$0x1F400] =	vst v63  }
0x10c: {  	_ =	swait.ge [sflag:s10], $0x2000  }
0x10d: {  	[sflag:s10] =	ssyncset.done $0x0  }
0x10e: {  	s9 =	rddreg [dreg:$0xf];
	[sflag:s10] =	ssyncadd.s32 $0xFFFFE000  }
0x10f: {  	[tilespmem:s16], [sflag:$0x4] =	stream.indirect.gather [hbm4b:s4+s12], $0x80, s9, s12, $0xb8;
	[tilespmem:$0x1F400] =	vst v63  }
0x110: {  	_ =	swait.ge [sflag:s22], $0x2000  }
0x111: {  	[sflag:s22] =	ssyncset.done $0x0  }
0x112: {  	s9 =	rddreg [dreg:$0x10];
	[sflag:s22] =	ssyncadd.s32 $0xFFFFE000  }
0x113: {  	[spmem:s2] =	stream.indirect.scatter.add.f32 [tilespmem:s17], [sflag:$0x6], $0x80, s9, s12, $0xb8;
	[tilespmem:$0x1F400] =	vst v63  }
0x114: {  	_ =	swait.ge [sflag:s10], $0x2000  }
0x115: {  	[sflag:s10] =	ssyncset.done $0x0  }
0x116: {  	s9 =	rddreg [dreg:$0x11];
	[sflag:s10] =	ssyncadd.s32 $0xFFFFE000  }
0x117: {  	[tilespmem:s17], [sflag:$0x5] =	stream.indirect.gather [hbm4b:s4+s12], $0x80, s9, s12, $0xb8;
	[tilespmem:$0x1F400] =	vst v63  }
0x118: {  	_ =	swait.ge [sflag:s18], $0x2000  }
0x119: {  	[sflag:s18] =	ssyncset.done $0x0  }
0x11a: {  	s9 =	rddreg [dreg:$0x12];
	[sflag:s18] =	ssyncadd.s32 $0xFFFFE000  }
0x11b: {  	[spmem:s2] =	stream.indirect.scatter.add.f32 [tilespmem:s13], [sflag:$0x6], $0x80, s9, s12, $0xb8;
	[tilespmem:$0x1F400] =	vst v63  }
0x11c: {  	_ =	swait.ge [sflag:s10], $0x2000  }
0x11d: {  	[sflag:s10] =	ssyncset.done $0x0  }
0x11e: {  	s9 =	rddreg [dreg:$0x13];
	[sflag:s10] =	ssyncadd.s32 $0xFFFFE000  }
0x11f: {  	[tilespmem:s13], [sflag:$0x1] =	stream.indirect.gather [hbm4b:s4+s12], $0x80, s9, s12, $0xb8;
	[tilespmem:$0x1F400] =	vst v63  }
0x120: {  	_ =	swait.ge [sflag:s19], $0x2000  }
0x121: {  	[sflag:s19] =	ssyncset.done $0x0  }
0x122: {  	s9 =	rddreg [dreg:$0x14];
	[sflag:s19] =	ssyncadd.s32 $0xFFFFE000  }
0x123: {  	[spmem:s2] =	stream.indirect.scatter.add.f32 [tilespmem:s14], [sflag:$0x6], $0x80, s9, s12, $0xb8;
	[tilespmem:$0x1F400] =	vst v63  }
0x124: {  	_ =	swait.ge [sflag:s10], $0x2000  }
0x125: {  	[sflag:s10] =	ssyncset.done $0x0  }
0x126: {  	s9 =	rddreg [dreg:$0x15];
	[sflag:s10] =	ssyncadd.s32 $0xFFFFE000  }
0x127: {  	[tilespmem:s14], [sflag:$0x2] =	stream.indirect.gather [hbm4b:s4+s12], $0x80, s9, s12, $0xb8;
	[tilespmem:$0x1F400] =	vst v63  }
0x128: {  	_ =	swait.ge [sflag:s20], $0x2000  }
0x129: {  	[sflag:s20] =	ssyncset.done $0x0  }
0x12a: {  	s9 =	rddreg [dreg:$0x16];
	[sflag:s20] =	ssyncadd.s32 $0xFFFFE000  }
0x12b: {  	[spmem:s2] =	stream.indirect.scatter.add.f32 [tilespmem:s15], [sflag:$0x6], $0x80, s9, s12, $0xb8;
	[tilespmem:$0x1F400] =	vst v63  }
0x12c: {  	_ =	swait.ge [sflag:s10], $0x2000  }
0x12d: {  	[sflag:s10] =	ssyncset.done $0x0  }
0x12e: {  	s9 =	rddreg [dreg:$0x17];
	[sflag:s10] =	ssyncadd.s32 $0xFFFFE000  }
0x12f: {  	[tilespmem:s15], [sflag:$0x3] =	stream.indirect.gather [hbm4b:s4+s12], $0x80, s9, s12, $0xb8;
	[tilespmem:$0x1F400] =	vst v63  }
0x130: {  	_ =	swait.ge [sflag:s21], $0x2000  }
0x131: {  	[sflag:s21] =	ssyncset.done $0x0  }
0x132: {  	s9 =	rddreg [dreg:$0x18];
	[sflag:s21] =	ssyncadd.s32 $0xFFFFE000  }
0x133: {  	[spmem:s2] =	stream.indirect.scatter.add.f32 [tilespmem:s16], [sflag:$0x6], $0x80, s9, s12, $0xb8;
	[tilespmem:$0x1F400] =	vst v63  }
0x134: {  	_ =	swait.ge [sflag:s10], $0x2000  }
0x135: {  	[sflag:s10] =	ssyncset.done $0x0  }
0x136: {  	s9 =	rddreg [dreg:$0x19];
	[sflag:s10] =	ssyncadd.s32 $0xFFFFE000  }
0x137: {  	[tilespmem:s16], [sflag:$0x4] =	stream.indirect.gather [hbm4b:s4+s12], $0x80, s9, s12, $0xb8;
	[tilespmem:$0x1F400] =	vst v63  }
0x138: {  	_ =	swait.ge [sflag:s22], $0x2000  }
0x139: {  	[sflag:s22] =	ssyncset.done $0x0  }
0x13a: {  	s9 =	rddreg [dreg:$0x1a];
	[sflag:s22] =	ssyncadd.s32 $0xFFFFE000  }
0x13b: {  	[spmem:s2] =	stream.indirect.scatter.add.f32 [tilespmem:s17], [sflag:$0x6], $0x80, s9, s12, $0xb8;
	[tilespmem:$0x1F400] =	vst v63  }
0x13c: {  	_ =	swait.ge [sflag:s10], $0x2000  }
0x13d: {  	[sflag:s10] =	ssyncset.done $0x0  }
0x13e: {  	s9 =	rddreg [dreg:$0x1b];
	[sflag:s10] =	ssyncadd.s32 $0xFFFFE000  }
0x13f: {  	[tilespmem:s17], [sflag:$0x5] =	stream.indirect.gather [hbm4b:s4+s12], $0x80, s9, s12, $0xb8;
	[tilespmem:$0x1F400] =	vst v63  }
0x140: {  	_ =	swait.ge [sflag:s18], $0x2000  }
0x141: {  	[sflag:s18] =	ssyncset.done $0x0  }
0x142: {  	s9 =	rddreg [dreg:$0x1c];
	[sflag:s18] =	ssyncadd.s32 $0xFFFFE000  }
0x143: {  	[spmem:s2] =	stream.indirect.scatter.add.f32 [tilespmem:s13], [sflag:$0x6], $0x80, s9, s12, $0xb8;
	[tilespmem:$0x1F400] =	vst v63  }
0x144: {  	_ =	swait.ge [sflag:s10], $0x2000  }
0x145: {  	[sflag:s10] =	ssyncset.done $0x0  }
0x146: {  	s9 =	rddreg [dreg:$0x1d];
	[sflag:s10] =	ssyncadd.s32 $0xFFFFE000  }
0x147: {  	[tilespmem:s13], [sflag:$0x1] =	stream.indirect.gather [hbm4b:s4+s12], $0x80, s9, s12, $0xb8;
	[tilespmem:$0x1F400] =	vst v63  }
0x148: {  	_ =	swait.ge [sflag:s19], $0x2000  }
0x149: {  	[sflag:s19] =	ssyncset.done $0x0  }
0x14a: {  	s9 =	rddreg [dreg:$0x1e];
	[sflag:s19] =	ssyncadd.s32 $0xFFFFE000  }
0x14b: {  	[spmem:s2] =	stream.indirect.scatter.add.f32 [tilespmem:s14], [sflag:$0x6], $0x80, s9, s12, $0xb8;
	[tilespmem:$0x1F400] =	vst v63  }
0x14c: {  	_ =	swait.ge [sflag:s10], $0x2000  }
0x14d: {  	[sflag:s10] =	ssyncset.done $0x0  }
0x14e: {  	s9 =	rddreg [dreg:$0x1f];
	[sflag:s10] =	ssyncadd.s32 $0xFFFFE000  }
0x14f: {  	[tilespmem:s14], [sflag:$0x2] =	stream.indirect.gather [hbm4b:s4+s12], $0x80, s9, s12, $0xb8;
	[tilespmem:$0x1F400] =	vst v63  }
0x150: {  	_ =	swait.ge [sflag:s20], $0x2000  }
0x151: {  	[sflag:s20] =	ssyncset.done $0x0  }
0x152: {  	[sflag:s20] =	ssyncadd.s32 $0xFFFFE000  }
0x153: {  	[spmem:s2] =	stream.indirect.scatter.add.f32 [tilespmem:s15], [sflag:$0x6], $0x80, s23, s12, $0xb8;
	[tilespmem:$0x1F400] =	vst v63  }
0x154: {  	_ =	swait.ge [sflag:s10], $0x2000  }
0x155: {  	[sflag:s10] =	ssyncset.done $0x0  }
0x156: {  	[sflag:s10] =	ssyncadd.s32 $0xFFFFE000  }
0x157: {  	[tilespmem:s15], [sflag:$0x3] =	stream.indirect.gather [hbm4b:s4+s12], $0x80, s24, s12, $0xb8;
	[tilespmem:$0x1F400] =	vst v63  }
0x158: {  	_ =	swait.ge [sflag:s21], $0x2000  }
0x159: {  	[sflag:s21] =	ssyncset.done $0x0  }
0x15a: {  	[sflag:s21] =	ssyncadd.s32 $0xFFFFE000  }
0x15b: {  	[spmem:s2] =	stream.indirect.scatter.add.f32 [tilespmem:s16], [sflag:$0x6], $0x80, s25, s12, $0xb8;
	[tilespmem:$0x1F400] =	vst v63  }
0x15c: {  	_ =	swait.ge [sflag:s10], $0x2000  }
0x15d: {  	[sflag:s10] =	ssyncset.done $0x0  }
0x15e: {  	[sflag:s10] =	ssyncadd.s32 $0xFFFFE000  }
0x15f: {  	[tilespmem:s16], [sflag:$0x4] =	stream.indirect.gather [hbm4b:s4+s12], $0x80, s26, s12, $0xb8;
	[tilespmem:$0x1F400] =	vst v63  }
0x160: {  	_ =	swait.ge [sflag:s22], $0x2000  }
0x161: {  	[sflag:s22] =	ssyncset.done $0x0  }
0x162: {  	[sflag:s22] =	ssyncadd.s32 $0xFFFFE000  }
0x163: {  	[spmem:s2] =	stream.indirect.scatter.add.f32 [tilespmem:s17], [sflag:$0x6], $0x80, s28, s12, $0xb8;
	[tilespmem:$0x1F400] =	vst v63  }
0x164: {  	_ =	swait.ge [sflag:s10], $0x2000  }
0x165: {  	[sflag:s10] =	ssyncset.done $0x0  }
0x166: {  	[sflag:s10] =	ssyncadd.s32 $0xFFFFE000  }
0x167: {  	[tilespmem:s17], [sflag:$0x5] =	stream.indirect.gather [hbm4b:s4+s12], $0x80, s29, s12, $0xb8;
	[tilespmem:$0x1F400] =	vst v63  }
0x168: {  	_ =	swait.ge [sflag:s18], $0x2000  }
0x169: {  	[sflag:s18] =	ssyncset.done $0x0  }
0x16a: {  	[sflag:s18] =	ssyncadd.s32 $0xFFFFE000  }
0x16b: {  	[spmem:s2] =	stream.indirect.scatter.add.f32 [tilespmem:s13], [sflag:$0x6], $0x80, s30, s12, $0xb8;
	[tilespmem:$0x1F400] =	vst v63  }
0x16c: {  	_ =	swait.ge [sflag:s10], $0x2000  }
0x16d: {  	[sflag:s10] =	ssyncset.done $0x0  }
0x16e: {  	[sflag:s10] =	ssyncadd.s32 $0xFFFFE000  }
0x16f: {  	_ =	swait.ge [sflag:s19], $0x2000  }
0x170: {  	[sflag:s19] =	ssyncset.done $0x0  }
0x171: {  	[sflag:s19] =	ssyncadd.s32 $0xFFFFE000  }
0x172: {  	[spmem:s2] =	stream.indirect.scatter.add.f32 [tilespmem:s14], [sflag:$0x6], $0x80, s31, s12, $0xb8;
	[tilespmem:$0x1F400] =	vst v63  }
0x173: {  	_ =	swait.ge [sflag:s10], $0x2000  }
0x174: {  	[sflag:s10] =	ssyncset.done $0x0  }
0x175: {  	[sflag:s10] =	ssyncadd.s32 $0xFFFFE000  }
0x176: {  	_ =	swait.ge [sflag:s20], $0x2000  }
0x177: {  	[sflag:s20] =	ssyncset.done $0x0  }
0x178: {  	[sflag:s20] =	ssyncadd.s32 $0xFFFFE000  }
0x179: {  	[spmem:s2] =	stream.indirect.scatter.add.f32 [tilespmem:s15], [sflag:$0x6], $0x80, s1, s12, $0xb8;
	[tilespmem:$0x1F400] =	vst v63  }
0x17a: {  	_ =	swait.ge [sflag:s10], $0x2000  }
0x17b: {  	[sflag:s10] =	ssyncset.done $0x0  }
0x17c: {  	[sflag:s10] =	ssyncadd.s32 $0xFFFFE000  }
0x17d: {  	_ =	swait.ge [sflag:s21], $0x2000  }
0x17e: {  	[sflag:s21] =	ssyncset.done $0x0  }
0x17f: {  	[sflag:s21] =	ssyncadd.s32 $0xFFFFE000  }
0x180: {  	[spmem:s2] =	stream.indirect.scatter.add.f32 [tilespmem:s16], [sflag:$0x6], $0x80, s0, s12, $0xb8;
	[tilespmem:$0x1F400] =	vst v63  }
0x181: {  	_ =	swait.ge [sflag:s10], $0x2000  }
0x182: {  	[sflag:s10] =	ssyncset.done $0x0  }
0x183: {  	[sflag:s10] =	ssyncadd.s32 $0xFFFFE000  }
0x184: {  	p0 =	sne.s32 s6, $0xA80;
	_ =	swait.ge [sflag:s22], $0x2000  }
.Ltmp0:
0x185: {  	[sflag:s22] =	ssyncset.done $0x0;
	(pc) =	sbr.rel @p0 .LBB2_2-.Ltmp0, $4  }
0x186: {  	[sflag:s22] =	ssyncadd.s32 $0xFFFFE000  }
0x187: {  	[spmem:s2] =	stream.indirect.scatter.add.f32 [tilespmem:s17], [sflag:$0x6], $0x80, s5, s12, $0xb8;
	[tilespmem:$0x1F400] =	vst v63  }
0x188: {  	_ =	swait.ge [sflag:s10], $0x2000  }
0x189: {  	s6 =	sadd.s32 $0x180, s6;
	s9 =	rddreg [dreg:$0x3];
	[sflag:s10] =	ssyncset.done $0x0  }
0x18a: {  	[sflag:s10] =	ssyncadd.s32 $0xFFFFE000;
	s6 =	sadd.s32 s8, s9  }
0x18b: {  	[tilespmem:s3], [sflag:$0x6] =	stream.linear.gather [hbm4b:s6+s3], $0xA00, $0x38;
	[tilespmem:$0x1F400] =	vst v63  }
0x18c: {  	_ =	swait.ge [sflag:s10], $0xA00  }
0x18d: {  	s7 =	rddreg [dreg:$0x4];
	[sflag:s10] =	ssyncset.done $0x0  }
0x18e: {  	[sflag:s10] =	ssyncadd.s32 $0xFFFFF600;
	s6 =	sadd.s32 s8, s7  }
0x18f: {  	[tilespmem:s11], [sflag:$0x6] =	stream.linear.gather [hbm4b:s6+s3], $0xA00, $0x38;
	[tilespmem:$0x1F400] =	vst v63  }
0x190: {  	_ =	swait.ge [sflag:s10], $0xA00  }
0x191: {  	[sflag:s10] =	ssyncset.done $0x0  }
0x192: {  	[sflag:s10] =	ssyncadd.s32 $0xFFFFF600  }
0x193: {  	[tilespmem:s13], [sflag:$0x1] =	stream.indirect.gather [hbm4b:s4+s12], $0x80, s3, s12, $0xb8;
	[tilespmem:$0x1F400] =	vst v63  }
0x194: {  	s9 =	rddreg [dreg:$0x5]  }
0x195: {  	[tilespmem:s14], [sflag:$0x2] =	stream.indirect.gather [hbm4b:s4+s12], $0x80, s9, s12, $0xb8;
	[tilespmem:$0x1F400] =	vst v63  }
0x196: {  	s7 =	rddreg [dreg:$0x6]  }
0x197: {  	[tilespmem:s15], [sflag:$0x3] =	stream.indirect.gather [hbm4b:s4+s12], $0x80, s7, s12, $0xb8;
	[tilespmem:$0x1F400] =	vst v63  }
0x198: {  	s8 =	rddreg [dreg:$0x7]  }
0x199: {  	[tilespmem:s16], [sflag:$0x4] =	stream.indirect.gather [hbm4b:s4+s12], $0x80, s8, s12, $0xb8;
	[tilespmem:$0x1F400] =	vst v63  }
0x19a: {  	s9 =	rddreg [dreg:$0x8]  }
0x19b: {  	[tilespmem:s17], [sflag:$0x5] =	stream.indirect.gather [hbm4b:s4+s12], $0x80, s9, s12, $0xb8;
	[tilespmem:$0x1F400] =	vst v63  }
0x19c: {  	_ =	swait.ge [sflag:s18], $0x2000  }
0x19d: {  	[sflag:s18] =	ssyncset.done $0x0  }
0x19e: {  	[sflag:s18] =	ssyncadd.s32 $0xFFFFE000  }
0x19f: {  	[spmem:s2] =	stream.indirect.scatter.add.f32 [tilespmem:s13], [sflag:$0x6], $0x80, s11, s12, $0xb8;
	[tilespmem:$0x1F400] =	vst v63  }
0x1a0: {  	_ =	swait.ge [sflag:s10], $0x2000  }
0x1a1: {  	[sflag:s10] =	ssyncset.done $0x0  }
0x1a2: {  	s7 =	rddreg [dreg:$0x9];
	[sflag:s10] =	ssyncadd.s32 $0xFFFFE000  }
0x1a3: {  	[tilespmem:s13], [sflag:$0x1] =	stream.indirect.gather [hbm4b:s4+s12], $0x80, s7, s12, $0xb8;
	[tilespmem:$0x1F400] =	vst v63  }
0x1a4: {  	_ =	swait.ge [sflag:s19], $0x2000  }
0x1a5: {  	[sflag:s19] =	ssyncset.done $0x0  }
0x1a6: {  	s8 =	rddreg [dreg:$0xa];
	[sflag:s19] =	ssyncadd.s32 $0xFFFFE000  }
0x1a7: {  	[spmem:s2] =	stream.indirect.scatter.add.f32 [tilespmem:s14], [sflag:$0x6], $0x80, s8, s12, $0xb8;
	[tilespmem:$0x1F400] =	vst v63  }
0x1a8: {  	_ =	swait.ge [sflag:s10], $0x2000  }
0x1a9: {  	[sflag:s10] =	ssyncset.done $0x0  }
0x1aa: {  	s9 =	rddreg [dreg:$0xb];
	[sflag:s10] =	ssyncadd.s32 $0xFFFFE000  }
0x1ab: {  	[tilespmem:s14], [sflag:$0x2] =	stream.indirect.gather [hbm4b:s4+s12], $0x80, s9, s12, $0xb8;
	[tilespmem:$0x1F400] =	vst v63  }
0x1ac: {  	_ =	swait.ge [sflag:s20], $0x2000  }
0x1ad: {  	[sflag:s20] =	ssyncset.done $0x0  }
0x1ae: {  	s7 =	rddreg [dreg:$0xc];
	[sflag:s20] =	ssyncadd.s32 $0xFFFFE000  }
0x1af: {  	[spmem:s2] =	stream.indirect.scatter.add.f32 [tilespmem:s15], [sflag:$0x6], $0x80, s7, s12, $0xb8;
	[tilespmem:$0x1F400] =	vst v63  }
0x1b0: {  	_ =	swait.ge [sflag:s10], $0x2000  }
0x1b1: {  	[sflag:s10] =	ssyncset.done $0x0  }
0x1b2: {  	s8 =	rddreg [dreg:$0xd];
	[sflag:s10] =	ssyncadd.s32 $0xFFFFE000  }
0x1b3: {  	[tilespmem:s15], [sflag:$0x3] =	stream.indirect.gather [hbm4b:s4+s12], $0x80, s8, s12, $0xb8;
	[tilespmem:$0x1F400] =	vst v63  }
0x1b4: {  	_ =	swait.ge [sflag:s21], $0x2000  }
0x1b5: {  	[sflag:s21] =	ssyncset.done $0x0  }
0x1b6: {  	s9 =	rddreg [dreg:$0xe];
	[sflag:s21] =	ssyncadd.s32 $0xFFFFE000  }
0x1b7: {  	[spmem:s2] =	stream.indirect.scatter.add.f32 [tilespmem:s16], [sflag:$0x6], $0x80, s9, s12, $0xb8;
	[tilespmem:$0x1F400] =	vst v63  }
0x1b8: {  	_ =	swait.ge [sflag:s10], $0x2000  }
0x1b9: {  	[sflag:s10] =	ssyncset.done $0x0  }
0x1ba: {  	s7 =	rddreg [dreg:$0xf];
	[sflag:s10] =	ssyncadd.s32 $0xFFFFE000  }
0x1bb: {  	[tilespmem:s16], [sflag:$0x4] =	stream.indirect.gather [hbm4b:s4+s12], $0x80, s7, s12, $0xb8;
	[tilespmem:$0x1F400] =	vst v63  }
0x1bc: {  	_ =	swait.ge [sflag:s22], $0x2000  }
0x1bd: {  	[sflag:s22] =	ssyncset.done $0x0  }
0x1be: {  	s8 =	rddreg [dreg:$0x10];
	[sflag:s22] =	ssyncadd.s32 $0xFFFFE000  }
0x1bf: {  	[spmem:s2] =	stream.indirect.scatter.add.f32 [tilespmem:s17], [sflag:$0x6], $0x80, s8, s12, $0xb8;
	[tilespmem:$0x1F400] =	vst v63  }
0x1c0: {  	_ =	swait.ge [sflag:s10], $0x2000  }
0x1c1: {  	[sflag:s10] =	ssyncset.done $0x0  }
0x1c2: {  	s9 =	rddreg [dreg:$0x11];
	[sflag:s10] =	ssyncadd.s32 $0xFFFFE000  }
0x1c3: {  	[tilespmem:s17], [sflag:$0x5] =	stream.indirect.gather [hbm4b:s4+s12], $0x80, s9, s12, $0xb8;
	[tilespmem:$0x1F400] =	vst v63  }
0x1c4: {  	_ =	swait.ge [sflag:s18], $0x2000  }
0x1c5: {  	[sflag:s18] =	ssyncset.done $0x0  }
0x1c6: {  	s7 =	rddreg [dreg:$0x12];
	[sflag:s18] =	ssyncadd.s32 $0xFFFFE000  }
0x1c7: {  	[spmem:s2] =	stream.indirect.scatter.add.f32 [tilespmem:s13], [sflag:$0x6], $0x80, s7, s12, $0xb8;
	[tilespmem:$0x1F400] =	vst v63  }
0x1c8: {  	_ =	swait.ge [sflag:s10], $0x2000  }
0x1c9: {  	[sflag:s10] =	ssyncset.done $0x0  }
0x1ca: {  	s8 =	rddreg [dreg:$0x13];
	[sflag:s10] =	ssyncadd.s32 $0xFFFFE000  }
0x1cb: {  	[tilespmem:s13], [sflag:$0x1] =	stream.indirect.gather [hbm4b:s4+s12], $0x80, s8, s12, $0xb8;
	[tilespmem:$0x1F400] =	vst v63  }
0x1cc: {  	_ =	swait.ge [sflag:s19], $0x2000  }
0x1cd: {  	[sflag:s19] =	ssyncset.done $0x0  }
0x1ce: {  	s9 =	rddreg [dreg:$0x14];
	[sflag:s19] =	ssyncadd.s32 $0xFFFFE000  }
0x1cf: {  	[spmem:s2] =	stream.indirect.scatter.add.f32 [tilespmem:s14], [sflag:$0x6], $0x80, s9, s12, $0xb8;
	[tilespmem:$0x1F400] =	vst v63  }
0x1d0: {  	_ =	swait.ge [sflag:s10], $0x2000  }
0x1d1: {  	[sflag:s10] =	ssyncset.done $0x0  }
0x1d2: {  	s7 =	rddreg [dreg:$0x15];
	[sflag:s10] =	ssyncadd.s32 $0xFFFFE000  }
0x1d3: {  	[tilespmem:s14], [sflag:$0x2] =	stream.indirect.gather [hbm4b:s4+s12], $0x80, s7, s12, $0xb8;
	[tilespmem:$0x1F400] =	vst v63  }
0x1d4: {  	_ =	swait.ge [sflag:s20], $0x2000  }
0x1d5: {  	[sflag:s20] =	ssyncset.done $0x0  }
0x1d6: {  	s8 =	rddreg [dreg:$0x16];
	[sflag:s20] =	ssyncadd.s32 $0xFFFFE000  }
0x1d7: {  	[spmem:s2] =	stream.indirect.scatter.add.f32 [tilespmem:s15], [sflag:$0x6], $0x80, s8, s12, $0xb8;
	[tilespmem:$0x1F400] =	vst v63  }
0x1d8: {  	_ =	swait.ge [sflag:s10], $0x2000  }
0x1d9: {  	[sflag:s10] =	ssyncset.done $0x0  }
0x1da: {  	s9 =	rddreg [dreg:$0x17];
	[sflag:s10] =	ssyncadd.s32 $0xFFFFE000  }
0x1db: {  	[tilespmem:s15], [sflag:$0x3] =	stream.indirect.gather [hbm4b:s4+s12], $0x80, s9, s12, $0xb8;
	[tilespmem:$0x1F400] =	vst v63  }
0x1dc: {  	_ =	swait.ge [sflag:s21], $0x2000  }
0x1dd: {  	[sflag:s21] =	ssyncset.done $0x0  }
0x1de: {  	s7 =	rddreg [dreg:$0x18];
	[sflag:s21] =	ssyncadd.s32 $0xFFFFE000  }
0x1df: {  	[spmem:s2] =	stream.indirect.scatter.add.f32 [tilespmem:s16], [sflag:$0x6], $0x80, s7, s12, $0xb8;
	[tilespmem:$0x1F400] =	vst v63  }
0x1e0: {  	_ =	swait.ge [sflag:s10], $0x2000  }
0x1e1: {  	[sflag:s10] =	ssyncset.done $0x0  }
0x1e2: {  	s8 =	rddreg [dreg:$0x19];
	[sflag:s10] =	ssyncadd.s32 $0xFFFFE000  }
0x1e3: {  	[tilespmem:s16], [sflag:$0x4] =	stream.indirect.gather [hbm4b:s4+s12], $0x80, s8, s12, $0xb8;
	[tilespmem:$0x1F400] =	vst v63  }
0x1e4: {  	_ =	swait.ge [sflag:s22], $0x2000  }
0x1e5: {  	[sflag:s22] =	ssyncset.done $0x0  }
0x1e6: {  	s9 =	rddreg [dreg:$0x1a];
	[sflag:s22] =	ssyncadd.s32 $0xFFFFE000  }
0x1e7: {  	[spmem:s2] =	stream.indirect.scatter.add.f32 [tilespmem:s17], [sflag:$0x6], $0x80, s9, s12, $0xb8;
	[tilespmem:$0x1F400] =	vst v63  }
0x1e8: {  	_ =	swait.ge [sflag:s10], $0x2000  }
0x1e9: {  	[sflag:s10] =	ssyncset.done $0x0  }
0x1ea: {  	s7 =	rddreg [dreg:$0x1b];
	[sflag:s10] =	ssyncadd.s32 $0xFFFFE000  }
0x1eb: {  	[tilespmem:s17], [sflag:$0x5] =	stream.indirect.gather [hbm4b:s4+s12], $0x80, s7, s12, $0xb8;
	[tilespmem:$0x1F400] =	vst v63  }
0x1ec: {  	_ =	swait.ge [sflag:s18], $0x2000  }
0x1ed: {  	[sflag:s18] =	ssyncset.done $0x0  }
0x1ee: {  	s8 =	rddreg [dreg:$0x1c];
	[sflag:s18] =	ssyncadd.s32 $0xFFFFE000  }
0x1ef: {  	[spmem:s2] =	stream.indirect.scatter.add.f32 [tilespmem:s13], [sflag:$0x6], $0x80, s8, s12, $0xb8;
	[tilespmem:$0x1F400] =	vst v63  }
0x1f0: {  	_ =	swait.ge [sflag:s10], $0x2000  }
0x1f1: {  	[sflag:s10] =	ssyncset.done $0x0  }
0x1f2: {  	s9 =	rddreg [dreg:$0x1d];
	[sflag:s10] =	ssyncadd.s32 $0xFFFFE000  }
0x1f3: {  	[tilespmem:s13], [sflag:$0x1] =	stream.indirect.gather [hbm4b:s4+s12], $0x80, s9, s12, $0xb8;
	[tilespmem:$0x1F400] =	vst v63  }
0x1f4: {  	_ =	swait.ge [sflag:s19], $0x2000  }
0x1f5: {  	[sflag:s19] =	ssyncset.done $0x0  }
0x1f6: {  	s7 =	rddreg [dreg:$0x1e];
	[sflag:s19] =	ssyncadd.s32 $0xFFFFE000  }
0x1f7: {  	[spmem:s2] =	stream.indirect.scatter.add.f32 [tilespmem:s14], [sflag:$0x6], $0x80, s7, s12, $0xb8;
	[tilespmem:$0x1F400] =	vst v63  }
0x1f8: {  	_ =	swait.ge [sflag:s10], $0x2000  }
0x1f9: {  	[sflag:s10] =	ssyncset.done $0x0  }
0x1fa: {  	s8 =	rddreg [dreg:$0x1f];
	[sflag:s10] =	ssyncadd.s32 $0xFFFFE000  }
0x1fb: {  	[tilespmem:s14], [sflag:$0x2] =	stream.indirect.gather [hbm4b:s4+s12], $0x80, s8, s12, $0xb8;
	[tilespmem:$0x1F400] =	vst v63  }
0x1fc: {  	_ =	swait.ge [sflag:s20], $0x2000  }
0x1fd: {  	[sflag:s20] =	ssyncset.done $0x0  }
0x1fe: {  	[sflag:s20] =	ssyncadd.s32 $0xFFFFE000  }
0x1ff: {  	[spmem:s2] =	stream.indirect.scatter.add.f32 [tilespmem:s15], [sflag:$0x6], $0x80, s23, s12, $0xb8;
	[tilespmem:$0x1F400] =	vst v63  }
0x200: {  	_ =	swait.ge [sflag:s10], $0x2000  }
0x201: {  	[sflag:s10] =	ssyncset.done $0x0  }
0x202: {  	[sflag:s10] =	ssyncadd.s32 $0xFFFFE000  }
0x203: {  	[tilespmem:s15], [sflag:$0x3] =	stream.indirect.gather [hbm4b:s4+s12], $0x80, s24, s12, $0xb8;
	[tilespmem:$0x1F400] =	vst v63  }
0x204: {  	_ =	swait.ge [sflag:s21], $0x2000  }
0x205: {  	[sflag:s21] =	ssyncset.done $0x0  }
0x206: {  	[sflag:s21] =	ssyncadd.s32 $0xFFFFE000  }
0x207: {  	[spmem:s2] =	stream.indirect.scatter.add.f32 [tilespmem:s16], [sflag:$0x6], $0x80, s25, s12, $0xb8;
	[tilespmem:$0x1F400] =	vst v63  }
0x208: {  	_ =	swait.ge [sflag:s10], $0x2000  }
0x209: {  	[sflag:s10] =	ssyncset.done $0x0  }
0x20a: {  	[sflag:s10] =	ssyncadd.s32 $0xFFFFE000  }
0x20b: {  	[tilespmem:s16], [sflag:$0x4] =	stream.indirect.gather [hbm4b:s4+s12], $0x80, s26, s12, $0xb8;
	[tilespmem:$0x1F400] =	vst v63  }
0x20c: {  	_ =	swait.ge [sflag:s22], $0x2000  }
0x20d: {  	[sflag:s22] =	ssyncset.done $0x0  }
0x20e: {  	[sflag:s22] =	ssyncadd.s32 $0xFFFFE000  }
0x20f: {  	[spmem:s2] =	stream.indirect.scatter.add.f32 [tilespmem:s17], [sflag:$0x6], $0x80, s28, s12, $0xb8;
	[tilespmem:$0x1F400] =	vst v63  }
0x210: {  	_ =	swait.ge [sflag:s10], $0x2000  }
0x211: {  	[sflag:s10] =	ssyncset.done $0x0  }
0x212: {  	[sflag:s10] =	ssyncadd.s32 $0xFFFFE000  }
0x213: {  	[tilespmem:s17], [sflag:$0x5] =	stream.indirect.gather [hbm4b:s4+s12], $0x80, s29, s12, $0xb8;
	[tilespmem:$0x1F400] =	vst v63  }
0x214: {  	_ =	swait.ge [sflag:s18], $0x2000  }
0x215: {  	[sflag:s18] =	ssyncset.done $0x0  }
0x216: {  	[sflag:s18] =	ssyncadd.s32 $0xFFFFE000  }
0x217: {  	[spmem:s2] =	stream.indirect.scatter.add.f32 [tilespmem:s13], [sflag:$0x6], $0x80, s30, s12, $0xb8;
	[tilespmem:$0x1F400] =	vst v63  }
0x218: {  	_ =	swait.ge [sflag:s10], $0x2000  }
0x219: {  	[sflag:s10] =	ssyncset.done $0x0  }
0x21a: {  	[sflag:s10] =	ssyncadd.s32 $0xFFFFE000  }
0x21b: {  	_ =	swait.ge [sflag:s19], $0x2000  }
0x21c: {  	[sflag:s19] =	ssyncset.done $0x0  }
0x21d: {  	[sflag:s19] =	ssyncadd.s32 $0xFFFFE000  }
0x21e: {  	[spmem:s2] =	stream.indirect.scatter.add.f32 [tilespmem:s14], [sflag:$0x6], $0x80, s31, s12, $0xb8;
	[tilespmem:$0x1F400] =	vst v63  }
0x21f: {  	_ =	swait.ge [sflag:s10], $0x2000  }
0x220: {  	[sflag:s10] =	ssyncset.done $0x0  }
0x221: {  	[sflag:s10] =	ssyncadd.s32 $0xFFFFE000  }
0x222: {  	_ =	swait.ge [sflag:s20], $0x2000  }
0x223: {  	[sflag:s20] =	ssyncset.done $0x0  }
0x224: {  	[sflag:s20] =	ssyncadd.s32 $0xFFFFE000  }
0x225: {  	[spmem:s2] =	stream.indirect.scatter.add.f32 [tilespmem:s15], [sflag:$0x6], $0x80, s1, s12, $0xb8;
	[tilespmem:$0x1F400] =	vst v63  }
0x226: {  	_ =	swait.ge [sflag:s10], $0x2000  }
0x227: {  	[sflag:s10] =	ssyncset.done $0x0  }
0x228: {  	[sflag:s10] =	ssyncadd.s32 $0xFFFFE000  }
0x229: {  	_ =	swait.ge [sflag:s21], $0x2000  }
0x22a: {  	[sflag:s21] =	ssyncset.done $0x0  }
0x22b: {  	[sflag:s21] =	ssyncadd.s32 $0xFFFFE000  }
0x22c: {  	[spmem:s2] =	stream.indirect.scatter.add.f32 [tilespmem:s16], [sflag:$0x6], $0x80, s0, s12, $0xb8;
	[tilespmem:$0x1F400] =	vst v63  }
0x22d: {  	_ =	swait.ge [sflag:s10], $0x2000  }
0x22e: {  	[sflag:s10] =	ssyncset.done $0x0  }
0x22f: {  	[sflag:s10] =	ssyncadd.s32 $0xFFFFE000  }
0x230: {  	_ =	swait.ge [sflag:s22], $0x2000  }
0x231: {  	[sflag:s22] =	ssyncset.done $0x0  }
0x232: {  	[sflag:s22] =	ssyncadd.s32 $0xFFFFE000  }
0x233: {  	[spmem:s2] =	stream.indirect.scatter.add.f32 [tilespmem:s17], [sflag:$0x6], $0x80, s5, s12, $0xb8;
	[tilespmem:$0x1F400] =	vst v63  }
0x234: {  	_ =	swait.ge [sflag:s10], $0x2000  }
0x235: {  	[sflag:s10] =	ssyncset.done $0x0  }
0x236: {  	[sflag:s10] =	ssyncadd.s32 $0xFFFFE000  }
0x237: {  	[bflag:$0x0] =	sbarrier.arrive $0xFFFF  }
0x238: {  	s7 =	sld [smem:$0x7FC]  }
0x239: {  	s9 =	sld [smem:$0x7FA]  }
0x23a: {  	s8 =	sld [smem:$0x7FD];
	_ =	sdelay $0x2  }
0x23b: {  	[hbm:s9], [sflag:s7] =	dma.local [spmem:s8], $0x2780  }
0x23c: {  	_ =	swait.ge [sflag:s10], $0x2780  }
0x23d: {  	s6 =	sld [smem:$0x7F8];
	_ =	sdelay $0x2  }
0x23e: {  	s9 =	sadd.s32 $0x1, s6;
	s6 =	sld [smem:$0x7FB];
	_ =	sdelay $0x2  }
0x23f: {  	p0 =	sne.s32 s9, s6  }
.Ltmp1:
0x240: {  	_ = 	snop;
	(pc) =	sbr.rel @p0 .LBB2_1-.Ltmp1, $3  }
0x241: {  	_ =	sdelay $0x1  }
0x242: {  	[sflag:s10] =	ssyncset.done $0x0  }
0x243: {  	[sflag:s10] =	ssyncadd.s32 $0xFFFFD880  }
0x244: {  	_ =	sfence.sel $0x180000  }
0x245: {  	[bflag:$0x0] =	sbarrier.arrive $0xFFFF  }
0x246: {  	_ =	strace $0x90000047  }
0x247: {  	s0 =	stileid.u32;
	[bflag:$0x2] =	sbarrier.arrive $0xFFFF  }
0x248: {  	p0 =	sne.s32 s0, $0x0;
	s0 =	rddreg [dreg:$0x2]  }
0x249: {  	s0 =	sadd.s32 @!p0 $0x100000, s0  }
0x24a: {  	[sflag:s0] =	ssyncadd.tile.s32 @!p0 $0x1;
	_ =	shalt  }
.Lfunc_end2:
_tile_overlayer_lowered:
.L_overlay_start_2:
0x24b: {  	(tag) =	ssettag $0x2  }
0x24c: {  	s0 =	rddreg [dreg:$0x0];
	s2 =	stileid.u32  }
0x24d: {  	s1 =	rddreg [dreg:$0x1];
	p0 =	sne.s32 s2, $0x0  }
0x24e: {  	s3 =	rddreg [dreg:$0x2];
	[bflag:$0x3] =	sbarrier.arrive $0xFFFF;
	s2 =	simm.s32 @!p0 $0x1C06  }
0x24f: {  	[timem:s3], [sflag:s2] =	dma.local @!p0 [hbm:s0], s1  }
0x250: {  	s0 =	simm.s32 @!p0 $0x6  }
0x251: {  	_ =	swait.ge @!p0 [sflag:s0], s1  }
0x252: {  	s1 =	ssub.s32 @!p0 $0x0, s1;
	[sflag:s0] =	ssyncset.done @!p0 $0x0  }
0x253: {  	[sflag:s0] =	ssyncadd.s32 @!p0 s1  }
0x254: {  	[bflag:$0x3] =	sbarrier.arrive $0xFFFF  }
0x255: {  	_ =	shalt  }

// kernel: kernel.14.cloned.1.call-start
scs
__scs_entry_jumppad:
0x0: {  	(pc) =	sbr.rel $0x88, $3  }
0x1: {  	(tag) =	ssettag $0x0;
	lr =	simm.s32 $0x1  }
0x2: {  	[smem:$0x3F94] =	sst lr;
	_ =	strace $0xD0000000  }
0x3: {  	_ = 	snop  }
0x4: {  	_ = 	snop  }
0x5: {  	_ = 	snop  }
0x6: {  	_ = 	snop  }
0x7: {  	_ = 	snop  }
__scs_overlays_trampoline_lowered:
0x8: {  	[smem:$0x3FA3] =	sst s0  }
0x9: {  	[smem:$0x3FA4] =	sst s1  }
0xa: {  	[smem:$0x3FA5] =	sst s2  }
0xb: {  	[smem:$0x3FA6] =	sst s3  }
0xc: {  	[smem:$0x3FA7] =	sst s4  }
0xd: {  	[smem:$0x3FA8] =	sst s5  }
0xe: {  	[smem:$0x3FA9] =	sst s6  }
0xf: {  	[smem:$0x3FAA] =	sst s7  }
0x10: {  	[smem:$0x3FAB] =	sst s8  }
0x11: {  	[smem:$0x3FAC] =	sst s9;
	s0 =	simm.s32 @!p0 $0x0  }
0x12: {  	s1 =	sld [smem:$0x3F92];
	s0 =	simm.s32 @p0 $0x1  }
0x13: {  	[smem:$0x3FAD] =	sst s0;
	s0 =	simm.s32 @!p1 $0x0  }
0x14: {  	s2 =	sld [smem:$0x3F91];
	s0 =	simm.s32 @p1 $0x1  }
0x15: {  	[smem:$0x3FAE] =	sst s0;
	s0 =	simm.s32 @!p2 $0x0  }
0x16: {  	s3 =	sld [smem:$0x3FDB];
	s0 =	simm.s32 @p2 $0x1  }
0x17: {  	s4 =	simm.s32 $0x1BF5;
	[smem:$0x3FB0] =	sst s0  }
0x18: {  	s0 =	sld [smem:$0x3F93];
	_ =	swait.ge [sflag:s4], $0x0  }
0x19: {  	s7 =	sld [smem:$0x3F94]  }
0x1a: {  	s8 =	sadd.s32 $0xFFFFE003, lr  }
0x1b: {  	s9 =	sadd.s32 $0xFFFFFEF7, lr;
	s5 =	simm.s32 $0xFFFFFFFF;
	p2 =	slt.u32 s8, $0xFFFFF086  }
0x1c: {  	p1 =	slt.u32 s9, $0xF7A;
	s5 =	simm.s32 @!p2 $0x0  }
0x1d: {  	s5 =	simm.s32 @p1 $0x1;
	p0 =	seq.s32 s7, s2  }
0x1e: {  	s7 =	smul.u32 @!p0 $0xF7A, s2;
	p2 =	seq.s32 @!p0 s5, $0x0  }
0x1f: {  	s9 =	smul.u32 $0xF7A, s1;
	s8 =	simm.s32 @!p0 $0x1BF5;
	p2 =	por !p2, p0  }
0x20: {  	[sflag:s8] =	ssyncset.s32 @!p0 $0xFFFFF086;
	s6 =	sadd.s32 @!p0 s3, s7;
	s7 =	simm.s32 @!p0 $0x108  }
0x21: {  	s3 =	sadd.s32 s3, s9;
	s6 =	sadd.s32 @!p0 $0x88, s6;
	s7 =	simm.s32 @p2 $0x1082  }
0x22: {  	[simem:s7], [sflag:s8] =	dma.local @!p0 [hbm:s6], $0xF7A  }
0x23: {  	s9 =	sor.u32 $0xD0000000, s2;
	s6 =	simm.s32 $0x108;
	_ =	swait.ge @!p0 [sflag:s8], $0x0  }
0x24: {  	s3 =	sadd.s32 $0x88, s3;
	s6 =	simm.s32 @!p1 $0x1082;
	[sflag:s4] =	ssyncset.s32 $0xFFFFF086  }
0x25: {  	[simem:s6], [sflag:s4] =	dma.local [hbm:s3], $0xF7A  }
0x26: {  	[smem:$0x3F94] =	sst s1;
	(tag) =	ssettag s2;
	_ =	strace s9  }
0x27: {  	s1 =	sld [smem:$0x3FA4]  }
0x28: {  	s2 =	sld [smem:$0x3FA5]  }
0x29: {  	s4 =	sld [smem:$0x3FA7]  }
0x2a: {  	p0 =	seq.s32 s5, $0x0;
	s5 =	sld [smem:$0x3FA8]  }
0x2b: {  	s6 =	sld [smem:$0x3FA9]  }
0x2c: {  	s7 =	sld [smem:$0x3FAA]  }
0x2d: {  	s3 =	simm.s32 $0x108;
	s8 =	sld [smem:$0x3FAB]  }
0x2e: {  	s3 =	simm.s32 @!p0 $0x1082;
	s9 =	sld [smem:$0x3FAC]  }
0x2f: {  	lr =	sadd.s32 s0, s3;
	s0 =	sld [smem:$0x3FA3]  }
0x30: {  	s3 =	sld [smem:$0x3FA6]  }
0x31: {  	[smem:$0x3FAF] =	sst s10  }
0x32: {  	s10 =	sld [smem:$0x3FAD];
	_ =	sdelay $0x3  }
0x33: {  	p0 =	seq.s32 s10, $0x1;
	s10 =	sld [smem:$0x3FAF];
	_ =	sdelay $0x3  }
0x34: {  	[smem:$0x3FAF] =	sst s10  }
0x35: {  	s10 =	sld [smem:$0x3FAE];
	_ =	sdelay $0x3  }
0x36: {  	p1 =	seq.s32 s10, $0x1;
	s10 =	sld [smem:$0x3FAF];
	_ =	sdelay $0x3  }
0x37: {  	[smem:$0x3FAF] =	sst s10  }
0x38: {  	s10 =	sld [smem:$0x3FB0]  }
0x39: {  	_ = 	snop;
	(pc) =	sbr.ind lr, $3  }
0x3a: {  	_ = 	snop  }
0x3b: {  	_ = 	snop  }
0x3c: {  	p2 =	seq.s32 s10, $0x1;
	s10 =	sld [smem:$0x3FAF]  }
0x3d: {  	_ =	shalt  }
0x3e: {  	_ =	shalt  }
0x3f: {  	_ =	shalt  }
0x40: {  	_ =	shalt  }
0x41: {  	_ =	shalt  }
0x42: {  	_ =	shalt  }
0x43: {  	_ =	shalt  }
0x44: {  	_ =	shalt  }
0x45: {  	_ =	shalt  }
0x46: {  	_ =	shalt  }
0x47: {  	_ =	shalt  }
0x48: {  	_ =	shalt  }
0x49: {  	_ =	shalt  }
0x4a: {  	_ =	shalt  }
0x4b: {  	_ =	shalt  }
0x4c: {  	_ =	shalt  }
0x4d: {  	_ =	shalt  }
0x4e: {  	_ =	shalt  }
0x4f: {  	_ =	shalt  }
0x50: {  	_ =	shalt  }
0x51: {  	_ =	shalt  }
0x52: {  	_ =	shalt  }
0x53: {  	_ =	shalt  }
0x54: {  	_ =	shalt  }
0x55: {  	_ =	shalt  }
0x56: {  	_ =	shalt  }
0x57: {  	_ =	shalt  }
0x58: {  	_ =	shalt  }
0x59: {  	_ =	shalt  }
0x5a: {  	_ =	shalt  }
0x5b: {  	_ =	shalt  }
0x5c: {  	_ =	shalt  }
0x5d: {  	_ =	shalt  }
0x5e: {  	_ =	shalt  }
0x5f: {  	_ =	shalt  }
0x60: {  	_ =	shalt  }
0x61: {  	_ =	shalt  }
0x62: {  	_ =	shalt  }
0x63: {  	_ =	shalt  }
0x64: {  	_ =	shalt  }
0x65: {  	_ =	shalt  }
0x66: {  	_ =	shalt  }
0x67: {  	_ =	shalt  }
0x68: {  	_ =	shalt  }
0x69: {  	_ =	shalt  }
0x6a: {  	_ =	shalt  }
0x6b: {  	_ =	shalt  }
0x6c: {  	_ =	shalt  }
0x6d: {  	_ =	shalt  }
0x6e: {  	_ =	shalt  }
0x6f: {  	_ =	shalt  }
0x70: {  	_ =	shalt  }
0x71: {  	_ =	shalt  }
0x72: {  	_ =	shalt  }
0x73: {  	_ =	shalt  }
0x74: {  	_ =	shalt  }
0x75: {  	_ =	shalt  }
0x76: {  	_ =	shalt  }
0x77: {  	_ =	shalt  }
0x78: {  	_ =	shalt  }
0x79: {  	_ =	shalt  }
0x7a: {  	_ =	shalt  }
0x7b: {  	_ =	shalt  }
0x7c: {  	_ =	shalt  }
0x7d: {  	_ =	shalt  }
0x7e: {  	_ =	shalt  }
0x7f: {  	_ =	shalt  }
0x80: {  	_ =	shalt  }
0x81: {  	_ =	shalt  }
0x82: {  	_ =	shalt  }
0x83: {  	_ =	shalt  }
0x84: {  	_ =	shalt  }
0x85: {  	_ =	shalt  }
0x86: {  	_ =	shalt  }
0x87: {  	_ =	shalt  }
.Lfunc_end0:
.L_simem_size_0:
called_computation.1_lowered:
.L_overlay_start_0:
0x88: {  	s2 =	sld [smem:$0x3FD9]  }
0x89: {  	s3 =	sld [smem:$0x3FFE];
	_ =	sdelay $0x1  }
0x8a: {  	s1 =	srdreg.scid  }
0x8b: {  	s0 =	sand.u32 $0x1, s1  }
0x8c: {  	s16 =	sshll.u32 s0, $0xA;
	s2 =	sadd.s32 s3, s2  }
0x8d: {  	s2 =	sadd.s32 s2, s16  }
0x8e: {  	[smem:$0x3FBB] =	sst s2  }
0x8f: {  	_ = 	snop  }
0x90: {  	(tm) =	ssettm $0x1  }
0x91: {  	s17 =	sld [smem:$0x3FFB];
	_ =	sdelay $0x3  }
0x92: {  	_ =	strace s17  }
0x93: {  	s2 =	sld [smem:$0x3FFC];
	_ =	sdelay $0x3  }
0x94: {  	_ =	strace s2  }
0x95: {  	s2 =	sld [smem:$0x3FFD];
	_ =	sdelay $0x3  }
0x96: {  	_ =	strace s2  }
0x97: {  	_ =	strace $0x8FFFFFFF  }
0x98: {  	s18 =	sld [smem:$0x3FDB];
	_ =	sdelay $0x1  }
0x99: {  	s19 =	simm.s32 $_scs_section_size  }
0x9a: {  	s4 =	simm.s32 $_size__tile_overlayer_lowered;
	s5 =	simm.s32 $_tile_overlayer_lowered  }
0x9b: {  	s22 =	simm.s32 $0x1BFF;
	s21 =	sshll.u32 s5, $0x1;
	s2 =	sadd.s32 s19, s18  }
0x9c: {  	s6 =	simm.s32 $0x0;
	s20 =	sshll.u32 s4, $0x1;
	s4 =	sadd.s32 s21, s2  }
0x9d: {  	[timem:s6], [sflag:s22] =	dma.local [hbm:s4], s20  }
0x9e: {  	_ =	swait.ge [sflag:s22], s20  }
0x9f: {  	s3 =	ssub.s32 $0x0, s20;
	[sflag:s22] =	ssyncset.done $0x0  }
0xa0: {  	[sflag:s22] =	ssyncadd.s32 s3;
	_ =	sdelay $0x1  }
0xa1: {  	s23 =	simm.s32 $0x1B8B  }
0xa2: {  	_ =	swait.ge [sflag:s23], $0x1  }
0xa3: {  	[sflag:s23] =	ssyncset.done $0x0  }
0xa4: {  	s25 =	simm.s32 $0x1B8E;
	s24 =	sld [smem:$0x3FFE];
	[sflag:s23] =	ssyncadd.s32 $0xFFFFFFFF  }
0xa5: {  	s26 =	simm.s32 $execute0_lowered;
	[smem:$0x3FD2] =	sst s25  }
0xa6: {  	s4 =	sshll.u32 s26, $0x1;
	_ =	strace $0x80000049;
	[dreg:$0x1] =	wrdreg $0xFFFFFFFF  }
0xa7: {  	s28 =	simm.s32 $_size_execute0_lowered;
	s2 =	sadd.s32 s2, s4;
	[dreg:$0x0] =	wrdreg $0x0  }
0xa8: {  	s4 =	sshll.u32 s28, $0x1;
	[dreg:$0x2] =	wrdreg s2  }
0xa9: {  	[dreg:$0x3] =	wrdreg s4  }
0xaa: {  	[dreg:$0x4] =	wrdreg $0xC0  }
0xab: {  	_ =	task [dreg:s6], $0x5FFFF  }
0xac: {  	[dreg:$0x1] =	wrdreg $0xFFFFFFFF  }
0xad: {  	[dreg:$0x0] =	wrdreg $0x60  }
0xae: {  	[dreg:$0x2] =	wrdreg s24  }
0xaf: {  	[dreg:$0x3] =	wrdreg $0xB8000  }
0xb0: {  	[dreg:$0x4] =	wrdreg $0x9  }
0xb1: {  	_ =	task.clear_ibuf [dreg:s6], $0x5FFFF;
	_ =	strace $0x90000049  }
0xb2: {  	s29 =	simm.s32 $0x9;
	_ =	strace $0x8000004B  }
0xb3: {  	_ =	swait.ge [sflag:s29], $0x1  }
0xb4: {  	[sflag:s29] =	ssyncadd.s32 $0xFFFFFFFF  }
0xb5: {  	_ =	strace $0x9000004B  }
0xb6: {  	_ =	sfence  }
0xb7: {  	s30 =	sld [smem:$0x0];
	_ =	sdelay $0x2  }
0xb8: {  	s31 =	sshll.u32 s1, $0xD;
	s1 =	sshrl.u32 s1, $0x2  }
0xb9: {  	s3 =	sand.u32 $0x4000, s31;
	s1 =	sadd.s32 s1, s30  }
0xba: {  	s0 =	sor.u32 s3, s0;
	s1 =	sshll.u32 s1, $0x11  }
0xbb: {  	s0 =	sor.u32 s1, s0  }
0xbc: {  	s0 =	sadd.s32 $0x8F2B, s0  }
0xbd: {  	[sflag:s0] =	ssyncadd.remote.s32 $0x1  }
0xbe: {  	_ =	sfence.sel $0xFFFF  }
0xbf: {  	[dreg:$0x0] =	wrdreg $0xFFFFFFFF;
	(pc) =	sbr.abs _section_cstart, $3  }
0xc0: {  	[dreg:$0x1] =	wrdreg $0xFFFFFFFF  }
0xc1: {  	_ =	task.clear_ibuf [dreg:s6], $0x2FFFF;
	_ =	strace $0x9FFFFFFF  }
0xc2: {  	(tm) =	ssettm $0x7FFFFFFF  }
0xc3: {  	_ =	shalt  }
tec
execute0_lowered:
.L_overlay_start_1:
0x0: {  	(tag) =	ssettag $0x1  }
0x1: {  	s0 =	srdreg.scid;
	s5 =	rddreg [dreg:$0x0]  }
0x2: {  	s8 =	stileid.u32;
	s2 =	rddreg [dreg:$0x1]  }
0x3: {  	s3 =	simm.s32 $0x0;
	s15 =	simm.s32 $0x80;
	s16 =	simm.s32 $0x100  }
0x4: {  	s17 =	simm.s32 $0x180;
	[smem:$0x7FF] =	sst s3;
	s9 =	sadd.s32 $0x27200, s5  }
0x5: {  	s18 =	simm.s32 $0x200;
	_ =	strace $0x8000004A;
	[smem:$0x7F9] =	sst s9  }
0x6: {  	s19 =	simm.s32 $0x280;
	s20 =	simm.s32 $0xC80;
	[dreg:$0x5] =	wrdreg s15  }
0x7: {  	s22 =	simm.s32 $0x300;
	s24 =	simm.s32 $0xD00;
	[dreg:$0x6] =	wrdreg s16  }
0x8: {  	s25 =	simm.s32 $0x380;
	s11 =	simm.s32 $0xE00;
	[dreg:$0x7] =	wrdreg s17  }
0x9: {  	s12 =	simm.s32 $0x480;
	s28 =	simm.s32 $0x1300;
	[dreg:$0x8] =	wrdreg s18  }
0xa: {  	s29 =	simm.s32 $0x980;
	s4 =	smul.u32 $0x6000, s8;
	[dreg:$0x9] =	wrdreg s19  }
0xb: {  	s30 =	simm.s32 $0x1380;
	s6 =	smul.u32 $0xC00, s8;
	[dreg:$0xa] =	wrdreg s20  }
0xc: {  	s31 =	simm.s32 $0x1400;
	s14 =	smul.u32 $0x13C00, s8;
	[dreg:$0xb] =	wrdreg s22  }
0xd: {  	s0 =	sand.u32 $0x1, s0;
	s23 =	smul.u32 $0x4F000, s8;
	[dreg:$0xc] =	wrdreg s24  }
0xe: {  	s10 =	sshll.u32 s8, $0x6;
	s1 =	smul.u32 $0x60000, s0;
	[dreg:$0xd] =	wrdreg s25  }
0xf: {  	s7 =	smul.u32 $0x13C000, s0;
	s0 =	ssub.s32 $0x2, s0;
	[dreg:$0x10] =	wrdreg s11  }
0x10: {  	s9 =	simm.s32 $0x400;
	[dreg:$0x11] =	wrdreg s12;
	s15 =	simm.s32 $0xF00  }
0x11: {  	s16 =	simm.s32 $0x580;
	s11 =	simm.s32 $0xC00;
	[dreg:$0xf] =	wrdreg s9  }
0x12: {  	s17 =	simm.s32 $0xF80;
	s12 =	simm.s32 $0x40;
	[dreg:$0x14] =	wrdreg s15  }
0x13: {  	s18 =	simm.s32 $0x600;
	s19 =	simm.s32 $0x1000;
	[dreg:$0x15] =	wrdreg s16  }
0x14: {  	s20 =	simm.s32 $0x680;
	s22 =	simm.s32 $0x700;
	[dreg:$0x16] =	wrdreg s17  }
0x15: {  	s24 =	simm.s32 $0x780;
	s25 =	simm.s32 $0x1180;
	[dreg:$0x17] =	wrdreg s18  }
0x16: {  	s6 =	sadd.s32 s6, s5;
	s21 =	sshrl.u32 s0, $0x1;
	[dreg:$0x18] =	wrdreg s19  }
0x17: {  	s26 =	sshrl.u32 s23, $0x2;
	s15 =	simm.s32 $0x5800;
	[dreg:$0x19] =	wrdreg s20  }
0x18: {  	s16 =	simm.s32 $0x7800;
	s17 =	simm.s32 $0x9800;
	[dreg:$0x1b] =	wrdreg s22  }
0x19: {  	s23 =	simm.s32 $0x1100;
	s18 =	simm.s32 $0x1;
	[dreg:$0x1d] =	wrdreg s24  }
0x1a: {  	s19 =	simm.s32 $0x2;
	s20 =	simm.s32 $0x3;
	[dreg:$0x1e] =	wrdreg s25  }
0x1b: {  	s22 =	simm.s32 $0x5;
	s24 =	simm.s32 $0x880;
	s25 =	simm.s32 $0x1280  }
0x1c: {  	s9 =	simm.s32 $0x0;
	s1 =	sadd.s32 s1, s4;
	s4 =	sadd.s32 $0x163000, s5  }
0x1d: {  	s13 =	sadd.s32 $0x1B200, s6;
	s6 =	sadd.s32 s14, s7;
	s0 =	ssub.s32 s0, s21  }
0x1e: {  	s7 =	simm.s32 $0xD80;
	s14 =	simm.s32 $0x500;
	[dreg:$0x1c] =	wrdreg s23  }
0x1f: {  	s21 =	simm.s32 $0x1080;
	s23 =	simm.s32 $0x1200;
	[dreg:$0x4] =	wrdreg s13  }
0x20: {  	s1 =	sshrl.u32 s1, $0x3;
	s6 =	sshrl.u32 s6, $0x3;
	[dreg:$0xe] =	wrdreg s7  }
0x21: {  	s7 =	sor.u32 $0x1C06, s10;
	s13 =	simm.s32 $0xE80;
	[dreg:$0x13] =	wrdreg s14  }
0x22: {  	s0 =	smax.u32 s0, $0x1;
	s10 =	simm.s32 $0x6;
	[dreg:$0x1a] =	wrdreg s21  }
0x23: {  	s14 =	simm.s32 $0x3800;
	s21 =	simm.s32 $0x4;
	[smem:$0x7FB] =	sst s0  }
0x24: {  	s1 =	sadd.s32 s1, s5;
	s5 =	sadd.s32 s6, s5;
	[dreg:$0x12] =	wrdreg s13  }
0x25: {  	s6 =	sadd.s32 s26, s2;
	s26 =	simm.s32 $0x800;
	[smem:$0x7FC] =	sst s7  }
0x26: {  	s13 =	simm.s32 $0x1800;
	s1 =	sadd.s32 $0x3200, s1;
	[dreg:$0x1f] =	wrdreg s26  }
0x27: {  	s0 =	simm.s32 $0x1500;
	s5 =	sadd.s32 $0x77C00, s5;
	[dreg:$0x3] =	wrdreg s1  }
0x28: {  	s8 =	sshrl.u32 s6, $0x3;
	s26 =	simm.s32 $0x900;
	[smem:$0x7FA] =	sst s5  }
0x29: {  	s1 =	simm.s32 $0x1480;
	s5 =	simm.s32 $0x1580;
	[smem:$0x7FD] =	sst s8  }
.LBB2_1:
0x2a: {  	s6 =	sld [smem:$0x7F9];
	_ =	sdelay $0x1  }
0x2b: {  	[smem:$0x7F8] =	sst s9  }
0x2c: {  	[spmem:s8], [sflag:s7] =	dma.local [hbm:s6], $0x2780  }
0x2d: {  	_ =	swait.ge [sflag:s10], $0x2780  }
0x2e: {  	[sflag:s10] =	ssyncset.done $0x0  }
0x2f: {  	[sflag:s10] =	ssyncadd.s32 $0xFFFFD880  }
0x30: {  	[bflag:$0x0] =	sbarrier.arrive $0xFFFF  }
0x31: {  	s7 =	rddreg [dreg:$0x3]  }
0x32: {  	s6 =	sadd.s32 $0x0, s7  }
0x33: {  	[tilespmem:s3], [sflag:$0x6] =	stream.linear.gather [hbm4b:s6+s3], $0xA00, $0x38;
	[tilespmem:$0x1F400] =	vst v63  }
0x34: {  	_ =	swait.ge [sflag:s10], $0xA00  }
0x35: {  	s8 =	rddreg [dreg:$0x4];
	[sflag:s10] =	ssyncset.done $0x0  }
0x36: {  	[sflag:s10] =	ssyncadd.s32 $0xFFFFF600;
	s6 =	sadd.s32 $0x0, s8  }
0x37: {  	[tilespmem:s11], [sflag:$0x6] =	stream.linear.gather [hbm4b:s6+s3], $0xA00, $0x38;
	[tilespmem:$0x1F400] =	vst v63  }
0x38: {  	_ =	swait.ge [sflag:s10], $0xA00  }
0x39: {  	[sflag:s10] =	ssyncset.done $0x0  }
0x3a: {  	[sflag:s10] =	ssyncadd.s32 $0xFFFFF600  }
0x3b: {  	[tilespmem:s13], [sflag:$0x1] =	stream.indirect.gather [hbm4b:s4+s12], $0x80, s3, s12, $0xb8;
	[tilespmem:$0x1F400] =	vst v63  }
0x3c: {  	s9 =	rddreg [dreg:$0x5]  }
0x3d: {  	[tilespmem:s14], [sflag:$0x2] =	stream.indirect.gather [hbm4b:s4+s12], $0x80, s9, s12, $0xb8;
	[tilespmem:$0x1F400] =	vst v63  }
0x3e: {  	s7 =	rddreg [dreg:$0x6]  }
0x3f: {  	[tilespmem:s15], [sflag:$0x3] =	stream.indirect.gather [hbm4b:s4+s12], $0x80, s7, s12, $0xb8;
	[tilespmem:$0x1F400] =	vst v63  }
0x40: {  	s9 =	rddreg [dreg:$0x7]  }
0x41: {  	[tilespmem:s16], [sflag:$0x4] =	stream.indirect.gather [hbm4b:s4+s12], $0x80, s9, s12, $0xb8;
	[tilespmem:$0x1F400] =	vst v63  }
0x42: {  	s7 =	rddreg [dreg:$0x8]  }
0x43: {  	[tilespmem:s17], [sflag:$0x5] =	stream.indirect.gather [hbm4b:s4+s12], $0x80, s7, s12, $0xb8;
	[tilespmem:$0x1F400] =	vst v63  }
0x44: {  	_ =	swait.ge [sflag:s18], $0x2000  }
0x45: {  	[sflag:s18] =	ssyncset.done $0x0  }
0x46: {  	[sflag:s18] =	ssyncadd.s32 $0xFFFFE000  }
0x47: {  	[spmem:s2] =	stream.indirect.scatter.add.f32 [tilespmem:s13], [sflag:$0x6], $0x80, s11, s12, $0xb8;
	[tilespmem:$0x1F400] =	vst v63  }
0x48: {  	_ =	swait.ge [sflag:s10], $0x2000  }
0x49: {  	[sflag:s10] =	ssyncset.done $0x0  }
0x4a: {  	s8 =	rddreg [dreg:$0x9];
	[sflag:s10] =	ssyncadd.s32 $0xFFFFE000  }
0x4b: {  	[tilespmem:s13], [sflag:$0x1] =	stream.indirect.gather [hbm4b:s4+s12], $0x80, s8, s12, $0xb8;
	[tilespmem:$0x1F400] =	vst v63  }
0x4c: {  	_ =	swait.ge [sflag:s19], $0x2000  }
0x4d: {  	[sflag:s19] =	ssyncset.done $0x0  }
0x4e: {  	s9 =	rddreg [dreg:$0xa];
	[sflag:s19] =	ssyncadd.s32 $0xFFFFE000  }
0x4f: {  	[spmem:s2] =	stream.indirect.scatter.add.f32 [tilespmem:s14], [sflag:$0x6], $0x80, s9, s12, $0xb8;
	[tilespmem:$0x1F400] =	vst v63  }
0x50: {  	_ =	swait.ge [sflag:s10], $0x2000  }
0x51: {  	[sflag:s10] =	ssyncset.done $0x0  }
0x52: {  	s7 =	rddreg [dreg:$0xb];
	[sflag:s10] =	ssyncadd.s32 $0xFFFFE000  }
0x53: {  	[tilespmem:s14], [sflag:$0x2] =	stream.indirect.gather [hbm4b:s4+s12], $0x80, s7, s12, $0xb8;
	[tilespmem:$0x1F400] =	vst v63  }
0x54: {  	_ =	swait.ge [sflag:s20], $0x2000  }
0x55: {  	[sflag:s20] =	ssyncset.done $0x0  }
0x56: {  	s8 =	rddreg [dreg:$0xc];
	[sflag:s20] =	ssyncadd.s32 $0xFFFFE000  }
0x57: {  	[spmem:s2] =	stream.indirect.scatter.add.f32 [tilespmem:s15], [sflag:$0x6], $0x80, s8, s12, $0xb8;
	[tilespmem:$0x1F400] =	vst v63  }
0x58: {  	_ =	swait.ge [sflag:s10], $0x2000  }
0x59: {  	[sflag:s10] =	ssyncset.done $0x0  }
0x5a: {  	s9 =	rddreg [dreg:$0xd];
	[sflag:s10] =	ssyncadd.s32 $0xFFFFE000  }
0x5b: {  	[tilespmem:s15], [sflag:$0x3] =	stream.indirect.gather [hbm4b:s4+s12], $0x80, s9, s12, $0xb8;
	[tilespmem:$0x1F400] =	vst v63  }
0x5c: {  	_ =	swait.ge [sflag:s21], $0x2000  }
0x5d: {  	[sflag:s21] =	ssyncset.done $0x0  }
0x5e: {  	s7 =	rddreg [dreg:$0xe];
	[sflag:s21] =	ssyncadd.s32 $0xFFFFE000  }
0x5f: {  	[spmem:s2] =	stream.indirect.scatter.add.f32 [tilespmem:s16], [sflag:$0x6], $0x80, s7, s12, $0xb8;
	[tilespmem:$0x1F400] =	vst v63  }
0x60: {  	_ =	swait.ge [sflag:s10], $0x2000  }
0x61: {  	[sflag:s10] =	ssyncset.done $0x0  }
0x62: {  	s8 =	rddreg [dreg:$0xf];
	[sflag:s10] =	ssyncadd.s32 $0xFFFFE000  }
0x63: {  	[tilespmem:s16], [sflag:$0x4] =	stream.indirect.gather [hbm4b:s4+s12], $0x80, s8, s12, $0xb8;
	[tilespmem:$0x1F400] =	vst v63  }
0x64: {  	_ =	swait.ge [sflag:s22], $0x2000  }
0x65: {  	[sflag:s22] =	ssyncset.done $0x0  }
0x66: {  	s9 =	rddreg [dreg:$0x10];
	[sflag:s22] =	ssyncadd.s32 $0xFFFFE000  }
0x67: {  	[spmem:s2] =	stream.indirect.scatter.add.f32 [tilespmem:s17], [sflag:$0x6], $0x80, s9, s12, $0xb8;
	[tilespmem:$0x1F400] =	vst v63  }
0x68: {  	_ =	swait.ge [sflag:s10], $0x2000  }
0x69: {  	[sflag:s10] =	ssyncset.done $0x0  }
0x6a: {  	s7 =	rddreg [dreg:$0x11];
	[sflag:s10] =	ssyncadd.s32 $0xFFFFE000  }
0x6b: {  	[tilespmem:s17], [sflag:$0x5] =	stream.indirect.gather [hbm4b:s4+s12], $0x80, s7, s12, $0xb8;
	[tilespmem:$0x1F400] =	vst v63  }
0x6c: {  	_ =	swait.ge [sflag:s18], $0x2000  }
0x6d: {  	[sflag:s18] =	ssyncset.done $0x0  }
0x6e: {  	s8 =	rddreg [dreg:$0x12];
	[sflag:s18] =	ssyncadd.s32 $0xFFFFE000  }
0x6f: {  	[spmem:s2] =	stream.indirect.scatter.add.f32 [tilespmem:s13], [sflag:$0x6], $0x80, s8, s12, $0xb8;
	[tilespmem:$0x1F400] =	vst v63  }
0x70: {  	_ =	swait.ge [sflag:s10], $0x2000  }
0x71: {  	[sflag:s10] =	ssyncset.done $0x0  }
0x72: {  	s9 =	rddreg [dreg:$0x13];
	[sflag:s10] =	ssyncadd.s32 $0xFFFFE000  }
0x73: {  	[tilespmem:s13], [sflag:$0x1] =	stream.indirect.gather [hbm4b:s4+s12], $0x80, s9, s12, $0xb8;
	[tilespmem:$0x1F400] =	vst v63  }
0x74: {  	_ =	swait.ge [sflag:s19], $0x2000  }
0x75: {  	[sflag:s19] =	ssyncset.done $0x0  }
0x76: {  	s7 =	rddreg [dreg:$0x14];
	[sflag:s19] =	ssyncadd.s32 $0xFFFFE000  }
0x77: {  	[spmem:s2] =	stream.indirect.scatter.add.f32 [tilespmem:s14], [sflag:$0x6], $0x80, s7, s12, $0xb8;
	[tilespmem:$0x1F400] =	vst v63  }
0x78: {  	_ =	swait.ge [sflag:s10], $0x2000  }
0x79: {  	[sflag:s10] =	ssyncset.done $0x0  }
0x7a: {  	s8 =	rddreg [dreg:$0x15];
	[sflag:s10] =	ssyncadd.s32 $0xFFFFE000  }
0x7b: {  	[tilespmem:s14], [sflag:$0x2] =	stream.indirect.gather [hbm4b:s4+s12], $0x80, s8, s12, $0xb8;
	[tilespmem:$0x1F400] =	vst v63  }
0x7c: {  	_ =	swait.ge [sflag:s20], $0x2000  }
0x7d: {  	[sflag:s20] =	ssyncset.done $0x0  }
0x7e: {  	s9 =	rddreg [dreg:$0x16];
	[sflag:s20] =	ssyncadd.s32 $0xFFFFE000  }
0x7f: {  	[spmem:s2] =	stream.indirect.scatter.add.f32 [tilespmem:s15], [sflag:$0x6], $0x80, s9, s12, $0xb8;
	[tilespmem:$0x1F400] =	vst v63  }
0x80: {  	_ =	swait.ge [sflag:s10], $0x2000  }
0x81: {  	[sflag:s10] =	ssyncset.done $0x0  }
0x82: {  	s7 =	rddreg [dreg:$0x17];
	[sflag:s10] =	ssyncadd.s32 $0xFFFFE000  }
0x83: {  	[tilespmem:s15], [sflag:$0x3] =	stream.indirect.gather [hbm4b:s4+s12], $0x80, s7, s12, $0xb8;
	[tilespmem:$0x1F400] =	vst v63  }
0x84: {  	_ =	swait.ge [sflag:s21], $0x2000  }
0x85: {  	[sflag:s21] =	ssyncset.done $0x0  }
0x86: {  	s8 =	rddreg [dreg:$0x18];
	[sflag:s21] =	ssyncadd.s32 $0xFFFFE000  }
0x87: {  	[spmem:s2] =	stream.indirect.scatter.add.f32 [tilespmem:s16], [sflag:$0x6], $0x80, s8, s12, $0xb8;
	[tilespmem:$0x1F400] =	vst v63  }
0x88: {  	_ =	swait.ge [sflag:s10], $0x2000  }
0x89: {  	[sflag:s10] =	ssyncset.done $0x0  }
0x8a: {  	s9 =	rddreg [dreg:$0x19];
	[sflag:s10] =	ssyncadd.s32 $0xFFFFE000  }
0x8b: {  	[tilespmem:s16], [sflag:$0x4] =	stream.indirect.gather [hbm4b:s4+s12], $0x80, s9, s12, $0xb8;
	[tilespmem:$0x1F400] =	vst v63  }
0x8c: {  	_ =	swait.ge [sflag:s22], $0x2000  }
0x8d: {  	[sflag:s22] =	ssyncset.done $0x0  }
0x8e: {  	s7 =	rddreg [dreg:$0x1a];
	[sflag:s22] =	ssyncadd.s32 $0xFFFFE000  }
0x8f: {  	[spmem:s2] =	stream.indirect.scatter.add.f32 [tilespmem:s17], [sflag:$0x6], $0x80, s7, s12, $0xb8;
	[tilespmem:$0x1F400] =	vst v63  }
0x90: {  	_ =	swait.ge [sflag:s10], $0x2000  }
0x91: {  	[sflag:s10] =	ssyncset.done $0x0  }
0x92: {  	s8 =	rddreg [dreg:$0x1b];
	[sflag:s10] =	ssyncadd.s32 $0xFFFFE000  }
0x93: {  	[tilespmem:s17], [sflag:$0x5] =	stream.indirect.gather [hbm4b:s4+s12], $0x80, s8, s12, $0xb8;
	[tilespmem:$0x1F400] =	vst v63  }
0x94: {  	_ =	swait.ge [sflag:s18], $0x2000  }
0x95: {  	[sflag:s18] =	ssyncset.done $0x0  }
0x96: {  	s9 =	rddreg [dreg:$0x1c];
	[sflag:s18] =	ssyncadd.s32 $0xFFFFE000  }
0x97: {  	[spmem:s2] =	stream.indirect.scatter.add.f32 [tilespmem:s13], [sflag:$0x6], $0x80, s9, s12, $0xb8;
	[tilespmem:$0x1F400] =	vst v63  }
0x98: {  	_ =	swait.ge [sflag:s10], $0x2000  }
0x99: {  	[sflag:s10] =	ssyncset.done $0x0  }
0x9a: {  	s7 =	rddreg [dreg:$0x1d];
	[sflag:s10] =	ssyncadd.s32 $0xFFFFE000  }
0x9b: {  	[tilespmem:s13], [sflag:$0x1] =	stream.indirect.gather [hbm4b:s4+s12], $0x80, s7, s12, $0xb8;
	[tilespmem:$0x1F400] =	vst v63  }
0x9c: {  	_ =	swait.ge [sflag:s19], $0x2000  }
0x9d: {  	[sflag:s19] =	ssyncset.done $0x0  }
0x9e: {  	s8 =	rddreg [dreg:$0x1e];
	[sflag:s19] =	ssyncadd.s32 $0xFFFFE000  }
0x9f: {  	[spmem:s2] =	stream.indirect.scatter.add.f32 [tilespmem:s14], [sflag:$0x6], $0x80, s8, s12, $0xb8;
	[tilespmem:$0x1F400] =	vst v63  }
0xa0: {  	_ =	swait.ge [sflag:s10], $0x2000  }
0xa1: {  	[sflag:s10] =	ssyncset.done $0x0  }
0xa2: {  	s9 =	rddreg [dreg:$0x1f];
	[sflag:s10] =	ssyncadd.s32 $0xFFFFE000  }
0xa3: {  	[tilespmem:s14], [sflag:$0x2] =	stream.indirect.gather [hbm4b:s4+s12], $0x80, s9, s12, $0xb8;
	[tilespmem:$0x1F400] =	vst v63  }
0xa4: {  	_ =	swait.ge [sflag:s20], $0x2000  }
0xa5: {  	[sflag:s20] =	ssyncset.done $0x0  }
0xa6: {  	[sflag:s20] =	ssyncadd.s32 $0xFFFFE000  }
0xa7: {  	[spmem:s2] =	stream.indirect.scatter.add.f32 [tilespmem:s15], [sflag:$0x6], $0x80, s23, s12, $0xb8;
	[tilespmem:$0x1F400] =	vst v63  }
0xa8: {  	_ =	swait.ge [sflag:s10], $0x2000  }
0xa9: {  	[sflag:s10] =	ssyncset.done $0x0  }
0xaa: {  	[sflag:s10] =	ssyncadd.s32 $0xFFFFE000  }
0xab: {  	[tilespmem:s15], [sflag:$0x3] =	stream.indirect.gather [hbm4b:s4+s12], $0x80, s24, s12, $0xb8;
	[tilespmem:$0x1F400] =	vst v63  }
0xac: {  	_ =	swait.ge [sflag:s21], $0x2000  }
0xad: {  	[sflag:s21] =	ssyncset.done $0x0  }
0xae: {  	[sflag:s21] =	ssyncadd.s32 $0xFFFFE000  }
0xaf: {  	[spmem:s2] =	stream.indirect.scatter.add.f32 [tilespmem:s16], [sflag:$0x6], $0x80, s25, s12, $0xb8;
	[tilespmem:$0x1F400] =	vst v63  }
0xb0: {  	_ =	swait.ge [sflag:s10], $0x2000  }
0xb1: {  	[sflag:s10] =	ssyncset.done $0x0  }
0xb2: {  	[sflag:s10] =	ssyncadd.s32 $0xFFFFE000  }
0xb3: {  	[tilespmem:s16], [sflag:$0x4] =	stream.indirect.gather [hbm4b:s4+s12], $0x80, s26, s12, $0xb8;
	[tilespmem:$0x1F400] =	vst v63  }
0xb4: {  	_ =	swait.ge [sflag:s22], $0x2000  }
0xb5: {  	[sflag:s22] =	ssyncset.done $0x0  }
0xb6: {  	[sflag:s22] =	ssyncadd.s32 $0xFFFFE000  }
0xb7: {  	[spmem:s2] =	stream.indirect.scatter.add.f32 [tilespmem:s17], [sflag:$0x6], $0x80, s28, s12, $0xb8;
	[tilespmem:$0x1F400] =	vst v63  }
0xb8: {  	_ =	swait.ge [sflag:s10], $0x2000  }
0xb9: {  	[sflag:s10] =	ssyncset.done $0x0  }
0xba: {  	[sflag:s10] =	ssyncadd.s32 $0xFFFFE000  }
0xbb: {  	[tilespmem:s17], [sflag:$0x5] =	stream.indirect.gather [hbm4b:s4+s12], $0x80, s29, s12, $0xb8;
	[tilespmem:$0x1F400] =	vst v63  }
0xbc: {  	_ =	swait.ge [sflag:s18], $0x2000  }
0xbd: {  	[sflag:s18] =	ssyncset.done $0x0  }
0xbe: {  	[sflag:s18] =	ssyncadd.s32 $0xFFFFE000  }
0xbf: {  	[spmem:s2] =	stream.indirect.scatter.add.f32 [tilespmem:s13], [sflag:$0x6], $0x80, s30, s12, $0xb8;
	[tilespmem:$0x1F400] =	vst v63  }
0xc0: {  	_ =	swait.ge [sflag:s10], $0x2000  }
0xc1: {  	[sflag:s10] =	ssyncset.done $0x0  }
0xc2: {  	[sflag:s10] =	ssyncadd.s32 $0xFFFFE000  }
0xc3: {  	_ =	swait.ge [sflag:s19], $0x2000  }
0xc4: {  	[sflag:s19] =	ssyncset.done $0x0  }
0xc5: {  	[sflag:s19] =	ssyncadd.s32 $0xFFFFE000  }
0xc6: {  	[spmem:s2] =	stream.indirect.scatter.add.f32 [tilespmem:s14], [sflag:$0x6], $0x80, s31, s12, $0xb8;
	[tilespmem:$0x1F400] =	vst v63  }
0xc7: {  	_ =	swait.ge [sflag:s10], $0x2000  }
0xc8: {  	[sflag:s10] =	ssyncset.done $0x0  }
0xc9: {  	[sflag:s10] =	ssyncadd.s32 $0xFFFFE000  }
0xca: {  	_ =	swait.ge [sflag:s20], $0x2000  }
0xcb: {  	[sflag:s20] =	ssyncset.done $0x0  }
0xcc: {  	[sflag:s20] =	ssyncadd.s32 $0xFFFFE000  }
0xcd: {  	[spmem:s2] =	stream.indirect.scatter.add.f32 [tilespmem:s15], [sflag:$0x6], $0x80, s1, s12, $0xb8;
	[tilespmem:$0x1F400] =	vst v63  }
0xce: {  	_ =	swait.ge [sflag:s10], $0x2000  }
0xcf: {  	[sflag:s10] =	ssyncset.done $0x0  }
0xd0: {  	[sflag:s10] =	ssyncadd.s32 $0xFFFFE000  }
0xd1: {  	_ =	swait.ge [sflag:s21], $0x2000  }
0xd2: {  	[sflag:s21] =	ssyncset.done $0x0  }
0xd3: {  	[sflag:s21] =	ssyncadd.s32 $0xFFFFE000  }
0xd4: {  	[spmem:s2] =	stream.indirect.scatter.add.f32 [tilespmem:s16], [sflag:$0x6], $0x80, s0, s12, $0xb8;
	[tilespmem:$0x1F400] =	vst v63  }
0xd5: {  	_ =	swait.ge [sflag:s10], $0x2000  }
0xd6: {  	[sflag:s10] =	ssyncset.done $0x0  }
0xd7: {  	[sflag:s10] =	ssyncadd.s32 $0xFFFFE000  }
0xd8: {  	_ =	swait.ge [sflag:s22], $0x2000  }
0xd9: {  	[sflag:s22] =	ssyncset.done $0x0  }
0xda: {  	[sflag:s22] =	ssyncadd.s32 $0xFFFFE000  }
0xdb: {  	[spmem:s2] =	stream.indirect.scatter.add.f32 [tilespmem:s17], [sflag:$0x6], $0x80, s5, s12, $0xb8;
	[tilespmem:$0x1F400] =	vst v63  }
0xdc: {  	s6 =	simm.s32 $0x300;
	_ =	swait.ge [sflag:s10], $0x2000  }
0xdd: {  	s8 =	simm.s32 $0x180;
	s9 =	rddreg [dreg:$0x3];
	[sflag:s10] =	ssyncset.done $0x0  }
.LBB2_2:
0xde: {  	[sflag:s10] =	ssyncadd.s32 $0xFFFFE000;
	s9 =	sadd.s32 s8, s9  }
0xdf: {  	[tilespmem:s3], [sflag:$0x6] =	stream.linear.gather [hbm4b:s9+s3], $0xA00, $0x38;
	[tilespmem:$0x1F400] =	vst v63  }
0xe0: {  	_ =	swait.ge [sflag:s10], $0xA00  }
0xe1: {  	s9 =	rddreg [dreg:$0x4];
	[sflag:s10] =	ssyncset.done $0x0  }
0xe2: {  	[sflag:s10] =	ssyncadd.s32 $0xFFFFF600;
	s9 =	sadd.s32 s8, s9  }
0xe3: {  	[tilespmem:s11], [sflag:$0x6] =	stream.linear.gather [hbm4b:s9+s3], $0xA00, $0x38;
	[tilespmem:$0x1F400] =	vst v63  }
0xe4: {  	_ =	swait.ge [sflag:s10], $0xA00  }
0xe5: {  	[sflag:s10] =	ssyncset.done $0x0  }
0xe6: {  	s7 =	smov.u32 s6;
	[sflag:s10] =	ssyncadd.s32 $0xFFFFF600  }
0xe7: {  	[tilespmem:s13], [sflag:$0x1] =	stream.indirect.gather [hbm4b:s4+s12], $0x80, s3, s12, $0xb8;
	[tilespmem:$0x1F400] =	vst v63  }
0xe8: {  	s8 =	smov.u32 s7;
	s7 =	rddreg [dreg:$0x5]  }
0xe9: {  	[tilespmem:s14], [sflag:$0x2] =	stream.indirect.gather [hbm4b:s4+s12], $0x80, s7, s12, $0xb8;
	[tilespmem:$0x1F400] =	vst v63  }
0xea: {  	s9 =	rddreg [dreg:$0x6]  }
0xeb: {  	[tilespmem:s15], [sflag:$0x3] =	stream.indirect.gather [hbm4b:s4+s12], $0x80, s9, s12, $0xb8;
	[tilespmem:$0x1F400] =	vst v63  }
0xec: {  	s7 =	rddreg [dreg:$0x7]  }
0xed: {  	[tilespmem:s16], [sflag:$0x4] =	stream.indirect.gather [hbm4b:s4+s12], $0x80, s7, s12, $0xb8;
	[tilespmem:$0x1F400] =	vst v63  }
0xee: {  	s9 =	rddreg [dreg:$0x8]  }
0xef: {  	[tilespmem:s17], [sflag:$0x5] =	stream.indirect.gather [hbm4b:s4+s12], $0x80, s9, s12, $0xb8;
	[tilespmem:$0x1F400] =	vst v63  }
0xf0: {  	_ =	swait.ge [sflag:s18], $0x2000  }
0xf1: {  	[sflag:s18] =	ssyncset.done $0x0  }
0xf2: {  	[sflag:s18] =	ssyncadd.s32 $0xFFFFE000  }
0xf3: {  	[spmem:s2] =	stream.indirect.scatter.add.f32 [tilespmem:s13], [sflag:$0x6], $0x80, s11, s12, $0xb8;
	[tilespmem:$0x1F400] =	vst v63  }
0xf4: {  	_ =	swait.ge [sflag:s10], $0x2000  }
0xf5: {  	[sflag:s10] =	ssyncset.done $0x0  }
0xf6: {  	s9 =	rddreg [dreg:$0x9];
	[sflag:s10] =	ssyncadd.s32 $0xFFFFE000  }
0xf7: {  	[tilespmem:s13], [sflag:$0x1] =	stream.indirect.gather [hbm4b:s4+s12], $0x80, s9, s12, $0xb8;
	[tilespmem:$0x1F400] =	vst v63  }
0xf8: {  	_ =	swait.ge [sflag:s19], $0x2000  }
0xf9: {  	[sflag:s19] =	ssyncset.done $0x0  }
0xfa: {  	s9 =	rddreg [dreg:$0xa];
	[sflag:s19] =	ssyncadd.s32 $0xFFFFE000  }
0xfb: {  	[spmem:s2] =	stream.indirect.scatter.add.f32 [tilespmem:s14], [sflag:$0x6], $0x80, s9, s12, $0xb8;
	[tilespmem:$0x1F400] =	vst v63  }
0xfc: {  	_ =	swait.ge [sflag:s10], $0x2000  }
0xfd: {  	[sflag:s10] =	ssyncset.done $0x0  }
0xfe: {  	s9 =	rddreg [dreg:$0xb];
	[sflag:s10] =	ssyncadd.s32 $0xFFFFE000  }
0xff: {  	[tilespmem:s14], [sflag:$0x2] =	stream.indirect.gather [hbm4b:s4+s12], $0x80, s9, s12, $0xb8;
	[tilespmem:$0x1F400] =	vst v63  }
0x100: {  	_ =	swait.ge [sflag:s20], $0x2000  }
0x101: {  	[sflag:s20] =	ssyncset.done $0x0  }
0x102: {  	s9 =	rddreg [dreg:$0xc];
	[sflag:s20] =	ssyncadd.s32 $0xFFFFE000  }
0x103: {  	[spmem:s2] =	stream.indirect.scatter.add.f32 [tilespmem:s15], [sflag:$0x6], $0x80, s9, s12, $0xb8;
	[tilespmem:$0x1F400] =	vst v63  }
0x104: {  	_ =	swait.ge [sflag:s10], $0x2000  }
0x105: {  	[sflag:s10] =	ssyncset.done $0x0  }
0x106: {  	s9 =	rddreg [dreg:$0xd];
	[sflag:s10] =	ssyncadd.s32 $0xFFFFE000  }
0x107: {  	[tilespmem:s15], [sflag:$0x3] =	stream.indirect.gather [hbm4b:s4+s12], $0x80, s9, s12, $0xb8;
	[tilespmem:$0x1F400] =	vst v63  }
0x108: {  	_ =	swait.ge [sflag:s21], $0x2000  }
0x109: {  	[sflag:s21] =	ssyncset.done $0x0  }
0x10a: {  	s9 =	rddreg [dreg:$0xe];
	[sflag:s21] =	ssyncadd.s32 $0xFFFFE000  }
0x10b: {  	[spmem:s2] =	stream.indirect.scatter.add.f32 [tilespmem:s16], [sflag:$0x6], $0x80, s9, s12, $0xb8;
	[tilespmem:$0x1F400] =	vst v63  }
0x10c: {  	_ =	swait.ge [sflag:s10], $0x2000  }
0x10d: {  	[sflag:s10] =	ssyncset.done $0x0  }
0x10e: {  	s9 =	rddreg [dreg:$0xf];
	[sflag:s10] =	ssyncadd.s32 $0xFFFFE000  }
0x10f: {  	[tilespmem:s16], [sflag:$0x4] =	stream.indirect.gather [hbm4b:s4+s12], $0x80, s9, s12, $0xb8;
	[tilespmem:$0x1F400] =	vst v63  }
0x110: {  	_ =	swait.ge [sflag:s22], $0x2000  }
0x111: {  	[sflag:s22] =	ssyncset.done $0x0  }
0x112: {  	s9 =	rddreg [dreg:$0x10];
	[sflag:s22] =	ssyncadd.s32 $0xFFFFE000  }
0x113: {  	[spmem:s2] =	stream.indirect.scatter.add.f32 [tilespmem:s17], [sflag:$0x6], $0x80, s9, s12, $0xb8;
	[tilespmem:$0x1F400] =	vst v63  }
0x114: {  	_ =	swait.ge [sflag:s10], $0x2000  }
0x115: {  	[sflag:s10] =	ssyncset.done $0x0  }
0x116: {  	s9 =	rddreg [dreg:$0x11];
	[sflag:s10] =	ssyncadd.s32 $0xFFFFE000  }
0x117: {  	[tilespmem:s17], [sflag:$0x5] =	stream.indirect.gather [hbm4b:s4+s12], $0x80, s9, s12, $0xb8;
	[tilespmem:$0x1F400] =	vst v63  }
0x118: {  	_ =	swait.ge [sflag:s18], $0x2000  }
0x119: {  	[sflag:s18] =	ssyncset.done $0x0  }
0x11a: {  	s9 =	rddreg [dreg:$0x12];
	[sflag:s18] =	ssyncadd.s32 $0xFFFFE000  }
0x11b: {  	[spmem:s2] =	stream.indirect.scatter.add.f32 [tilespmem:s13], [sflag:$0x6], $0x80, s9, s12, $0xb8;
	[tilespmem:$0x1F400] =	vst v63  }
0x11c: {  	_ =	swait.ge [sflag:s10], $0x2000  }
0x11d: {  	[sflag:s10] =	ssyncset.done $0x0  }
0x11e: {  	s9 =	rddreg [dreg:$0x13];
	[sflag:s10] =	ssyncadd.s32 $0xFFFFE000  }
0x11f: {  	[tilespmem:s13], [sflag:$0x1] =	stream.indirect.gather [hbm4b:s4+s12], $0x80, s9, s12, $0xb8;
	[tilespmem:$0x1F400] =	vst v63  }
0x120: {  	_ =	swait.ge [sflag:s19], $0x2000  }
0x121: {  	[sflag:s19] =	ssyncset.done $0x0  }
0x122: {  	s9 =	rddreg [dreg:$0x14];
	[sflag:s19] =	ssyncadd.s32 $0xFFFFE000  }
0x123: {  	[spmem:s2] =	stream.indirect.scatter.add.f32 [tilespmem:s14], [sflag:$0x6], $0x80, s9, s12, $0xb8;
	[tilespmem:$0x1F400] =	vst v63  }
0x124: {  	_ =	swait.ge [sflag:s10], $0x2000  }
0x125: {  	[sflag:s10] =	ssyncset.done $0x0  }
0x126: {  	s9 =	rddreg [dreg:$0x15];
	[sflag:s10] =	ssyncadd.s32 $0xFFFFE000  }
0x127: {  	[tilespmem:s14], [sflag:$0x2] =	stream.indirect.gather [hbm4b:s4+s12], $0x80, s9, s12, $0xb8;
	[tilespmem:$0x1F400] =	vst v63  }
0x128: {  	_ =	swait.ge [sflag:s20], $0x2000  }
0x129: {  	[sflag:s20] =	ssyncset.done $0x0  }
0x12a: {  	s9 =	rddreg [dreg:$0x16];
	[sflag:s20] =	ssyncadd.s32 $0xFFFFE000  }
0x12b: {  	[spmem:s2] =	stream.indirect.scatter.add.f32 [tilespmem:s15], [sflag:$0x6], $0x80, s9, s12, $0xb8;
	[tilespmem:$0x1F400] =	vst v63  }
0x12c: {  	_ =	swait.ge [sflag:s10], $0x2000  }
0x12d: {  	[sflag:s10] =	ssyncset.done $0x0  }
0x12e: {  	s9 =	rddreg [dreg:$0x17];
	[sflag:s10] =	ssyncadd.s32 $0xFFFFE000  }
0x12f: {  	[tilespmem:s15], [sflag:$0x3] =	stream.indirect.gather [hbm4b:s4+s12], $0x80, s9, s12, $0xb8;
	[tilespmem:$0x1F400] =	vst v63  }
0x130: {  	_ =	swait.ge [sflag:s21], $0x2000  }
0x131: {  	[sflag:s21] =	ssyncset.done $0x0  }
0x132: {  	s9 =	rddreg [dreg:$0x18];
	[sflag:s21] =	ssyncadd.s32 $0xFFFFE000  }
0x133: {  	[spmem:s2] =	stream.indirect.scatter.add.f32 [tilespmem:s16], [sflag:$0x6], $0x80, s9, s12, $0xb8;
	[tilespmem:$0x1F400] =	vst v63  }
0x134: {  	_ =	swait.ge [sflag:s10], $0x2000  }
0x135: {  	[sflag:s10] =	ssyncset.done $0x0  }
0x136: {  	s9 =	rddreg [dreg:$0x19];
	[sflag:s10] =	ssyncadd.s32 $0xFFFFE000  }
0x137: {  	[tilespmem:s16], [sflag:$0x4] =	stream.indirect.gather [hbm4b:s4+s12], $0x80, s9, s12, $0xb8;
	[tilespmem:$0x1F400] =	vst v63  }
0x138: {  	_ =	swait.ge [sflag:s22], $0x2000  }
0x139: {  	[sflag:s22] =	ssyncset.done $0x0  }
0x13a: {  	s9 =	rddreg [dreg:$0x1a];
	[sflag:s22] =	ssyncadd.s32 $0xFFFFE000  }
0x13b: {  	[spmem:s2] =	stream.indirect.scatter.add.f32 [tilespmem:s17], [sflag:$0x6], $0x80, s9, s12, $0xb8;
	[tilespmem:$0x1F400] =	vst v63  }
0x13c: {  	_ =	swait.ge [sflag:s10], $0x2000  }
0x13d: {  	[sflag:s10] =	ssyncset.done $0x0  }
0x13e: {  	s9 =	rddreg [dreg:$0x1b];
	[sflag:s10] =	ssyncadd.s32 $0xFFFFE000  }
0x13f: {  	[tilespmem:s17], [sflag:$0x5] =	stream.indirect.gather [hbm4b:s4+s12], $0x80, s9, s12, $0xb8;
	[tilespmem:$0x1F400] =	vst v63  }
0x140: {  	_ =	swait.ge [sflag:s18], $0x2000  }
0x141: {  	[sflag:s18] =	ssyncset.done $0x0  }
0x142: {  	s9 =	rddreg [dreg:$0x1c];
	[sflag:s18] =	ssyncadd.s32 $0xFFFFE000  }
0x143: {  	[spmem:s2] =	stream.indirect.scatter.add.f32 [tilespmem:s13], [sflag:$0x6], $0x80, s9, s12, $0xb8;
	[tilespmem:$0x1F400] =	vst v63  }
0x144: {  	_ =	swait.ge [sflag:s10], $0x2000  }
0x145: {  	[sflag:s10] =	ssyncset.done $0x0  }
0x146: {  	s9 =	rddreg [dreg:$0x1d];
	[sflag:s10] =	ssyncadd.s32 $0xFFFFE000  }
0x147: {  	[tilespmem:s13], [sflag:$0x1] =	stream.indirect.gather [hbm4b:s4+s12], $0x80, s9, s12, $0xb8;
	[tilespmem:$0x1F400] =	vst v63  }
0x148: {  	_ =	swait.ge [sflag:s19], $0x2000  }
0x149: {  	[sflag:s19] =	ssyncset.done $0x0  }
0x14a: {  	s9 =	rddreg [dreg:$0x1e];
	[sflag:s19] =	ssyncadd.s32 $0xFFFFE000  }
0x14b: {  	[spmem:s2] =	stream.indirect.scatter.add.f32 [tilespmem:s14], [sflag:$0x6], $0x80, s9, s12, $0xb8;
	[tilespmem:$0x1F400] =	vst v63  }
0x14c: {  	_ =	swait.ge [sflag:s10], $0x2000  }
0x14d: {  	[sflag:s10] =	ssyncset.done $0x0  }
0x14e: {  	s9 =	rddreg [dreg:$0x1f];
	[sflag:s10] =	ssyncadd.s32 $0xFFFFE000  }
0x14f: {  	[tilespmem:s14], [sflag:$0x2] =	stream.indirect.gather [hbm4b:s4+s12], $0x80, s9, s12, $0xb8;
	[tilespmem:$0x1F400] =	vst v63  }
0x150: {  	_ =	swait.ge [sflag:s20], $0x2000  }
0x151: {  	[sflag:s20] =	ssyncset.done $0x0  }
0x152: {  	[sflag:s20] =	ssyncadd.s32 $0xFFFFE000  }
0x153: {  	[spmem:s2] =	stream.indirect.scatter.add.f32 [tilespmem:s15], [sflag:$0x6], $0x80, s23, s12, $0xb8;
	[tilespmem:$0x1F400] =	vst v63  }
0x154: {  	_ =	swait.ge [sflag:s10], $0x2000  }
0x155: {  	[sflag:s10] =	ssyncset.done $0x0  }
0x156: {  	[sflag:s10] =	ssyncadd.s32 $0xFFFFE000  }
0x157: {  	[tilespmem:s15], [sflag:$0x3] =	stream.indirect.gather [hbm4b:s4+s12], $0x80, s24, s12, $0xb8;
	[tilespmem:$0x1F400] =	vst v63  }
0x158: {  	_ =	swait.ge [sflag:s21], $0x2000  }
0x159: {  	[sflag:s21] =	ssyncset.done $0x0  }
0x15a: {  	[sflag:s21] =	ssyncadd.s32 $0xFFFFE000  }
0x15b: {  	[spmem:s2] =	stream.indirect.scatter.add.f32 [tilespmem:s16], [sflag:$0x6], $0x80, s25, s12, $0xb8;
	[tilespmem:$0x1F400] =	vst v63  }
0x15c: {  	_ =	swait.ge [sflag:s10], $0x2000  }
0x15d: {  	[sflag:s10] =	ssyncset.done $0x0  }
0x15e: {  	[sflag:s10] =	ssyncadd.s32 $0xFFFFE000  }
0x15f: {  	[tilespmem:s16], [sflag:$0x4] =	stream.indirect.gather [hbm4b:s4+s12], $0x80, s26, s12, $0xb8;
	[tilespmem:$0x1F400] =	vst v63  }
0x160: {  	_ =	swait.ge [sflag:s22], $0x2000  }
0x161: {  	[sflag:s22] =	ssyncset.done $0x0  }
0x162: {  	[sflag:s22] =	ssyncadd.s32 $0xFFFFE000  }
0x163: {  	[spmem:s2] =	stream.indirect.scatter.add.f32 [tilespmem:s17], [sflag:$0x6], $0x80, s28, s12, $0xb8;
	[tilespmem:$0x1F400] =	vst v63  }
0x164: {  	_ =	swait.ge [sflag:s10], $0x2000  }
0x165: {  	[sflag:s10] =	ssyncset.done $0x0  }
0x166: {  	[sflag:s10] =	ssyncadd.s32 $0xFFFFE000  }
0x167: {  	[tilespmem:s17], [sflag:$0x5] =	stream.indirect.gather [hbm4b:s4+s12], $0x80, s29, s12, $0xb8;
	[tilespmem:$0x1F400] =	vst v63  }
0x168: {  	_ =	swait.ge [sflag:s18], $0x2000  }
0x169: {  	[sflag:s18] =	ssyncset.done $0x0  }
0x16a: {  	[sflag:s18] =	ssyncadd.s32 $0xFFFFE000  }
0x16b: {  	[spmem:s2] =	stream.indirect.scatter.add.f32 [tilespmem:s13], [sflag:$0x6], $0x80, s30, s12, $0xb8;
	[tilespmem:$0x1F400] =	vst v63  }
0x16c: {  	_ =	swait.ge [sflag:s10], $0x2000  }
0x16d: {  	[sflag:s10] =	ssyncset.done $0x0  }
0x16e: {  	[sflag:s10] =	ssyncadd.s32 $0xFFFFE000  }
0x16f: {  	_ =	swait.ge [sflag:s19], $0x2000  }
0x170: {  	[sflag:s19] =	ssyncset.done $0x0  }
0x171: {  	[sflag:s19] =	ssyncadd.s32 $0xFFFFE000  }
0x172: {  	[spmem:s2] =	stream.indirect.scatter.add.f32 [tilespmem:s14], [sflag:$0x6], $0x80, s31, s12, $0xb8;
	[tilespmem:$0x1F400] =	vst v63  }
0x173: {  	_ =	swait.ge [sflag:s10], $0x2000  }
0x174: {  	[sflag:s10] =	ssyncset.done $0x0  }
0x175: {  	[sflag:s10] =	ssyncadd.s32 $0xFFFFE000  }
0x176: {  	_ =	swait.ge [sflag:s20], $0x2000  }
0x177: {  	[sflag:s20] =	ssyncset.done $0x0  }
0x178: {  	[sflag:s20] =	ssyncadd.s32 $0xFFFFE000  }
0x179: {  	[spmem:s2] =	stream.indirect.scatter.add.f32 [tilespmem:s15], [sflag:$0x6], $0x80, s1, s12, $0xb8;
	[tilespmem:$0x1F400] =	vst v63  }
0x17a: {  	_ =	swait.ge [sflag:s10], $0x2000  }
0x17b: {  	[sflag:s10] =	ssyncset.done $0x0  }
0x17c: {  	[sflag:s10] =	ssyncadd.s32 $0xFFFFE000  }
0x17d: {  	_ =	swait.ge [sflag:s21], $0x2000  }
0x17e: {  	[sflag:s21] =	ssyncset.done $0x0  }
0x17f: {  	[sflag:s21] =	ssyncadd.s32 $0xFFFFE000  }
0x180: {  	[spmem:s2] =	stream.indirect.scatter.add.f32 [tilespmem:s16], [sflag:$0x6], $0x80, s0, s12, $0xb8;
	[tilespmem:$0x1F400] =	vst v63  }
0x181: {  	_ =	swait.ge [sflag:s10], $0x2000  }
0x182: {  	[sflag:s10] =	ssyncset.done $0x0  }
0x183: {  	[sflag:s10] =	ssyncadd.s32 $0xFFFFE000  }
0x184: {  	p0 =	sne.s32 s6, $0xA80;
	_ =	swait.ge [sflag:s22], $0x2000  }
.Ltmp0:
0x185: {  	[sflag:s22] =	ssyncset.done $0x0;
	(pc) =	sbr.rel @p0 .LBB2_2-.Ltmp0, $4  }
0x186: {  	[sflag:s22] =	ssyncadd.s32 $0xFFFFE000  }
0x187: {  	[spmem:s2] =	stream.indirect.scatter.add.f32 [tilespmem:s17], [sflag:$0x6], $0x80, s5, s12, $0xb8;
	[tilespmem:$0x1F400] =	vst v63  }
0x188: {  	_ =	swait.ge [sflag:s10], $0x2000  }
0x189: {  	s6 =	sadd.s32 $0x180, s6;
	s9 =	rddreg [dreg:$0x3];
	[sflag:s10] =	ssyncset.done $0x0  }
0x18a: {  	[sflag:s10] =	ssyncadd.s32 $0xFFFFE000;
	s6 =	sadd.s32 s8, s9  }
0x18b: {  	[tilespmem:s3], [sflag:$0x6] =	stream.linear.gather [hbm4b:s6+s3], $0xA00, $0x38;
	[tilespmem:$0x1F400] =	vst v63  }
0x18c: {  	_ =	swait.ge [sflag:s10], $0xA00  }
0x18d: {  	s7 =	rddreg [dreg:$0x4];
	[sflag:s10] =	ssyncset.done $0x0  }
0x18e: {  	[sflag:s10] =	ssyncadd.s32 $0xFFFFF600;
	s6 =	sadd.s32 s8, s7  }
0x18f: {  	[tilespmem:s11], [sflag:$0x6] =	stream.linear.gather [hbm4b:s6+s3], $0xA00, $0x38;
	[tilespmem:$0x1F400] =	vst v63  }
0x190: {  	_ =	swait.ge [sflag:s10], $0xA00  }
0x191: {  	[sflag:s10] =	ssyncset.done $0x0  }
0x192: {  	[sflag:s10] =	ssyncadd.s32 $0xFFFFF600  }
0x193: {  	[tilespmem:s13], [sflag:$0x1] =	stream.indirect.gather [hbm4b:s4+s12], $0x80, s3, s12, $0xb8;
	[tilespmem:$0x1F400] =	vst v63  }
0x194: {  	s9 =	rddreg [dreg:$0x5]  }
0x195: {  	[tilespmem:s14], [sflag:$0x2] =	stream.indirect.gather [hbm4b:s4+s12], $0x80, s9, s12, $0xb8;
	[tilespmem:$0x1F400] =	vst v63  }
0x196: {  	s7 =	rddreg [dreg:$0x6]  }
0x197: {  	[tilespmem:s15], [sflag:$0x3] =	stream.indirect.gather [hbm4b:s4+s12], $0x80, s7, s12, $0xb8;
	[tilespmem:$0x1F400] =	vst v63  }
0x198: {  	s8 =	rddreg [dreg:$0x7]  }
0x199: {  	[tilespmem:s16], [sflag:$0x4] =	stream.indirect.gather [hbm4b:s4+s12], $0x80, s8, s12, $0xb8;
	[tilespmem:$0x1F400] =	vst v63  }
0x19a: {  	s9 =	rddreg [dreg:$0x8]  }
0x19b: {  	[tilespmem:s17], [sflag:$0x5] =	stream.indirect.gather [hbm4b:s4+s12], $0x80, s9, s12, $0xb8;
	[tilespmem:$0x1F400] =	vst v63  }
0x19c: {  	_ =	swait.ge [sflag:s18], $0x2000  }
0x19d: {  	[sflag:s18] =	ssyncset.done $0x0  }
0x19e: {  	[sflag:s18] =	ssyncadd.s32 $0xFFFFE000  }
0x19f: {  	[spmem:s2] =	stream.indirect.scatter.add.f32 [tilespmem:s13], [sflag:$0x6], $0x80, s11, s12, $0xb8;
	[tilespmem:$0x1F400] =	vst v63  }
0x1a0: {  	_ =	swait.ge [sflag:s10], $0x2000  }
0x1a1: {  	[sflag:s10] =	ssyncset.done $0x0  }
0x1a2: {  	s7 =	rddreg [dreg:$0x9];
	[sflag:s10] =	ssyncadd.s32 $0xFFFFE000  }
0x1a3: {  	[tilespmem:s13], [sflag:$0x1] =	stream.indirect.gather [hbm4b:s4+s12], $0x80, s7, s12, $0xb8;
	[tilespmem:$0x1F400] =	vst v63  }
0x1a4: {  	_ =	swait.ge [sflag:s19], $0x2000  }
0x1a5: {  	[sflag:s19] =	ssyncset.done $0x0  }
0x1a6: {  	s8 =	rddreg [dreg:$0xa];
	[sflag:s19] =	ssyncadd.s32 $0xFFFFE000  }
0x1a7: {  	[spmem:s2] =	stream.indirect.scatter.add.f32 [tilespmem:s14], [sflag:$0x6], $0x80, s8, s12, $0xb8;
	[tilespmem:$0x1F400] =	vst v63  }
0x1a8: {  	_ =	swait.ge [sflag:s10], $0x2000  }
0x1a9: {  	[sflag:s10] =	ssyncset.done $0x0  }
0x1aa: {  	s9 =	rddreg [dreg:$0xb];
	[sflag:s10] =	ssyncadd.s32 $0xFFFFE000  }
0x1ab: {  	[tilespmem:s14], [sflag:$0x2] =	stream.indirect.gather [hbm4b:s4+s12], $0x80, s9, s12, $0xb8;
	[tilespmem:$0x1F400] =	vst v63  }
0x1ac: {  	_ =	swait.ge [sflag:s20], $0x2000  }
0x1ad: {  	[sflag:s20] =	ssyncset.done $0x0  }
0x1ae: {  	s7 =	rddreg [dreg:$0xc];
	[sflag:s20] =	ssyncadd.s32 $0xFFFFE000  }
0x1af: {  	[spmem:s2] =	stream.indirect.scatter.add.f32 [tilespmem:s15], [sflag:$0x6], $0x80, s7, s12, $0xb8;
	[tilespmem:$0x1F400] =	vst v63  }
0x1b0: {  	_ =	swait.ge [sflag:s10], $0x2000  }
0x1b1: {  	[sflag:s10] =	ssyncset.done $0x0  }
0x1b2: {  	s8 =	rddreg [dreg:$0xd];
	[sflag:s10] =	ssyncadd.s32 $0xFFFFE000  }
0x1b3: {  	[tilespmem:s15], [sflag:$0x3] =	stream.indirect.gather [hbm4b:s4+s12], $0x80, s8, s12, $0xb8;
	[tilespmem:$0x1F400] =	vst v63  }
0x1b4: {  	_ =	swait.ge [sflag:s21], $0x2000  }
0x1b5: {  	[sflag:s21] =	ssyncset.done $0x0  }
0x1b6: {  	s9 =	rddreg [dreg:$0xe];
	[sflag:s21] =	ssyncadd.s32 $0xFFFFE000  }
0x1b7: {  	[spmem:s2] =	stream.indirect.scatter.add.f32 [tilespmem:s16], [sflag:$0x6], $0x80, s9, s12, $0xb8;
	[tilespmem:$0x1F400] =	vst v63  }
0x1b8: {  	_ =	swait.ge [sflag:s10], $0x2000  }
0x1b9: {  	[sflag:s10] =	ssyncset.done $0x0  }
0x1ba: {  	s7 =	rddreg [dreg:$0xf];
	[sflag:s10] =	ssyncadd.s32 $0xFFFFE000  }
0x1bb: {  	[tilespmem:s16], [sflag:$0x4] =	stream.indirect.gather [hbm4b:s4+s12], $0x80, s7, s12, $0xb8;
	[tilespmem:$0x1F400] =	vst v63  }
0x1bc: {  	_ =	swait.ge [sflag:s22], $0x2000  }
0x1bd: {  	[sflag:s22] =	ssyncset.done $0x0  }
0x1be: {  	s8 =	rddreg [dreg:$0x10];
	[sflag:s22] =	ssyncadd.s32 $0xFFFFE000  }
0x1bf: {  	[spmem:s2] =	stream.indirect.scatter.add.f32 [tilespmem:s17], [sflag:$0x6], $0x80, s8, s12, $0xb8;
	[tilespmem:$0x1F400] =	vst v63  }
0x1c0: {  	_ =	swait.ge [sflag:s10], $0x2000  }
0x1c1: {  	[sflag:s10] =	ssyncset.done $0x0  }
0x1c2: {  	s9 =	rddreg [dreg:$0x11];
	[sflag:s10] =	ssyncadd.s32 $0xFFFFE000  }
0x1c3: {  	[tilespmem:s17], [sflag:$0x5] =	stream.indirect.gather [hbm4b:s4+s12], $0x80, s9, s12, $0xb8;
	[tilespmem:$0x1F400] =	vst v63  }
0x1c4: {  	_ =	swait.ge [sflag:s18], $0x2000  }
0x1c5: {  	[sflag:s18] =	ssyncset.done $0x0  }
0x1c6: {  	s7 =	rddreg [dreg:$0x12];
	[sflag:s18] =	ssyncadd.s32 $0xFFFFE000  }
0x1c7: {  	[spmem:s2] =	stream.indirect.scatter.add.f32 [tilespmem:s13], [sflag:$0x6], $0x80, s7, s12, $0xb8;
	[tilespmem:$0x1F400] =	vst v63  }
0x1c8: {  	_ =	swait.ge [sflag:s10], $0x2000  }
0x1c9: {  	[sflag:s10] =	ssyncset.done $0x0  }
0x1ca: {  	s8 =	rddreg [dreg:$0x13];
	[sflag:s10] =	ssyncadd.s32 $0xFFFFE000  }
0x1cb: {  	[tilespmem:s13], [sflag:$0x1] =	stream.indirect.gather [hbm4b:s4+s12], $0x80, s8, s12, $0xb8;
	[tilespmem:$0x1F400] =	vst v63  }
0x1cc: {  	_ =	swait.ge [sflag:s19], $0x2000  }
0x1cd: {  	[sflag:s19] =	ssyncset.done $0x0  }
0x1ce: {  	s9 =	rddreg [dreg:$0x14];
	[sflag:s19] =	ssyncadd.s32 $0xFFFFE000  }
0x1cf: {  	[spmem:s2] =	stream.indirect.scatter.add.f32 [tilespmem:s14], [sflag:$0x6], $0x80, s9, s12, $0xb8;
	[tilespmem:$0x1F400] =	vst v63  }
0x1d0: {  	_ =	swait.ge [sflag:s10], $0x2000  }
0x1d1: {  	[sflag:s10] =	ssyncset.done $0x0  }
0x1d2: {  	s7 =	rddreg [dreg:$0x15];
	[sflag:s10] =	ssyncadd.s32 $0xFFFFE000  }
0x1d3: {  	[tilespmem:s14], [sflag:$0x2] =	stream.indirect.gather [hbm4b:s4+s12], $0x80, s7, s12, $0xb8;
	[tilespmem:$0x1F400] =	vst v63  }
0x1d4: {  	_ =	swait.ge [sflag:s20], $0x2000  }
0x1d5: {  	[sflag:s20] =	ssyncset.done $0x0  }
0x1d6: {  	s8 =	rddreg [dreg:$0x16];
	[sflag:s20] =	ssyncadd.s32 $0xFFFFE000  }
0x1d7: {  	[spmem:s2] =	stream.indirect.scatter.add.f32 [tilespmem:s15], [sflag:$0x6], $0x80, s8, s12, $0xb8;
	[tilespmem:$0x1F400] =	vst v63  }
0x1d8: {  	_ =	swait.ge [sflag:s10], $0x2000  }
0x1d9: {  	[sflag:s10] =	ssyncset.done $0x0  }
0x1da: {  	s9 =	rddreg [dreg:$0x17];
	[sflag:s10] =	ssyncadd.s32 $0xFFFFE000  }
0x1db: {  	[tilespmem:s15], [sflag:$0x3] =	stream.indirect.gather [hbm4b:s4+s12], $0x80, s9, s12, $0xb8;
	[tilespmem:$0x1F400] =	vst v63  }
0x1dc: {  	_ =	swait.ge [sflag:s21], $0x2000  }
0x1dd: {  	[sflag:s21] =	ssyncset.done $0x0  }
0x1de: {  	s7 =	rddreg [dreg:$0x18];
	[sflag:s21] =	ssyncadd.s32 $0xFFFFE000  }
0x1df: {  	[spmem:s2] =	stream.indirect.scatter.add.f32 [tilespmem:s16], [sflag:$0x6], $0x80, s7, s12, $0xb8;
	[tilespmem:$0x1F400] =	vst v63  }
0x1e0: {  	_ =	swait.ge [sflag:s10], $0x2000  }
0x1e1: {  	[sflag:s10] =	ssyncset.done $0x0  }
0x1e2: {  	s8 =	rddreg [dreg:$0x19];
	[sflag:s10] =	ssyncadd.s32 $0xFFFFE000  }
0x1e3: {  	[tilespmem:s16], [sflag:$0x4] =	stream.indirect.gather [hbm4b:s4+s12], $0x80, s8, s12, $0xb8;
	[tilespmem:$0x1F400] =	vst v63  }
0x1e4: {  	_ =	swait.ge [sflag:s22], $0x2000  }
0x1e5: {  	[sflag:s22] =	ssyncset.done $0x0  }
0x1e6: {  	s9 =	rddreg [dreg:$0x1a];
	[sflag:s22] =	ssyncadd.s32 $0xFFFFE000  }
0x1e7: {  	[spmem:s2] =	stream.indirect.scatter.add.f32 [tilespmem:s17], [sflag:$0x6], $0x80, s9, s12, $0xb8;
	[tilespmem:$0x1F400] =	vst v63  }
0x1e8: {  	_ =	swait.ge [sflag:s10], $0x2000  }
0x1e9: {  	[sflag:s10] =	ssyncset.done $0x0  }
0x1ea: {  	s7 =	rddreg [dreg:$0x1b];
	[sflag:s10] =	ssyncadd.s32 $0xFFFFE000  }
0x1eb: {  	[tilespmem:s17], [sflag:$0x5] =	stream.indirect.gather [hbm4b:s4+s12], $0x80, s7, s12, $0xb8;
	[tilespmem:$0x1F400] =	vst v63  }
0x1ec: {  	_ =	swait.ge [sflag:s18], $0x2000  }
0x1ed: {  	[sflag:s18] =	ssyncset.done $0x0  }
0x1ee: {  	s8 =	rddreg [dreg:$0x1c];
	[sflag:s18] =	ssyncadd.s32 $0xFFFFE000  }
0x1ef: {  	[spmem:s2] =	stream.indirect.scatter.add.f32 [tilespmem:s13], [sflag:$0x6], $0x80, s8, s12, $0xb8;
	[tilespmem:$0x1F400] =	vst v63  }
0x1f0: {  	_ =	swait.ge [sflag:s10], $0x2000  }
0x1f1: {  	[sflag:s10] =	ssyncset.done $0x0  }
0x1f2: {  	s9 =	rddreg [dreg:$0x1d];
	[sflag:s10] =	ssyncadd.s32 $0xFFFFE000  }
0x1f3: {  	[tilespmem:s13], [sflag:$0x1] =	stream.indirect.gather [hbm4b:s4+s12], $0x80, s9, s12, $0xb8;
	[tilespmem:$0x1F400] =	vst v63  }
0x1f4: {  	_ =	swait.ge [sflag:s19], $0x2000  }
0x1f5: {  	[sflag:s19] =	ssyncset.done $0x0  }
0x1f6: {  	s7 =	rddreg [dreg:$0x1e];
	[sflag:s19] =	ssyncadd.s32 $0xFFFFE000  }
0x1f7: {  	[spmem:s2] =	stream.indirect.scatter.add.f32 [tilespmem:s14], [sflag:$0x6], $0x80, s7, s12, $0xb8;
	[tilespmem:$0x1F400] =	vst v63  }
0x1f8: {  	_ =	swait.ge [sflag:s10], $0x2000  }
0x1f9: {  	[sflag:s10] =	ssyncset.done $0x0  }
0x1fa: {  	s8 =	rddreg [dreg:$0x1f];
	[sflag:s10] =	ssyncadd.s32 $0xFFFFE000  }
0x1fb: {  	[tilespmem:s14], [sflag:$0x2] =	stream.indirect.gather [hbm4b:s4+s12], $0x80, s8, s12, $0xb8;
	[tilespmem:$0x1F400] =	vst v63  }
0x1fc: {  	_ =	swait.ge [sflag:s20], $0x2000  }
0x1fd: {  	[sflag:s20] =	ssyncset.done $0x0  }
0x1fe: {  	[sflag:s20] =	ssyncadd.s32 $0xFFFFE000  }
0x1ff: {  	[spmem:s2] =	stream.indirect.scatter.add.f32 [tilespmem:s15], [sflag:$0x6], $0x80, s23, s12, $0xb8;
	[tilespmem:$0x1F400] =	vst v63  }
0x200: {  	_ =	swait.ge [sflag:s10], $0x2000  }
0x201: {  	[sflag:s10] =	ssyncset.done $0x0  }
0x202: {  	[sflag:s10] =	ssyncadd.s32 $0xFFFFE000  }
0x203: {  	[tilespmem:s15], [sflag:$0x3] =	stream.indirect.gather [hbm4b:s4+s12], $0x80, s24, s12, $0xb8;
	[tilespmem:$0x1F400] =	vst v63  }
0x204: {  	_ =	swait.ge [sflag:s21], $0x2000  }
0x205: {  	[sflag:s21] =	ssyncset.done $0x0  }
0x206: {  	[sflag:s21] =	ssyncadd.s32 $0xFFFFE000  }
0x207: {  	[spmem:s2] =	stream.indirect.scatter.add.f32 [tilespmem:s16], [sflag:$0x6], $0x80, s25, s12, $0xb8;
	[tilespmem:$0x1F400] =	vst v63  }
0x208: {  	_ =	swait.ge [sflag:s10], $0x2000  }
0x209: {  	[sflag:s10] =	ssyncset.done $0x0  }
0x20a: {  	[sflag:s10] =	ssyncadd.s32 $0xFFFFE000  }
0x20b: {  	[tilespmem:s16], [sflag:$0x4] =	stream.indirect.gather [hbm4b:s4+s12], $0x80, s26, s12, $0xb8;
	[tilespmem:$0x1F400] =	vst v63  }
0x20c: {  	_ =	swait.ge [sflag:s22], $0x2000  }
0x20d: {  	[sflag:s22] =	ssyncset.done $0x0  }
0x20e: {  	[sflag:s22] =	ssyncadd.s32 $0xFFFFE000  }
0x20f: {  	[spmem:s2] =	stream.indirect.scatter.add.f32 [tilespmem:s17], [sflag:$0x6], $0x80, s28, s12, $0xb8;
	[tilespmem:$0x1F400] =	vst v63  }
0x210: {  	_ =	swait.ge [sflag:s10], $0x2000  }
0x211: {  	[sflag:s10] =	ssyncset.done $0x0  }
0x212: {  	[sflag:s10] =	ssyncadd.s32 $0xFFFFE000  }
0x213: {  	[tilespmem:s17], [sflag:$0x5] =	stream.indirect.gather [hbm4b:s4+s12], $0x80, s29, s12, $0xb8;
	[tilespmem:$0x1F400] =	vst v63  }
0x214: {  	_ =	swait.ge [sflag:s18], $0x2000  }
0x215: {  	[sflag:s18] =	ssyncset.done $0x0  }
0x216: {  	[sflag:s18] =	ssyncadd.s32 $0xFFFFE000  }
0x217: {  	[spmem:s2] =	stream.indirect.scatter.add.f32 [tilespmem:s13], [sflag:$0x6], $0x80, s30, s12, $0xb8;
	[tilespmem:$0x1F400] =	vst v63  }
0x218: {  	_ =	swait.ge [sflag:s10], $0x2000  }
0x219: {  	[sflag:s10] =	ssyncset.done $0x0  }
0x21a: {  	[sflag:s10] =	ssyncadd.s32 $0xFFFFE000  }
0x21b: {  	_ =	swait.ge [sflag:s19], $0x2000  }
0x21c: {  	[sflag:s19] =	ssyncset.done $0x0  }
0x21d: {  	[sflag:s19] =	ssyncadd.s32 $0xFFFFE000  }
0x21e: {  	[spmem:s2] =	stream.indirect.scatter.add.f32 [tilespmem:s14], [sflag:$0x6], $0x80, s31, s12, $0xb8;
	[tilespmem:$0x1F400] =	vst v63  }
0x21f: {  	_ =	swait.ge [sflag:s10], $0x2000  }
0x220: {  	[sflag:s10] =	ssyncset.done $0x0  }
0x221: {  	[sflag:s10] =	ssyncadd.s32 $0xFFFFE000  }
0x222: {  	_ =	swait.ge [sflag:s20], $0x2000  }
0x223: {  	[sflag:s20] =	ssyncset.done $0x0  }
0x224: {  	[sflag:s20] =	ssyncadd.s32 $0xFFFFE000  }
0x225: {  	[spmem:s2] =	stream.indirect.scatter.add.f32 [tilespmem:s15], [sflag:$0x6], $0x80, s1, s12, $0xb8;
	[tilespmem:$0x1F400] =	vst v63  }
0x226: {  	_ =	swait.ge [sflag:s10], $0x2000  }
0x227: {  	[sflag:s10] =	ssyncset.done $0x0  }
0x228: {  	[sflag:s10] =	ssyncadd.s32 $0xFFFFE000  }
0x229: {  	_ =	swait.ge [sflag:s21], $0x2000  }
0x22a: {  	[sflag:s21] =	ssyncset.done $0x0  }
0x22b: {  	[sflag:s21] =	ssyncadd.s32 $0xFFFFE000  }
0x22c: {  	[spmem:s2] =	stream.indirect.scatter.add.f32 [tilespmem:s16], [sflag:$0x6], $0x80, s0, s12, $0xb8;
	[tilespmem:$0x1F400] =	vst v63  }
0x22d: {  	_ =	swait.ge [sflag:s10], $0x2000  }
0x22e: {  	[sflag:s10] =	ssyncset.done $0x0  }
0x22f: {  	[sflag:s10] =	ssyncadd.s32 $0xFFFFE000  }
0x230: {  	_ =	swait.ge [sflag:s22], $0x2000  }
0x231: {  	[sflag:s22] =	ssyncset.done $0x0  }
0x232: {  	[sflag:s22] =	ssyncadd.s32 $0xFFFFE000  }
0x233: {  	[spmem:s2] =	stream.indirect.scatter.add.f32 [tilespmem:s17], [sflag:$0x6], $0x80, s5, s12, $0xb8;
	[tilespmem:$0x1F400] =	vst v63  }
0x234: {  	_ =	swait.ge [sflag:s10], $0x2000  }
0x235: {  	[sflag:s10] =	ssyncset.done $0x0  }
0x236: {  	[sflag:s10] =	ssyncadd.s32 $0xFFFFE000  }
0x237: {  	[bflag:$0x0] =	sbarrier.arrive $0xFFFF  }
0x238: {  	s7 =	sld [smem:$0x7FC]  }
0x239: {  	s9 =	sld [smem:$0x7FA]  }
0x23a: {  	s8 =	sld [smem:$0x7FD];
	_ =	sdelay $0x2  }
0x23b: {  	[hbm:s9], [sflag:s7] =	dma.local [spmem:s8], $0x2780  }
0x23c: {  	_ =	swait.ge [sflag:s10], $0x2780  }
0x23d: {  	s6 =	sld [smem:$0x7F8];
	_ =	sdelay $0x2  }
0x23e: {  	s9 =	sadd.s32 $0x1, s6;
	s6 =	sld [smem:$0x7FB];
	_ =	sdelay $0x2  }
0x23f: {  	p0 =	sne.s32 s9, s6  }
.Ltmp1:
0x240: {  	_ = 	snop;
	(pc) =	sbr.rel @p0 .LBB2_1-.Ltmp1, $3  }
0x241: {  	_ =	sdelay $0x1  }
0x242: {  	[sflag:s10] =	ssyncset.done $0x0  }
0x243: {  	[sflag:s10] =	ssyncadd.s32 $0xFFFFD880  }
0x244: {  	_ =	sfence.sel $0x180000  }
0x245: {  	[bflag:$0x0] =	sbarrier.arrive $0xFFFF  }
0x246: {  	_ =	strace $0x9000004A  }
0x247: {  	s0 =	stileid.u32;
	[bflag:$0x2] =	sbarrier.arrive $0xFFFF  }
0x248: {  	p0 =	sne.s32 s0, $0x0;
	s0 =	rddreg [dreg:$0x2]  }
0x249: {  	s0 =	sadd.s32 @!p0 $0x100000, s0  }
0x24a: {  	[sflag:s0] =	ssyncadd.tile.s32 @!p0 $0x1;
	_ =	shalt  }
.Lfunc_end2:
_tile_overlayer_lowered:
.L_overlay_start_2:
0x24b: {  	(tag) =	ssettag $0x2  }
0x24c: {  	s0 =	rddreg [dreg:$0x0];
	s2 =	stileid.u32  }
0x24d: {  	s1 =	rddreg [dreg:$0x1];
	p0 =	sne.s32 s2, $0x0  }
0x24e: {  	s3 =	rddreg [dreg:$0x2];
	[bflag:$0x3] =	sbarrier.arrive $0xFFFF;
	s2 =	simm.s32 @!p0 $0x1C06  }
0x24f: {  	[timem:s3], [sflag:s2] =	dma.local @!p0 [hbm:s0], s1  }
0x250: {  	s0 =	simm.s32 @!p0 $0x6  }
0x251: {  	_ =	swait.ge @!p0 [sflag:s0], s1  }
0x252: {  	s1 =	ssub.s32 @!p0 $0x0, s1;
	[sflag:s0] =	ssyncset.done @!p0 $0x0  }
0x253: {  	[sflag:s0] =	ssyncadd.s32 @!p0 s1  }
0x254: {  	[bflag:$0x3] =	sbarrier.arrive $0xFFFF  }
0x255: {  	_ =	shalt  }

// kernel: kernel.17.cloned.1.call-start
scs
__scs_entry_jumppad:
0x0: {  	(pc) =	sbr.rel $0x88, $3  }
0x1: {  	(tag) =	ssettag $0x0;
	lr =	simm.s32 $0x1  }
0x2: {  	[smem:$0x3F94] =	sst lr;
	_ =	strace $0xD0000000  }
0x3: {  	_ = 	snop  }
0x4: {  	_ = 	snop  }
0x5: {  	_ = 	snop  }
0x6: {  	_ = 	snop  }
0x7: {  	_ = 	snop  }
__scs_overlays_trampoline_lowered:
0x8: {  	[smem:$0x3FA3] =	sst s0  }
0x9: {  	[smem:$0x3FA4] =	sst s1  }
0xa: {  	[smem:$0x3FA5] =	sst s2  }
0xb: {  	[smem:$0x3FA6] =	sst s3  }
0xc: {  	[smem:$0x3FA7] =	sst s4  }
0xd: {  	[smem:$0x3FA8] =	sst s5  }
0xe: {  	[smem:$0x3FA9] =	sst s6  }
0xf: {  	[smem:$0x3FAA] =	sst s7  }
0x10: {  	[smem:$0x3FAB] =	sst s8  }
0x11: {  	[smem:$0x3FAC] =	sst s9;
	s0 =	simm.s32 @!p0 $0x0  }
0x12: {  	s1 =	sld [smem:$0x3F92];
	s0 =	simm.s32 @p0 $0x1  }
0x13: {  	[smem:$0x3FAD] =	sst s0;
	s0 =	simm.s32 @!p1 $0x0  }
0x14: {  	s2 =	sld [smem:$0x3F91];
	s0 =	simm.s32 @p1 $0x1  }
0x15: {  	[smem:$0x3FAE] =	sst s0;
	s0 =	simm.s32 @!p2 $0x0  }
0x16: {  	s3 =	sld [smem:$0x3FDB];
	s0 =	simm.s32 @p2 $0x1  }
0x17: {  	s4 =	simm.s32 $0x1BF5;
	[smem:$0x3FB0] =	sst s0  }
0x18: {  	s0 =	sld [smem:$0x3F93];
	_ =	swait.ge [sflag:s4], $0x0  }
0x19: {  	s7 =	sld [smem:$0x3F94]  }
0x1a: {  	s8 =	sadd.s32 $0xFFFFE003, lr  }
0x1b: {  	s9 =	sadd.s32 $0xFFFFFEF7, lr;
	s5 =	simm.s32 $0xFFFFFFFF;
	p2 =	slt.u32 s8, $0xFFFFF086  }
0x1c: {  	p1 =	slt.u32 s9, $0xF7A;
	s5 =	simm.s32 @!p2 $0x0  }
0x1d: {  	s5 =	simm.s32 @p1 $0x1;
	p0 =	seq.s32 s7, s2  }
0x1e: {  	s7 =	smul.u32 @!p0 $0xF7A, s2;
	p2 =	seq.s32 @!p0 s5, $0x0  }
0x1f: {  	s9 =	smul.u32 $0xF7A, s1;
	s8 =	simm.s32 @!p0 $0x1BF5;
	p2 =	por !p2, p0  }
0x20: {  	[sflag:s8] =	ssyncset.s32 @!p0 $0xFFFFF086;
	s6 =	sadd.s32 @!p0 s3, s7;
	s7 =	simm.s32 @!p0 $0x108  }
0x21: {  	s3 =	sadd.s32 s3, s9;
	s6 =	sadd.s32 @!p0 $0x88, s6;
	s7 =	simm.s32 @p2 $0x1082  }
0x22: {  	[simem:s7], [sflag:s8] =	dma.local @!p0 [hbm:s6], $0xF7A  }
0x23: {  	s9 =	sor.u32 $0xD0000000, s2;
	s6 =	simm.s32 $0x108;
	_ =	swait.ge @!p0 [sflag:s8], $0x0  }
0x24: {  	s3 =	sadd.s32 $0x88, s3;
	s6 =	simm.s32 @!p1 $0x1082;
	[sflag:s4] =	ssyncset.s32 $0xFFFFF086  }
0x25: {  	[simem:s6], [sflag:s4] =	dma.local [hbm:s3], $0xF7A  }
0x26: {  	[smem:$0x3F94] =	sst s1;
	(tag) =	ssettag s2;
	_ =	strace s9  }
0x27: {  	s1 =	sld [smem:$0x3FA4]  }
0x28: {  	s2 =	sld [smem:$0x3FA5]  }
0x29: {  	s4 =	sld [smem:$0x3FA7]  }
0x2a: {  	p0 =	seq.s32 s5, $0x0;
	s5 =	sld [smem:$0x3FA8]  }
0x2b: {  	s6 =	sld [smem:$0x3FA9]  }
0x2c: {  	s7 =	sld [smem:$0x3FAA]  }
0x2d: {  	s3 =	simm.s32 $0x108;
	s8 =	sld [smem:$0x3FAB]  }
0x2e: {  	s3 =	simm.s32 @!p0 $0x1082;
	s9 =	sld [smem:$0x3FAC]  }
0x2f: {  	lr =	sadd.s32 s0, s3;
	s0 =	sld [smem:$0x3FA3]  }
0x30: {  	s3 =	sld [smem:$0x3FA6]  }
0x31: {  	[smem:$0x3FAF] =	sst s10  }
0x32: {  	s10 =	sld [smem:$0x3FAD];
	_ =	sdelay $0x3  }
0x33: {  	p0 =	seq.s32 s10, $0x1;
	s10 =	sld [smem:$0x3FAF];
	_ =	sdelay $0x3  }
0x34: {  	[smem:$0x3FAF] =	sst s10  }
0x35: {  	s10 =	sld [smem:$0x3FAE];
	_ =	sdelay $0x3  }
0x36: {  	p1 =	seq.s32 s10, $0x1;
	s10 =	sld [smem:$0x3FAF];
	_ =	sdelay $0x3  }
0x37: {  	[smem:$0x3FAF] =	sst s10  }
0x38: {  	s10 =	sld [smem:$0x3FB0]  }
0x39: {  	_ = 	snop;
	(pc) =	sbr.ind lr, $3  }
0x3a: {  	_ = 	snop  }
0x3b: {  	_ = 	snop  }
0x3c: {  	p2 =	seq.s32 s10, $0x1;
	s10 =	sld [smem:$0x3FAF]  }
0x3d: {  	_ =	shalt  }
0x3e: {  	_ =	shalt  }
0x3f: {  	_ =	shalt  }
0x40: {  	_ =	shalt  }
0x41: {  	_ =	shalt  }
0x42: {  	_ =	shalt  }
0x43: {  	_ =	shalt  }
0x44: {  	_ =	shalt  }
0x45: {  	_ =	shalt  }
0x46: {  	_ =	shalt  }
0x47: {  	_ =	shalt  }
0x48: {  	_ =	shalt  }
0x49: {  	_ =	shalt  }
0x4a: {  	_ =	shalt  }
0x4b: {  	_ =	shalt  }
0x4c: {  	_ =	shalt  }
0x4d: {  	_ =	shalt  }
0x4e: {  	_ =	shalt  }
0x4f: {  	_ =	shalt  }
0x50: {  	_ =	shalt  }
0x51: {  	_ =	shalt  }
0x52: {  	_ =	shalt  }
0x53: {  	_ =	shalt  }
0x54: {  	_ =	shalt  }
0x55: {  	_ =	shalt  }
0x56: {  	_ =	shalt  }
0x57: {  	_ =	shalt  }
0x58: {  	_ =	shalt  }
0x59: {  	_ =	shalt  }
0x5a: {  	_ =	shalt  }
0x5b: {  	_ =	shalt  }
0x5c: {  	_ =	shalt  }
0x5d: {  	_ =	shalt  }
0x5e: {  	_ =	shalt  }
0x5f: {  	_ =	shalt  }
0x60: {  	_ =	shalt  }
0x61: {  	_ =	shalt  }
0x62: {  	_ =	shalt  }
0x63: {  	_ =	shalt  }
0x64: {  	_ =	shalt  }
0x65: {  	_ =	shalt  }
0x66: {  	_ =	shalt  }
0x67: {  	_ =	shalt  }
0x68: {  	_ =	shalt  }
0x69: {  	_ =	shalt  }
0x6a: {  	_ =	shalt  }
0x6b: {  	_ =	shalt  }
0x6c: {  	_ =	shalt  }
0x6d: {  	_ =	shalt  }
0x6e: {  	_ =	shalt  }
0x6f: {  	_ =	shalt  }
0x70: {  	_ =	shalt  }
0x71: {  	_ =	shalt  }
0x72: {  	_ =	shalt  }
0x73: {  	_ =	shalt  }
0x74: {  	_ =	shalt  }
0x75: {  	_ =	shalt  }
0x76: {  	_ =	shalt  }
0x77: {  	_ =	shalt  }
0x78: {  	_ =	shalt  }
0x79: {  	_ =	shalt  }
0x7a: {  	_ =	shalt  }
0x7b: {  	_ =	shalt  }
0x7c: {  	_ =	shalt  }
0x7d: {  	_ =	shalt  }
0x7e: {  	_ =	shalt  }
0x7f: {  	_ =	shalt  }
0x80: {  	_ =	shalt  }
0x81: {  	_ =	shalt  }
0x82: {  	_ =	shalt  }
0x83: {  	_ =	shalt  }
0x84: {  	_ =	shalt  }
0x85: {  	_ =	shalt  }
0x86: {  	_ =	shalt  }
0x87: {  	_ =	shalt  }
.Lfunc_end0:
.L_simem_size_0:
called_computation.2_lowered:
.L_overlay_start_0:
0x88: {  	s2 =	sld [smem:$0x3FD9]  }
0x89: {  	s3 =	sld [smem:$0x3FFE];
	_ =	sdelay $0x1  }
0x8a: {  	s1 =	srdreg.scid  }
0x8b: {  	s0 =	sand.u32 $0x1, s1  }
0x8c: {  	s16 =	sshll.u32 s0, $0xA;
	s2 =	sadd.s32 s3, s2  }
0x8d: {  	s2 =	sadd.s32 s2, s16  }
0x8e: {  	[smem:$0x3FBB] =	sst s2  }
0x8f: {  	_ = 	snop  }
0x90: {  	(tm) =	ssettm $0x1  }
0x91: {  	s17 =	sld [smem:$0x3FFB];
	_ =	sdelay $0x3  }
0x92: {  	_ =	strace s17  }
0x93: {  	s2 =	sld [smem:$0x3FFC];
	_ =	sdelay $0x3  }
0x94: {  	_ =	strace s2  }
0x95: {  	s2 =	sld [smem:$0x3FFD];
	_ =	sdelay $0x3  }
0x96: {  	_ =	strace s2  }
0x97: {  	_ =	strace $0x8FFFFFFF  }
0x98: {  	s18 =	sld [smem:$0x3FDB];
	_ =	sdelay $0x1  }
0x99: {  	s19 =	simm.s32 $_scs_section_size  }
0x9a: {  	s4 =	simm.s32 $_size__tile_overlayer_lowered;
	s5 =	simm.s32 $_tile_overlayer_lowered  }
0x9b: {  	s22 =	simm.s32 $0x1BFF;
	s21 =	sshll.u32 s5, $0x1;
	s2 =	sadd.s32 s19, s18  }
0x9c: {  	s6 =	simm.s32 $0x0;
	s20 =	sshll.u32 s4, $0x1;
	s4 =	sadd.s32 s21, s2  }
0x9d: {  	[timem:s6], [sflag:s22] =	dma.local [hbm:s4], s20  }
0x9e: {  	_ =	swait.ge [sflag:s22], s20  }
0x9f: {  	s3 =	ssub.s32 $0x0, s20;
	[sflag:s22] =	ssyncset.done $0x0  }
0xa0: {  	[sflag:s22] =	ssyncadd.s32 s3;
	_ =	sdelay $0x1  }
0xa1: {  	s23 =	simm.s32 $0x1B8B  }
0xa2: {  	_ =	swait.ge [sflag:s23], $0x1  }
0xa3: {  	[sflag:s23] =	ssyncset.done $0x0  }
0xa4: {  	s25 =	simm.s32 $0x1B8E;
	s24 =	sld [smem:$0x3FFE];
	[sflag:s23] =	ssyncadd.s32 $0xFFFFFFFF  }
0xa5: {  	s26 =	simm.s32 $execute0_lowered;
	[smem:$0x3FD2] =	sst s25  }
0xa6: {  	s4 =	sshll.u32 s26, $0x1;
	_ =	strace $0x8000004C;
	[dreg:$0x1] =	wrdreg $0xFFFFFFFF  }
0xa7: {  	s28 =	simm.s32 $_size_execute0_lowered;
	s2 =	sadd.s32 s2, s4;
	[dreg:$0x0] =	wrdreg $0x0  }
0xa8: {  	s4 =	sshll.u32 s28, $0x1;
	[dreg:$0x2] =	wrdreg s2  }
0xa9: {  	[dreg:$0x3] =	wrdreg s4  }
0xaa: {  	[dreg:$0x4] =	wrdreg $0xC0  }
0xab: {  	_ =	task [dreg:s6], $0x5FFFF  }
0xac: {  	[dreg:$0x1] =	wrdreg $0xFFFFFFFF  }
0xad: {  	[dreg:$0x0] =	wrdreg $0x60  }
0xae: {  	[dreg:$0x2] =	wrdreg s24  }
0xaf: {  	[dreg:$0x3] =	wrdreg $0xB8000  }
0xb0: {  	[dreg:$0x4] =	wrdreg $0x9  }
0xb1: {  	_ =	task.clear_ibuf [dreg:s6], $0x5FFFF;
	_ =	strace $0x9000004C  }
0xb2: {  	s29 =	simm.s32 $0x9;
	_ =	strace $0x8000004E  }
0xb3: {  	_ =	swait.ge [sflag:s29], $0x1  }
0xb4: {  	[sflag:s29] =	ssyncadd.s32 $0xFFFFFFFF  }
0xb5: {  	_ =	strace $0x9000004E  }
0xb6: {  	_ =	sfence  }
0xb7: {  	s30 =	sld [smem:$0x0];
	_ =	sdelay $0x2  }
0xb8: {  	s31 =	sshll.u32 s1, $0xD;
	s1 =	sshrl.u32 s1, $0x2  }
0xb9: {  	s3 =	sand.u32 $0x4000, s31;
	s1 =	sadd.s32 s1, s30  }
0xba: {  	s0 =	sor.u32 s3, s0;
	s1 =	sshll.u32 s1, $0x11  }
0xbb: {  	s0 =	sor.u32 s1, s0  }
0xbc: {  	s0 =	sadd.s32 $0x8F2B, s0  }
0xbd: {  	[sflag:s0] =	ssyncadd.remote.s32 $0x1  }
0xbe: {  	_ =	sfence.sel $0xFFFF  }
0xbf: {  	[dreg:$0x0] =	wrdreg $0xFFFFFFFF;
	(pc) =	sbr.abs _section_cstart, $3  }
0xc0: {  	[dreg:$0x1] =	wrdreg $0xFFFFFFFF  }
0xc1: {  	_ =	task.clear_ibuf [dreg:s6], $0x2FFFF;
	_ =	strace $0x9FFFFFFF  }
0xc2: {  	(tm) =	ssettm $0x7FFFFFFF  }
0xc3: {  	_ =	shalt  }
tec
execute0_lowered:
.L_overlay_start_1:
0x0: {  	(tag) =	ssettag $0x1  }
0x1: {  	s0 =	srdreg.scid;
	s5 =	rddreg [dreg:$0x0]  }
0x2: {  	s8 =	stileid.u32;
	s2 =	rddreg [dreg:$0x1]  }
0x3: {  	s3 =	simm.s32 $0x0;
	s15 =	simm.s32 $0x80;
	s16 =	simm.s32 $0x100  }
0x4: {  	s17 =	simm.s32 $0x180;
	[smem:$0x7FF] =	sst s3;
	s9 =	sadd.s32 $0x27200, s5  }
0x5: {  	s18 =	simm.s32 $0x200;
	_ =	strace $0x8000004D;
	[smem:$0x7F9] =	sst s9  }
0x6: {  	s19 =	simm.s32 $0x280;
	s20 =	simm.s32 $0xC80;
	[dreg:$0x5] =	wrdreg s15  }
0x7: {  	s22 =	simm.s32 $0x300;
	s24 =	simm.s32 $0xD00;
	[dreg:$0x6] =	wrdreg s16  }
0x8: {  	s25 =	simm.s32 $0x380;
	s11 =	simm.s32 $0xE00;
	[dreg:$0x7] =	wrdreg s17  }
0x9: {  	s12 =	simm.s32 $0x480;
	s28 =	simm.s32 $0x1300;
	[dreg:$0x8] =	wrdreg s18  }
0xa: {  	s29 =	simm.s32 $0x980;
	s4 =	smul.u32 $0x6000, s8;
	[dreg:$0x9] =	wrdreg s19  }
0xb: {  	s30 =	simm.s32 $0x1380;
	s6 =	smul.u32 $0xC00, s8;
	[dreg:$0xa] =	wrdreg s20  }
0xc: {  	s31 =	simm.s32 $0x1400;
	s14 =	smul.u32 $0x13C00, s8;
	[dreg:$0xb] =	wrdreg s22  }
0xd: {  	s0 =	sand.u32 $0x1, s0;
	s23 =	smul.u32 $0x4F000, s8;
	[dreg:$0xc] =	wrdreg s24  }
0xe: {  	s10 =	sshll.u32 s8, $0x6;
	s1 =	smul.u32 $0x60000, s0;
	[dreg:$0xd] =	wrdreg s25  }
0xf: {  	s7 =	smul.u32 $0x13C000, s0;
	s0 =	ssub.s32 $0x2, s0;
	[dreg:$0x10] =	wrdreg s11  }
0x10: {  	s9 =	simm.s32 $0x400;
	[dreg:$0x11] =	wrdreg s12;
	s15 =	simm.s32 $0xF00  }
0x11: {  	s16 =	simm.s32 $0x580;
	s11 =	simm.s32 $0xC00;
	[dreg:$0xf] =	wrdreg s9  }
0x12: {  	s17 =	simm.s32 $0xF80;
	s12 =	simm.s32 $0x40;
	[dreg:$0x14] =	wrdreg s15  }
0x13: {  	s18 =	simm.s32 $0x600;
	s19 =	simm.s32 $0x1000;
	[dreg:$0x15] =	wrdreg s16  }
0x14: {  	s20 =	simm.s32 $0x680;
	s22 =	simm.s32 $0x700;
	[dreg:$0x16] =	wrdreg s17  }
0x15: {  	s24 =	simm.s32 $0x780;
	s25 =	simm.s32 $0x1180;
	[dreg:$0x17] =	wrdreg s18  }
0x16: {  	s6 =	sadd.s32 s6, s5;
	s21 =	sshrl.u32 s0, $0x1;
	[dreg:$0x18] =	wrdreg s19  }
0x17: {  	s26 =	sshrl.u32 s23, $0x2;
	s15 =	simm.s32 $0x5800;
	[dreg:$0x19] =	wrdreg s20  }
0x18: {  	s16 =	simm.s32 $0x7800;
	s17 =	simm.s32 $0x9800;
	[dreg:$0x1b] =	wrdreg s22  }
0x19: {  	s23 =	simm.s32 $0x1100;
	s18 =	simm.s32 $0x1;
	[dreg:$0x1d] =	wrdreg s24  }
0x1a: {  	s19 =	simm.s32 $0x2;
	s20 =	simm.s32 $0x3;
	[dreg:$0x1e] =	wrdreg s25  }
0x1b: {  	s22 =	simm.s32 $0x5;
	s24 =	simm.s32 $0x880;
	s25 =	simm.s32 $0x1280  }
0x1c: {  	s9 =	simm.s32 $0x0;
	s1 =	sadd.s32 s1, s4;
	s4 =	sadd.s32 $0x1B1200, s5  }
0x1d: {  	s13 =	sadd.s32 $0x1B200, s6;
	s6 =	sadd.s32 s14, s7;
	s0 =	ssub.s32 s0, s21  }
0x1e: {  	s7 =	simm.s32 $0xD80;
	s14 =	simm.s32 $0x500;
	[dreg:$0x1c] =	wrdreg s23  }
0x1f: {  	s21 =	simm.s32 $0x1080;
	s23 =	simm.s32 $0x1200;
	[dreg:$0x4] =	wrdreg s13  }
0x20: {  	s1 =	sshrl.u32 s1, $0x3;
	s6 =	sshrl.u32 s6, $0x3;
	[dreg:$0xe] =	wrdreg s7  }
0x21: {  	s7 =	sor.u32 $0x1C06, s10;
	s13 =	simm.s32 $0xE80;
	[dreg:$0x13] =	wrdreg s14  }
0x22: {  	s0 =	smax.u32 s0, $0x1;
	s10 =	simm.s32 $0x6;
	[dreg:$0x1a] =	wrdreg s21  }
0x23: {  	s14 =	simm.s32 $0x3800;
	s21 =	simm.s32 $0x4;
	[smem:$0x7FB] =	sst s0  }
0x24: {  	s1 =	sadd.s32 s1, s5;
	s5 =	sadd.s32 s6, s5;
	[dreg:$0x12] =	wrdreg s13  }
0x25: {  	s6 =	sadd.s32 s26, s2;
	s26 =	simm.s32 $0x800;
	[smem:$0x7FC] =	sst s7  }
0x26: {  	s13 =	simm.s32 $0x1800;
	s1 =	sadd.s32 $0x3200, s1;
	[dreg:$0x1f] =	wrdreg s26  }
0x27: {  	s0 =	simm.s32 $0x1500;
	s5 =	sadd.s32 $0x77C00, s5;
	[dreg:$0x3] =	wrdreg s1  }
0x28: {  	s8 =	sshrl.u32 s6, $0x3;
	s26 =	simm.s32 $0x900;
	[smem:$0x7FA] =	sst s5  }
0x29: {  	s1 =	simm.s32 $0x1480;
	s5 =	simm.s32 $0x1580;
	[smem:$0x7FD] =	sst s8  }
.LBB2_1:
0x2a: {  	s6 =	sld [smem:$0x7F9];
	_ =	sdelay $0x1  }
0x2b: {  	[smem:$0x7F8] =	sst s9  }
0x2c: {  	[spmem:s8], [sflag:s7] =	dma.local [hbm:s6], $0x2780  }
0x2d: {  	_ =	swait.ge [sflag:s10], $0x2780  }
0x2e: {  	[sflag:s10] =	ssyncset.done $0x0  }
0x2f: {  	[sflag:s10] =	ssyncadd.s32 $0xFFFFD880  }
0x30: {  	[bflag:$0x0] =	sbarrier.arrive $0xFFFF  }
0x31: {  	s7 =	rddreg [dreg:$0x3]  }
0x32: {  	s6 =	sadd.s32 $0x0, s7  }
0x33: {  	[tilespmem:s3], [sflag:$0x6] =	stream.linear.gather [hbm4b:s6+s3], $0xA00, $0x38;
	[tilespmem:$0x1F400] =	vst v63  }
0x34: {  	_ =	swait.ge [sflag:s10], $0xA00  }
0x35: {  	s8 =	rddreg [dreg:$0x4];
	[sflag:s10] =	ssyncset.done $0x0  }
0x36: {  	[sflag:s10] =	ssyncadd.s32 $0xFFFFF600;
	s6 =	sadd.s32 $0x0, s8  }
0x37: {  	[tilespmem:s11], [sflag:$0x6] =	stream.linear.gather [hbm4b:s6+s3], $0xA00, $0x38;
	[tilespmem:$0x1F400] =	vst v63  }
0x38: {  	_ =	swait.ge [sflag:s10], $0xA00  }
0x39: {  	[sflag:s10] =	ssyncset.done $0x0  }
0x3a: {  	[sflag:s10] =	ssyncadd.s32 $0xFFFFF600  }
0x3b: {  	[tilespmem:s13], [sflag:$0x1] =	stream.indirect.gather [hbm4b:s4+s12], $0x80, s3, s12, $0xb8;
	[tilespmem:$0x1F400] =	vst v63  }
0x3c: {  	s9 =	rddreg [dreg:$0x5]  }
0x3d: {  	[tilespmem:s14], [sflag:$0x2] =	stream.indirect.gather [hbm4b:s4+s12], $0x80, s9, s12, $0xb8;
	[tilespmem:$0x1F400] =	vst v63  }
0x3e: {  	s7 =	rddreg [dreg:$0x6]  }
0x3f: {  	[tilespmem:s15], [sflag:$0x3] =	stream.indirect.gather [hbm4b:s4+s12], $0x80, s7, s12, $0xb8;
	[tilespmem:$0x1F400] =	vst v63  }
0x40: {  	s9 =	rddreg [dreg:$0x7]  }
0x41: {  	[tilespmem:s16], [sflag:$0x4] =	stream.indirect.gather [hbm4b:s4+s12], $0x80, s9, s12, $0xb8;
	[tilespmem:$0x1F400] =	vst v63  }
0x42: {  	s7 =	rddreg [dreg:$0x8]  }
0x43: {  	[tilespmem:s17], [sflag:$0x5] =	stream.indirect.gather [hbm4b:s4+s12], $0x80, s7, s12, $0xb8;
	[tilespmem:$0x1F400] =	vst v63  }
0x44: {  	_ =	swait.ge [sflag:s18], $0x2000  }
0x45: {  	[sflag:s18] =	ssyncset.done $0x0  }
0x46: {  	[sflag:s18] =	ssyncadd.s32 $0xFFFFE000  }
0x47: {  	[spmem:s2] =	stream.indirect.scatter.add.f32 [tilespmem:s13], [sflag:$0x6], $0x80, s11, s12, $0xb8;
	[tilespmem:$0x1F400] =	vst v63  }
0x48: {  	_ =	swait.ge [sflag:s10], $0x2000  }
0x49: {  	[sflag:s10] =	ssyncset.done $0x0  }
0x4a: {  	s8 =	rddreg [dreg:$0x9];
	[sflag:s10] =	ssyncadd.s32 $0xFFFFE000  }
0x4b: {  	[tilespmem:s13], [sflag:$0x1] =	stream.indirect.gather [hbm4b:s4+s12], $0x80, s8, s12, $0xb8;
	[tilespmem:$0x1F400] =	vst v63  }
0x4c: {  	_ =	swait.ge [sflag:s19], $0x2000  }
0x4d: {  	[sflag:s19] =	ssyncset.done $0x0  }
0x4e: {  	s9 =	rddreg [dreg:$0xa];
	[sflag:s19] =	ssyncadd.s32 $0xFFFFE000  }
0x4f: {  	[spmem:s2] =	stream.indirect.scatter.add.f32 [tilespmem:s14], [sflag:$0x6], $0x80, s9, s12, $0xb8;
	[tilespmem:$0x1F400] =	vst v63  }
0x50: {  	_ =	swait.ge [sflag:s10], $0x2000  }
0x51: {  	[sflag:s10] =	ssyncset.done $0x0  }
0x52: {  	s7 =	rddreg [dreg:$0xb];
	[sflag:s10] =	ssyncadd.s32 $0xFFFFE000  }
0x53: {  	[tilespmem:s14], [sflag:$0x2] =	stream.indirect.gather [hbm4b:s4+s12], $0x80, s7, s12, $0xb8;
	[tilespmem:$0x1F400] =	vst v63  }
0x54: {  	_ =	swait.ge [sflag:s20], $0x2000  }
0x55: {  	[sflag:s20] =	ssyncset.done $0x0  }
0x56: {  	s8 =	rddreg [dreg:$0xc];
	[sflag:s20] =	ssyncadd.s32 $0xFFFFE000  }
0x57: {  	[spmem:s2] =	stream.indirect.scatter.add.f32 [tilespmem:s15], [sflag:$0x6], $0x80, s8, s12, $0xb8;
	[tilespmem:$0x1F400] =	vst v63  }
0x58: {  	_ =	swait.ge [sflag:s10], $0x2000  }
0x59: {  	[sflag:s10] =	ssyncset.done $0x0  }
0x5a: {  	s9 =	rddreg [dreg:$0xd];
	[sflag:s10] =	ssyncadd.s32 $0xFFFFE000  }
0x5b: {  	[tilespmem:s15], [sflag:$0x3] =	stream.indirect.gather [hbm4b:s4+s12], $0x80, s9, s12, $0xb8;
	[tilespmem:$0x1F400] =	vst v63  }
0x5c: {  	_ =	swait.ge [sflag:s21], $0x2000  }
0x5d: {  	[sflag:s21] =	ssyncset.done $0x0  }
0x5e: {  	s7 =	rddreg [dreg:$0xe];
	[sflag:s21] =	ssyncadd.s32 $0xFFFFE000  }
0x5f: {  	[spmem:s2] =	stream.indirect.scatter.add.f32 [tilespmem:s16], [sflag:$0x6], $0x80, s7, s12, $0xb8;
	[tilespmem:$0x1F400] =	vst v63  }
0x60: {  	_ =	swait.ge [sflag:s10], $0x2000  }
0x61: {  	[sflag:s10] =	ssyncset.done $0x0  }
0x62: {  	s8 =	rddreg [dreg:$0xf];
	[sflag:s10] =	ssyncadd.s32 $0xFFFFE000  }
0x63: {  	[tilespmem:s16], [sflag:$0x4] =	stream.indirect.gather [hbm4b:s4+s12], $0x80, s8, s12, $0xb8;
	[tilespmem:$0x1F400] =	vst v63  }
0x64: {  	_ =	swait.ge [sflag:s22], $0x2000  }
0x65: {  	[sflag:s22] =	ssyncset.done $0x0  }
0x66: {  	s9 =	rddreg [dreg:$0x10];
	[sflag:s22] =	ssyncadd.s32 $0xFFFFE000  }
0x67: {  	[spmem:s2] =	stream.indirect.scatter.add.f32 [tilespmem:s17], [sflag:$0x6], $0x80, s9, s12, $0xb8;
	[tilespmem:$0x1F400] =	vst v63  }
0x68: {  	_ =	swait.ge [sflag:s10], $0x2000  }
0x69: {  	[sflag:s10] =	ssyncset.done $0x0  }
0x6a: {  	s7 =	rddreg [dreg:$0x11];
	[sflag:s10] =	ssyncadd.s32 $0xFFFFE000  }
0x6b: {  	[tilespmem:s17], [sflag:$0x5] =	stream.indirect.gather [hbm4b:s4+s12], $0x80, s7, s12, $0xb8;
	[tilespmem:$0x1F400] =	vst v63  }
0x6c: {  	_ =	swait.ge [sflag:s18], $0x2000  }
0x6d: {  	[sflag:s18] =	ssyncset.done $0x0  }
0x6e: {  	s8 =	rddreg [dreg:$0x12];
	[sflag:s18] =	ssyncadd.s32 $0xFFFFE000  }
0x6f: {  	[spmem:s2] =	stream.indirect.scatter.add.f32 [tilespmem:s13], [sflag:$0x6], $0x80, s8, s12, $0xb8;
	[tilespmem:$0x1F400] =	vst v63  }
0x70: {  	_ =	swait.ge [sflag:s10], $0x2000  }
0x71: {  	[sflag:s10] =	ssyncset.done $0x0  }
0x72: {  	s9 =	rddreg [dreg:$0x13];
	[sflag:s10] =	ssyncadd.s32 $0xFFFFE000  }
0x73: {  	[tilespmem:s13], [sflag:$0x1] =	stream.indirect.gather [hbm4b:s4+s12], $0x80, s9, s12, $0xb8;
	[tilespmem:$0x1F400] =	vst v63  }
0x74: {  	_ =	swait.ge [sflag:s19], $0x2000  }
0x75: {  	[sflag:s19] =	ssyncset.done $0x0  }
0x76: {  	s7 =	rddreg [dreg:$0x14];
	[sflag:s19] =	ssyncadd.s32 $0xFFFFE000  }
0x77: {  	[spmem:s2] =	stream.indirect.scatter.add.f32 [tilespmem:s14], [sflag:$0x6], $0x80, s7, s12, $0xb8;
	[tilespmem:$0x1F400] =	vst v63  }
0x78: {  	_ =	swait.ge [sflag:s10], $0x2000  }
0x79: {  	[sflag:s10] =	ssyncset.done $0x0  }
0x7a: {  	s8 =	rddreg [dreg:$0x15];
	[sflag:s10] =	ssyncadd.s32 $0xFFFFE000  }
0x7b: {  	[tilespmem:s14], [sflag:$0x2] =	stream.indirect.gather [hbm4b:s4+s12], $0x80, s8, s12, $0xb8;
	[tilespmem:$0x1F400] =	vst v63  }
0x7c: {  	_ =	swait.ge [sflag:s20], $0x2000  }
0x7d: {  	[sflag:s20] =	ssyncset.done $0x0  }
0x7e: {  	s9 =	rddreg [dreg:$0x16];
	[sflag:s20] =	ssyncadd.s32 $0xFFFFE000  }
0x7f: {  	[spmem:s2] =	stream.indirect.scatter.add.f32 [tilespmem:s15], [sflag:$0x6], $0x80, s9, s12, $0xb8;
	[tilespmem:$0x1F400] =	vst v63  }
0x80: {  	_ =	swait.ge [sflag:s10], $0x2000  }
0x81: {  	[sflag:s10] =	ssyncset.done $0x0  }
0x82: {  	s7 =	rddreg [dreg:$0x17];
	[sflag:s10] =	ssyncadd.s32 $0xFFFFE000  }
0x83: {  	[tilespmem:s15], [sflag:$0x3] =	stream.indirect.gather [hbm4b:s4+s12], $0x80, s7, s12, $0xb8;
	[tilespmem:$0x1F400] =	vst v63  }
0x84: {  	_ =	swait.ge [sflag:s21], $0x2000  }
0x85: {  	[sflag:s21] =	ssyncset.done $0x0  }
0x86: {  	s8 =	rddreg [dreg:$0x18];
	[sflag:s21] =	ssyncadd.s32 $0xFFFFE000  }
0x87: {  	[spmem:s2] =	stream.indirect.scatter.add.f32 [tilespmem:s16], [sflag:$0x6], $0x80, s8, s12, $0xb8;
	[tilespmem:$0x1F400] =	vst v63  }
0x88: {  	_ =	swait.ge [sflag:s10], $0x2000  }
0x89: {  	[sflag:s10] =	ssyncset.done $0x0  }
0x8a: {  	s9 =	rddreg [dreg:$0x19];
	[sflag:s10] =	ssyncadd.s32 $0xFFFFE000  }
0x8b: {  	[tilespmem:s16], [sflag:$0x4] =	stream.indirect.gather [hbm4b:s4+s12], $0x80, s9, s12, $0xb8;
	[tilespmem:$0x1F400] =	vst v63  }
0x8c: {  	_ =	swait.ge [sflag:s22], $0x2000  }
0x8d: {  	[sflag:s22] =	ssyncset.done $0x0  }
0x8e: {  	s7 =	rddreg [dreg:$0x1a];
	[sflag:s22] =	ssyncadd.s32 $0xFFFFE000  }
0x8f: {  	[spmem:s2] =	stream.indirect.scatter.add.f32 [tilespmem:s17], [sflag:$0x6], $0x80, s7, s12, $0xb8;
	[tilespmem:$0x1F400] =	vst v63  }
0x90: {  	_ =	swait.ge [sflag:s10], $0x2000  }
0x91: {  	[sflag:s10] =	ssyncset.done $0x0  }
0x92: {  	s8 =	rddreg [dreg:$0x1b];
	[sflag:s10] =	ssyncadd.s32 $0xFFFFE000  }
0x93: {  	[tilespmem:s17], [sflag:$0x5] =	stream.indirect.gather [hbm4b:s4+s12], $0x80, s8, s12, $0xb8;
	[tilespmem:$0x1F400] =	vst v63  }
0x94: {  	_ =	swait.ge [sflag:s18], $0x2000  }
0x95: {  	[sflag:s18] =	ssyncset.done $0x0  }
0x96: {  	s9 =	rddreg [dreg:$0x1c];
	[sflag:s18] =	ssyncadd.s32 $0xFFFFE000  }
0x97: {  	[spmem:s2] =	stream.indirect.scatter.add.f32 [tilespmem:s13], [sflag:$0x6], $0x80, s9, s12, $0xb8;
	[tilespmem:$0x1F400] =	vst v63  }
0x98: {  	_ =	swait.ge [sflag:s10], $0x2000  }
0x99: {  	[sflag:s10] =	ssyncset.done $0x0  }
0x9a: {  	s7 =	rddreg [dreg:$0x1d];
	[sflag:s10] =	ssyncadd.s32 $0xFFFFE000  }
0x9b: {  	[tilespmem:s13], [sflag:$0x1] =	stream.indirect.gather [hbm4b:s4+s12], $0x80, s7, s12, $0xb8;
	[tilespmem:$0x1F400] =	vst v63  }
0x9c: {  	_ =	swait.ge [sflag:s19], $0x2000  }
0x9d: {  	[sflag:s19] =	ssyncset.done $0x0  }
0x9e: {  	s8 =	rddreg [dreg:$0x1e];
	[sflag:s19] =	ssyncadd.s32 $0xFFFFE000  }
0x9f: {  	[spmem:s2] =	stream.indirect.scatter.add.f32 [tilespmem:s14], [sflag:$0x6], $0x80, s8, s12, $0xb8;
	[tilespmem:$0x1F400] =	vst v63  }
0xa0: {  	_ =	swait.ge [sflag:s10], $0x2000  }
0xa1: {  	[sflag:s10] =	ssyncset.done $0x0  }
0xa2: {  	s9 =	rddreg [dreg:$0x1f];
	[sflag:s10] =	ssyncadd.s32 $0xFFFFE000  }
0xa3: {  	[tilespmem:s14], [sflag:$0x2] =	stream.indirect.gather [hbm4b:s4+s12], $0x80, s9, s12, $0xb8;
	[tilespmem:$0x1F400] =	vst v63  }
0xa4: {  	_ =	swait.ge [sflag:s20], $0x2000  }
0xa5: {  	[sflag:s20] =	ssyncset.done $0x0  }
0xa6: {  	[sflag:s20] =	ssyncadd.s32 $0xFFFFE000  }
0xa7: {  	[spmem:s2] =	stream.indirect.scatter.add.f32 [tilespmem:s15], [sflag:$0x6], $0x80, s23, s12, $0xb8;
	[tilespmem:$0x1F400] =	vst v63  }
0xa8: {  	_ =	swait.ge [sflag:s10], $0x2000  }
0xa9: {  	[sflag:s10] =	ssyncset.done $0x0  }
0xaa: {  	[sflag:s10] =	ssyncadd.s32 $0xFFFFE000  }
0xab: {  	[tilespmem:s15], [sflag:$0x3] =	stream.indirect.gather [hbm4b:s4+s12], $0x80, s24, s12, $0xb8;
	[tilespmem:$0x1F400] =	vst v63  }
0xac: {  	_ =	swait.ge [sflag:s21], $0x2000  }
0xad: {  	[sflag:s21] =	ssyncset.done $0x0  }
0xae: {  	[sflag:s21] =	ssyncadd.s32 $0xFFFFE000  }
0xaf: {  	[spmem:s2] =	stream.indirect.scatter.add.f32 [tilespmem:s16], [sflag:$0x6], $0x80, s25, s12, $0xb8;
	[tilespmem:$0x1F400] =	vst v63  }
0xb0: {  	_ =	swait.ge [sflag:s10], $0x2000  }
0xb1: {  	[sflag:s10] =	ssyncset.done $0x0  }
0xb2: {  	[sflag:s10] =	ssyncadd.s32 $0xFFFFE000  }
0xb3: {  	[tilespmem:s16], [sflag:$0x4] =	stream.indirect.gather [hbm4b:s4+s12], $0x80, s26, s12, $0xb8;
	[tilespmem:$0x1F400] =	vst v63  }
0xb4: {  	_ =	swait.ge [sflag:s22], $0x2000  }
0xb5: {  	[sflag:s22] =	ssyncset.done $0x0  }
0xb6: {  	[sflag:s22] =	ssyncadd.s32 $0xFFFFE000  }
0xb7: {  	[spmem:s2] =	stream.indirect.scatter.add.f32 [tilespmem:s17], [sflag:$0x6], $0x80, s28, s12, $0xb8;
	[tilespmem:$0x1F400] =	vst v63  }
0xb8: {  	_ =	swait.ge [sflag:s10], $0x2000  }
0xb9: {  	[sflag:s10] =	ssyncset.done $0x0  }
0xba: {  	[sflag:s10] =	ssyncadd.s32 $0xFFFFE000  }
0xbb: {  	[tilespmem:s17], [sflag:$0x5] =	stream.indirect.gather [hbm4b:s4+s12], $0x80, s29, s12, $0xb8;
	[tilespmem:$0x1F400] =	vst v63  }
0xbc: {  	_ =	swait.ge [sflag:s18], $0x2000  }
0xbd: {  	[sflag:s18] =	ssyncset.done $0x0  }
0xbe: {  	[sflag:s18] =	ssyncadd.s32 $0xFFFFE000  }
0xbf: {  	[spmem:s2] =	stream.indirect.scatter.add.f32 [tilespmem:s13], [sflag:$0x6], $0x80, s30, s12, $0xb8;
	[tilespmem:$0x1F400] =	vst v63  }
0xc0: {  	_ =	swait.ge [sflag:s10], $0x2000  }
0xc1: {  	[sflag:s10] =	ssyncset.done $0x0  }
0xc2: {  	[sflag:s10] =	ssyncadd.s32 $0xFFFFE000  }
0xc3: {  	_ =	swait.ge [sflag:s19], $0x2000  }
0xc4: {  	[sflag:s19] =	ssyncset.done $0x0  }
0xc5: {  	[sflag:s19] =	ssyncadd.s32 $0xFFFFE000  }
0xc6: {  	[spmem:s2] =	stream.indirect.scatter.add.f32 [tilespmem:s14], [sflag:$0x6], $0x80, s31, s12, $0xb8;
	[tilespmem:$0x1F400] =	vst v63  }
0xc7: {  	_ =	swait.ge [sflag:s10], $0x2000  }
0xc8: {  	[sflag:s10] =	ssyncset.done $0x0  }
0xc9: {  	[sflag:s10] =	ssyncadd.s32 $0xFFFFE000  }
0xca: {  	_ =	swait.ge [sflag:s20], $0x2000  }
0xcb: {  	[sflag:s20] =	ssyncset.done $0x0  }
0xcc: {  	[sflag:s20] =	ssyncadd.s32 $0xFFFFE000  }
0xcd: {  	[spmem:s2] =	stream.indirect.scatter.add.f32 [tilespmem:s15], [sflag:$0x6], $0x80, s1, s12, $0xb8;
	[tilespmem:$0x1F400] =	vst v63  }
0xce: {  	_ =	swait.ge [sflag:s10], $0x2000  }
0xcf: {  	[sflag:s10] =	ssyncset.done $0x0  }
0xd0: {  	[sflag:s10] =	ssyncadd.s32 $0xFFFFE000  }
0xd1: {  	_ =	swait.ge [sflag:s21], $0x2000  }
0xd2: {  	[sflag:s21] =	ssyncset.done $0x0  }
0xd3: {  	[sflag:s21] =	ssyncadd.s32 $0xFFFFE000  }
0xd4: {  	[spmem:s2] =	stream.indirect.scatter.add.f32 [tilespmem:s16], [sflag:$0x6], $0x80, s0, s12, $0xb8;
	[tilespmem:$0x1F400] =	vst v63  }
0xd5: {  	_ =	swait.ge [sflag:s10], $0x2000  }
0xd6: {  	[sflag:s10] =	ssyncset.done $0x0  }
0xd7: {  	[sflag:s10] =	ssyncadd.s32 $0xFFFFE000  }
0xd8: {  	_ =	swait.ge [sflag:s22], $0x2000  }
0xd9: {  	[sflag:s22] =	ssyncset.done $0x0  }
0xda: {  	[sflag:s22] =	ssyncadd.s32 $0xFFFFE000  }
0xdb: {  	[spmem:s2] =	stream.indirect.scatter.add.f32 [tilespmem:s17], [sflag:$0x6], $0x80, s5, s12, $0xb8;
	[tilespmem:$0x1F400] =	vst v63  }
0xdc: {  	s6 =	simm.s32 $0x300;
	_ =	swait.ge [sflag:s10], $0x2000  }
0xdd: {  	s8 =	simm.s32 $0x180;
	s9 =	rddreg [dreg:$0x3];
	[sflag:s10] =	ssyncset.done $0x0  }
.LBB2_2:
0xde: {  	[sflag:s10] =	ssyncadd.s32 $0xFFFFE000;
	s9 =	sadd.s32 s8, s9  }
0xdf: {  	[tilespmem:s3], [sflag:$0x6] =	stream.linear.gather [hbm4b:s9+s3], $0xA00, $0x38;
	[tilespmem:$0x1F400] =	vst v63  }
0xe0: {  	_ =	swait.ge [sflag:s10], $0xA00  }
0xe1: {  	s9 =	rddreg [dreg:$0x4];
	[sflag:s10] =	ssyncset.done $0x0  }
0xe2: {  	[sflag:s10] =	ssyncadd.s32 $0xFFFFF600;
	s9 =	sadd.s32 s8, s9  }
0xe3: {  	[tilespmem:s11], [sflag:$0x6] =	stream.linear.gather [hbm4b:s9+s3], $0xA00, $0x38;
	[tilespmem:$0x1F400] =	vst v63  }
0xe4: {  	_ =	swait.ge [sflag:s10], $0xA00  }
0xe5: {  	[sflag:s10] =	ssyncset.done $0x0  }
0xe6: {  	s7 =	smov.u32 s6;
	[sflag:s10] =	ssyncadd.s32 $0xFFFFF600  }
0xe7: {  	[tilespmem:s13], [sflag:$0x1] =	stream.indirect.gather [hbm4b:s4+s12], $0x80, s3, s12, $0xb8;
	[tilespmem:$0x1F400] =	vst v63  }
0xe8: {  	s8 =	smov.u32 s7;
	s7 =	rddreg [dreg:$0x5]  }
0xe9: {  	[tilespmem:s14], [sflag:$0x2] =	stream.indirect.gather [hbm4b:s4+s12], $0x80, s7, s12, $0xb8;
	[tilespmem:$0x1F400] =	vst v63  }
0xea: {  	s9 =	rddreg [dreg:$0x6]  }
0xeb: {  	[tilespmem:s15], [sflag:$0x3] =	stream.indirect.gather [hbm4b:s4+s12], $0x80, s9, s12, $0xb8;
	[tilespmem:$0x1F400] =	vst v63  }
0xec: {  	s7 =	rddreg [dreg:$0x7]  }
0xed: {  	[tilespmem:s16], [sflag:$0x4] =	stream.indirect.gather [hbm4b:s4+s12], $0x80, s7, s12, $0xb8;
	[tilespmem:$0x1F400] =	vst v63  }
0xee: {  	s9 =	rddreg [dreg:$0x8]  }
0xef: {  	[tilespmem:s17], [sflag:$0x5] =	stream.indirect.gather [hbm4b:s4+s12], $0x80, s9, s12, $0xb8;
	[tilespmem:$0x1F400] =	vst v63  }
0xf0: {  	_ =	swait.ge [sflag:s18], $0x2000  }
0xf1: {  	[sflag:s18] =	ssyncset.done $0x0  }
0xf2: {  	[sflag:s18] =	ssyncadd.s32 $0xFFFFE000  }
0xf3: {  	[spmem:s2] =	stream.indirect.scatter.add.f32 [tilespmem:s13], [sflag:$0x6], $0x80, s11, s12, $0xb8;
	[tilespmem:$0x1F400] =	vst v63  }
0xf4: {  	_ =	swait.ge [sflag:s10], $0x2000  }
0xf5: {  	[sflag:s10] =	ssyncset.done $0x0  }
0xf6: {  	s9 =	rddreg [dreg:$0x9];
	[sflag:s10] =	ssyncadd.s32 $0xFFFFE000  }
0xf7: {  	[tilespmem:s13], [sflag:$0x1] =	stream.indirect.gather [hbm4b:s4+s12], $0x80, s9, s12, $0xb8;
	[tilespmem:$0x1F400] =	vst v63  }
0xf8: {  	_ =	swait.ge [sflag:s19], $0x2000  }
0xf9: {  	[sflag:s19] =	ssyncset.done $0x0  }
0xfa: {  	s9 =	rddreg [dreg:$0xa];
	[sflag:s19] =	ssyncadd.s32 $0xFFFFE000  }
0xfb: {  	[spmem:s2] =	stream.indirect.scatter.add.f32 [tilespmem:s14], [sflag:$0x6], $0x80, s9, s12, $0xb8;
	[tilespmem:$0x1F400] =	vst v63  }
0xfc: {  	_ =	swait.ge [sflag:s10], $0x2000  }
0xfd: {  	[sflag:s10] =	ssyncset.done $0x0  }
0xfe: {  	s9 =	rddreg [dreg:$0xb];
	[sflag:s10] =	ssyncadd.s32 $0xFFFFE000  }
0xff: {  	[tilespmem:s14], [sflag:$0x2] =	stream.indirect.gather [hbm4b:s4+s12], $0x80, s9, s12, $0xb8;
	[tilespmem:$0x1F400] =	vst v63  }
0x100: {  	_ =	swait.ge [sflag:s20], $0x2000  }
0x101: {  	[sflag:s20] =	ssyncset.done $0x0  }
0x102: {  	s9 =	rddreg [dreg:$0xc];
	[sflag:s20] =	ssyncadd.s32 $0xFFFFE000  }
0x103: {  	[spmem:s2] =	stream.indirect.scatter.add.f32 [tilespmem:s15], [sflag:$0x6], $0x80, s9, s12, $0xb8;
	[tilespmem:$0x1F400] =	vst v63  }
0x104: {  	_ =	swait.ge [sflag:s10], $0x2000  }
0x105: {  	[sflag:s10] =	ssyncset.done $0x0  }
0x106: {  	s9 =	rddreg [dreg:$0xd];
	[sflag:s10] =	ssyncadd.s32 $0xFFFFE000  }
0x107: {  	[tilespmem:s15], [sflag:$0x3] =	stream.indirect.gather [hbm4b:s4+s12], $0x80, s9, s12, $0xb8;
	[tilespmem:$0x1F400] =	vst v63  }
0x108: {  	_ =	swait.ge [sflag:s21], $0x2000  }
0x109: {  	[sflag:s21] =	ssyncset.done $0x0  }
0x10a: {  	s9 =	rddreg [dreg:$0xe];
	[sflag:s21] =	ssyncadd.s32 $0xFFFFE000  }
0x10b: {  	[spmem:s2] =	stream.indirect.scatter.add.f32 [tilespmem:s16], [sflag:$0x6], $0x80, s9, s12, $0xb8;
	[tilespmem:$0x1F400] =	vst v63  }
0x10c: {  	_ =	swait.ge [sflag:s10], $0x2000  }
0x10d: {  	[sflag:s10] =	ssyncset.done $0x0  }
0x10e: {  	s9 =	rddreg [dreg:$0xf];
	[sflag:s10] =	ssyncadd.s32 $0xFFFFE000  }
0x10f: {  	[tilespmem:s16], [sflag:$0x4] =	stream.indirect.gather [hbm4b:s4+s12], $0x80, s9, s12, $0xb8;
	[tilespmem:$0x1F400] =	vst v63  }
0x110: {  	_ =	swait.ge [sflag:s22], $0x2000  }
0x111: {  	[sflag:s22] =	ssyncset.done $0x0  }
0x112: {  	s9 =	rddreg [dreg:$0x10];
	[sflag:s22] =	ssyncadd.s32 $0xFFFFE000  }
0x113: {  	[spmem:s2] =	stream.indirect.scatter.add.f32 [tilespmem:s17], [sflag:$0x6], $0x80, s9, s12, $0xb8;
	[tilespmem:$0x1F400] =	vst v63  }
0x114: {  	_ =	swait.ge [sflag:s10], $0x2000  }
0x115: {  	[sflag:s10] =	ssyncset.done $0x0  }
0x116: {  	s9 =	rddreg [dreg:$0x11];
	[sflag:s10] =	ssyncadd.s32 $0xFFFFE000  }
0x117: {  	[tilespmem:s17], [sflag:$0x5] =	stream.indirect.gather [hbm4b:s4+s12], $0x80, s9, s12, $0xb8;
	[tilespmem:$0x1F400] =	vst v63  }
0x118: {  	_ =	swait.ge [sflag:s18], $0x2000  }
0x119: {  	[sflag:s18] =	ssyncset.done $0x0  }
0x11a: {  	s9 =	rddreg [dreg:$0x12];
	[sflag:s18] =	ssyncadd.s32 $0xFFFFE000  }
0x11b: {  	[spmem:s2] =	stream.indirect.scatter.add.f32 [tilespmem:s13], [sflag:$0x6], $0x80, s9, s12, $0xb8;
	[tilespmem:$0x1F400] =	vst v63  }
0x11c: {  	_ =	swait.ge [sflag:s10], $0x2000  }
0x11d: {  	[sflag:s10] =	ssyncset.done $0x0  }
0x11e: {  	s9 =	rddreg [dreg:$0x13];
	[sflag:s10] =	ssyncadd.s32 $0xFFFFE000  }
0x11f: {  	[tilespmem:s13], [sflag:$0x1] =	stream.indirect.gather [hbm4b:s4+s12], $0x80, s9, s12, $0xb8;
	[tilespmem:$0x1F400] =	vst v63  }
0x120: {  	_ =	swait.ge [sflag:s19], $0x2000  }
0x121: {  	[sflag:s19] =	ssyncset.done $0x0  }
0x122: {  	s9 =	rddreg [dreg:$0x14];
	[sflag:s19] =	ssyncadd.s32 $0xFFFFE000  }
0x123: {  	[spmem:s2] =	stream.indirect.scatter.add.f32 [tilespmem:s14], [sflag:$0x6], $0x80, s9, s12, $0xb8;
	[tilespmem:$0x1F400] =	vst v63  }
0x124: {  	_ =	swait.ge [sflag:s10], $0x2000  }
0x125: {  	[sflag:s10] =	ssyncset.done $0x0  }
0x126: {  	s9 =	rddreg [dreg:$0x15];
	[sflag:s10] =	ssyncadd.s32 $0xFFFFE000  }
0x127: {  	[tilespmem:s14], [sflag:$0x2] =	stream.indirect.gather [hbm4b:s4+s12], $0x80, s9, s12, $0xb8;
	[tilespmem:$0x1F400] =	vst v63  }
0x128: {  	_ =	swait.ge [sflag:s20], $0x2000  }
0x129: {  	[sflag:s20] =	ssyncset.done $0x0  }
0x12a: {  	s9 =	rddreg [dreg:$0x16];
	[sflag:s20] =	ssyncadd.s32 $0xFFFFE000  }
0x12b: {  	[spmem:s2] =	stream.indirect.scatter.add.f32 [tilespmem:s15], [sflag:$0x6], $0x80, s9, s12, $0xb8;
	[tilespmem:$0x1F400] =	vst v63  }
0x12c: {  	_ =	swait.ge [sflag:s10], $0x2000  }
0x12d: {  	[sflag:s10] =	ssyncset.done $0x0  }
0x12e: {  	s9 =	rddreg [dreg:$0x17];
	[sflag:s10] =	ssyncadd.s32 $0xFFFFE000  }
0x12f: {  	[tilespmem:s15], [sflag:$0x3] =	stream.indirect.gather [hbm4b:s4+s12], $0x80, s9, s12, $0xb8;
	[tilespmem:$0x1F400] =	vst v63  }
0x130: {  	_ =	swait.ge [sflag:s21], $0x2000  }
0x131: {  	[sflag:s21] =	ssyncset.done $0x0  }
0x132: {  	s9 =	rddreg [dreg:$0x18];
	[sflag:s21] =	ssyncadd.s32 $0xFFFFE000  }
0x133: {  	[spmem:s2] =	stream.indirect.scatter.add.f32 [tilespmem:s16], [sflag:$0x6], $0x80, s9, s12, $0xb8;
	[tilespmem:$0x1F400] =	vst v63  }
0x134: {  	_ =	swait.ge [sflag:s10], $0x2000  }
0x135: {  	[sflag:s10] =	ssyncset.done $0x0  }
0x136: {  	s9 =	rddreg [dreg:$0x19];
	[sflag:s10] =	ssyncadd.s32 $0xFFFFE000  }
0x137: {  	[tilespmem:s16], [sflag:$0x4] =	stream.indirect.gather [hbm4b:s4+s12], $0x80, s9, s12, $0xb8;
	[tilespmem:$0x1F400] =	vst v63  }
0x138: {  	_ =	swait.ge [sflag:s22], $0x2000  }
0x139: {  	[sflag:s22] =	ssyncset.done $0x0  }
0x13a: {  	s9 =	rddreg [dreg:$0x1a];
	[sflag:s22] =	ssyncadd.s32 $0xFFFFE000  }
0x13b: {  	[spmem:s2] =	stream.indirect.scatter.add.f32 [tilespmem:s17], [sflag:$0x6], $0x80, s9, s12, $0xb8;
	[tilespmem:$0x1F400] =	vst v63  }
0x13c: {  	_ =	swait.ge [sflag:s10], $0x2000  }
0x13d: {  	[sflag:s10] =	ssyncset.done $0x0  }
0x13e: {  	s9 =	rddreg [dreg:$0x1b];
	[sflag:s10] =	ssyncadd.s32 $0xFFFFE000  }
0x13f: {  	[tilespmem:s17], [sflag:$0x5] =	stream.indirect.gather [hbm4b:s4+s12], $0x80, s9, s12, $0xb8;
	[tilespmem:$0x1F400] =	vst v63  }
0x140: {  	_ =	swait.ge [sflag:s18], $0x2000  }
0x141: {  	[sflag:s18] =	ssyncset.done $0x0  }
0x142: {  	s9 =	rddreg [dreg:$0x1c];
	[sflag:s18] =	ssyncadd.s32 $0xFFFFE000  }
0x143: {  	[spmem:s2] =	stream.indirect.scatter.add.f32 [tilespmem:s13], [sflag:$0x6], $0x80, s9, s12, $0xb8;
	[tilespmem:$0x1F400] =	vst v63  }
0x144: {  	_ =	swait.ge [sflag:s10], $0x2000  }
0x145: {  	[sflag:s10] =	ssyncset.done $0x0  }
0x146: {  	s9 =	rddreg [dreg:$0x1d];
	[sflag:s10] =	ssyncadd.s32 $0xFFFFE000  }
0x147: {  	[tilespmem:s13], [sflag:$0x1] =	stream.indirect.gather [hbm4b:s4+s12], $0x80, s9, s12, $0xb8;
	[tilespmem:$0x1F400] =	vst v63  }
0x148: {  	_ =	swait.ge [sflag:s19], $0x2000  }
0x149: {  	[sflag:s19] =	ssyncset.done $0x0  }
0x14a: {  	s9 =	rddreg [dreg:$0x1e];
	[sflag:s19] =	ssyncadd.s32 $0xFFFFE000  }
0x14b: {  	[spmem:s2] =	stream.indirect.scatter.add.f32 [tilespmem:s14], [sflag:$0x6], $0x80, s9, s12, $0xb8;
	[tilespmem:$0x1F400] =	vst v63  }
0x14c: {  	_ =	swait.ge [sflag:s10], $0x2000  }
0x14d: {  	[sflag:s10] =	ssyncset.done $0x0  }
0x14e: {  	s9 =	rddreg [dreg:$0x1f];
	[sflag:s10] =	ssyncadd.s32 $0xFFFFE000  }
0x14f: {  	[tilespmem:s14], [sflag:$0x2] =	stream.indirect.gather [hbm4b:s4+s12], $0x80, s9, s12, $0xb8;
	[tilespmem:$0x1F400] =	vst v63  }
0x150: {  	_ =	swait.ge [sflag:s20], $0x2000  }
0x151: {  	[sflag:s20] =	ssyncset.done $0x0  }
0x152: {  	[sflag:s20] =	ssyncadd.s32 $0xFFFFE000  }
0x153: {  	[spmem:s2] =	stream.indirect.scatter.add.f32 [tilespmem:s15], [sflag:$0x6], $0x80, s23, s12, $0xb8;
	[tilespmem:$0x1F400] =	vst v63  }
0x154: {  	_ =	swait.ge [sflag:s10], $0x2000  }
0x155: {  	[sflag:s10] =	ssyncset.done $0x0  }
0x156: {  	[sflag:s10] =	ssyncadd.s32 $0xFFFFE000  }
0x157: {  	[tilespmem:s15], [sflag:$0x3] =	stream.indirect.gather [hbm4b:s4+s12], $0x80, s24, s12, $0xb8;
	[tilespmem:$0x1F400] =	vst v63  }
0x158: {  	_ =	swait.ge [sflag:s21], $0x2000  }
0x159: {  	[sflag:s21] =	ssyncset.done $0x0  }
0x15a: {  	[sflag:s21] =	ssyncadd.s32 $0xFFFFE000  }
0x15b: {  	[spmem:s2] =	stream.indirect.scatter.add.f32 [tilespmem:s16], [sflag:$0x6], $0x80, s25, s12, $0xb8;
	[tilespmem:$0x1F400] =	vst v63  }
0x15c: {  	_ =	swait.ge [sflag:s10], $0x2000  }
0x15d: {  	[sflag:s10] =	ssyncset.done $0x0  }
0x15e: {  	[sflag:s10] =	ssyncadd.s32 $0xFFFFE000  }
0x15f: {  	[tilespmem:s16], [sflag:$0x4] =	stream.indirect.gather [hbm4b:s4+s12], $0x80, s26, s12, $0xb8;
	[tilespmem:$0x1F400] =	vst v63  }
0x160: {  	_ =	swait.ge [sflag:s22], $0x2000  }
0x161: {  	[sflag:s22] =	ssyncset.done $0x0  }
0x162: {  	[sflag:s22] =	ssyncadd.s32 $0xFFFFE000  }
0x163: {  	[spmem:s2] =	stream.indirect.scatter.add.f32 [tilespmem:s17], [sflag:$0x6], $0x80, s28, s12, $0xb8;
	[tilespmem:$0x1F400] =	vst v63  }
0x164: {  	_ =	swait.ge [sflag:s10], $0x2000  }
0x165: {  	[sflag:s10] =	ssyncset.done $0x0  }
0x166: {  	[sflag:s10] =	ssyncadd.s32 $0xFFFFE000  }
0x167: {  	[tilespmem:s17], [sflag:$0x5] =	stream.indirect.gather [hbm4b:s4+s12], $0x80, s29, s12, $0xb8;
	[tilespmem:$0x1F400] =	vst v63  }
0x168: {  	_ =	swait.ge [sflag:s18], $0x2000  }
0x169: {  	[sflag:s18] =	ssyncset.done $0x0  }
0x16a: {  	[sflag:s18] =	ssyncadd.s32 $0xFFFFE000  }
0x16b: {  	[spmem:s2] =	stream.indirect.scatter.add.f32 [tilespmem:s13], [sflag:$0x6], $0x80, s30, s12, $0xb8;
	[tilespmem:$0x1F400] =	vst v63  }
0x16c: {  	_ =	swait.ge [sflag:s10], $0x2000  }
0x16d: {  	[sflag:s10] =	ssyncset.done $0x0  }
0x16e: {  	[sflag:s10] =	ssyncadd.s32 $0xFFFFE000  }
0x16f: {  	_ =	swait.ge [sflag:s19], $0x2000  }
0x170: {  	[sflag:s19] =	ssyncset.done $0x0  }
0x171: {  	[sflag:s19] =	ssyncadd.s32 $0xFFFFE000  }
0x172: {  	[spmem:s2] =	stream.indirect.scatter.add.f32 [tilespmem:s14], [sflag:$0x6], $0x80, s31, s12, $0xb8;
	[tilespmem:$0x1F400] =	vst v63  }
0x173: {  	_ =	swait.ge [sflag:s10], $0x2000  }
0x174: {  	[sflag:s10] =	ssyncset.done $0x0  }
0x175: {  	[sflag:s10] =	ssyncadd.s32 $0xFFFFE000  }
0x176: {  	_ =	swait.ge [sflag:s20], $0x2000  }
0x177: {  	[sflag:s20] =	ssyncset.done $0x0  }
0x178: {  	[sflag:s20] =	ssyncadd.s32 $0xFFFFE000  }
0x179: {  	[spmem:s2] =	stream.indirect.scatter.add.f32 [tilespmem:s15], [sflag:$0x6], $0x80, s1, s12, $0xb8;
	[tilespmem:$0x1F400] =	vst v63  }
0x17a: {  	_ =	swait.ge [sflag:s10], $0x2000  }
0x17b: {  	[sflag:s10] =	ssyncset.done $0x0  }
0x17c: {  	[sflag:s10] =	ssyncadd.s32 $0xFFFFE000  }
0x17d: {  	_ =	swait.ge [sflag:s21], $0x2000  }
0x17e: {  	[sflag:s21] =	ssyncset.done $0x0  }
0x17f: {  	[sflag:s21] =	ssyncadd.s32 $0xFFFFE000  }
0x180: {  	[spmem:s2] =	stream.indirect.scatter.add.f32 [tilespmem:s16], [sflag:$0x6], $0x80, s0, s12, $0xb8;
	[tilespmem:$0x1F400] =	vst v63  }
0x181: {  	_ =	swait.ge [sflag:s10], $0x2000  }
0x182: {  	[sflag:s10] =	ssyncset.done $0x0  }
0x183: {  	[sflag:s10] =	ssyncadd.s32 $0xFFFFE000  }
0x184: {  	p0 =	sne.s32 s6, $0xA80;
	_ =	swait.ge [sflag:s22], $0x2000  }
.Ltmp0:
0x185: {  	[sflag:s22] =	ssyncset.done $0x0;
	(pc) =	sbr.rel @p0 .LBB2_2-.Ltmp0, $4  }
0x186: {  	[sflag:s22] =	ssyncadd.s32 $0xFFFFE000  }
0x187: {  	[spmem:s2] =	stream.indirect.scatter.add.f32 [tilespmem:s17], [sflag:$0x6], $0x80, s5, s12, $0xb8;
	[tilespmem:$0x1F400] =	vst v63  }
0x188: {  	_ =	swait.ge [sflag:s10], $0x2000  }
0x189: {  	s6 =	sadd.s32 $0x180, s6;
	s9 =	rddreg [dreg:$0x3];
	[sflag:s10] =	ssyncset.done $0x0  }
0x18a: {  	[sflag:s10] =	ssyncadd.s32 $0xFFFFE000;
	s6 =	sadd.s32 s8, s9  }
0x18b: {  	[tilespmem:s3], [sflag:$0x6] =	stream.linear.gather [hbm4b:s6+s3], $0xA00, $0x38;
	[tilespmem:$0x1F400] =	vst v63  }
0x18c: {  	_ =	swait.ge [sflag:s10], $0xA00  }
0x18d: {  	s7 =	rddreg [dreg:$0x4];
	[sflag:s10] =	ssyncset.done $0x0  }
0x18e: {  	[sflag:s10] =	ssyncadd.s32 $0xFFFFF600;
	s6 =	sadd.s32 s8, s7  }
0x18f: {  	[tilespmem:s11], [sflag:$0x6] =	stream.linear.gather [hbm4b:s6+s3], $0xA00, $0x38;
	[tilespmem:$0x1F400] =	vst v63  }
0x190: {  	_ =	swait.ge [sflag:s10], $0xA00  }
0x191: {  	[sflag:s10] =	ssyncset.done $0x0  }
0x192: {  	[sflag:s10] =	ssyncadd.s32 $0xFFFFF600  }
0x193: {  	[tilespmem:s13], [sflag:$0x1] =	stream.indirect.gather [hbm4b:s4+s12], $0x80, s3, s12, $0xb8;
	[tilespmem:$0x1F400] =	vst v63  }
0x194: {  	s9 =	rddreg [dreg:$0x5]  }
0x195: {  	[tilespmem:s14], [sflag:$0x2] =	stream.indirect.gather [hbm4b:s4+s12], $0x80, s9, s12, $0xb8;
	[tilespmem:$0x1F400] =	vst v63  }
0x196: {  	s7 =	rddreg [dreg:$0x6]  }
0x197: {  	[tilespmem:s15], [sflag:$0x3] =	stream.indirect.gather [hbm4b:s4+s12], $0x80, s7, s12, $0xb8;
	[tilespmem:$0x1F400] =	vst v63  }
0x198: {  	s8 =	rddreg [dreg:$0x7]  }
0x199: {  	[tilespmem:s16], [sflag:$0x4] =	stream.indirect.gather [hbm4b:s4+s12], $0x80, s8, s12, $0xb8;
	[tilespmem:$0x1F400] =	vst v63  }
0x19a: {  	s9 =	rddreg [dreg:$0x8]  }
0x19b: {  	[tilespmem:s17], [sflag:$0x5] =	stream.indirect.gather [hbm4b:s4+s12], $0x80, s9, s12, $0xb8;
	[tilespmem:$0x1F400] =	vst v63  }
0x19c: {  	_ =	swait.ge [sflag:s18], $0x2000  }
0x19d: {  	[sflag:s18] =	ssyncset.done $0x0  }
0x19e: {  	[sflag:s18] =	ssyncadd.s32 $0xFFFFE000  }
0x19f: {  	[spmem:s2] =	stream.indirect.scatter.add.f32 [tilespmem:s13], [sflag:$0x6], $0x80, s11, s12, $0xb8;
	[tilespmem:$0x1F400] =	vst v63  }
0x1a0: {  	_ =	swait.ge [sflag:s10], $0x2000  }
0x1a1: {  	[sflag:s10] =	ssyncset.done $0x0  }
0x1a2: {  	s7 =	rddreg [dreg:$0x9];
	[sflag:s10] =	ssyncadd.s32 $0xFFFFE000  }
0x1a3: {  	[tilespmem:s13], [sflag:$0x1] =	stream.indirect.gather [hbm4b:s4+s12], $0x80, s7, s12, $0xb8;
	[tilespmem:$0x1F400] =	vst v63  }
0x1a4: {  	_ =	swait.ge [sflag:s19], $0x2000  }
0x1a5: {  	[sflag:s19] =	ssyncset.done $0x0  }
0x1a6: {  	s8 =	rddreg [dreg:$0xa];
	[sflag:s19] =	ssyncadd.s32 $0xFFFFE000  }
0x1a7: {  	[spmem:s2] =	stream.indirect.scatter.add.f32 [tilespmem:s14], [sflag:$0x6], $0x80, s8, s12, $0xb8;
	[tilespmem:$0x1F400] =	vst v63  }
0x1a8: {  	_ =	swait.ge [sflag:s10], $0x2000  }
0x1a9: {  	[sflag:s10] =	ssyncset.done $0x0  }
0x1aa: {  	s9 =	rddreg [dreg:$0xb];
	[sflag:s10] =	ssyncadd.s32 $0xFFFFE000  }
0x1ab: {  	[tilespmem:s14], [sflag:$0x2] =	stream.indirect.gather [hbm4b:s4+s12], $0x80, s9, s12, $0xb8;
	[tilespmem:$0x1F400] =	vst v63  }
0x1ac: {  	_ =	swait.ge [sflag:s20], $0x2000  }
0x1ad: {  	[sflag:s20] =	ssyncset.done $0x0  }
0x1ae: {  	s7 =	rddreg [dreg:$0xc];
	[sflag:s20] =	ssyncadd.s32 $0xFFFFE000  }
0x1af: {  	[spmem:s2] =	stream.indirect.scatter.add.f32 [tilespmem:s15], [sflag:$0x6], $0x80, s7, s12, $0xb8;
	[tilespmem:$0x1F400] =	vst v63  }
0x1b0: {  	_ =	swait.ge [sflag:s10], $0x2000  }
0x1b1: {  	[sflag:s10] =	ssyncset.done $0x0  }
0x1b2: {  	s8 =	rddreg [dreg:$0xd];
	[sflag:s10] =	ssyncadd.s32 $0xFFFFE000  }
0x1b3: {  	[tilespmem:s15], [sflag:$0x3] =	stream.indirect.gather [hbm4b:s4+s12], $0x80, s8, s12, $0xb8;
	[tilespmem:$0x1F400] =	vst v63  }
0x1b4: {  	_ =	swait.ge [sflag:s21], $0x2000  }
0x1b5: {  	[sflag:s21] =	ssyncset.done $0x0  }
0x1b6: {  	s9 =	rddreg [dreg:$0xe];
	[sflag:s21] =	ssyncadd.s32 $0xFFFFE000  }
0x1b7: {  	[spmem:s2] =	stream.indirect.scatter.add.f32 [tilespmem:s16], [sflag:$0x6], $0x80, s9, s12, $0xb8;
	[tilespmem:$0x1F400] =	vst v63  }
0x1b8: {  	_ =	swait.ge [sflag:s10], $0x2000  }
0x1b9: {  	[sflag:s10] =	ssyncset.done $0x0  }
0x1ba: {  	s7 =	rddreg [dreg:$0xf];
	[sflag:s10] =	ssyncadd.s32 $0xFFFFE000  }
0x1bb: {  	[tilespmem:s16], [sflag:$0x4] =	stream.indirect.gather [hbm4b:s4+s12], $0x80, s7, s12, $0xb8;
	[tilespmem:$0x1F400] =	vst v63  }
0x1bc: {  	_ =	swait.ge [sflag:s22], $0x2000  }
0x1bd: {  	[sflag:s22] =	ssyncset.done $0x0  }
0x1be: {  	s8 =	rddreg [dreg:$0x10];
	[sflag:s22] =	ssyncadd.s32 $0xFFFFE000  }
0x1bf: {  	[spmem:s2] =	stream.indirect.scatter.add.f32 [tilespmem:s17], [sflag:$0x6], $0x80, s8, s12, $0xb8;
	[tilespmem:$0x1F400] =	vst v63  }
0x1c0: {  	_ =	swait.ge [sflag:s10], $0x2000  }
0x1c1: {  	[sflag:s10] =	ssyncset.done $0x0  }
0x1c2: {  	s9 =	rddreg [dreg:$0x11];
	[sflag:s10] =	ssyncadd.s32 $0xFFFFE000  }
0x1c3: {  	[tilespmem:s17], [sflag:$0x5] =	stream.indirect.gather [hbm4b:s4+s12], $0x80, s9, s12, $0xb8;
	[tilespmem:$0x1F400] =	vst v63  }
0x1c4: {  	_ =	swait.ge [sflag:s18], $0x2000  }
0x1c5: {  	[sflag:s18] =	ssyncset.done $0x0  }
0x1c6: {  	s7 =	rddreg [dreg:$0x12];
	[sflag:s18] =	ssyncadd.s32 $0xFFFFE000  }
0x1c7: {  	[spmem:s2] =	stream.indirect.scatter.add.f32 [tilespmem:s13], [sflag:$0x6], $0x80, s7, s12, $0xb8;
	[tilespmem:$0x1F400] =	vst v63  }
0x1c8: {  	_ =	swait.ge [sflag:s10], $0x2000  }
0x1c9: {  	[sflag:s10] =	ssyncset.done $0x0  }
0x1ca: {  	s8 =	rddreg [dreg:$0x13];
	[sflag:s10] =	ssyncadd.s32 $0xFFFFE000  }
0x1cb: {  	[tilespmem:s13], [sflag:$0x1] =	stream.indirect.gather [hbm4b:s4+s12], $0x80, s8, s12, $0xb8;
	[tilespmem:$0x1F400] =	vst v63  }
0x1cc: {  	_ =	swait.ge [sflag:s19], $0x2000  }
0x1cd: {  	[sflag:s19] =	ssyncset.done $0x0  }
0x1ce: {  	s9 =	rddreg [dreg:$0x14];
	[sflag:s19] =	ssyncadd.s32 $0xFFFFE000  }
0x1cf: {  	[spmem:s2] =	stream.indirect.scatter.add.f32 [tilespmem:s14], [sflag:$0x6], $0x80, s9, s12, $0xb8;
	[tilespmem:$0x1F400] =	vst v63  }
0x1d0: {  	_ =	swait.ge [sflag:s10], $0x2000  }
0x1d1: {  	[sflag:s10] =	ssyncset.done $0x0  }
0x1d2: {  	s7 =	rddreg [dreg:$0x15];
	[sflag:s10] =	ssyncadd.s32 $0xFFFFE000  }
0x1d3: {  	[tilespmem:s14], [sflag:$0x2] =	stream.indirect.gather [hbm4b:s4+s12], $0x80, s7, s12, $0xb8;
	[tilespmem:$0x1F400] =	vst v63  }
0x1d4: {  	_ =	swait.ge [sflag:s20], $0x2000  }
0x1d5: {  	[sflag:s20] =	ssyncset.done $0x0  }
0x1d6: {  	s8 =	rddreg [dreg:$0x16];
	[sflag:s20] =	ssyncadd.s32 $0xFFFFE000  }
0x1d7: {  	[spmem:s2] =	stream.indirect.scatter.add.f32 [tilespmem:s15], [sflag:$0x6], $0x80, s8, s12, $0xb8;
	[tilespmem:$0x1F400] =	vst v63  }
0x1d8: {  	_ =	swait.ge [sflag:s10], $0x2000  }
0x1d9: {  	[sflag:s10] =	ssyncset.done $0x0  }
0x1da: {  	s9 =	rddreg [dreg:$0x17];
	[sflag:s10] =	ssyncadd.s32 $0xFFFFE000  }
0x1db: {  	[tilespmem:s15], [sflag:$0x3] =	stream.indirect.gather [hbm4b:s4+s12], $0x80, s9, s12, $0xb8;
	[tilespmem:$0x1F400] =	vst v63  }
0x1dc: {  	_ =	swait.ge [sflag:s21], $0x2000  }
0x1dd: {  	[sflag:s21] =	ssyncset.done $0x0  }
0x1de: {  	s7 =	rddreg [dreg:$0x18];
	[sflag:s21] =	ssyncadd.s32 $0xFFFFE000  }
0x1df: {  	[spmem:s2] =	stream.indirect.scatter.add.f32 [tilespmem:s16], [sflag:$0x6], $0x80, s7, s12, $0xb8;
	[tilespmem:$0x1F400] =	vst v63  }
0x1e0: {  	_ =	swait.ge [sflag:s10], $0x2000  }
0x1e1: {  	[sflag:s10] =	ssyncset.done $0x0  }
0x1e2: {  	s8 =	rddreg [dreg:$0x19];
	[sflag:s10] =	ssyncadd.s32 $0xFFFFE000  }
0x1e3: {  	[tilespmem:s16], [sflag:$0x4] =	stream.indirect.gather [hbm4b:s4+s12], $0x80, s8, s12, $0xb8;
	[tilespmem:$0x1F400] =	vst v63  }
0x1e4: {  	_ =	swait.ge [sflag:s22], $0x2000  }
0x1e5: {  	[sflag:s22] =	ssyncset.done $0x0  }
0x1e6: {  	s9 =	rddreg [dreg:$0x1a];
	[sflag:s22] =	ssyncadd.s32 $0xFFFFE000  }
0x1e7: {  	[spmem:s2] =	stream.indirect.scatter.add.f32 [tilespmem:s17], [sflag:$0x6], $0x80, s9, s12, $0xb8;
	[tilespmem:$0x1F400] =	vst v63  }
0x1e8: {  	_ =	swait.ge [sflag:s10], $0x2000  }
0x1e9: {  	[sflag:s10] =	ssyncset.done $0x0  }
0x1ea: {  	s7 =	rddreg [dreg:$0x1b];
	[sflag:s10] =	ssyncadd.s32 $0xFFFFE000  }
0x1eb: {  	[tilespmem:s17], [sflag:$0x5] =	stream.indirect.gather [hbm4b:s4+s12], $0x80, s7, s12, $0xb8;
	[tilespmem:$0x1F400] =	vst v63  }
0x1ec: {  	_ =	swait.ge [sflag:s18], $0x2000  }
0x1ed: {  	[sflag:s18] =	ssyncset.done $0x0  }
0x1ee: {  	s8 =	rddreg [dreg:$0x1c];
	[sflag:s18] =	ssyncadd.s32 $0xFFFFE000  }
0x1ef: {  	[spmem:s2] =	stream.indirect.scatter.add.f32 [tilespmem:s13], [sflag:$0x6], $0x80, s8, s12, $0xb8;
	[tilespmem:$0x1F400] =	vst v63  }
0x1f0: {  	_ =	swait.ge [sflag:s10], $0x2000  }
0x1f1: {  	[sflag:s10] =	ssyncset.done $0x0  }
0x1f2: {  	s9 =	rddreg [dreg:$0x1d];
	[sflag:s10] =	ssyncadd.s32 $0xFFFFE000  }
0x1f3: {  	[tilespmem:s13], [sflag:$0x1] =	stream.indirect.gather [hbm4b:s4+s12], $0x80, s9, s12, $0xb8;
	[tilespmem:$0x1F400] =	vst v63  }
0x1f4: {  	_ =	swait.ge [sflag:s19], $0x2000  }
0x1f5: {  	[sflag:s19] =	ssyncset.done $0x0  }
0x1f6: {  	s7 =	rddreg [dreg:$0x1e];
	[sflag:s19] =	ssyncadd.s32 $0xFFFFE000  }
0x1f7: {  	[spmem:s2] =	stream.indirect.scatter.add.f32 [tilespmem:s14], [sflag:$0x6], $0x80, s7, s12, $0xb8;
	[tilespmem:$0x1F400] =	vst v63  }
0x1f8: {  	_ =	swait.ge [sflag:s10], $0x2000  }
0x1f9: {  	[sflag:s10] =	ssyncset.done $0x0  }
0x1fa: {  	s8 =	rddreg [dreg:$0x1f];
	[sflag:s10] =	ssyncadd.s32 $0xFFFFE000  }
0x1fb: {  	[tilespmem:s14], [sflag:$0x2] =	stream.indirect.gather [hbm4b:s4+s12], $0x80, s8, s12, $0xb8;
	[tilespmem:$0x1F400] =	vst v63  }
0x1fc: {  	_ =	swait.ge [sflag:s20], $0x2000  }
0x1fd: {  	[sflag:s20] =	ssyncset.done $0x0  }
0x1fe: {  	[sflag:s20] =	ssyncadd.s32 $0xFFFFE000  }
0x1ff: {  	[spmem:s2] =	stream.indirect.scatter.add.f32 [tilespmem:s15], [sflag:$0x6], $0x80, s23, s12, $0xb8;
	[tilespmem:$0x1F400] =	vst v63  }
0x200: {  	_ =	swait.ge [sflag:s10], $0x2000  }
0x201: {  	[sflag:s10] =	ssyncset.done $0x0  }
0x202: {  	[sflag:s10] =	ssyncadd.s32 $0xFFFFE000  }
0x203: {  	[tilespmem:s15], [sflag:$0x3] =	stream.indirect.gather [hbm4b:s4+s12], $0x80, s24, s12, $0xb8;
	[tilespmem:$0x1F400] =	vst v63  }
0x204: {  	_ =	swait.ge [sflag:s21], $0x2000  }
0x205: {  	[sflag:s21] =	ssyncset.done $0x0  }
0x206: {  	[sflag:s21] =	ssyncadd.s32 $0xFFFFE000  }
0x207: {  	[spmem:s2] =	stream.indirect.scatter.add.f32 [tilespmem:s16], [sflag:$0x6], $0x80, s25, s12, $0xb8;
	[tilespmem:$0x1F400] =	vst v63  }
0x208: {  	_ =	swait.ge [sflag:s10], $0x2000  }
0x209: {  	[sflag:s10] =	ssyncset.done $0x0  }
0x20a: {  	[sflag:s10] =	ssyncadd.s32 $0xFFFFE000  }
0x20b: {  	[tilespmem:s16], [sflag:$0x4] =	stream.indirect.gather [hbm4b:s4+s12], $0x80, s26, s12, $0xb8;
	[tilespmem:$0x1F400] =	vst v63  }
0x20c: {  	_ =	swait.ge [sflag:s22], $0x2000  }
0x20d: {  	[sflag:s22] =	ssyncset.done $0x0  }
0x20e: {  	[sflag:s22] =	ssyncadd.s32 $0xFFFFE000  }
0x20f: {  	[spmem:s2] =	stream.indirect.scatter.add.f32 [tilespmem:s17], [sflag:$0x6], $0x80, s28, s12, $0xb8;
	[tilespmem:$0x1F400] =	vst v63  }
0x210: {  	_ =	swait.ge [sflag:s10], $0x2000  }
0x211: {  	[sflag:s10] =	ssyncset.done $0x0  }
0x212: {  	[sflag:s10] =	ssyncadd.s32 $0xFFFFE000  }
0x213: {  	[tilespmem:s17], [sflag:$0x5] =	stream.indirect.gather [hbm4b:s4+s12], $0x80, s29, s12, $0xb8;
	[tilespmem:$0x1F400] =	vst v63  }
0x214: {  	_ =	swait.ge [sflag:s18], $0x2000  }
0x215: {  	[sflag:s18] =	ssyncset.done $0x0  }
0x216: {  	[sflag:s18] =	ssyncadd.s32 $0xFFFFE000  }
0x217: {  	[spmem:s2] =	stream.indirect.scatter.add.f32 [tilespmem:s13], [sflag:$0x6], $0x80, s30, s12, $0xb8;
	[tilespmem:$0x1F400] =	vst v63  }
0x218: {  	_ =	swait.ge [sflag:s10], $0x2000  }
0x219: {  	[sflag:s10] =	ssyncset.done $0x0  }
0x21a: {  	[sflag:s10] =	ssyncadd.s32 $0xFFFFE000  }
0x21b: {  	_ =	swait.ge [sflag:s19], $0x2000  }
0x21c: {  	[sflag:s19] =	ssyncset.done $0x0  }
0x21d: {  	[sflag:s19] =	ssyncadd.s32 $0xFFFFE000  }
0x21e: {  	[spmem:s2] =	stream.indirect.scatter.add.f32 [tilespmem:s14], [sflag:$0x6], $0x80, s31, s12, $0xb8;
	[tilespmem:$0x1F400] =	vst v63  }
0x21f: {  	_ =	swait.ge [sflag:s10], $0x2000  }
0x220: {  	[sflag:s10] =	ssyncset.done $0x0  }
0x221: {  	[sflag:s10] =	ssyncadd.s32 $0xFFFFE000  }
0x222: {  	_ =	swait.ge [sflag:s20], $0x2000  }
0x223: {  	[sflag:s20] =	ssyncset.done $0x0  }
0x224: {  	[sflag:s20] =	ssyncadd.s32 $0xFFFFE000  }
0x225: {  	[spmem:s2] =	stream.indirect.scatter.add.f32 [tilespmem:s15], [sflag:$0x6], $0x80, s1, s12, $0xb8;
	[tilespmem:$0x1F400] =	vst v63  }
0x226: {  	_ =	swait.ge [sflag:s10], $0x2000  }
0x227: {  	[sflag:s10] =	ssyncset.done $0x0  }
0x228: {  	[sflag:s10] =	ssyncadd.s32 $0xFFFFE000  }
0x229: {  	_ =	swait.ge [sflag:s21], $0x2000  }
0x22a: {  	[sflag:s21] =	ssyncset.done $0x0  }
0x22b: {  	[sflag:s21] =	ssyncadd.s32 $0xFFFFE000  }
0x22c: {  	[spmem:s2] =	stream.indirect.scatter.add.f32 [tilespmem:s16], [sflag:$0x6], $0x80, s0, s12, $0xb8;
	[tilespmem:$0x1F400] =	vst v63  }
0x22d: {  	_ =	swait.ge [sflag:s10], $0x2000  }
0x22e: {  	[sflag:s10] =	ssyncset.done $0x0  }
0x22f: {  	[sflag:s10] =	ssyncadd.s32 $0xFFFFE000  }
0x230: {  	_ =	swait.ge [sflag:s22], $0x2000  }
0x231: {  	[sflag:s22] =	ssyncset.done $0x0  }
0x232: {  	[sflag:s22] =	ssyncadd.s32 $0xFFFFE000  }
0x233: {  	[spmem:s2] =	stream.indirect.scatter.add.f32 [tilespmem:s17], [sflag:$0x6], $0x80, s5, s12, $0xb8;
	[tilespmem:$0x1F400] =	vst v63  }
0x234: {  	_ =	swait.ge [sflag:s10], $0x2000  }
0x235: {  	[sflag:s10] =	ssyncset.done $0x0  }
0x236: {  	[sflag:s10] =	ssyncadd.s32 $0xFFFFE000  }
0x237: {  	[bflag:$0x0] =	sbarrier.arrive $0xFFFF  }
0x238: {  	s7 =	sld [smem:$0x7FC]  }
0x239: {  	s9 =	sld [smem:$0x7FA]  }
0x23a: {  	s8 =	sld [smem:$0x7FD];
	_ =	sdelay $0x2  }
0x23b: {  	[hbm:s9], [sflag:s7] =	dma.local [spmem:s8], $0x2780  }
0x23c: {  	_ =	swait.ge [sflag:s10], $0x2780  }
0x23d: {  	s6 =	sld [smem:$0x7F8];
	_ =	sdelay $0x2  }
0x23e: {  	s9 =	sadd.s32 $0x1, s6;
	s6 =	sld [smem:$0x7FB];
	_ =	sdelay $0x2  }
0x23f: {  	p0 =	sne.s32 s9, s6  }
.Ltmp1:
0x240: {  	_ = 	snop;
	(pc) =	sbr.rel @p0 .LBB2_1-.Ltmp1, $3  }
0x241: {  	_ =	sdelay $0x1  }
0x242: {  	[sflag:s10] =	ssyncset.done $0x0  }
0x243: {  	[sflag:s10] =	ssyncadd.s32 $0xFFFFD880  }
0x244: {  	_ =	sfence.sel $0x180000  }
0x245: {  	[bflag:$0x0] =	sbarrier.arrive $0xFFFF  }
0x246: {  	_ =	strace $0x9000004D  }
0x247: {  	s0 =	stileid.u32;
	[bflag:$0x2] =	sbarrier.arrive $0xFFFF  }
0x248: {  	p0 =	sne.s32 s0, $0x0;
	s0 =	rddreg [dreg:$0x2]  }
0x249: {  	s0 =	sadd.s32 @!p0 $0x100000, s0  }
0x24a: {  	[sflag:s0] =	ssyncadd.tile.s32 @!p0 $0x1;
	_ =	shalt  }
.Lfunc_end2:
_tile_overlayer_lowered:
.L_overlay_start_2:
0x24b: {  	(tag) =	ssettag $0x2  }
0x24c: {  	s0 =	rddreg [dreg:$0x0];
	s2 =	stileid.u32  }
0x24d: {  	s1 =	rddreg [dreg:$0x1];
	p0 =	sne.s32 s2, $0x0  }
0x24e: {  	s3 =	rddreg [dreg:$0x2];
	[bflag:$0x3] =	sbarrier.arrive $0xFFFF;
	s2 =	simm.s32 @!p0 $0x1C06  }
0x24f: {  	[timem:s3], [sflag:s2] =	dma.local @!p0 [hbm:s0], s1  }
0x250: {  	s0 =	simm.s32 @!p0 $0x6  }
0x251: {  	_ =	swait.ge @!p0 [sflag:s0], s1  }
0x252: {  	s1 =	ssub.s32 @!p0 $0x0, s1;
	[sflag:s0] =	ssyncset.done @!p0 $0x0  }
0x253: {  	[sflag:s0] =	ssyncadd.s32 @!p0 s1  }
0x254: {  	[bflag:$0x3] =	sbarrier.arrive $0xFFFF  }
0x255: {  	_ =	shalt  }

// kernel: kernel.20.cloned.1.call-start
scs
__scs_entry_jumppad:
0x0: {  	(pc) =	sbr.rel $0x88, $3  }
0x1: {  	(tag) =	ssettag $0x0;
	lr =	simm.s32 $0x1  }
0x2: {  	[smem:$0x3F94] =	sst lr;
	_ =	strace $0xD0000000  }
0x3: {  	_ = 	snop  }
0x4: {  	_ = 	snop  }
0x5: {  	_ = 	snop  }
0x6: {  	_ = 	snop  }
0x7: {  	_ = 	snop  }
__scs_overlays_trampoline_lowered:
0x8: {  	[smem:$0x3FA3] =	sst s0  }
0x9: {  	[smem:$0x3FA4] =	sst s1  }
0xa: {  	[smem:$0x3FA5] =	sst s2  }
0xb: {  	[smem:$0x3FA6] =	sst s3  }
0xc: {  	[smem:$0x3FA7] =	sst s4  }
0xd: {  	[smem:$0x3FA8] =	sst s5  }
0xe: {  	[smem:$0x3FA9] =	sst s6  }
0xf: {  	[smem:$0x3FAA] =	sst s7  }
0x10: {  	[smem:$0x3FAB] =	sst s8  }
0x11: {  	[smem:$0x3FAC] =	sst s9;
	s0 =	simm.s32 @!p0 $0x0  }
0x12: {  	s1 =	sld [smem:$0x3F92];
	s0 =	simm.s32 @p0 $0x1  }
0x13: {  	[smem:$0x3FAD] =	sst s0;
	s0 =	simm.s32 @!p1 $0x0  }
0x14: {  	s2 =	sld [smem:$0x3F91];
	s0 =	simm.s32 @p1 $0x1  }
0x15: {  	[smem:$0x3FAE] =	sst s0;
	s0 =	simm.s32 @!p2 $0x0  }
0x16: {  	s3 =	sld [smem:$0x3FDB];
	s0 =	simm.s32 @p2 $0x1  }
0x17: {  	s4 =	simm.s32 $0x1BF5;
	[smem:$0x3FB0] =	sst s0  }
0x18: {  	s0 =	sld [smem:$0x3F93];
	_ =	swait.ge [sflag:s4], $0x0  }
0x19: {  	s7 =	sld [smem:$0x3F94]  }
0x1a: {  	s8 =	sadd.s32 $0xFFFFE003, lr  }
0x1b: {  	s9 =	sadd.s32 $0xFFFFFEF7, lr;
	s5 =	simm.s32 $0xFFFFFFFF;
	p2 =	slt.u32 s8, $0xFFFFF086  }
0x1c: {  	p1 =	slt.u32 s9, $0xF7A;
	s5 =	simm.s32 @!p2 $0x0  }
0x1d: {  	s5 =	simm.s32 @p1 $0x1;
	p0 =	seq.s32 s7, s2  }
0x1e: {  	s7 =	smul.u32 @!p0 $0xF7A, s2;
	p2 =	seq.s32 @!p0 s5, $0x0  }
0x1f: {  	s9 =	smul.u32 $0xF7A, s1;
	s8 =	simm.s32 @!p0 $0x1BF5;
	p2 =	por !p2, p0  }
0x20: {  	[sflag:s8] =	ssyncset.s32 @!p0 $0xFFFFF086;
	s6 =	sadd.s32 @!p0 s3, s7;
	s7 =	simm.s32 @!p0 $0x108  }
0x21: {  	s3 =	sadd.s32 s3, s9;
	s6 =	sadd.s32 @!p0 $0x88, s6;
	s7 =	simm.s32 @p2 $0x1082  }
0x22: {  	[simem:s7], [sflag:s8] =	dma.local @!p0 [hbm:s6], $0xF7A  }
0x23: {  	s9 =	sor.u32 $0xD0000000, s2;
	s6 =	simm.s32 $0x108;
	_ =	swait.ge @!p0 [sflag:s8], $0x0  }
0x24: {  	s3 =	sadd.s32 $0x88, s3;
	s6 =	simm.s32 @!p1 $0x1082;
	[sflag:s4] =	ssyncset.s32 $0xFFFFF086  }
0x25: {  	[simem:s6], [sflag:s4] =	dma.local [hbm:s3], $0xF7A  }
0x26: {  	[smem:$0x3F94] =	sst s1;
	(tag) =	ssettag s2;
	_ =	strace s9  }
0x27: {  	s1 =	sld [smem:$0x3FA4]  }
0x28: {  	s2 =	sld [smem:$0x3FA5]  }
0x29: {  	s4 =	sld [smem:$0x3FA7]  }
0x2a: {  	p0 =	seq.s32 s5, $0x0;
	s5 =	sld [smem:$0x3FA8]  }
0x2b: {  	s6 =	sld [smem:$0x3FA9]  }
0x2c: {  	s7 =	sld [smem:$0x3FAA]  }
0x2d: {  	s3 =	simm.s32 $0x108;
	s8 =	sld [smem:$0x3FAB]  }
0x2e: {  	s3 =	simm.s32 @!p0 $0x1082;
	s9 =	sld [smem:$0x3FAC]  }
0x2f: {  	lr =	sadd.s32 s0, s3;
	s0 =	sld [smem:$0x3FA3]  }
0x30: {  	s3 =	sld [smem:$0x3FA6]  }
0x31: {  	[smem:$0x3FAF] =	sst s10  }
0x32: {  	s10 =	sld [smem:$0x3FAD];
	_ =	sdelay $0x3  }
0x33: {  	p0 =	seq.s32 s10, $0x1;
	s10 =	sld [smem:$0x3FAF];
	_ =	sdelay $0x3  }
0x34: {  	[smem:$0x3FAF] =	sst s10  }
0x35: {  	s10 =	sld [smem:$0x3FAE];
	_ =	sdelay $0x3  }
0x36: {  	p1 =	seq.s32 s10, $0x1;
	s10 =	sld [smem:$0x3FAF];
	_ =	sdelay $0x3  }
0x37: {  	[smem:$0x3FAF] =	sst s10  }
0x38: {  	s10 =	sld [smem:$0x3FB0]  }
0x39: {  	_ = 	snop;
	(pc) =	sbr.ind lr, $3  }
0x3a: {  	_ = 	snop  }
0x3b: {  	_ = 	snop  }
0x3c: {  	p2 =	seq.s32 s10, $0x1;
	s10 =	sld [smem:$0x3FAF]  }
0x3d: {  	_ =	shalt  }
0x3e: {  	_ =	shalt  }
0x3f: {  	_ =	shalt  }
0x40: {  	_ =	shalt  }
0x41: {  	_ =	shalt  }
0x42: {  	_ =	shalt  }
0x43: {  	_ =	shalt  }
0x44: {  	_ =	shalt  }
0x45: {  	_ =	shalt  }
0x46: {  	_ =	shalt  }
0x47: {  	_ =	shalt  }
0x48: {  	_ =	shalt  }
0x49: {  	_ =	shalt  }
0x4a: {  	_ =	shalt  }
0x4b: {  	_ =	shalt  }
0x4c: {  	_ =	shalt  }
0x4d: {  	_ =	shalt  }
0x4e: {  	_ =	shalt  }
0x4f: {  	_ =	shalt  }
0x50: {  	_ =	shalt  }
0x51: {  	_ =	shalt  }
0x52: {  	_ =	shalt  }
0x53: {  	_ =	shalt  }
0x54: {  	_ =	shalt  }
0x55: {  	_ =	shalt  }
0x56: {  	_ =	shalt  }
0x57: {  	_ =	shalt  }
0x58: {  	_ =	shalt  }
0x59: {  	_ =	shalt  }
0x5a: {  	_ =	shalt  }
0x5b: {  	_ =	shalt  }
0x5c: {  	_ =	shalt  }
0x5d: {  	_ =	shalt  }
0x5e: {  	_ =	shalt  }
0x5f: {  	_ =	shalt  }
0x60: {  	_ =	shalt  }
0x61: {  	_ =	shalt  }
0x62: {  	_ =	shalt  }
0x63: {  	_ =	shalt  }
0x64: {  	_ =	shalt  }
0x65: {  	_ =	shalt  }
0x66: {  	_ =	shalt  }
0x67: {  	_ =	shalt  }
0x68: {  	_ =	shalt  }
0x69: {  	_ =	shalt  }
0x6a: {  	_ =	shalt  }
0x6b: {  	_ =	shalt  }
0x6c: {  	_ =	shalt  }
0x6d: {  	_ =	shalt  }
0x6e: {  	_ =	shalt  }
0x6f: {  	_ =	shalt  }
0x70: {  	_ =	shalt  }
0x71: {  	_ =	shalt  }
0x72: {  	_ =	shalt  }
0x73: {  	_ =	shalt  }
0x74: {  	_ =	shalt  }
0x75: {  	_ =	shalt  }
0x76: {  	_ =	shalt  }
0x77: {  	_ =	shalt  }
0x78: {  	_ =	shalt  }
0x79: {  	_ =	shalt  }
0x7a: {  	_ =	shalt  }
0x7b: {  	_ =	shalt  }
0x7c: {  	_ =	shalt  }
0x7d: {  	_ =	shalt  }
0x7e: {  	_ =	shalt  }
0x7f: {  	_ =	shalt  }
0x80: {  	_ =	shalt  }
0x81: {  	_ =	shalt  }
0x82: {  	_ =	shalt  }
0x83: {  	_ =	shalt  }
0x84: {  	_ =	shalt  }
0x85: {  	_ =	shalt  }
0x86: {  	_ =	shalt  }
0x87: {  	_ =	shalt  }
.Lfunc_end0:
.L_simem_size_0:
called_computation.3_lowered:
.L_overlay_start_0:
0x88: {  	s2 =	sld [smem:$0x3FD9]  }
0x89: {  	s3 =	sld [smem:$0x3FFE];
	_ =	sdelay $0x1  }
0x8a: {  	s1 =	srdreg.scid  }
0x8b: {  	s0 =	sand.u32 $0x1, s1  }
0x8c: {  	s16 =	sshll.u32 s0, $0xA;
	s2 =	sadd.s32 s3, s2  }
0x8d: {  	s2 =	sadd.s32 s2, s16  }
0x8e: {  	[smem:$0x3FBB] =	sst s2  }
0x8f: {  	_ = 	snop  }
0x90: {  	(tm) =	ssettm $0x1  }
0x91: {  	s17 =	sld [smem:$0x3FFB];
	_ =	sdelay $0x3  }
0x92: {  	_ =	strace s17  }
0x93: {  	s2 =	sld [smem:$0x3FFC];
	_ =	sdelay $0x3  }
0x94: {  	_ =	strace s2  }
0x95: {  	s2 =	sld [smem:$0x3FFD];
	_ =	sdelay $0x3  }
0x96: {  	_ =	strace s2  }
0x97: {  	_ =	strace $0x8FFFFFFF  }
0x98: {  	s18 =	sld [smem:$0x3FDB];
	_ =	sdelay $0x1  }
0x99: {  	s19 =	simm.s32 $_scs_section_size  }
0x9a: {  	s4 =	simm.s32 $_size__tile_overlayer_lowered;
	s5 =	simm.s32 $_tile_overlayer_lowered  }
0x9b: {  	s22 =	simm.s32 $0x1BFF;
	s21 =	sshll.u32 s5, $0x1;
	s2 =	sadd.s32 s19, s18  }
0x9c: {  	s6 =	simm.s32 $0x0;
	s20 =	sshll.u32 s4, $0x1;
	s4 =	sadd.s32 s21, s2  }
0x9d: {  	[timem:s6], [sflag:s22] =	dma.local [hbm:s4], s20  }
0x9e: {  	_ =	swait.ge [sflag:s22], s20  }
0x9f: {  	s3 =	ssub.s32 $0x0, s20;
	[sflag:s22] =	ssyncset.done $0x0  }
0xa0: {  	[sflag:s22] =	ssyncadd.s32 s3;
	_ =	sdelay $0x1  }
0xa1: {  	s23 =	simm.s32 $0x1B8B  }
0xa2: {  	_ =	swait.ge [sflag:s23], $0x1  }
0xa3: {  	[sflag:s23] =	ssyncset.done $0x0  }
0xa4: {  	s25 =	simm.s32 $0x1B8E;
	s24 =	sld [smem:$0x3FFE];
	[sflag:s23] =	ssyncadd.s32 $0xFFFFFFFF  }
0xa5: {  	s26 =	simm.s32 $execute0_lowered;
	[smem:$0x3FD2] =	sst s25  }
0xa6: {  	s4 =	sshll.u32 s26, $0x1;
	_ =	strace $0x8000004F;
	[dreg:$0x1] =	wrdreg $0xFFFFFFFF  }
0xa7: {  	s28 =	simm.s32 $_size_execute0_lowered;
	s2 =	sadd.s32 s2, s4;
	[dreg:$0x0] =	wrdreg $0x0  }
0xa8: {  	s4 =	sshll.u32 s28, $0x1;
	[dreg:$0x2] =	wrdreg s2  }
0xa9: {  	[dreg:$0x3] =	wrdreg s4  }
0xaa: {  	[dreg:$0x4] =	wrdreg $0xC0  }
0xab: {  	_ =	task [dreg:s6], $0x5FFFF  }
0xac: {  	[dreg:$0x1] =	wrdreg $0xFFFFFFFF  }
0xad: {  	[dreg:$0x0] =	wrdreg $0x60  }
0xae: {  	[dreg:$0x2] =	wrdreg s24  }
0xaf: {  	[dreg:$0x3] =	wrdreg $0xB8000  }
0xb0: {  	[dreg:$0x4] =	wrdreg $0x9  }
0xb1: {  	_ =	task.clear_ibuf [dreg:s6], $0x5FFFF;
	_ =	strace $0x9000004F  }
0xb2: {  	s29 =	simm.s32 $0x9;
	_ =	strace $0x80000051  }
0xb3: {  	_ =	swait.ge [sflag:s29], $0x1  }
0xb4: {  	[sflag:s29] =	ssyncadd.s32 $0xFFFFFFFF  }
0xb5: {  	_ =	strace $0x90000051  }
0xb6: {  	_ =	sfence  }
0xb7: {  	s30 =	sld [smem:$0x0];
	_ =	sdelay $0x2  }
0xb8: {  	s31 =	sshll.u32 s1, $0xD;
	s1 =	sshrl.u32 s1, $0x2  }
0xb9: {  	s3 =	sand.u32 $0x4000, s31;
	s1 =	sadd.s32 s1, s30  }
0xba: {  	s0 =	sor.u32 s3, s0;
	s1 =	sshll.u32 s1, $0x11  }
0xbb: {  	s0 =	sor.u32 s1, s0  }
0xbc: {  	s0 =	sadd.s32 $0x8F2B, s0  }
0xbd: {  	[sflag:s0] =	ssyncadd.remote.s32 $0x1  }
0xbe: {  	_ =	sfence.sel $0xFFFF  }
0xbf: {  	[dreg:$0x0] =	wrdreg $0xFFFFFFFF;
	(pc) =	sbr.abs _section_cstart, $3  }
0xc0: {  	[dreg:$0x1] =	wrdreg $0xFFFFFFFF  }
0xc1: {  	_ =	task.clear_ibuf [dreg:s6], $0x2FFFF;
	_ =	strace $0x9FFFFFFF  }
0xc2: {  	(tm) =	ssettm $0x7FFFFFFF  }
0xc3: {  	_ =	shalt  }
tec
execute0_lowered:
.L_overlay_start_1:
0x0: {  	(tag) =	ssettag $0x1  }
0x1: {  	s0 =	srdreg.scid;
	s5 =	rddreg [dreg:$0x0]  }
0x2: {  	s8 =	stileid.u32;
	s2 =	rddreg [dreg:$0x1]  }
0x3: {  	s3 =	simm.s32 $0x0;
	s15 =	simm.s32 $0x80;
	s16 =	simm.s32 $0x100  }
0x4: {  	s17 =	simm.s32 $0x180;
	[smem:$0x7FF] =	sst s3;
	s9 =	sadd.s32 $0x27200, s5  }
0x5: {  	s18 =	simm.s32 $0x200;
	_ =	strace $0x80000050;
	[smem:$0x7F9] =	sst s9  }
0x6: {  	s19 =	simm.s32 $0x280;
	s20 =	simm.s32 $0xC80;
	[dreg:$0x5] =	wrdreg s15  }
0x7: {  	s22 =	simm.s32 $0x300;
	s24 =	simm.s32 $0xD00;
	[dreg:$0x6] =	wrdreg s16  }
0x8: {  	s25 =	simm.s32 $0x380;
	s11 =	simm.s32 $0xE00;
	[dreg:$0x7] =	wrdreg s17  }
0x9: {  	s12 =	simm.s32 $0x480;
	s28 =	simm.s32 $0x1300;
	[dreg:$0x8] =	wrdreg s18  }
0xa: {  	s29 =	simm.s32 $0x980;
	s4 =	smul.u32 $0x6000, s8;
	[dreg:$0x9] =	wrdreg s19  }
0xb: {  	s30 =	simm.s32 $0x1380;
	s6 =	smul.u32 $0xC00, s8;
	[dreg:$0xa] =	wrdreg s20  }
0xc: {  	s31 =	simm.s32 $0x1400;
	s14 =	smul.u32 $0x13C00, s8;
	[dreg:$0xb] =	wrdreg s22  }
0xd: {  	s0 =	sand.u32 $0x1, s0;
	s23 =	smul.u32 $0x4F000, s8;
	[dreg:$0xc] =	wrdreg s24  }
0xe: {  	s10 =	sshll.u32 s8, $0x6;
	s1 =	smul.u32 $0x60000, s0;
	[dreg:$0xd] =	wrdreg s25  }
0xf: {  	s7 =	smul.u32 $0x13C000, s0;
	s0 =	ssub.s32 $0x2, s0;
	[dreg:$0x10] =	wrdreg s11  }
0x10: {  	s9 =	simm.s32 $0x400;
	[dreg:$0x11] =	wrdreg s12;
	s15 =	simm.s32 $0xF00  }
0x11: {  	s16 =	simm.s32 $0x580;
	s11 =	simm.s32 $0xC00;
	[dreg:$0xf] =	wrdreg s9  }
0x12: {  	s17 =	simm.s32 $0xF80;
	s12 =	simm.s32 $0x40;
	[dreg:$0x14] =	wrdreg s15  }
0x13: {  	s18 =	simm.s32 $0x600;
	s19 =	simm.s32 $0x1000;
	[dreg:$0x15] =	wrdreg s16  }
0x14: {  	s20 =	simm.s32 $0x680;
	s22 =	simm.s32 $0x700;
	[dreg:$0x16] =	wrdreg s17  }
0x15: {  	s24 =	simm.s32 $0x780;
	s25 =	simm.s32 $0x1180;
	[dreg:$0x17] =	wrdreg s18  }
0x16: {  	s6 =	sadd.s32 s6, s5;
	s21 =	sshrl.u32 s0, $0x1;
	[dreg:$0x18] =	wrdreg s19  }
0x17: {  	s26 =	sshrl.u32 s23, $0x2;
	s15 =	simm.s32 $0x5800;
	[dreg:$0x19] =	wrdreg s20  }
0x18: {  	s16 =	simm.s32 $0x7800;
	s17 =	simm.s32 $0x9800;
	[dreg:$0x1b] =	wrdreg s22  }
0x19: {  	s23 =	simm.s32 $0x1100;
	s18 =	simm.s32 $0x1;
	[dreg:$0x1d] =	wrdreg s24  }
0x1a: {  	s19 =	simm.s32 $0x2;
	s20 =	simm.s32 $0x3;
	[dreg:$0x1e] =	wrdreg s25  }
0x1b: {  	s22 =	simm.s32 $0x5;
	s24 =	simm.s32 $0x880;
	s25 =	simm.s32 $0x1280  }
0x1c: {  	s9 =	simm.s32 $0x0;
	s1 =	sadd.s32 s1, s4;
	s4 =	sadd.s32 $0x1B1200, s5  }
0x1d: {  	s13 =	sadd.s32 $0x1B200, s6;
	s6 =	sadd.s32 s14, s7;
	s0 =	ssub.s32 s0, s21  }
0x1e: {  	s7 =	simm.s32 $0xD80;
	s14 =	simm.s32 $0x500;
	[dreg:$0x1c] =	wrdreg s23  }
0x1f: {  	s21 =	simm.s32 $0x1080;
	s23 =	simm.s32 $0x1200;
	[dreg:$0x4] =	wrdreg s13  }
0x20: {  	s1 =	sshrl.u32 s1, $0x3;
	s6 =	sshrl.u32 s6, $0x3;
	[dreg:$0xe] =	wrdreg s7  }
0x21: {  	s7 =	sor.u32 $0x1C06, s10;
	s13 =	simm.s32 $0xE80;
	[dreg:$0x13] =	wrdreg s14  }
0x22: {  	s0 =	smax.u32 s0, $0x1;
	s10 =	simm.s32 $0x6;
	[dreg:$0x1a] =	wrdreg s21  }
0x23: {  	s14 =	simm.s32 $0x3800;
	s21 =	simm.s32 $0x4;
	[smem:$0x7FB] =	sst s0  }
0x24: {  	s1 =	sadd.s32 s1, s5;
	s5 =	sadd.s32 s6, s5;
	[dreg:$0x12] =	wrdreg s13  }
0x25: {  	s6 =	sadd.s32 s26, s2;
	s26 =	simm.s32 $0x800;
	[smem:$0x7FC] =	sst s7  }
0x26: {  	s13 =	simm.s32 $0x1800;
	s1 =	sadd.s32 $0x3200, s1;
	[dreg:$0x1f] =	wrdreg s26  }
0x27: {  	s0 =	simm.s32 $0x1500;
	s5 =	sadd.s32 $0x77C00, s5;
	[dreg:$0x3] =	wrdreg s1  }
0x28: {  	s8 =	sshrl.u32 s6, $0x3;
	s26 =	simm.s32 $0x900;
	[smem:$0x7FA] =	sst s5  }
0x29: {  	s1 =	simm.s32 $0x1480;
	s5 =	simm.s32 $0x1580;
	[smem:$0x7FD] =	sst s8  }
.LBB2_1:
0x2a: {  	s6 =	sld [smem:$0x7F9];
	_ =	sdelay $0x1  }
0x2b: {  	[smem:$0x7F8] =	sst s9  }
0x2c: {  	[spmem:s8], [sflag:s7] =	dma.local [hbm:s6], $0x2780  }
0x2d: {  	_ =	swait.ge [sflag:s10], $0x2780  }
0x2e: {  	[sflag:s10] =	ssyncset.done $0x0  }
0x2f: {  	[sflag:s10] =	ssyncadd.s32 $0xFFFFD880  }
0x30: {  	[bflag:$0x0] =	sbarrier.arrive $0xFFFF  }
0x31: {  	s7 =	rddreg [dreg:$0x3]  }
0x32: {  	s6 =	sadd.s32 $0x0, s7  }
0x33: {  	[tilespmem:s3], [sflag:$0x6] =	stream.linear.gather [hbm4b:s6+s3], $0xA00, $0x38;
	[tilespmem:$0x1F400] =	vst v63  }
0x34: {  	_ =	swait.ge [sflag:s10], $0xA00  }
0x35: {  	s8 =	rddreg [dreg:$0x4];
	[sflag:s10] =	ssyncset.done $0x0  }
0x36: {  	[sflag:s10] =	ssyncadd.s32 $0xFFFFF600;
	s6 =	sadd.s32 $0x0, s8  }
0x37: {  	[tilespmem:s11], [sflag:$0x6] =	stream.linear.gather [hbm4b:s6+s3], $0xA00, $0x38;
	[tilespmem:$0x1F400] =	vst v63  }
0x38: {  	_ =	swait.ge [sflag:s10], $0xA00  }
0x39: {  	[sflag:s10] =	ssyncset.done $0x0  }
0x3a: {  	[sflag:s10] =	ssyncadd.s32 $0xFFFFF600  }
0x3b: {  	[tilespmem:s13], [sflag:$0x1] =	stream.indirect.gather [hbm4b:s4+s12], $0x80, s3, s12, $0xb8;
	[tilespmem:$0x1F400] =	vst v63  }
0x3c: {  	s9 =	rddreg [dreg:$0x5]  }
0x3d: {  	[tilespmem:s14], [sflag:$0x2] =	stream.indirect.gather [hbm4b:s4+s12], $0x80, s9, s12, $0xb8;
	[tilespmem:$0x1F400] =	vst v63  }
0x3e: {  	s7 =	rddreg [dreg:$0x6]  }
0x3f: {  	[tilespmem:s15], [sflag:$0x3] =	stream.indirect.gather [hbm4b:s4+s12], $0x80, s7, s12, $0xb8;
	[tilespmem:$0x1F400] =	vst v63  }
0x40: {  	s9 =	rddreg [dreg:$0x7]  }
0x41: {  	[tilespmem:s16], [sflag:$0x4] =	stream.indirect.gather [hbm4b:s4+s12], $0x80, s9, s12, $0xb8;
	[tilespmem:$0x1F400] =	vst v63  }
0x42: {  	s7 =	rddreg [dreg:$0x8]  }
0x43: {  	[tilespmem:s17], [sflag:$0x5] =	stream.indirect.gather [hbm4b:s4+s12], $0x80, s7, s12, $0xb8;
	[tilespmem:$0x1F400] =	vst v63  }
0x44: {  	_ =	swait.ge [sflag:s18], $0x2000  }
0x45: {  	[sflag:s18] =	ssyncset.done $0x0  }
0x46: {  	[sflag:s18] =	ssyncadd.s32 $0xFFFFE000  }
0x47: {  	[spmem:s2] =	stream.indirect.scatter.add.f32 [tilespmem:s13], [sflag:$0x6], $0x80, s11, s12, $0xb8;
	[tilespmem:$0x1F400] =	vst v63  }
0x48: {  	_ =	swait.ge [sflag:s10], $0x2000  }
0x49: {  	[sflag:s10] =	ssyncset.done $0x0  }
0x4a: {  	s8 =	rddreg [dreg:$0x9];
	[sflag:s10] =	ssyncadd.s32 $0xFFFFE000  }
0x4b: {  	[tilespmem:s13], [sflag:$0x1] =	stream.indirect.gather [hbm4b:s4+s12], $0x80, s8, s12, $0xb8;
	[tilespmem:$0x1F400] =	vst v63  }
0x4c: {  	_ =	swait.ge [sflag:s19], $0x2000  }
0x4d: {  	[sflag:s19] =	ssyncset.done $0x0  }
0x4e: {  	s9 =	rddreg [dreg:$0xa];
	[sflag:s19] =	ssyncadd.s32 $0xFFFFE000  }
0x4f: {  	[spmem:s2] =	stream.indirect.scatter.add.f32 [tilespmem:s14], [sflag:$0x6], $0x80, s9, s12, $0xb8;
	[tilespmem:$0x1F400] =	vst v63  }
0x50: {  	_ =	swait.ge [sflag:s10], $0x2000  }
0x51: {  	[sflag:s10] =	ssyncset.done $0x0  }
0x52: {  	s7 =	rddreg [dreg:$0xb];
	[sflag:s10] =	ssyncadd.s32 $0xFFFFE000  }
0x53: {  	[tilespmem:s14], [sflag:$0x2] =	stream.indirect.gather [hbm4b:s4+s12], $0x80, s7, s12, $0xb8;
	[tilespmem:$0x1F400] =	vst v63  }
0x54: {  	_ =	swait.ge [sflag:s20], $0x2000  }
0x55: {  	[sflag:s20] =	ssyncset.done $0x0  }
0x56: {  	s8 =	rddreg [dreg:$0xc];
	[sflag:s20] =	ssyncadd.s32 $0xFFFFE000  }
0x57: {  	[spmem:s2] =	stream.indirect.scatter.add.f32 [tilespmem:s15], [sflag:$0x6], $0x80, s8, s12, $0xb8;
	[tilespmem:$0x1F400] =	vst v63  }
0x58: {  	_ =	swait.ge [sflag:s10], $0x2000  }
0x59: {  	[sflag:s10] =	ssyncset.done $0x0  }
0x5a: {  	s9 =	rddreg [dreg:$0xd];
	[sflag:s10] =	ssyncadd.s32 $0xFFFFE000  }
0x5b: {  	[tilespmem:s15], [sflag:$0x3] =	stream.indirect.gather [hbm4b:s4+s12], $0x80, s9, s12, $0xb8;
	[tilespmem:$0x1F400] =	vst v63  }
0x5c: {  	_ =	swait.ge [sflag:s21], $0x2000  }
0x5d: {  	[sflag:s21] =	ssyncset.done $0x0  }
0x5e: {  	s7 =	rddreg [dreg:$0xe];
	[sflag:s21] =	ssyncadd.s32 $0xFFFFE000  }
0x5f: {  	[spmem:s2] =	stream.indirect.scatter.add.f32 [tilespmem:s16], [sflag:$0x6], $0x80, s7, s12, $0xb8;
	[tilespmem:$0x1F400] =	vst v63  }
0x60: {  	_ =	swait.ge [sflag:s10], $0x2000  }
0x61: {  	[sflag:s10] =	ssyncset.done $0x0  }
0x62: {  	s8 =	rddreg [dreg:$0xf];
	[sflag:s10] =	ssyncadd.s32 $0xFFFFE000  }
0x63: {  	[tilespmem:s16], [sflag:$0x4] =	stream.indirect.gather [hbm4b:s4+s12], $0x80, s8, s12, $0xb8;
	[tilespmem:$0x1F400] =	vst v63  }
0x64: {  	_ =	swait.ge [sflag:s22], $0x2000  }
0x65: {  	[sflag:s22] =	ssyncset.done $0x0  }
0x66: {  	s9 =	rddreg [dreg:$0x10];
	[sflag:s22] =	ssyncadd.s32 $0xFFFFE000  }
0x67: {  	[spmem:s2] =	stream.indirect.scatter.add.f32 [tilespmem:s17], [sflag:$0x6], $0x80, s9, s12, $0xb8;
	[tilespmem:$0x1F400] =	vst v63  }
0x68: {  	_ =	swait.ge [sflag:s10], $0x2000  }
0x69: {  	[sflag:s10] =	ssyncset.done $0x0  }
0x6a: {  	s7 =	rddreg [dreg:$0x11];
	[sflag:s10] =	ssyncadd.s32 $0xFFFFE000  }
0x6b: {  	[tilespmem:s17], [sflag:$0x5] =	stream.indirect.gather [hbm4b:s4+s12], $0x80, s7, s12, $0xb8;
	[tilespmem:$0x1F400] =	vst v63  }
0x6c: {  	_ =	swait.ge [sflag:s18], $0x2000  }
0x6d: {  	[sflag:s18] =	ssyncset.done $0x0  }
0x6e: {  	s8 =	rddreg [dreg:$0x12];
	[sflag:s18] =	ssyncadd.s32 $0xFFFFE000  }
0x6f: {  	[spmem:s2] =	stream.indirect.scatter.add.f32 [tilespmem:s13], [sflag:$0x6], $0x80, s8, s12, $0xb8;
	[tilespmem:$0x1F400] =	vst v63  }
0x70: {  	_ =	swait.ge [sflag:s10], $0x2000  }
0x71: {  	[sflag:s10] =	ssyncset.done $0x0  }
0x72: {  	s9 =	rddreg [dreg:$0x13];
	[sflag:s10] =	ssyncadd.s32 $0xFFFFE000  }
0x73: {  	[tilespmem:s13], [sflag:$0x1] =	stream.indirect.gather [hbm4b:s4+s12], $0x80, s9, s12, $0xb8;
	[tilespmem:$0x1F400] =	vst v63  }
0x74: {  	_ =	swait.ge [sflag:s19], $0x2000  }
0x75: {  	[sflag:s19] =	ssyncset.done $0x0  }
0x76: {  	s7 =	rddreg [dreg:$0x14];
	[sflag:s19] =	ssyncadd.s32 $0xFFFFE000  }
0x77: {  	[spmem:s2] =	stream.indirect.scatter.add.f32 [tilespmem:s14], [sflag:$0x6], $0x80, s7, s12, $0xb8;
	[tilespmem:$0x1F400] =	vst v63  }
0x78: {  	_ =	swait.ge [sflag:s10], $0x2000  }
0x79: {  	[sflag:s10] =	ssyncset.done $0x0  }
0x7a: {  	s8 =	rddreg [dreg:$0x15];
	[sflag:s10] =	ssyncadd.s32 $0xFFFFE000  }
0x7b: {  	[tilespmem:s14], [sflag:$0x2] =	stream.indirect.gather [hbm4b:s4+s12], $0x80, s8, s12, $0xb8;
	[tilespmem:$0x1F400] =	vst v63  }
0x7c: {  	_ =	swait.ge [sflag:s20], $0x2000  }
0x7d: {  	[sflag:s20] =	ssyncset.done $0x0  }
0x7e: {  	s9 =	rddreg [dreg:$0x16];
	[sflag:s20] =	ssyncadd.s32 $0xFFFFE000  }
0x7f: {  	[spmem:s2] =	stream.indirect.scatter.add.f32 [tilespmem:s15], [sflag:$0x6], $0x80, s9, s12, $0xb8;
	[tilespmem:$0x1F400] =	vst v63  }
0x80: {  	_ =	swait.ge [sflag:s10], $0x2000  }
0x81: {  	[sflag:s10] =	ssyncset.done $0x0  }
0x82: {  	s7 =	rddreg [dreg:$0x17];
	[sflag:s10] =	ssyncadd.s32 $0xFFFFE000  }
0x83: {  	[tilespmem:s15], [sflag:$0x3] =	stream.indirect.gather [hbm4b:s4+s12], $0x80, s7, s12, $0xb8;
	[tilespmem:$0x1F400] =	vst v63  }
0x84: {  	_ =	swait.ge [sflag:s21], $0x2000  }
0x85: {  	[sflag:s21] =	ssyncset.done $0x0  }
0x86: {  	s8 =	rddreg [dreg:$0x18];
	[sflag:s21] =	ssyncadd.s32 $0xFFFFE000  }
0x87: {  	[spmem:s2] =	stream.indirect.scatter.add.f32 [tilespmem:s16], [sflag:$0x6], $0x80, s8, s12, $0xb8;
	[tilespmem:$0x1F400] =	vst v63  }
0x88: {  	_ =	swait.ge [sflag:s10], $0x2000  }
0x89: {  	[sflag:s10] =	ssyncset.done $0x0  }
0x8a: {  	s9 =	rddreg [dreg:$0x19];
	[sflag:s10] =	ssyncadd.s32 $0xFFFFE000  }
0x8b: {  	[tilespmem:s16], [sflag:$0x4] =	stream.indirect.gather [hbm4b:s4+s12], $0x80, s9, s12, $0xb8;
	[tilespmem:$0x1F400] =	vst v63  }
0x8c: {  	_ =	swait.ge [sflag:s22], $0x2000  }
0x8d: {  	[sflag:s22] =	ssyncset.done $0x0  }
0x8e: {  	s7 =	rddreg [dreg:$0x1a];
	[sflag:s22] =	ssyncadd.s32 $0xFFFFE000  }
0x8f: {  	[spmem:s2] =	stream.indirect.scatter.add.f32 [tilespmem:s17], [sflag:$0x6], $0x80, s7, s12, $0xb8;
	[tilespmem:$0x1F400] =	vst v63  }
0x90: {  	_ =	swait.ge [sflag:s10], $0x2000  }
0x91: {  	[sflag:s10] =	ssyncset.done $0x0  }
0x92: {  	s8 =	rddreg [dreg:$0x1b];
	[sflag:s10] =	ssyncadd.s32 $0xFFFFE000  }
0x93: {  	[tilespmem:s17], [sflag:$0x5] =	stream.indirect.gather [hbm4b:s4+s12], $0x80, s8, s12, $0xb8;
	[tilespmem:$0x1F400] =	vst v63  }
0x94: {  	_ =	swait.ge [sflag:s18], $0x2000  }
0x95: {  	[sflag:s18] =	ssyncset.done $0x0  }
0x96: {  	s9 =	rddreg [dreg:$0x1c];
	[sflag:s18] =	ssyncadd.s32 $0xFFFFE000  }
0x97: {  	[spmem:s2] =	stream.indirect.scatter.add.f32 [tilespmem:s13], [sflag:$0x6], $0x80, s9, s12, $0xb8;
	[tilespmem:$0x1F400] =	vst v63  }
0x98: {  	_ =	swait.ge [sflag:s10], $0x2000  }
0x99: {  	[sflag:s10] =	ssyncset.done $0x0  }
0x9a: {  	s7 =	rddreg [dreg:$0x1d];
	[sflag:s10] =	ssyncadd.s32 $0xFFFFE000  }
0x9b: {  	[tilespmem:s13], [sflag:$0x1] =	stream.indirect.gather [hbm4b:s4+s12], $0x80, s7, s12, $0xb8;
	[tilespmem:$0x1F400] =	vst v63  }
0x9c: {  	_ =	swait.ge [sflag:s19], $0x2000  }
0x9d: {  	[sflag:s19] =	ssyncset.done $0x0  }
0x9e: {  	s8 =	rddreg [dreg:$0x1e];
	[sflag:s19] =	ssyncadd.s32 $0xFFFFE000  }
0x9f: {  	[spmem:s2] =	stream.indirect.scatter.add.f32 [tilespmem:s14], [sflag:$0x6], $0x80, s8, s12, $0xb8;
	[tilespmem:$0x1F400] =	vst v63  }
0xa0: {  	_ =	swait.ge [sflag:s10], $0x2000  }
0xa1: {  	[sflag:s10] =	ssyncset.done $0x0  }
0xa2: {  	s9 =	rddreg [dreg:$0x1f];
	[sflag:s10] =	ssyncadd.s32 $0xFFFFE000  }
0xa3: {  	[tilespmem:s14], [sflag:$0x2] =	stream.indirect.gather [hbm4b:s4+s12], $0x80, s9, s12, $0xb8;
	[tilespmem:$0x1F400] =	vst v63  }
0xa4: {  	_ =	swait.ge [sflag:s20], $0x2000  }
0xa5: {  	[sflag:s20] =	ssyncset.done $0x0  }
0xa6: {  	[sflag:s20] =	ssyncadd.s32 $0xFFFFE000  }
0xa7: {  	[spmem:s2] =	stream.indirect.scatter.add.f32 [tilespmem:s15], [sflag:$0x6], $0x80, s23, s12, $0xb8;
	[tilespmem:$0x1F400] =	vst v63  }
0xa8: {  	_ =	swait.ge [sflag:s10], $0x2000  }
0xa9: {  	[sflag:s10] =	ssyncset.done $0x0  }
0xaa: {  	[sflag:s10] =	ssyncadd.s32 $0xFFFFE000  }
0xab: {  	[tilespmem:s15], [sflag:$0x3] =	stream.indirect.gather [hbm4b:s4+s12], $0x80, s24, s12, $0xb8;
	[tilespmem:$0x1F400] =	vst v63  }
0xac: {  	_ =	swait.ge [sflag:s21], $0x2000  }
0xad: {  	[sflag:s21] =	ssyncset.done $0x0  }
0xae: {  	[sflag:s21] =	ssyncadd.s32 $0xFFFFE000  }
0xaf: {  	[spmem:s2] =	stream.indirect.scatter.add.f32 [tilespmem:s16], [sflag:$0x6], $0x80, s25, s12, $0xb8;
	[tilespmem:$0x1F400] =	vst v63  }
0xb0: {  	_ =	swait.ge [sflag:s10], $0x2000  }
0xb1: {  	[sflag:s10] =	ssyncset.done $0x0  }
0xb2: {  	[sflag:s10] =	ssyncadd.s32 $0xFFFFE000  }
0xb3: {  	[tilespmem:s16], [sflag:$0x4] =	stream.indirect.gather [hbm4b:s4+s12], $0x80, s26, s12, $0xb8;
	[tilespmem:$0x1F400] =	vst v63  }
0xb4: {  	_ =	swait.ge [sflag:s22], $0x2000  }
0xb5: {  	[sflag:s22] =	ssyncset.done $0x0  }
0xb6: {  	[sflag:s22] =	ssyncadd.s32 $0xFFFFE000  }
0xb7: {  	[spmem:s2] =	stream.indirect.scatter.add.f32 [tilespmem:s17], [sflag:$0x6], $0x80, s28, s12, $0xb8;
	[tilespmem:$0x1F400] =	vst v63  }
0xb8: {  	_ =	swait.ge [sflag:s10], $0x2000  }
0xb9: {  	[sflag:s10] =	ssyncset.done $0x0  }
0xba: {  	[sflag:s10] =	ssyncadd.s32 $0xFFFFE000  }
0xbb: {  	[tilespmem:s17], [sflag:$0x5] =	stream.indirect.gather [hbm4b:s4+s12], $0x80, s29, s12, $0xb8;
	[tilespmem:$0x1F400] =	vst v63  }
0xbc: {  	_ =	swait.ge [sflag:s18], $0x2000  }
0xbd: {  	[sflag:s18] =	ssyncset.done $0x0  }
0xbe: {  	[sflag:s18] =	ssyncadd.s32 $0xFFFFE000  }
0xbf: {  	[spmem:s2] =	stream.indirect.scatter.add.f32 [tilespmem:s13], [sflag:$0x6], $0x80, s30, s12, $0xb8;
	[tilespmem:$0x1F400] =	vst v63  }
0xc0: {  	_ =	swait.ge [sflag:s10], $0x2000  }
0xc1: {  	[sflag:s10] =	ssyncset.done $0x0  }
0xc2: {  	[sflag:s10] =	ssyncadd.s32 $0xFFFFE000  }
0xc3: {  	_ =	swait.ge [sflag:s19], $0x2000  }
0xc4: {  	[sflag:s19] =	ssyncset.done $0x0  }
0xc5: {  	[sflag:s19] =	ssyncadd.s32 $0xFFFFE000  }
0xc6: {  	[spmem:s2] =	stream.indirect.scatter.add.f32 [tilespmem:s14], [sflag:$0x6], $0x80, s31, s12, $0xb8;
	[tilespmem:$0x1F400] =	vst v63  }
0xc7: {  	_ =	swait.ge [sflag:s10], $0x2000  }
0xc8: {  	[sflag:s10] =	ssyncset.done $0x0  }
0xc9: {  	[sflag:s10] =	ssyncadd.s32 $0xFFFFE000  }
0xca: {  	_ =	swait.ge [sflag:s20], $0x2000  }
0xcb: {  	[sflag:s20] =	ssyncset.done $0x0  }
0xcc: {  	[sflag:s20] =	ssyncadd.s32 $0xFFFFE000  }
0xcd: {  	[spmem:s2] =	stream.indirect.scatter.add.f32 [tilespmem:s15], [sflag:$0x6], $0x80, s1, s12, $0xb8;
	[tilespmem:$0x1F400] =	vst v63  }
0xce: {  	_ =	swait.ge [sflag:s10], $0x2000  }
0xcf: {  	[sflag:s10] =	ssyncset.done $0x0  }
0xd0: {  	[sflag:s10] =	ssyncadd.s32 $0xFFFFE000  }
0xd1: {  	_ =	swait.ge [sflag:s21], $0x2000  }
0xd2: {  	[sflag:s21] =	ssyncset.done $0x0  }
0xd3: {  	[sflag:s21] =	ssyncadd.s32 $0xFFFFE000  }
0xd4: {  	[spmem:s2] =	stream.indirect.scatter.add.f32 [tilespmem:s16], [sflag:$0x6], $0x80, s0, s12, $0xb8;
	[tilespmem:$0x1F400] =	vst v63  }
0xd5: {  	_ =	swait.ge [sflag:s10], $0x2000  }
0xd6: {  	[sflag:s10] =	ssyncset.done $0x0  }
0xd7: {  	[sflag:s10] =	ssyncadd.s32 $0xFFFFE000  }
0xd8: {  	_ =	swait.ge [sflag:s22], $0x2000  }
0xd9: {  	[sflag:s22] =	ssyncset.done $0x0  }
0xda: {  	[sflag:s22] =	ssyncadd.s32 $0xFFFFE000  }
0xdb: {  	[spmem:s2] =	stream.indirect.scatter.add.f32 [tilespmem:s17], [sflag:$0x6], $0x80, s5, s12, $0xb8;
	[tilespmem:$0x1F400] =	vst v63  }
0xdc: {  	s6 =	simm.s32 $0x300;
	_ =	swait.ge [sflag:s10], $0x2000  }
0xdd: {  	s8 =	simm.s32 $0x180;
	s9 =	rddreg [dreg:$0x3];
	[sflag:s10] =	ssyncset.done $0x0  }
.LBB2_2:
0xde: {  	[sflag:s10] =	ssyncadd.s32 $0xFFFFE000;
	s9 =	sadd.s32 s8, s9  }
0xdf: {  	[tilespmem:s3], [sflag:$0x6] =	stream.linear.gather [hbm4b:s9+s3], $0xA00, $0x38;
	[tilespmem:$0x1F400] =	vst v63  }
0xe0: {  	_ =	swait.ge [sflag:s10], $0xA00  }
0xe1: {  	s9 =	rddreg [dreg:$0x4];
	[sflag:s10] =	ssyncset.done $0x0  }
0xe2: {  	[sflag:s10] =	ssyncadd.s32 $0xFFFFF600;
	s9 =	sadd.s32 s8, s9  }
0xe3: {  	[tilespmem:s11], [sflag:$0x6] =	stream.linear.gather [hbm4b:s9+s3], $0xA00, $0x38;
	[tilespmem:$0x1F400] =	vst v63  }
0xe4: {  	_ =	swait.ge [sflag:s10], $0xA00  }
0xe5: {  	[sflag:s10] =	ssyncset.done $0x0  }
0xe6: {  	s7 =	smov.u32 s6;
	[sflag:s10] =	ssyncadd.s32 $0xFFFFF600  }
0xe7: {  	[tilespmem:s13], [sflag:$0x1] =	stream.indirect.gather [hbm4b:s4+s12], $0x80, s3, s12, $0xb8;
	[tilespmem:$0x1F400] =	vst v63  }
0xe8: {  	s8 =	smov.u32 s7;
	s7 =	rddreg [dreg:$0x5]  }
0xe9: {  	[tilespmem:s14], [sflag:$0x2] =	stream.indirect.gather [hbm4b:s4+s12], $0x80, s7, s12, $0xb8;
	[tilespmem:$0x1F400] =	vst v63  }
0xea: {  	s9 =	rddreg [dreg:$0x6]  }
0xeb: {  	[tilespmem:s15], [sflag:$0x3] =	stream.indirect.gather [hbm4b:s4+s12], $0x80, s9, s12, $0xb8;
	[tilespmem:$0x1F400] =	vst v63  }
0xec: {  	s7 =	rddreg [dreg:$0x7]  }
0xed: {  	[tilespmem:s16], [sflag:$0x4] =	stream.indirect.gather [hbm4b:s4+s12], $0x80, s7, s12, $0xb8;
	[tilespmem:$0x1F400] =	vst v63  }
0xee: {  	s9 =	rddreg [dreg:$0x8]  }
0xef: {  	[tilespmem:s17], [sflag:$0x5] =	stream.indirect.gather [hbm4b:s4+s12], $0x80, s9, s12, $0xb8;
	[tilespmem:$0x1F400] =	vst v63  }
0xf0: {  	_ =	swait.ge [sflag:s18], $0x2000  }
0xf1: {  	[sflag:s18] =	ssyncset.done $0x0  }
0xf2: {  	[sflag:s18] =	ssyncadd.s32 $0xFFFFE000  }
0xf3: {  	[spmem:s2] =	stream.indirect.scatter.add.f32 [tilespmem:s13], [sflag:$0x6], $0x80, s11, s12, $0xb8;
	[tilespmem:$0x1F400] =	vst v63  }
0xf4: {  	_ =	swait.ge [sflag:s10], $0x2000  }
0xf5: {  	[sflag:s10] =	ssyncset.done $0x0  }
0xf6: {  	s9 =	rddreg [dreg:$0x9];
	[sflag:s10] =	ssyncadd.s32 $0xFFFFE000  }
0xf7: {  	[tilespmem:s13], [sflag:$0x1] =	stream.indirect.gather [hbm4b:s4+s12], $0x80, s9, s12, $0xb8;
	[tilespmem:$0x1F400] =	vst v63  }
0xf8: {  	_ =	swait.ge [sflag:s19], $0x2000  }
0xf9: {  	[sflag:s19] =	ssyncset.done $0x0  }
0xfa: {  	s9 =	rddreg [dreg:$0xa];
	[sflag:s19] =	ssyncadd.s32 $0xFFFFE000  }
0xfb: {  	[spmem:s2] =	stream.indirect.scatter.add.f32 [tilespmem:s14], [sflag:$0x6], $0x80, s9, s12, $0xb8;
	[tilespmem:$0x1F400] =	vst v63  }
0xfc: {  	_ =	swait.ge [sflag:s10], $0x2000  }
0xfd: {  	[sflag:s10] =	ssyncset.done $0x0  }
0xfe: {  	s9 =	rddreg [dreg:$0xb];
	[sflag:s10] =	ssyncadd.s32 $0xFFFFE000  }
0xff: {  	[tilespmem:s14], [sflag:$0x2] =	stream.indirect.gather [hbm4b:s4+s12], $0x80, s9, s12, $0xb8;
	[tilespmem:$0x1F400] =	vst v63  }
0x100: {  	_ =	swait.ge [sflag:s20], $0x2000  }
0x101: {  	[sflag:s20] =	ssyncset.done $0x0  }
0x102: {  	s9 =	rddreg [dreg:$0xc];
	[sflag:s20] =	ssyncadd.s32 $0xFFFFE000  }
0x103: {  	[spmem:s2] =	stream.indirect.scatter.add.f32 [tilespmem:s15], [sflag:$0x6], $0x80, s9, s12, $0xb8;
	[tilespmem:$0x1F400] =	vst v63  }
0x104: {  	_ =	swait.ge [sflag:s10], $0x2000  }
0x105: {  	[sflag:s10] =	ssyncset.done $0x0  }
0x106: {  	s9 =	rddreg [dreg:$0xd];
	[sflag:s10] =	ssyncadd.s32 $0xFFFFE000  }
0x107: {  	[tilespmem:s15], [sflag:$0x3] =	stream.indirect.gather [hbm4b:s4+s12], $0x80, s9, s12, $0xb8;
	[tilespmem:$0x1F400] =	vst v63  }
0x108: {  	_ =	swait.ge [sflag:s21], $0x2000  }
0x109: {  	[sflag:s21] =	ssyncset.done $0x0  }
0x10a: {  	s9 =	rddreg [dreg:$0xe];
	[sflag:s21] =	ssyncadd.s32 $0xFFFFE000  }
0x10b: {  	[spmem:s2] =	stream.indirect.scatter.add.f32 [tilespmem:s16], [sflag:$0x6], $0x80, s9, s12, $0xb8;
	[tilespmem:$0x1F400] =	vst v63  }
0x10c: {  	_ =	swait.ge [sflag:s10], $0x2000  }
0x10d: {  	[sflag:s10] =	ssyncset.done $0x0  }
0x10e: {  	s9 =	rddreg [dreg:$0xf];
	[sflag:s10] =	ssyncadd.s32 $0xFFFFE000  }
0x10f: {  	[tilespmem:s16], [sflag:$0x4] =	stream.indirect.gather [hbm4b:s4+s12], $0x80, s9, s12, $0xb8;
	[tilespmem:$0x1F400] =	vst v63  }
0x110: {  	_ =	swait.ge [sflag:s22], $0x2000  }
0x111: {  	[sflag:s22] =	ssyncset.done $0x0  }
0x112: {  	s9 =	rddreg [dreg:$0x10];
	[sflag:s22] =	ssyncadd.s32 $0xFFFFE000  }
0x113: {  	[spmem:s2] =	stream.indirect.scatter.add.f32 [tilespmem:s17], [sflag:$0x6], $0x80, s9, s12, $0xb8;
	[tilespmem:$0x1F400] =	vst v63  }
0x114: {  	_ =	swait.ge [sflag:s10], $0x2000  }
0x115: {  	[sflag:s10] =	ssyncset.done $0x0  }
0x116: {  	s9 =	rddreg [dreg:$0x11];
	[sflag:s10] =	ssyncadd.s32 $0xFFFFE000  }
0x117: {  	[tilespmem:s17], [sflag:$0x5] =	stream.indirect.gather [hbm4b:s4+s12], $0x80, s9, s12, $0xb8;
	[tilespmem:$0x1F400] =	vst v63  }
0x118: {  	_ =	swait.ge [sflag:s18], $0x2000  }
0x119: {  	[sflag:s18] =	ssyncset.done $0x0  }
0x11a: {  	s9 =	rddreg [dreg:$0x12];
	[sflag:s18] =	ssyncadd.s32 $0xFFFFE000  }
0x11b: {  	[spmem:s2] =	stream.indirect.scatter.add.f32 [tilespmem:s13], [sflag:$0x6], $0x80, s9, s12, $0xb8;
	[tilespmem:$0x1F400] =	vst v63  }
0x11c: {  	_ =	swait.ge [sflag:s10], $0x2000  }
0x11d: {  	[sflag:s10] =	ssyncset.done $0x0  }
0x11e: {  	s9 =	rddreg [dreg:$0x13];
	[sflag:s10] =	ssyncadd.s32 $0xFFFFE000  }
0x11f: {  	[tilespmem:s13], [sflag:$0x1] =	stream.indirect.gather [hbm4b:s4+s12], $0x80, s9, s12, $0xb8;
	[tilespmem:$0x1F400] =	vst v63  }
0x120: {  	_ =	swait.ge [sflag:s19], $0x2000  }
0x121: {  	[sflag:s19] =	ssyncset.done $0x0  }
0x122: {  	s9 =	rddreg [dreg:$0x14];
	[sflag:s19] =	ssyncadd.s32 $0xFFFFE000  }
0x123: {  	[spmem:s2] =	stream.indirect.scatter.add.f32 [tilespmem:s14], [sflag:$0x6], $0x80, s9, s12, $0xb8;
	[tilespmem:$0x1F400] =	vst v63  }
0x124: {  	_ =	swait.ge [sflag:s10], $0x2000  }
0x125: {  	[sflag:s10] =	ssyncset.done $0x0  }
0x126: {  	s9 =	rddreg [dreg:$0x15];
	[sflag:s10] =	ssyncadd.s32 $0xFFFFE000  }
0x127: {  	[tilespmem:s14], [sflag:$0x2] =	stream.indirect.gather [hbm4b:s4+s12], $0x80, s9, s12, $0xb8;
	[tilespmem:$0x1F400] =	vst v63  }
0x128: {  	_ =	swait.ge [sflag:s20], $0x2000  }
0x129: {  	[sflag:s20] =	ssyncset.done $0x0  }
0x12a: {  	s9 =	rddreg [dreg:$0x16];
	[sflag:s20] =	ssyncadd.s32 $0xFFFFE000  }
0x12b: {  	[spmem:s2] =	stream.indirect.scatter.add.f32 [tilespmem:s15], [sflag:$0x6], $0x80, s9, s12, $0xb8;
	[tilespmem:$0x1F400] =	vst v63  }
0x12c: {  	_ =	swait.ge [sflag:s10], $0x2000  }
0x12d: {  	[sflag:s10] =	ssyncset.done $0x0  }
0x12e: {  	s9 =	rddreg [dreg:$0x17];
	[sflag:s10] =	ssyncadd.s32 $0xFFFFE000  }
0x12f: {  	[tilespmem:s15], [sflag:$0x3] =	stream.indirect.gather [hbm4b:s4+s12], $0x80, s9, s12, $0xb8;
	[tilespmem:$0x1F400] =	vst v63  }
0x130: {  	_ =	swait.ge [sflag:s21], $0x2000  }
0x131: {  	[sflag:s21] =	ssyncset.done $0x0  }
0x132: {  	s9 =	rddreg [dreg:$0x18];
	[sflag:s21] =	ssyncadd.s32 $0xFFFFE000  }
0x133: {  	[spmem:s2] =	stream.indirect.scatter.add.f32 [tilespmem:s16], [sflag:$0x6], $0x80, s9, s12, $0xb8;
	[tilespmem:$0x1F400] =	vst v63  }
0x134: {  	_ =	swait.ge [sflag:s10], $0x2000  }
0x135: {  	[sflag:s10] =	ssyncset.done $0x0  }
0x136: {  	s9 =	rddreg [dreg:$0x19];
	[sflag:s10] =	ssyncadd.s32 $0xFFFFE000  }
0x137: {  	[tilespmem:s16], [sflag:$0x4] =	stream.indirect.gather [hbm4b:s4+s12], $0x80, s9, s12, $0xb8;
	[tilespmem:$0x1F400] =	vst v63  }
0x138: {  	_ =	swait.ge [sflag:s22], $0x2000  }
0x139: {  	[sflag:s22] =	ssyncset.done $0x0  }
0x13a: {  	s9 =	rddreg [dreg:$0x1a];
	[sflag:s22] =	ssyncadd.s32 $0xFFFFE000  }
0x13b: {  	[spmem:s2] =	stream.indirect.scatter.add.f32 [tilespmem:s17], [sflag:$0x6], $0x80, s9, s12, $0xb8;
	[tilespmem:$0x1F400] =	vst v63  }
0x13c: {  	_ =	swait.ge [sflag:s10], $0x2000  }
0x13d: {  	[sflag:s10] =	ssyncset.done $0x0  }
0x13e: {  	s9 =	rddreg [dreg:$0x1b];
	[sflag:s10] =	ssyncadd.s32 $0xFFFFE000  }
0x13f: {  	[tilespmem:s17], [sflag:$0x5] =	stream.indirect.gather [hbm4b:s4+s12], $0x80, s9, s12, $0xb8;
	[tilespmem:$0x1F400] =	vst v63  }
0x140: {  	_ =	swait.ge [sflag:s18], $0x2000  }
0x141: {  	[sflag:s18] =	ssyncset.done $0x0  }
0x142: {  	s9 =	rddreg [dreg:$0x1c];
	[sflag:s18] =	ssyncadd.s32 $0xFFFFE000  }
0x143: {  	[spmem:s2] =	stream.indirect.scatter.add.f32 [tilespmem:s13], [sflag:$0x6], $0x80, s9, s12, $0xb8;
	[tilespmem:$0x1F400] =	vst v63  }
0x144: {  	_ =	swait.ge [sflag:s10], $0x2000  }
0x145: {  	[sflag:s10] =	ssyncset.done $0x0  }
0x146: {  	s9 =	rddreg [dreg:$0x1d];
	[sflag:s10] =	ssyncadd.s32 $0xFFFFE000  }
0x147: {  	[tilespmem:s13], [sflag:$0x1] =	stream.indirect.gather [hbm4b:s4+s12], $0x80, s9, s12, $0xb8;
	[tilespmem:$0x1F400] =	vst v63  }
0x148: {  	_ =	swait.ge [sflag:s19], $0x2000  }
0x149: {  	[sflag:s19] =	ssyncset.done $0x0  }
0x14a: {  	s9 =	rddreg [dreg:$0x1e];
	[sflag:s19] =	ssyncadd.s32 $0xFFFFE000  }
0x14b: {  	[spmem:s2] =	stream.indirect.scatter.add.f32 [tilespmem:s14], [sflag:$0x6], $0x80, s9, s12, $0xb8;
	[tilespmem:$0x1F400] =	vst v63  }
0x14c: {  	_ =	swait.ge [sflag:s10], $0x2000  }
0x14d: {  	[sflag:s10] =	ssyncset.done $0x0  }
0x14e: {  	s9 =	rddreg [dreg:$0x1f];
	[sflag:s10] =	ssyncadd.s32 $0xFFFFE000  }
0x14f: {  	[tilespmem:s14], [sflag:$0x2] =	stream.indirect.gather [hbm4b:s4+s12], $0x80, s9, s12, $0xb8;
	[tilespmem:$0x1F400] =	vst v63  }
0x150: {  	_ =	swait.ge [sflag:s20], $0x2000  }
0x151: {  	[sflag:s20] =	ssyncset.done $0x0  }
0x152: {  	[sflag:s20] =	ssyncadd.s32 $0xFFFFE000  }
0x153: {  	[spmem:s2] =	stream.indirect.scatter.add.f32 [tilespmem:s15], [sflag:$0x6], $0x80, s23, s12, $0xb8;
	[tilespmem:$0x1F400] =	vst v63  }
0x154: {  	_ =	swait.ge [sflag:s10], $0x2000  }
0x155: {  	[sflag:s10] =	ssyncset.done $0x0  }
0x156: {  	[sflag:s10] =	ssyncadd.s32 $0xFFFFE000  }
0x157: {  	[tilespmem:s15], [sflag:$0x3] =	stream.indirect.gather [hbm4b:s4+s12], $0x80, s24, s12, $0xb8;
	[tilespmem:$0x1F400] =	vst v63  }
0x158: {  	_ =	swait.ge [sflag:s21], $0x2000  }
0x159: {  	[sflag:s21] =	ssyncset.done $0x0  }
0x15a: {  	[sflag:s21] =	ssyncadd.s32 $0xFFFFE000  }
0x15b: {  	[spmem:s2] =	stream.indirect.scatter.add.f32 [tilespmem:s16], [sflag:$0x6], $0x80, s25, s12, $0xb8;
	[tilespmem:$0x1F400] =	vst v63  }
0x15c: {  	_ =	swait.ge [sflag:s10], $0x2000  }
0x15d: {  	[sflag:s10] =	ssyncset.done $0x0  }
0x15e: {  	[sflag:s10] =	ssyncadd.s32 $0xFFFFE000  }
0x15f: {  	[tilespmem:s16], [sflag:$0x4] =	stream.indirect.gather [hbm4b:s4+s12], $0x80, s26, s12, $0xb8;
	[tilespmem:$0x1F400] =	vst v63  }
0x160: {  	_ =	swait.ge [sflag:s22], $0x2000  }
0x161: {  	[sflag:s22] =	ssyncset.done $0x0  }
0x162: {  	[sflag:s22] =	ssyncadd.s32 $0xFFFFE000  }
0x163: {  	[spmem:s2] =	stream.indirect.scatter.add.f32 [tilespmem:s17], [sflag:$0x6], $0x80, s28, s12, $0xb8;
	[tilespmem:$0x1F400] =	vst v63  }
0x164: {  	_ =	swait.ge [sflag:s10], $0x2000  }
0x165: {  	[sflag:s10] =	ssyncset.done $0x0  }
0x166: {  	[sflag:s10] =	ssyncadd.s32 $0xFFFFE000  }
0x167: {  	[tilespmem:s17], [sflag:$0x5] =	stream.indirect.gather [hbm4b:s4+s12], $0x80, s29, s12, $0xb8;
	[tilespmem:$0x1F400] =	vst v63  }
0x168: {  	_ =	swait.ge [sflag:s18], $0x2000  }
0x169: {  	[sflag:s18] =	ssyncset.done $0x0  }
0x16a: {  	[sflag:s18] =	ssyncadd.s32 $0xFFFFE000  }
0x16b: {  	[spmem:s2] =	stream.indirect.scatter.add.f32 [tilespmem:s13], [sflag:$0x6], $0x80, s30, s12, $0xb8;
	[tilespmem:$0x1F400] =	vst v63  }
0x16c: {  	_ =	swait.ge [sflag:s10], $0x2000  }
0x16d: {  	[sflag:s10] =	ssyncset.done $0x0  }
0x16e: {  	[sflag:s10] =	ssyncadd.s32 $0xFFFFE000  }
0x16f: {  	_ =	swait.ge [sflag:s19], $0x2000  }
0x170: {  	[sflag:s19] =	ssyncset.done $0x0  }
0x171: {  	[sflag:s19] =	ssyncadd.s32 $0xFFFFE000  }
0x172: {  	[spmem:s2] =	stream.indirect.scatter.add.f32 [tilespmem:s14], [sflag:$0x6], $0x80, s31, s12, $0xb8;
	[tilespmem:$0x1F400] =	vst v63  }
0x173: {  	_ =	swait.ge [sflag:s10], $0x2000  }
0x174: {  	[sflag:s10] =	ssyncset.done $0x0  }
0x175: {  	[sflag:s10] =	ssyncadd.s32 $0xFFFFE000  }
0x176: {  	_ =	swait.ge [sflag:s20], $0x2000  }
0x177: {  	[sflag:s20] =	ssyncset.done $0x0  }
0x178: {  	[sflag:s20] =	ssyncadd.s32 $0xFFFFE000  }
0x179: {  	[spmem:s2] =	stream.indirect.scatter.add.f32 [tilespmem:s15], [sflag:$0x6], $0x80, s1, s12, $0xb8;
	[tilespmem:$0x1F400] =	vst v63  }
0x17a: {  	_ =	swait.ge [sflag:s10], $0x2000  }
0x17b: {  	[sflag:s10] =	ssyncset.done $0x0  }
0x17c: {  	[sflag:s10] =	ssyncadd.s32 $0xFFFFE000  }
0x17d: {  	_ =	swait.ge [sflag:s21], $0x2000  }
0x17e: {  	[sflag:s21] =	ssyncset.done $0x0  }
0x17f: {  	[sflag:s21] =	ssyncadd.s32 $0xFFFFE000  }
0x180: {  	[spmem:s2] =	stream.indirect.scatter.add.f32 [tilespmem:s16], [sflag:$0x6], $0x80, s0, s12, $0xb8;
	[tilespmem:$0x1F400] =	vst v63  }
0x181: {  	_ =	swait.ge [sflag:s10], $0x2000  }
0x182: {  	[sflag:s10] =	ssyncset.done $0x0  }
0x183: {  	[sflag:s10] =	ssyncadd.s32 $0xFFFFE000  }
0x184: {  	p0 =	sne.s32 s6, $0xA80;
	_ =	swait.ge [sflag:s22], $0x2000  }
.Ltmp0:
0x185: {  	[sflag:s22] =	ssyncset.done $0x0;
	(pc) =	sbr.rel @p0 .LBB2_2-.Ltmp0, $4  }
0x186: {  	[sflag:s22] =	ssyncadd.s32 $0xFFFFE000  }
0x187: {  	[spmem:s2] =	stream.indirect.scatter.add.f32 [tilespmem:s17], [sflag:$0x6], $0x80, s5, s12, $0xb8;
	[tilespmem:$0x1F400] =	vst v63  }
0x188: {  	_ =	swait.ge [sflag:s10], $0x2000  }
0x189: {  	s6 =	sadd.s32 $0x180, s6;
	s9 =	rddreg [dreg:$0x3];
	[sflag:s10] =	ssyncset.done $0x0  }
0x18a: {  	[sflag:s10] =	ssyncadd.s32 $0xFFFFE000;
	s6 =	sadd.s32 s8, s9  }
0x18b: {  	[tilespmem:s3], [sflag:$0x6] =	stream.linear.gather [hbm4b:s6+s3], $0xA00, $0x38;
	[tilespmem:$0x1F400] =	vst v63  }
0x18c: {  	_ =	swait.ge [sflag:s10], $0xA00  }
0x18d: {  	s7 =	rddreg [dreg:$0x4];
	[sflag:s10] =	ssyncset.done $0x0  }
0x18e: {  	[sflag:s10] =	ssyncadd.s32 $0xFFFFF600;
	s6 =	sadd.s32 s8, s7  }
0x18f: {  	[tilespmem:s11], [sflag:$0x6] =	stream.linear.gather [hbm4b:s6+s3], $0xA00, $0x38;
	[tilespmem:$0x1F400] =	vst v63  }
0x190: {  	_ =	swait.ge [sflag:s10], $0xA00  }
0x191: {  	[sflag:s10] =	ssyncset.done $0x0  }
0x192: {  	[sflag:s10] =	ssyncadd.s32 $0xFFFFF600  }
0x193: {  	[tilespmem:s13], [sflag:$0x1] =	stream.indirect.gather [hbm4b:s4+s12], $0x80, s3, s12, $0xb8;
	[tilespmem:$0x1F400] =	vst v63  }
0x194: {  	s9 =	rddreg [dreg:$0x5]  }
0x195: {  	[tilespmem:s14], [sflag:$0x2] =	stream.indirect.gather [hbm4b:s4+s12], $0x80, s9, s12, $0xb8;
	[tilespmem:$0x1F400] =	vst v63  }
0x196: {  	s7 =	rddreg [dreg:$0x6]  }
0x197: {  	[tilespmem:s15], [sflag:$0x3] =	stream.indirect.gather [hbm4b:s4+s12], $0x80, s7, s12, $0xb8;
	[tilespmem:$0x1F400] =	vst v63  }
0x198: {  	s8 =	rddreg [dreg:$0x7]  }
0x199: {  	[tilespmem:s16], [sflag:$0x4] =	stream.indirect.gather [hbm4b:s4+s12], $0x80, s8, s12, $0xb8;
	[tilespmem:$0x1F400] =	vst v63  }
0x19a: {  	s9 =	rddreg [dreg:$0x8]  }
0x19b: {  	[tilespmem:s17], [sflag:$0x5] =	stream.indirect.gather [hbm4b:s4+s12], $0x80, s9, s12, $0xb8;
	[tilespmem:$0x1F400] =	vst v63  }
0x19c: {  	_ =	swait.ge [sflag:s18], $0x2000  }
0x19d: {  	[sflag:s18] =	ssyncset.done $0x0  }
0x19e: {  	[sflag:s18] =	ssyncadd.s32 $0xFFFFE000  }
0x19f: {  	[spmem:s2] =	stream.indirect.scatter.add.f32 [tilespmem:s13], [sflag:$0x6], $0x80, s11, s12, $0xb8;
	[tilespmem:$0x1F400] =	vst v63  }
0x1a0: {  	_ =	swait.ge [sflag:s10], $0x2000  }
0x1a1: {  	[sflag:s10] =	ssyncset.done $0x0  }
0x1a2: {  	s7 =	rddreg [dreg:$0x9];
	[sflag:s10] =	ssyncadd.s32 $0xFFFFE000  }
0x1a3: {  	[tilespmem:s13], [sflag:$0x1] =	stream.indirect.gather [hbm4b:s4+s12], $0x80, s7, s12, $0xb8;
	[tilespmem:$0x1F400] =	vst v63  }
0x1a4: {  	_ =	swait.ge [sflag:s19], $0x2000  }
0x1a5: {  	[sflag:s19] =	ssyncset.done $0x0  }
0x1a6: {  	s8 =	rddreg [dreg:$0xa];
	[sflag:s19] =	ssyncadd.s32 $0xFFFFE000  }
0x1a7: {  	[spmem:s2] =	stream.indirect.scatter.add.f32 [tilespmem:s14], [sflag:$0x6], $0x80, s8, s12, $0xb8;
	[tilespmem:$0x1F400] =	vst v63  }
0x1a8: {  	_ =	swait.ge [sflag:s10], $0x2000  }
0x1a9: {  	[sflag:s10] =	ssyncset.done $0x0  }
0x1aa: {  	s9 =	rddreg [dreg:$0xb];
	[sflag:s10] =	ssyncadd.s32 $0xFFFFE000  }
0x1ab: {  	[tilespmem:s14], [sflag:$0x2] =	stream.indirect.gather [hbm4b:s4+s12], $0x80, s9, s12, $0xb8;
	[tilespmem:$0x1F400] =	vst v63  }
0x1ac: {  	_ =	swait.ge [sflag:s20], $0x2000  }
0x1ad: {  	[sflag:s20] =	ssyncset.done $0x0  }
0x1ae: {  	s7 =	rddreg [dreg:$0xc];
	[sflag:s20] =	ssyncadd.s32 $0xFFFFE000  }
0x1af: {  	[spmem:s2] =	stream.indirect.scatter.add.f32 [tilespmem:s15], [sflag:$0x6], $0x80, s7, s12, $0xb8;
	[tilespmem:$0x1F400] =	vst v63  }
0x1b0: {  	_ =	swait.ge [sflag:s10], $0x2000  }
0x1b1: {  	[sflag:s10] =	ssyncset.done $0x0  }
0x1b2: {  	s8 =	rddreg [dreg:$0xd];
	[sflag:s10] =	ssyncadd.s32 $0xFFFFE000  }
0x1b3: {  	[tilespmem:s15], [sflag:$0x3] =	stream.indirect.gather [hbm4b:s4+s12], $0x80, s8, s12, $0xb8;
	[tilespmem:$0x1F400] =	vst v63  }
0x1b4: {  	_ =	swait.ge [sflag:s21], $0x2000  }
0x1b5: {  	[sflag:s21] =	ssyncset.done $0x0  }
0x1b6: {  	s9 =	rddreg [dreg:$0xe];
	[sflag:s21] =	ssyncadd.s32 $0xFFFFE000  }
0x1b7: {  	[spmem:s2] =	stream.indirect.scatter.add.f32 [tilespmem:s16], [sflag:$0x6], $0x80, s9, s12, $0xb8;
	[tilespmem:$0x1F400] =	vst v63  }
0x1b8: {  	_ =	swait.ge [sflag:s10], $0x2000  }
0x1b9: {  	[sflag:s10] =	ssyncset.done $0x0  }
0x1ba: {  	s7 =	rddreg [dreg:$0xf];
	[sflag:s10] =	ssyncadd.s32 $0xFFFFE000  }
0x1bb: {  	[tilespmem:s16], [sflag:$0x4] =	stream.indirect.gather [hbm4b:s4+s12], $0x80, s7, s12, $0xb8;
	[tilespmem:$0x1F400] =	vst v63  }
0x1bc: {  	_ =	swait.ge [sflag:s22], $0x2000  }
0x1bd: {  	[sflag:s22] =	ssyncset.done $0x0  }
0x1be: {  	s8 =	rddreg [dreg:$0x10];
	[sflag:s22] =	ssyncadd.s32 $0xFFFFE000  }
0x1bf: {  	[spmem:s2] =	stream.indirect.scatter.add.f32 [tilespmem:s17], [sflag:$0x6], $0x80, s8, s12, $0xb8;
	[tilespmem:$0x1F400] =	vst v63  }
0x1c0: {  	_ =	swait.ge [sflag:s10], $0x2000  }
0x1c1: {  	[sflag:s10] =	ssyncset.done $0x0  }
0x1c2: {  	s9 =	rddreg [dreg:$0x11];
	[sflag:s10] =	ssyncadd.s32 $0xFFFFE000  }
0x1c3: {  	[tilespmem:s17], [sflag:$0x5] =	stream.indirect.gather [hbm4b:s4+s12], $0x80, s9, s12, $0xb8;
	[tilespmem:$0x1F400] =	vst v63  }
0x1c4: {  	_ =	swait.ge [sflag:s18], $0x2000  }
0x1c5: {  	[sflag:s18] =	ssyncset.done $0x0  }
0x1c6: {  	s7 =	rddreg [dreg:$0x12];
	[sflag:s18] =	ssyncadd.s32 $0xFFFFE000  }
0x1c7: {  	[spmem:s2] =	stream.indirect.scatter.add.f32 [tilespmem:s13], [sflag:$0x6], $0x80, s7, s12, $0xb8;
	[tilespmem:$0x1F400] =	vst v63  }
0x1c8: {  	_ =	swait.ge [sflag:s10], $0x2000  }
0x1c9: {  	[sflag:s10] =	ssyncset.done $0x0  }
0x1ca: {  	s8 =	rddreg [dreg:$0x13];
	[sflag:s10] =	ssyncadd.s32 $0xFFFFE000  }
0x1cb: {  	[tilespmem:s13], [sflag:$0x1] =	stream.indirect.gather [hbm4b:s4+s12], $0x80, s8, s12, $0xb8;
	[tilespmem:$0x1F400] =	vst v63  }
0x1cc: {  	_ =	swait.ge [sflag:s19], $0x2000  }
0x1cd: {  	[sflag:s19] =	ssyncset.done $0x0  }
0x1ce: {  	s9 =	rddreg [dreg:$0x14];
	[sflag:s19] =	ssyncadd.s32 $0xFFFFE000  }
0x1cf: {  	[spmem:s2] =	stream.indirect.scatter.add.f32 [tilespmem:s14], [sflag:$0x6], $0x80, s9, s12, $0xb8;
	[tilespmem:$0x1F400] =	vst v63  }
0x1d0: {  	_ =	swait.ge [sflag:s10], $0x2000  }
0x1d1: {  	[sflag:s10] =	ssyncset.done $0x0  }
0x1d2: {  	s7 =	rddreg [dreg:$0x15];
	[sflag:s10] =	ssyncadd.s32 $0xFFFFE000  }
0x1d3: {  	[tilespmem:s14], [sflag:$0x2] =	stream.indirect.gather [hbm4b:s4+s12], $0x80, s7, s12, $0xb8;
	[tilespmem:$0x1F400] =	vst v63  }
0x1d4: {  	_ =	swait.ge [sflag:s20], $0x2000  }
0x1d5: {  	[sflag:s20] =	ssyncset.done $0x0  }
0x1d6: {  	s8 =	rddreg [dreg:$0x16];
	[sflag:s20] =	ssyncadd.s32 $0xFFFFE000  }
0x1d7: {  	[spmem:s2] =	stream.indirect.scatter.add.f32 [tilespmem:s15], [sflag:$0x6], $0x80, s8, s12, $0xb8;
	[tilespmem:$0x1F400] =	vst v63  }
0x1d8: {  	_ =	swait.ge [sflag:s10], $0x2000  }
0x1d9: {  	[sflag:s10] =	ssyncset.done $0x0  }
0x1da: {  	s9 =	rddreg [dreg:$0x17];
	[sflag:s10] =	ssyncadd.s32 $0xFFFFE000  }
0x1db: {  	[tilespmem:s15], [sflag:$0x3] =	stream.indirect.gather [hbm4b:s4+s12], $0x80, s9, s12, $0xb8;
	[tilespmem:$0x1F400] =	vst v63  }
0x1dc: {  	_ =	swait.ge [sflag:s21], $0x2000  }
0x1dd: {  	[sflag:s21] =	ssyncset.done $0x0  }
0x1de: {  	s7 =	rddreg [dreg:$0x18];
	[sflag:s21] =	ssyncadd.s32 $0xFFFFE000  }
0x1df: {  	[spmem:s2] =	stream.indirect.scatter.add.f32 [tilespmem:s16], [sflag:$0x6], $0x80, s7, s12, $0xb8;
	[tilespmem:$0x1F400] =	vst v63  }
0x1e0: {  	_ =	swait.ge [sflag:s10], $0x2000  }
0x1e1: {  	[sflag:s10] =	ssyncset.done $0x0  }
0x1e2: {  	s8 =	rddreg [dreg:$0x19];
	[sflag:s10] =	ssyncadd.s32 $0xFFFFE000  }
0x1e3: {  	[tilespmem:s16], [sflag:$0x4] =	stream.indirect.gather [hbm4b:s4+s12], $0x80, s8, s12, $0xb8;
	[tilespmem:$0x1F400] =	vst v63  }
0x1e4: {  	_ =	swait.ge [sflag:s22], $0x2000  }
0x1e5: {  	[sflag:s22] =	ssyncset.done $0x0  }
0x1e6: {  	s9 =	rddreg [dreg:$0x1a];
	[sflag:s22] =	ssyncadd.s32 $0xFFFFE000  }
0x1e7: {  	[spmem:s2] =	stream.indirect.scatter.add.f32 [tilespmem:s17], [sflag:$0x6], $0x80, s9, s12, $0xb8;
	[tilespmem:$0x1F400] =	vst v63  }
0x1e8: {  	_ =	swait.ge [sflag:s10], $0x2000  }
0x1e9: {  	[sflag:s10] =	ssyncset.done $0x0  }
0x1ea: {  	s7 =	rddreg [dreg:$0x1b];
	[sflag:s10] =	ssyncadd.s32 $0xFFFFE000  }
0x1eb: {  	[tilespmem:s17], [sflag:$0x5] =	stream.indirect.gather [hbm4b:s4+s12], $0x80, s7, s12, $0xb8;
	[tilespmem:$0x1F400] =	vst v63  }
0x1ec: {  	_ =	swait.ge [sflag:s18], $0x2000  }
0x1ed: {  	[sflag:s18] =	ssyncset.done $0x0  }
0x1ee: {  	s8 =	rddreg [dreg:$0x1c];
	[sflag:s18] =	ssyncadd.s32 $0xFFFFE000  }
0x1ef: {  	[spmem:s2] =	stream.indirect.scatter.add.f32 [tilespmem:s13], [sflag:$0x6], $0x80, s8, s12, $0xb8;
	[tilespmem:$0x1F400] =	vst v63  }
0x1f0: {  	_ =	swait.ge [sflag:s10], $0x2000  }
0x1f1: {  	[sflag:s10] =	ssyncset.done $0x0  }
0x1f2: {  	s9 =	rddreg [dreg:$0x1d];
	[sflag:s10] =	ssyncadd.s32 $0xFFFFE000  }
0x1f3: {  	[tilespmem:s13], [sflag:$0x1] =	stream.indirect.gather [hbm4b:s4+s12], $0x80, s9, s12, $0xb8;
	[tilespmem:$0x1F400] =	vst v63  }
0x1f4: {  	_ =	swait.ge [sflag:s19], $0x2000  }
0x1f5: {  	[sflag:s19] =	ssyncset.done $0x0  }
0x1f6: {  	s7 =	rddreg [dreg:$0x1e];
	[sflag:s19] =	ssyncadd.s32 $0xFFFFE000  }
0x1f7: {  	[spmem:s2] =	stream.indirect.scatter.add.f32 [tilespmem:s14], [sflag:$0x6], $0x80, s7, s12, $0xb8;
	[tilespmem:$0x1F400] =	vst v63  }
0x1f8: {  	_ =	swait.ge [sflag:s10], $0x2000  }
0x1f9: {  	[sflag:s10] =	ssyncset.done $0x0  }
0x1fa: {  	s8 =	rddreg [dreg:$0x1f];
	[sflag:s10] =	ssyncadd.s32 $0xFFFFE000  }
0x1fb: {  	[tilespmem:s14], [sflag:$0x2] =	stream.indirect.gather [hbm4b:s4+s12], $0x80, s8, s12, $0xb8;
	[tilespmem:$0x1F400] =	vst v63  }
0x1fc: {  	_ =	swait.ge [sflag:s20], $0x2000  }
0x1fd: {  	[sflag:s20] =	ssyncset.done $0x0  }
0x1fe: {  	[sflag:s20] =	ssyncadd.s32 $0xFFFFE000  }
0x1ff: {  	[spmem:s2] =	stream.indirect.scatter.add.f32 [tilespmem:s15], [sflag:$0x6], $0x80, s23, s12, $0xb8;
	[tilespmem:$0x1F400] =	vst v63  }
0x200: {  	_ =	swait.ge [sflag:s10], $0x2000  }
0x201: {  	[sflag:s10] =	ssyncset.done $0x0  }
0x202: {  	[sflag:s10] =	ssyncadd.s32 $0xFFFFE000  }
0x203: {  	[tilespmem:s15], [sflag:$0x3] =	stream.indirect.gather [hbm4b:s4+s12], $0x80, s24, s12, $0xb8;
	[tilespmem:$0x1F400] =	vst v63  }
0x204: {  	_ =	swait.ge [sflag:s21], $0x2000  }
0x205: {  	[sflag:s21] =	ssyncset.done $0x0  }
0x206: {  	[sflag:s21] =	ssyncadd.s32 $0xFFFFE000  }
0x207: {  	[spmem:s2] =	stream.indirect.scatter.add.f32 [tilespmem:s16], [sflag:$0x6], $0x80, s25, s12, $0xb8;
	[tilespmem:$0x1F400] =	vst v63  }
0x208: {  	_ =	swait.ge [sflag:s10], $0x2000  }
0x209: {  	[sflag:s10] =	ssyncset.done $0x0  }
0x20a: {  	[sflag:s10] =	ssyncadd.s32 $0xFFFFE000  }
0x20b: {  	[tilespmem:s16], [sflag:$0x4] =	stream.indirect.gather [hbm4b:s4+s12], $0x80, s26, s12, $0xb8;
	[tilespmem:$0x1F400] =	vst v63  }
0x20c: {  	_ =	swait.ge [sflag:s22], $0x2000  }
0x20d: {  	[sflag:s22] =	ssyncset.done $0x0  }
0x20e: {  	[sflag:s22] =	ssyncadd.s32 $0xFFFFE000  }
0x20f: {  	[spmem:s2] =	stream.indirect.scatter.add.f32 [tilespmem:s17], [sflag:$0x6], $0x80, s28, s12, $0xb8;
	[tilespmem:$0x1F400] =	vst v63  }
0x210: {  	_ =	swait.ge [sflag:s10], $0x2000  }
0x211: {  	[sflag:s10] =	ssyncset.done $0x0  }
0x212: {  	[sflag:s10] =	ssyncadd.s32 $0xFFFFE000  }
0x213: {  	[tilespmem:s17], [sflag:$0x5] =	stream.indirect.gather [hbm4b:s4+s12], $0x80, s29, s12, $0xb8;
	[tilespmem:$0x1F400] =	vst v63  }
0x214: {  	_ =	swait.ge [sflag:s18], $0x2000  }
0x215: {  	[sflag:s18] =	ssyncset.done $0x0  }
0x216: {  	[sflag:s18] =	ssyncadd.s32 $0xFFFFE000  }
0x217: {  	[spmem:s2] =	stream.indirect.scatter.add.f32 [tilespmem:s13], [sflag:$0x6], $0x80, s30, s12, $0xb8;
	[tilespmem:$0x1F400] =	vst v63  }
0x218: {  	_ =	swait.ge [sflag:s10], $0x2000  }
0x219: {  	[sflag:s10] =	ssyncset.done $0x0  }
0x21a: {  	[sflag:s10] =	ssyncadd.s32 $0xFFFFE000  }
0x21b: {  	_ =	swait.ge [sflag:s19], $0x2000  }
0x21c: {  	[sflag:s19] =	ssyncset.done $0x0  }
0x21d: {  	[sflag:s19] =	ssyncadd.s32 $0xFFFFE000  }
0x21e: {  	[spmem:s2] =	stream.indirect.scatter.add.f32 [tilespmem:s14], [sflag:$0x6], $0x80, s31, s12, $0xb8;
	[tilespmem:$0x1F400] =	vst v63  }
0x21f: {  	_ =	swait.ge [sflag:s10], $0x2000  }
0x220: {  	[sflag:s10] =	ssyncset.done $0x0  }
0x221: {  	[sflag:s10] =	ssyncadd.s32 $0xFFFFE000  }
0x222: {  	_ =	swait.ge [sflag:s20], $0x2000  }
0x223: {  	[sflag:s20] =	ssyncset.done $0x0  }
0x224: {  	[sflag:s20] =	ssyncadd.s32 $0xFFFFE000  }
0x225: {  	[spmem:s2] =	stream.indirect.scatter.add.f32 [tilespmem:s15], [sflag:$0x6], $0x80, s1, s12, $0xb8;
	[tilespmem:$0x1F400] =	vst v63  }
0x226: {  	_ =	swait.ge [sflag:s10], $0x2000  }
0x227: {  	[sflag:s10] =	ssyncset.done $0x0  }
0x228: {  	[sflag:s10] =	ssyncadd.s32 $0xFFFFE000  }
0x229: {  	_ =	swait.ge [sflag:s21], $0x2000  }
0x22a: {  	[sflag:s21] =	ssyncset.done $0x0  }
0x22b: {  	[sflag:s21] =	ssyncadd.s32 $0xFFFFE000  }
0x22c: {  	[spmem:s2] =	stream.indirect.scatter.add.f32 [tilespmem:s16], [sflag:$0x6], $0x80, s0, s12, $0xb8;
	[tilespmem:$0x1F400] =	vst v63  }
0x22d: {  	_ =	swait.ge [sflag:s10], $0x2000  }
0x22e: {  	[sflag:s10] =	ssyncset.done $0x0  }
0x22f: {  	[sflag:s10] =	ssyncadd.s32 $0xFFFFE000  }
0x230: {  	_ =	swait.ge [sflag:s22], $0x2000  }
0x231: {  	[sflag:s22] =	ssyncset.done $0x0  }
0x232: {  	[sflag:s22] =	ssyncadd.s32 $0xFFFFE000  }
0x233: {  	[spmem:s2] =	stream.indirect.scatter.add.f32 [tilespmem:s17], [sflag:$0x6], $0x80, s5, s12, $0xb8;
	[tilespmem:$0x1F400] =	vst v63  }
0x234: {  	_ =	swait.ge [sflag:s10], $0x2000  }
0x235: {  	[sflag:s10] =	ssyncset.done $0x0  }
0x236: {  	[sflag:s10] =	ssyncadd.s32 $0xFFFFE000  }
0x237: {  	[bflag:$0x0] =	sbarrier.arrive $0xFFFF  }
0x238: {  	s7 =	sld [smem:$0x7FC]  }
0x239: {  	s9 =	sld [smem:$0x7FA]  }
0x23a: {  	s8 =	sld [smem:$0x7FD];
	_ =	sdelay $0x2  }
0x23b: {  	[hbm:s9], [sflag:s7] =	dma.local [spmem:s8], $0x2780  }
0x23c: {  	_ =	swait.ge [sflag:s10], $0x2780  }
0x23d: {  	s6 =	sld [smem:$0x7F8];
	_ =	sdelay $0x2  }
0x23e: {  	s9 =	sadd.s32 $0x1, s6;
	s6 =	sld [smem:$0x7FB];
	_ =	sdelay $0x2  }
0x23f: {  	p0 =	sne.s32 s9, s6  }
.Ltmp1:
0x240: {  	_ = 	snop;
	(pc) =	sbr.rel @p0 .LBB2_1-.Ltmp1, $3  }
0x241: {  	_ =	sdelay $0x1  }
0x242: {  	[sflag:s10] =	ssyncset.done $0x0  }
0x243: {  	[sflag:s10] =	ssyncadd.s32 $0xFFFFD880  }
0x244: {  	_ =	sfence.sel $0x180000  }
0x245: {  	[bflag:$0x0] =	sbarrier.arrive $0xFFFF  }
0x246: {  	_ =	strace $0x90000050  }
0x247: {  	s0 =	stileid.u32;
	[bflag:$0x2] =	sbarrier.arrive $0xFFFF  }
0x248: {  	p0 =	sne.s32 s0, $0x0;
	s0 =	rddreg [dreg:$0x2]  }
0x249: {  	s0 =	sadd.s32 @!p0 $0x100000, s0  }
0x24a: {  	[sflag:s0] =	ssyncadd.tile.s32 @!p0 $0x1;
	_ =	shalt  }
.Lfunc_end2:
_tile_overlayer_lowered:
.L_overlay_start_2:
0x24b: {  	(tag) =	ssettag $0x2  }
0x24c: {  	s0 =	rddreg [dreg:$0x0];
	s2 =	stileid.u32  }
0x24d: {  	s1 =	rddreg [dreg:$0x1];
	p0 =	sne.s32 s2, $0x0  }
0x24e: {  	s3 =	rddreg [dreg:$0x2];
	[bflag:$0x3] =	sbarrier.arrive $0xFFFF;
	s2 =	simm.s32 @!p0 $0x1C06  }
0x24f: {  	[timem:s3], [sflag:s2] =	dma.local @!p0 [hbm:s0], s1  }
0x250: {  	s0 =	simm.s32 @!p0 $0x6  }
0x251: {  	_ =	swait.ge @!p0 [sflag:s0], s1  }
0x252: {  	s1 =	ssub.s32 @!p0 $0x0, s1;
	[sflag:s0] =	ssyncset.done @!p0 $0x0  }
0x253: {  	[sflag:s0] =	ssyncadd.s32 @!p0 s1  }
0x254: {  	[bflag:$0x3] =	sbarrier.arrive $0xFFFF  }
0x255: {  	_ =	shalt  }

</sc_bundles>
